<compile_context>
chip_gen: v7x
topology: tpu7x:2x2x1
jax: 0.10.2.dev20260603
libtpu: 0.0.44.dev20260713+nightly
codegen_flags: <defaults>
</compile_context>

<pallas_src>
import functools

import jax
import jax.numpy as jnp
from jax import lax
from jax.experimental import pallas as pl
from jax.experimental.pallas import tpu as pltpu
from jax.experimental.pallas import tpu_sc as plsc

_N = 10000
_E = 320000
_D = 64
_NC = 2
_NS = 16
_ROW = 125
_GROUP = 8
_GR = _GROUP * _ROW
_EB = 2560

_mesh = lambda: plsc.VectorSubcoreMesh(core_axis_name="c", subcore_axis_name="s")
_SC_PARAMS = pltpu.CompilerParams(use_tc_tiling_on_sc=False)


def _silu(x):
    return x * jax.nn.sigmoid(x)


def _k0_gather(x2, dst2, src2):
    RPT = _E // _NS
    GP = 4
    GRH = GP * _ROW
    NG = RPT // GRH

    @functools.partial(
        pl.kernel,
        mesh=_mesh(),
        compiler_params=_SC_PARAMS,
        out_type=(
            jax.ShapeDtypeStruct((_E, _D), jnp.float32),
            jax.ShapeDtypeStruct((_E, _D), jnp.float32),
        ),
        scratch_types=[
            pltpu.VMEM((GP, _ROW), jnp.int32),
            pltpu.VMEM((GP, _ROW), jnp.int32),
            pltpu.VMEM((GRH, _D), jnp.float32),
            pltpu.VMEM((GRH, _D), jnp.float32),
            pltpu.SemaphoreType.DMA,
            pltpu.SemaphoreType.DMA,
        ],
    )
    def k(x_hbm, dstr_hbm, srcr_hbm, outd_hbm, outs_hbm, idx0_v, idx1_v,
          rows0_v, rows1_v, sem0, sem1):
        c = lax.axis_index("c")
        s = lax.axis_index("s")
        rbase = s * (RPT // _ROW)

        def run(idx_hbm, out_hbm):
            sets = ((idx0_v, rows0_v, sem0), (idx1_v, rows1_v, sem1))

            def fire(g, st):
                idx_v, rows_v, sem = st
                pltpu.sync_copy(idx_hbm.at[pl.ds(rbase + g * GP, GP)], idx_v)
                for j in range(GP):
                    pltpu.async_copy(x_hbm.at[idx_v.at[j]],
                                     rows_v.at[pl.ds(j * _ROW, _ROW)], sem)

            def drain_write(g, st):
                idx_v, rows_v, sem = st
                for j in range(GP):
                    pltpu.make_async_copy(
                        x_hbm.at[idx_v.at[j]],
                        rows_v.at[pl.ds(j * _ROW, _ROW)], sem).wait()
                pltpu.sync_copy(rows_v,
                                out_hbm.at[pl.ds(s * RPT + g * GRH, GRH)])

            fire(0, sets[0])

            def body(h, carry):
                g0 = 2 * h
                fire(g0 + 1, sets[1])
                drain_write(g0, sets[0])

                @pl.when(g0 + 2 < NG)
                def _():
                    fire(g0 + 2, sets[0])
                drain_write(g0 + 1, sets[1])
                return carry
            lax.fori_loop(0, NG // 2, body, 0)

        @pl.when(c == 0)
        def _():
            run(dstr_hbm, outd_hbm)

        @pl.when(c == 1)
        def _():
            run(srcr_hbm, outs_hbm)

    return k(x2, dst2, src2)


def _sc_scatter_add(dst2, vals, width):
    EPT = _E // (_NC * _NS)
    group = 8 if width <= 16 else 4
    gr = group * _ROW
    NG = EPT // gr
    NZR = _N // _NS
    chunks = []
    off = 0
    while off < NZR:
        sz = min(gr, NZR - off)
        chunks.append((off, sz))
        off += sz

    @functools.partial(
        pl.kernel,
        mesh=_mesh(),
        compiler_params=_SC_PARAMS,
        out_type=(
            jax.ShapeDtypeStruct((_N, width), jnp.float32),
            jax.ShapeDtypeStruct((_N, width), jnp.float32),
        ),
        scratch_types=[
            pltpu.VMEM_SHARED((_N, width), jnp.float32),
            pltpu.VMEM((group, _ROW), jnp.int32),
            pltpu.VMEM((gr, width), jnp.float32),
            pltpu.SemaphoreType.DMA,
        ],
    )
    def k(dst_hbm, vals_hbm, out0_hbm, out1_hbm, acc_sh, idx_v, rows_v, sem):
        c = lax.axis_index("c")
        s = lax.axis_index("s")

        def zero_row(i, carry):
            for kk in range(width // 16):
                rows_v[i, pl.ds(kk * 16, 16)] = jnp.zeros((16,), jnp.float32)
            return carry
        lax.fori_loop(0, min(gr, NZR), zero_row, 0)
        for off, sz in chunks:
            pltpu.sync_copy(rows_v.at[pl.ds(0, sz)],
                            acc_sh.at[pl.ds(s * NZR + off, sz)])
        plsc.subcore_barrier()

        wid = c * _NS + s
        rbase = wid * (EPT // _ROW)

        def body(g, carry):
            pltpu.sync_copy(dst_hbm.at[pl.ds(rbase + g * group, group)],
                            idx_v)
            pltpu.sync_copy(vals_hbm.at[pl.ds(wid * EPT + g * gr, gr)],
                            rows_v)
            descs = []
            for j in range(group):
                descs.append(pltpu.async_copy(
                    rows_v.at[pl.ds(j * _ROW, _ROW)],
                    acc_sh.at[idx_v.at[j]], sem, add=True))
            for d in descs:
                d.wait()
            return carry
        lax.fori_loop(0, NG, body, 0)
        plsc.subcore_barrier()

        for off, sz in chunks:
            pltpu.sync_copy(acc_sh.at[pl.ds(s * NZR + off, sz)],
                            rows_v.at[pl.ds(0, sz)])

            @pl.when(c == 0)
            def _(off=off, sz=sz):
                pltpu.sync_copy(rows_v.at[pl.ds(0, sz)],
                                out0_hbm.at[pl.ds(s * NZR + off, sz)])

            @pl.when(c == 1)
            def _(off=off, sz=sz):
                pltpu.sync_copy(rows_v.at[pl.ds(0, sz)],
                                out1_hbm.at[pl.ds(s * NZR + off, sz)])

    return k(dst2, vals)


def _k2b_gather2(s0, s1, dst2):
    EPT = _E // (_NC * _NS)
    NG = EPT // _GR

    @functools.partial(
        pl.kernel,
        mesh=_mesh(),
        compiler_params=_SC_PARAMS,
        out_type=jax.ShapeDtypeStruct((_E, 16), jnp.float32),
        scratch_types=[
            pltpu.VMEM((_GROUP, _ROW), jnp.int32),
            pltpu.VMEM((_GR, 16), jnp.float32),
            pltpu.VMEM((_GR, 16), jnp.float32),
            pltpu.SemaphoreType.DMA,
        ],
    )
    def k(s0_hbm, s1_hbm, dstr_hbm, o_hbm, idx_v, r0_v, r1_v, sem):
        c = lax.axis_index("c")
        s = lax.axis_index("s")
        wid = c * _NS + s
        rbase = wid * (EPT // _ROW)

        def body(g, carry):
            pltpu.sync_copy(dstr_hbm.at[pl.ds(rbase + g * _GROUP, _GROUP)],
                            idx_v)
            descs = []
            for j in range(_GROUP):
                descs.append(pltpu.async_copy(
                    s0_hbm.at[idx_v.at[j]],
                    r0_v.at[pl.ds(j * _ROW, _ROW)], sem))
                descs.append(pltpu.async_copy(
                    s1_hbm.at[idx_v.at[j]],
                    r1_v.at[pl.ds(j * _ROW, _ROW)], sem))
            for d in descs:
                d.wait()

            def addrow(i, carry2):
                for kk in range(4):
                    row = i * 4 + kk
                    r0_v[row, :] = r0_v[row, :] + r1_v[row, :]
                return carry2
            lax.fori_loop(0, _GR // 4, addrow, 0)
            pltpu.sync_copy(r0_v, o_hbm.at[pl.ds(wid * EPT + g * _GR, _GR)])
            return carry
        lax.fori_loop(0, NG, body, 0)

    return k(s0, s1, dst2)


def _dot(a, b):
    return jnp.dot(a, b, preferred_element_type=jnp.float32)


def _cat(*xs):
    return jnp.concatenate(xs, axis=1)


def _m0_in_paired(xdP, xsP):
    return _cat(xdP[:, 0:16], xsP[:, 0:16], xdP[:, 32:48], xsP[:, 32:48],
                xdP[:, 64:80], xsP[:, 64:80], xdP[:, 96:112], xsP[:, 96:112])


def _k1_body(edP, xdP, xsP, Wr1P, br1P, Wr2P, br2P, Wg01P, bg01P, Wm0aP,
             S2P, lng4P, lnb4P, adotP, SselP, ea_ref, rad_ref):
    h = _silu(_dot(edP[...], Wr1P[...]) + br1P[...])
    radP = _silu(_dot(h, Wr2P[...]) + br2P[...])
    rad_ref[...] = radP
    g01P = _dot(radP, Wg01P[...]) + bg01P[...]
    gate0P = _cat(g01P[:, 0:64], g01P[:, 96:160])
    tP = _m0_in_paired(xdP[...], xsP[...]) * gate0P
    a1P = _dot(tP, Wm0aP[...])
    statsP = _dot(_cat(a1P, a1P * a1P), S2P[...])
    muP = _cat(statsP[:, 0:64], statsP[:, 128:192])
    msqP = _cat(statsP[:, 64:128], statsP[:, 192:256])
    varP = msqP - muP * muP
    xnP = (a1P - muP) * lax.rsqrt(varP + 1e-5) * lng4P[...] + lnb4P[...]
    slP = 0.8 * xnP * jax.nn.sigmoid(xnP) + 0.2 * xnP
    eaP = jnp.exp(_dot(slP * adotP[...], SselP[...]))
    z12 = jnp.zeros((eaP.shape[0], 12), jnp.float32)
    ea_ref[...] = _cat(eaP[:, 0:4], z12, eaP[:, 4:8], z12)


def _k3_body(xdP, xsP, radP, eab, sdP, Wg01P, bg01P, Wm0vP, wrepP, W1cP,
             W2m0P, W2cP, WpcP, out_ref):
    xdP_, xsP_, sdP_, eab_ = xdP[...], xsP[...], sdP[...], eab[...]
    g01P = _dot(radP[...], Wg01P[...]) + bg01P[...]
    gate0P = _cat(g01P[:, 0:64], g01P[:, 96:160])
    tP = _m0_in_paired(xdP_, xsP_) * gate0P
    m0fP = _dot(tP, Wm0vP[...])
    eaP = _cat(eab_[:, 0:4], eab_[:, 16:20])
    w = eaP / (_cat(sdP_[:, 0:4], sdP_[:, 16:20]) + 1e-9)
    wtP = _dot(w, wrepP[...])
    m01P = _cat(m0fP[:, 32:64], m0fP[:, 128:160])
    gP = _cat(m0fP[:, 64:96], m0fP[:, 160:192])
    sgP = jax.nn.sigmoid(gP)
    g1e0 = g01P[:, 64:96]
    g1e1 = g01P[:, 160:192]
    rimP = _cat(xdP_[:, 16:32], xsP_[:, 16:32], xdP_[:, 48:64],
                xsP_[:, 48:64], xdP_[:, 80:96], xsP_[:, 80:96],
                xdP_[:, 112:128], xsP_[:, 112:128]) * _cat(
                    g1e0, g1e0, g1e1, g1e1)
    o1P = _dot(rimP, W1cP[...])
    m0in2P = _cat(gP[:, 0:32] * sgP[:, 0:32], m01P[:, 0:32] * sgP[:, 0:32],
                  gP[:, 32:64] * sgP[:, 32:64],
                  m01P[:, 32:64] * sgP[:, 32:64])
    m0o2P = _dot(m0in2P, W2m0P[...])
    r2i2P = _cat(o1P[:, 0:32] * sgP[:, 0:32], o1P[:, 32:64] * sgP[:, 0:32],
                 o1P[:, 64:96] * sgP[:, 32:64],
                 o1P[:, 96:128] * sgP[:, 32:64])
    ocP = _dot(r2i2P, W2cP[...])
    w0 = wtP[:, 0:64]
    w1 = wtP[:, 64:128]
    vcatP = _cat(m0o2P[:, 0:64] * w0, ocP[:, 0:64] * w0,
                 m0o2P[:, 64:128] * w0, ocP[:, 64:128] * w0,
                 m0o2P[:, 128:192] * w1, ocP[:, 128:192] * w1,
                 m0o2P[:, 192:256] * w1, ocP[:, 192:256] * w1)
    out_ref[...] = _dot(vcatP, WpcP[...])


def _k5_body(n0, n1, bias, out_ref):
    out_ref[...] = n0[...] + n1[...] + bias[...]


def _blk_spec(rows):
    return pl.BlockSpec((rows, 128), lambda i: (i, 0))


def _full_spec(shape):
    return pl.BlockSpec(shape, lambda i: tuple(0 for _ in shape))


def _pair2(W):
    z = jnp.zeros(W.shape, W.dtype)
    return jnp.block([[W, z], [z, W]])


def kernel(x, edge_distance, edge_index, params):
    p = params
    f32 = jnp.float32
    x2 = x.reshape(_N, _D)
    dst = edge_index[1]
    src = edge_index[0]
    dst2 = dst.reshape(_E // _ROW, _ROW)
    src2 = src.reshape(_E // _ROW, _ROW)

    Wm0 = p["Wm0"]
    Wm0a = Wm0[:, 64:128]
    lng4 = jnp.tile(p["ln_g"], 8).reshape(1, 128)
    lnb4 = jnp.tile(p["ln_b"], 8).reshape(1, 128)
    adotf = jnp.tile(p["alpha_dot"].reshape(64), 2).reshape(1, 128)
    Gm = jnp.kron(jnp.eye(4, dtype=f32), jnp.ones((16, 16), f32) / 16.0)
    S2P = jnp.zeros((256, 256), f32)
    S2P = S2P.at[0:64, 0:64].set(Gm)
    S2P = S2P.at[128:192, 64:128].set(Gm)
    S2P = S2P.at[64:128, 128:192].set(Gm)
    S2P = S2P.at[192:256, 192:256].set(Gm)
    Ssel = jnp.kron(jnp.eye(4, dtype=f32), jnp.ones((16, 1), f32))
    wrep = jnp.kron(jnp.eye(4, dtype=f32), jnp.ones((1, 16), f32))
    bias_row = jnp.concatenate([p["bp0"], jnp.zeros(48, f32)]).reshape(1, 64)
    Wr1p = jnp.concatenate([p["Wr1"], jnp.zeros((14, 64), f32)], axis=0)
    Wg01 = jnp.concatenate([p["Wg0"], p["Wg1"]], axis=1)
    bg01 = jnp.concatenate([p["bg0"], p["bg1"]])
    W1c = jnp.block([[p["W1r"], p["W1i"]], [-p["W1i"], p["W1r"]]])
    W2c = jnp.block([[p["W2r"], p["W2i"]], [-p["W2i"], p["W2r"]]])
    z = jnp.zeros((64, 16), f32)
    Wpc = jnp.block([
        [p["Wp0"], z, z, z],
        [z, p["Wp1"], z, z],
        [z, z, p["Wp1"], z],
        [z, z, z, p["Wp1"]],
    ])
    Wr1P = _pair2(Wr1p)
    Wr2P = _pair2(p["Wr2"])
    Wg01P = _pair2(Wg01)
    Wm0v = jnp.concatenate([Wm0[:, 0:64], Wm0[:, 128:160]], axis=1)
    Wm0vP = _pair2(Wm0v)
    Wm0aP = _pair2(Wm0a)
    SselP = _pair2(Ssel)
    wrepP = _pair2(wrep)
    W1cP = _pair2(W1c)
    W2m0P = _pair2(p["W2m0"])
    W2cP = _pair2(W2c)
    WpcP = _pair2(Wpc)
    br1P = jnp.tile(p["br1"], 2).reshape(1, 128)
    br2P = jnp.tile(p["br2"], 2).reshape(1, 128)
    bg01P = jnp.tile(bg01, 2).reshape(1, 192)
    edp = jnp.concatenate(
        [edge_distance, jnp.zeros((_E, 14), f32)], axis=1).reshape(
            _E // 2, 128)

    xd, xs = _k0_gather(x2, dst2, src2)
    xdp = xd.reshape(_E // 2, 128)
    xsp = xs.reshape(_E // 2, 128)

    grid = (_E // _EB,)
    w_specs1 = [
        _full_spec((128, 128)), _full_spec((1, 128)),
        _full_spec((128, 128)), _full_spec((1, 128)),
        _full_spec((128, 192)), _full_spec((1, 192)),
        _full_spec((128, 128)), _full_spec((256, 256)),
        _full_spec((1, 128)), _full_spec((1, 128)), _full_spec((1, 128)),
        _full_spec((128, 8)),
    ]
    eap, radp = pl.pallas_call(
        _k1_body,
        grid=grid,
        in_specs=[_blk_spec(_EB // 2), _blk_spec(_EB // 2),
                  _blk_spec(_EB // 2)] + w_specs1,
        out_specs=[pl.BlockSpec((_EB // 2, 32), lambda i: (i, 0)),
                   _blk_spec(_EB // 2)],
        out_shape=[jax.ShapeDtypeStruct((_E // 2, 32), f32),
                   jax.ShapeDtypeStruct((_E // 2, 128), f32)],
    )(edp, xdp, xsp, Wr1P, br1P, Wr2P, br2P, Wg01P, bg01P,
      Wm0aP, S2P, lng4, lnb4, adotf, SselP)
    ea = eap.reshape(_E, 16)

    s0, s1 = _sc_scatter_add(dst2, ea, 16)

    sd = _k2b_gather2(s0, s1, dst2)
    sdp = sd.reshape(_E // 2, 32)

    w_specs3 = [
        _full_spec((128, 192)), _full_spec((1, 192)),
        _full_spec((128, 192)),
        _full_spec((8, 128)), _full_spec((128, 128)),
        _full_spec((128, 256)), _full_spec((128, 256)),
        _full_spec((512, 128)),
    ]
    ppc = pl.pallas_call(
        _k3_body,
        grid=grid,
        in_specs=[_blk_spec(_EB // 2), _blk_spec(_EB // 2),
                  _blk_spec(_EB // 2),
                  pl.BlockSpec((_EB // 2, 32), lambda i: (i, 0)),
                  pl.BlockSpec((_EB // 2, 32), lambda i: (i, 0))] + w_specs3,
        out_specs=_blk_spec(_EB // 2),
        out_shape=jax.ShapeDtypeStruct((_E // 2, 128), f32),
    )(xdp, xsp, radp, eap, sdp, Wg01P, bg01P, Wm0vP,
      wrepP, W1cP, W2m0P, W2cP, WpcP)
    pp = ppc.reshape(_E, _D)

    n0, n1 = _sc_scatter_add(dst2, pp, _D)

    NB = 2000
    out = pl.pallas_call(
        _k5_body,
        grid=(_N // NB,),
        in_specs=[pl.BlockSpec((NB, _D), lambda i: (i, 0)),
                  pl.BlockSpec((NB, _D), lambda i: (i, 0)),
                  _full_spec((1, _D))],
        out_specs=pl.BlockSpec((NB, _D), lambda i: (i, 0)),
        out_shape=jax.ShapeDtypeStruct((_N, _D), f32),
    )(n0, n1, bias_row)

    return out.reshape(_N, 4, 16)

# --- scband reference (transcript-rebuilt; emitter-appended) ---
"""Pipeline reference for scband-so2-equivariant-graph-attention-wedges-v2-31671088840830 (READ-ONLY COPY).

The authoritative reference and input builder live on the scoring server;
editing this copy changes nothing except your own understanding.
"""

import jax, jax.numpy as jnp
import numpy as np

N = 10000          # nodes
E = 320000         # edges
C = 16             # sphere_channels
H = 32             # hidden_channels
NH = 4             # num_heads
AC = 16            # attn_alpha_channels
VC = 16            # attn_value_channels
OUT = 16           # output_channels
RB = 50            # radial_basis_size
EXTRA = NH * AC + H  # extra m0 output channels (alpha + sep-S2 scalar gate)


def _lin(key, fin, fout):
    return jax.random.normal(key, (fin, fout), dtype=jnp.float32) / np.sqrt(fin)


def setup_inputs(seed: int = 0):
    key = jax.random.key(seed)
    ks = jax.random.split(key, 24)
    inp = {}
    inp["x"] = jax.random.normal(ks[0], (N, 4, C), dtype=jnp.float32)
    inp["edge_distance"] = jax.random.uniform(ks[1], (E, RB), dtype=jnp.float32)
    inp["edge_index"] = jax.random.randint(ks[2], (2, E), 0, N)
    params = {
        "Wr1": _lin(ks[3], RB, 64), "br1": jnp.zeros((64,), jnp.float32),
        "Wr2": _lin(ks[4], 64, 64), "br2": jnp.zeros((64,), jnp.float32),
        "Wg0": _lin(ks[5], 64, 2 * 2 * C), "bg0": jnp.ones((2 * 2 * C,), jnp.float32),
        "Wg1": _lin(ks[6], 64, 2 * C), "bg1": jnp.ones((2 * C,), jnp.float32),
        "Wm0": _lin(ks[7], 2 * 2 * C, 2 * H + EXTRA),
        "W1r": _lin(ks[8], 2 * C, H), "W1i": _lin(ks[9], 2 * C, H),
        "ln_g": jnp.ones((AC,), jnp.float32), "ln_b": jnp.zeros((AC,), jnp.float32),
        "alpha_dot": jax.random.uniform(ks[10], (NH, AC), jnp.float32, -1.0 / np.sqrt(AC), 1.0 / np.sqrt(AC)),
        "W2m0": _lin(ks[11], 2 * H, 2 * NH * VC),
        "W2r": _lin(ks[12], H, NH * VC), "W2i": _lin(ks[13], H, NH * VC),
        "Wp0": _lin(ks[14], NH * VC, OUT), "bp0": jnp.zeros((OUT,), jnp.float32),
        "Wp1": _lin(ks[15], NH * VC, OUT),
    }
    inp["params"] = params
    return inp


def _forward(x, edge_distance, params, src, dst):
    # gather + concat target/source node embeddings: [E, 4, 2C]
    x_edge = jnp.concatenate([x[dst], x[src]], axis=-1)
    # radial function (2-layer MLP on radial basis)
    h = jax.nn.silu(edge_distance @ params["Wr1"] + params["br1"])
    rad = jax.nn.silu(h @ params["Wr2"] + params["br2"])
    # ---- SO(2) conv 1 ----
    # m = 0 coefficients (l=0 m=0 -> idx 0; l=1 m=0 -> idx 2), radially gated
    m0_in = x_edge[:, jnp.array([0, 2]), :].reshape(-1, 2 * 2 * C)
    gate0 = rad @ params["Wg0"] + params["bg0"]
    m0_full = (m0_in * gate0) @ params["Wm0"]
    m0_out = m0_full[:, : 2 * H].reshape(-1, 2, H)
    extra = m0_full[:, 2 * H :]
    # m = 1 coefficients (l=1 m=-1 -> idx 1, m=+1 -> idx 3), complex SO(2) linear
    m1_in = x_edge[:, jnp.array([1, 3]), :]
    gate1 = rad @ params["Wg1"] + params["bg1"]
    m1g = m1_in * gate1[:, None, :]
    r, im = m1g[:, 0], m1g[:, 1]
    out_r = r @ params["W1r"] - im @ params["W1i"]
    out_i = r @ params["W1i"] + im @ params["W1r"]
    x_msg = jnp.stack([m0_out[:, 0], out_r, m0_out[:, 1], out_i], axis=1)  # [E,4,H]
    # ---- attention weights (Equiformer-style alpha) ----
    x_alpha = extra[:, : NH * AC].reshape(-1, NH, AC)
    g = extra[:, NH * AC :]  # [E, H] scalar gate for separable S2 activation
    mu = x_alpha.mean(-1, keepdims=True)
    var = x_alpha.var(-1, keepdims=True)
    x_alpha = (x_alpha - mu) / jnp.sqrt(var + 1e-5) * params["ln_g"] + params["ln_b"]
    a = 0.2  # SmoothLeakyReLU
    x_alpha = (1.0 - a) * x_alpha * jax.nn.sigmoid(x_alpha) + a * x_alpha
    alpha = jnp.einsum("ehc,hc->eh", x_alpha, params["alpha_dot"])
    amax = jax.ops.segment_max(alpha, dst, num_segments=N)
    amax = jnp.where(jnp.isfinite(amax), amax, 0.0)
    ae = jnp.exp(alpha - amax[dst])
    asum = jax.ops.segment_sum(ae, dst, num_segments=N)
    alpha = ae / (asum[dst] + 1e-9)  # [E, NH] segment softmax over incoming edges
    # ---- separable S2 activation ----
    scalar = jax.nn.silu(g)
    x_msg = x_msg * jax.nn.sigmoid(g)[:, None, :]
    x_msg = jnp.concatenate([scalar[:, None, :], x_msg[:, 1:]], axis=1)
    # ---- SO(2) conv 2 (internal weights) ----
    m0_in2 = x_msg[:, jnp.array([0, 2]), :].reshape(-1, 2 * H)
    m0o2 = (m0_in2 @ params["W2m0"]).reshape(-1, 2, NH * VC)
    r2, i2 = x_msg[:, 1], x_msg[:, 3]
    or2 = r2 @ params["W2r"] - i2 @ params["W2i"]
    oi2 = r2 @ params["W2i"] + i2 @ params["W2r"]
    v = jnp.stack([m0o2[:, 0], or2, m0o2[:, 1], oi2], axis=1)  # [E,4,NH*VC]
    v = v.reshape(-1, 4, NH, VC) * alpha[:, None, :, None]
    v = v.reshape(-1, 4, NH * VC)
    # ---- scatter-add messages to destination nodes ----
    node = jax.ops.segment_sum(v, dst, num_segments=N)  # [N,4,NH*VC]
    # ---- SO3_LinearV2 projection (per-degree linear) ----
    out0 = node[:, 0] @ params["Wp0"] + params["bp0"]
    out1 = jnp.einsum("nmc,co->nmo", node[:, 1:], params["Wp1"])
    return jnp.concatenate([out0[:, None, :], out1], axis=1)  # [N,4,OUT]


def reference(x, edge_distance, edge_index, params):
    src = edge_index[0]
    dst = edge_index[1]
    return _forward(x, edge_distance, params, src, dst)

if __name__ == "__main__":
    import jax
    _d = setup_inputs()
    print(jax.jit(kernel)(*tuple(_d.values())))

</pallas_src>

<mosaic_0001>
#map = affine_map<(d0, d1) -> (0, 0)>
module attributes {stable_mosaic.version = 14 : i64} {
  func.func @k(%arg0: i32, %arg1: i32, %arg2: memref<2560x125xi32, #tpu.memory_space<hbm>>, %arg3: memref<320000x16xf32, #tpu.memory_space<hbm>>, %arg4: memref<10000x16xf32, #tpu.memory_space<hbm>>, %arg5: memref<10000x16xf32, #tpu.memory_space<hbm>>, %arg6: memref<10000x16xf32, #tpu.memory_space<vmem_shared>>, %arg7: memref<8x125xi32, #tpu.memory_space<vmem>>, %arg8: memref<1000x16xf32, #tpu.memory_space<vmem>>, %arg9: memref<!tpu.dma_semaphore, #tpu.memory_space<semaphore_mem>>) attributes {dimension_semantics = [#tpu.dimension_semantics<core_parallel>, #tpu.dimension_semantics<subcore_parallel>], iteration_bounds = array<i64: 2, 16>, scalar_prefetch = 0 : i64, scratch_operands = 4 : i64, tpu.core_type = #tpu.core_type<sc_vector_subcore>, window_params = [{transform_indices = #map}, {transform_indices = #map}, {transform_indices = #map}, {transform_indices = #map}]} {
    %scan3A = arith.constant 0 : i32
    %scan3A_0 = arith.constant 0 : i32
    %scan3A_1 = arith.constant 625 : i32
    %scan3A_2 = arith.addi %scan3A_0, %scan3A_1 : i32
    %scan3A_3 = arith.constant 1 : i32
    scf.for %scan3A_30 = %scan3A_0 to %scan3A_2 step %scan3A_3  : i32 {
      %broadcast_in_dim3A = arith.constant 0.000000e+00 : f32
      %broadcast_in_dim3A_31 = vector.broadcast %broadcast_in_dim3A : f32 to vector<16xf32>
      %swap3A = arith.index_cast %scan3A_30 : i32 to index
      %swap3A_32 = arith.constant 0 : index
      %swap3A_33 = tpu.vector_load %arg8[%swap3A, %swap3A_32] {strides = array<i32>} : memref<1000x16xf32, #tpu.memory_space<vmem>>, vector<1x16xf32>,
      %swap3A_34 = vector.shape_cast %swap3A_33 : vector<1x16xf32> to vector<16xf32>
      %swap3A_35 = vector.shape_cast %broadcast_in_dim3A_31 : vector<16xf32> to vector<1x16xf32>
      tpu.vector_store %arg8[%swap3A, %swap3A_32], %swap3A_35 {strides = array<i32>} : memref<1000x16xf32, #tpu.memory_space<vmem>>, vector<1x16xf32>,
    }
    %scan3A_4 = arith.constant 625 : i32
    %mul3A = arith.constant 625 : i32
    %mul3A_5 = arith.muli %arg1, %mul3A : i32
    %add3A = arith.constant 0 : i32
    %add3A_6 = arith.addi %mul3A_5, %add3A : i32
    "tpu.region"() ({
      %run_scoped3A = tpu.sem_alloc : memref<!tpu.dma_semaphore, #tpu.memory_space<semaphore_mem>>
      %dma_start3A = arith.constant 0 : i32
      %dma_start3A_30 = arith.constant 0 : i32
      %dma_start3A_31 = tpu.memref_slice %arg8[%dma_start3A, %dma_start3A_30] : memref<1000x16xf32, #tpu.memory_space<vmem>> -> memref<625x16xf32, #tpu.memory_space<vmem>>
      %dma_start3A_32 = arith.constant 0 : i32
      %dma_start3A_33 = tpu.memref_slice %arg6[%add3A_6, %dma_start3A_32] : memref<10000x16xf32, #tpu.memory_space<vmem_shared>> -> memref<625x16xf32, #tpu.memory_space<vmem_shared>>
      %dma_start3A_34 = arith.constant 0 : i32
      %dma_start3A_35 = tpu.memref_slice %arg6[%add3A_6, %dma_start3A_34] : memref<10000x16xf32, #tpu.memory_space<vmem_shared>> -> memref<625x16xf32, #tpu.memory_space<vmem_shared>>
      %dma_start3A_36 = arith.constant 0 : i32
      %dma_start3A_37 = arith.constant 0 : i32
      %dma_start3A_38 = tpu.memref_slice %arg8[%dma_start3A_36, %dma_start3A_37] : memref<1000x16xf32, #tpu.memory_space<vmem>> -> memref<625x16xf32, #tpu.memory_space<vmem>>
      tpu.enqueue_dma source(%dma_start3A_38 : memref<625x16xf32, #tpu.memory_space<vmem>>) target(%dma_start3A_35 : memref<625x16xf32, #tpu.memory_space<vmem_shared>>) target_semaphore(%run_scoped3A : memref<!tpu.dma_semaphore, #tpu.memory_space<semaphore_mem>>)
      %dma_wait3A = arith.constant 0 : i32
      %dma_wait3A_39 = arith.constant 0 : i32
      %dma_wait3A_40 = tpu.memref_slice %arg8[%dma_wait3A, %dma_wait3A_39] : memref<1000x16xf32, #tpu.memory_space<vmem>> -> memref<625x16xf32, #tpu.memory_space<vmem>>
      %dma_wait3A_41 = arith.constant 0 : i32
      %dma_wait3A_42 = tpu.memref_slice %arg6[%add3A_6, %dma_wait3A_41] : memref<10000x16xf32, #tpu.memory_space<vmem_shared>> -> memref<625x16xf32, #tpu.memory_space<vmem_shared>>
      %dma_wait3A_43 = arith.constant 0 : i32
      %dma_wait3A_44 = tpu.memref_slice %arg6[%add3A_6, %dma_wait3A_43] : memref<10000x16xf32, #tpu.memory_space<vmem_shared>> -> memref<625x16xf32, #tpu.memory_space<vmem_shared>>
      %dma_wait3A_45 = arith.constant 0 : i32
      %dma_wait3A_46 = arith.constant 0 : i32
      %dma_wait3A_47 = tpu.memref_slice %arg8[%dma_wait3A_45, %dma_wait3A_46] : memref<1000x16xf32, #tpu.memory_space<vmem>> -> memref<625x16xf32, #tpu.memory_space<vmem>>
      tpu.wait_dma2 semaphore(%run_scoped3A : memref<!tpu.dma_semaphore, #tpu.memory_space<semaphore_mem>>) src(%dma_wait3A_47 : memref<625x16xf32, #tpu.memory_space<vmem>>) dst(%dma_wait3A_44 : memref<625x16xf32, #tpu.memory_space<vmem_shared>>)
      tpu.yield
    }) : () -> ()
    %barrier3A = arith.constant 0 : index
    tpu.barrier barrier_id(%barrier3A)
    %mul3A_7 = arith.constant 16 : i32
    %mul3A_8 = arith.muli %arg0, %mul3A_7 : i32
    %add3A_9 = arith.addi %mul3A_8, %arg1 : i32
    %mul3A_10 = arith.constant 80 : i32
    %mul3A_11 = arith.muli %add3A_9, %mul3A_10 : i32
    %scan3A_12 = arith.constant 0 : i32
    %scan3A_13 = arith.constant 0 : i32
    %scan3A_14 = arith.constant 10 : i32
    %scan3A_15 = arith.addi %scan3A_13, %scan3A_14 : i32
    %scan3A_16 = arith.constant 1 : i32
    scf.for %scan3A_30 = %scan3A_13 to %scan3A_15 step %scan3A_16  : i32 {
      %mul3A_31 = arith.constant 8 : i32
      %mul3A_32 = arith.muli %scan3A_30, %mul3A_31 : i32
      %add3A_33 = arith.addi %mul3A_11, %mul3A_32 : i32
      "tpu.region"() ({
        %run_scoped3A = tpu.sem_alloc : memref<!tpu.dma_semaphore, #tpu.memory_space<semaphore_mem>>
        %dma_start3A_197 = arith.constant 0 : i32
        %dma_start3A_198 = tpu.memref_slice %arg2[%add3A_33, %dma_start3A_197] : memref<2560x125xi32, #tpu.memory_space<hbm>> -> memref<8x125xi32, #tpu.memory_space<hbm>>
        %dma_start3A_199 = arith.constant 0 : i32
        %dma_start3A_200 = tpu.memref_slice %arg2[%add3A_33, %dma_start3A_199] : memref<2560x125xi32, #tpu.memory_space<hbm>> -> memref<8x125xi32, #tpu.memory_space<hbm>>
        tpu.enqueue_dma source(%dma_start3A_200 : memref<8x125xi32, #tpu.memory_space<hbm>>) target(%arg7 : memref<8x125xi32, #tpu.memory_space<vmem>>) target_semaphore(%run_scoped3A : memref<!tpu.dma_semaphore, #tpu.memory_space<semaphore_mem>>)
        %dma_wait3A_201 = arith.constant 0 : i32
        %dma_wait3A_202 = tpu.memref_slice %arg2[%add3A_33, %dma_wait3A_201] : memref<2560x125xi32, #tpu.memory_space<hbm>> -> memref<8x125xi32, #tpu.memory_space<hbm>>
        %dma_wait3A_203 = arith.constant 0 : i32
        %dma_wait3A_204 = tpu.memref_slice %arg2[%add3A_33, %dma_wait3A_203] : memref<2560x125xi32, #tpu.memory_space<hbm>> -> memref<8x125xi32, #tpu.memory_space<hbm>>
        tpu.wait_dma2 semaphore(%run_scoped3A : memref<!tpu.dma_semaphore, #tpu.memory_space<semaphore_mem>>) src(%dma_wait3A_204 : memref<8x125xi32, #tpu.memory_space<hbm>>) dst(%arg7 : memref<8x125xi32, #tpu.memory_space<vmem>>)
        tpu.yield
      }) : () -> ()
      %mul3A_34 = arith.constant 10000 : i32
      %mul3A_35 = arith.muli %add3A_9, %mul3A_34 : i32
      %mul3A_36 = arith.constant 1000 : i32
      %mul3A_37 = arith.muli %scan3A_30, %mul3A_36 : i32
      %add3A_38 = arith.addi %mul3A_35, %mul3A_37 : i32
      "tpu.region"() ({
        %run_scoped3A = tpu.sem_alloc : memref<!tpu.dma_semaphore, #tpu.memory_space<semaphore_mem>>
        %dma_start3A_197 = arith.constant 0 : i32
        %dma_start3A_198 = tpu.memref_slice %arg3[%add3A_38, %dma_start3A_197] : memref<320000x16xf32, #tpu.memory_space<hbm>> -> memref<1000x16xf32, #tpu.memory_space<hbm>>
        %dma_start3A_199 = arith.constant 0 : i32
        %dma_start3A_200 = tpu.memref_slice %arg3[%add3A_38, %dma_start3A_199] : memref<320000x16xf32, #tpu.memory_space<hbm>> -> memref<1000x16xf32, #tpu.memory_space<hbm>>
        tpu.enqueue_dma source(%dma_start3A_200 : memref<1000x16xf32, #tpu.memory_space<hbm>>) target(%arg8 : memref<1000x16xf32, #tpu.memory_space<vmem>>) target_semaphore(%run_scoped3A : memref<!tpu.dma_semaphore, #tpu.memory_space<semaphore_mem>>)
        %dma_wait3A_201 = arith.constant 0 : i32
        %dma_wait3A_202 = tpu.memref_slice %arg3[%add3A_38, %dma_wait3A_201] : memref<320000x16xf32, #tpu.memory_space<hbm>> -> memref<1000x16xf32, #tpu.memory_space<hbm>>
        %dma_wait3A_203 = arith.constant 0 : i32
        %dma_wait3A_204 = tpu.memref_slice %arg3[%add3A_38, %dma_wait3A_203] : memref<320000x16xf32, #tpu.memory_space<hbm>> -> memref<1000x16xf32, #tpu.memory_space<hbm>>
        tpu.wait_dma2 semaphore(%run_scoped3A : memref<!tpu.dma_semaphore, #tpu.memory_space<semaphore_mem>>) src(%dma_wait3A_204 : memref<1000x16xf32, #tpu.memory_space<hbm>>) dst(%arg8 : memref<1000x16xf32, #tpu.memory_space<vmem>>)
        tpu.yield
      }) : () -> ()
      %dma_start3A = arith.constant 0 : i32
      %dma_start3A_39 = arith.constant 0 : i32
      %dma_start3A_40 = arith.constant 0 : i32
      %dma_start3A_41 = tpu.memref_slice %arg8[%dma_start3A_39, %dma_start3A_40] : memref<1000x16xf32, #tpu.memory_space<vmem>> -> memref<125x16xf32, #tpu.memory_space<vmem>>
      %dma_start3A_42 = arith.constant 0 : i32
      %dma_start3A_43 = tpu.memref_slice %arg7[%dma_start3A, %dma_start3A_42] : memref<8x125xi32, #tpu.memory_space<vmem>> -> memref<1x125xi32, #tpu.memory_space<vmem>>
      %dma_start3A_44 = tpu.memref_squeeze %dma_start3A_43 : memref<1x125xi32, #tpu.memory_space<vmem>> -> memref<125xi32, #tpu.memory_space<vmem>>
      %dma_start3A_45 = arith.constant 0 : i32
      %dma_start3A_46 = arith.constant 0 : i32
      %dma_start3A_47 = tpu.memref_slice %arg6[%dma_start3A_45, %dma_start3A_46] : memref<10000x16xf32, #tpu.memory_space<vmem_shared>> -> memref<10000x16xf32, #tpu.memory_space<vmem_shared>>
      tpu.enqueue_indirect_dma source(%dma_start3A_41 : memref<125x16xf32, #tpu.memory_space<vmem>>) target(%dma_start3A_47 : memref<10000x16xf32, #tpu.memory_space<vmem_shared>>) offsets(%dma_start3A_44 : memref<125xi32, #tpu.memory_space<vmem>>) semaphore(%arg9 : memref<!tpu.dma_semaphore, #tpu.memory_space<semaphore_mem>>) {add = true}
      %dma_start3A_48 = arith.constant 1 : i32
      %dma_start3A_49 = arith.constant 125 : i32
      %dma_start3A_50 = arith.constant 0 : i32
      %dma_start3A_51 = tpu.memref_slice %arg8[%dma_start3A_49, %dma_start3A_50] : memref<1000x16xf32, #tpu.memory_space<vmem>> -> memref<125x16xf32, #tpu.memory_space<vmem>>
      %dma_start3A_52 = arith.constant 0 : i32
      %dma_start3A_53 = tpu.memref_slice %arg7[%dma_start3A_48, %dma_start3A_52] : memref<8x125xi32, #tpu.memory_space<vmem>> -> memref<1x125xi32, #tpu.memory_space<vmem>>
      %dma_start3A_54 = tpu.memref_squeeze %dma_start3A_53 : memref<1x125xi32, #tpu.memory_space<vmem>> -> memref<125xi32, #tpu.memory_space<vmem>>
      %dma_start3A_55 = arith.constant 0 : i32
      %dma_start3A_56 = arith.constant 0 : i32
      %dma_start3A_57 = tpu.memref_slice %arg6[%dma_start3A_55, %dma_start3A_56] : memref<10000x16xf32, #tpu.memory_space<vmem_shared>> -> memref<10000x16xf32, #tpu.memory_space<vmem_shared>>
      tpu.enqueue_indirect_dma source(%dma_start3A_51 : memref<125x16xf32, #tpu.memory_space<vmem>>) target(%dma_start3A_57 : memref<10000x16xf32, #tpu.memory_space<vmem_shared>>) offsets(%dma_start3A_54 : memref<125xi32, #tpu.memory_space<vmem>>) semaphore(%arg9 : memref<!tpu.dma_semaphore, #tpu.memory_space<semaphore_mem>>) {add = true}
      %dma_start3A_58 = arith.constant 2 : i32
      %dma_start3A_59 = arith.constant 250 : i32
      %dma_start3A_60 = arith.constant 0 : i32
      %dma_start3A_61 = tpu.memref_slice %arg8[%dma_start3A_59, %dma_start3A_60] : memref<1000x16xf32, #tpu.memory_space<vmem>> -> memref<125x16xf32, #tpu.memory_space<vmem>>
      %dma_start3A_62 = arith.constant 0 : i32
      %dma_start3A_63 = tpu.memref_slice %arg7[%dma_start3A_58, %dma_start3A_62] : memref<8x125xi32, #tpu.memory_space<vmem>> -> memref<1x125xi32, #tpu.memory_space<vmem>>
      %dma_start3A_64 = tpu.memref_squeeze %dma_start3A_63 : memref<1x125xi32, #tpu.memory_space<vmem>> -> memref<125xi32, #tpu.memory_space<vmem>>
      %dma_start3A_65 = arith.constant 0 : i32
      %dma_start3A_66 = arith.constant 0 : i32
      %dma_start3A_67 = tpu.memref_slice %arg6[%dma_start3A_65, %dma_start3A_66] : memref<10000x16xf32, #tpu.memory_space<vmem_shared>> -> memref<10000x16xf32, #tpu.memory_space<vmem_shared>>
      tpu.enqueue_indirect_dma source(%dma_start3A_61 : memref<125x16xf32, #tpu.memory_space<vmem>>) target(%dma_start3A_67 : memref<10000x16xf32, #tpu.memory_space<vmem_shared>>) offsets(%dma_start3A_64 : memref<125xi32, #tpu.memory_space<vmem>>) semaphore(%arg9 : memref<!tpu.dma_semaphore, #tpu.memory_space<semaphore_mem>>) {add = true}
      %dma_start3A_68 = arith.constant 3 : i32
      %dma_start3A_69 = arith.constant 375 : i32
      %dma_start3A_70 = arith.constant 0 : i32
      %dma_start3A_71 = tpu.memref_slice %arg8[%dma_start3A_69, %dma_start3A_70] : memref<1000x16xf32, #tpu.memory_space<vmem>> -> memref<125x16xf32, #tpu.memory_space<vmem>>
      %dma_start3A_72 = arith.constant 0 : i32
      %dma_start3A_73 = tpu.memref_slice %arg7[%dma_start3A_68, %dma_start3A_72] : memref<8x125xi32, #tpu.memory_space<vmem>> -> memref<1x125xi32, #tpu.memory_space<vmem>>
      %dma_start3A_74 = tpu.memref_squeeze %dma_start3A_73 : memref<1x125xi32, #tpu.memory_space<vmem>> -> memref<125xi32, #tpu.memory_space<vmem>>
      %dma_start3A_75 = arith.constant 0 : i32
      %dma_start3A_76 = arith.constant 0 : i32
      %dma_start3A_77 = tpu.memref_slice %arg6[%dma_start3A_75, %dma_start3A_76] : memref<10000x16xf32, #tpu.memory_space<vmem_shared>> -> memref<10000x16xf32, #tpu.memory_space<vmem_shared>>
      tpu.enqueue_indirect_dma source(%dma_start3A_71 : memref<125x16xf32, #tpu.memory_space<vmem>>) target(%dma_start3A_77 : memref<10000x16xf32, #tpu.memory_space<vmem_shared>>) offsets(%dma_start3A_74 : memref<125xi32, #tpu.memory_space<vmem>>) semaphore(%arg9 : memref<!tpu.dma_semaphore, #tpu.memory_space<semaphore_mem>>) {add = true}
      %dma_start3A_78 = arith.constant 4 : i32
      %dma_start3A_79 = arith.constant 500 : i32
      %dma_start3A_80 = arith.constant 0 : i32
      %dma_start3A_81 = tpu.memref_slice %arg8[%dma_start3A_79, %dma_start3A_80] : memref<1000x16xf32, #tpu.memory_space<vmem>> -> memref<125x16xf32, #tpu.memory_space<vmem>>
      %dma_start3A_82 = arith.constant 0 : i32
      %dma_start3A_83 = tpu.memref_slice %arg7[%dma_start3A_78, %dma_start3A_82] : memref<8x125xi32, #tpu.memory_space<vmem>> -> memref<1x125xi32, #tpu.memory_space<vmem>>
      %dma_start3A_84 = tpu.memref_squeeze %dma_start3A_83 : memref<1x125xi32, #tpu.memory_space<vmem>> -> memref<125xi32, #tpu.memory_space<vmem>>
      %dma_start3A_85 = arith.constant 0 : i32
      %dma_start3A_86 = arith.constant 0 : i32
      %dma_start3A_87 = tpu.memref_slice %arg6[%dma_start3A_85, %dma_start3A_86] : memref<10000x16xf32, #tpu.memory_space<vmem_shared>> -> memref<10000x16xf32, #tpu.memory_space<vmem_shared>>
      tpu.enqueue_indirect_dma source(%dma_start3A_81 : memref<125x16xf32, #tpu.memory_space<vmem>>) target(%dma_start3A_87 : memref<10000x16xf32, #tpu.memory_space<vmem_shared>>) offsets(%dma_start3A_84 : memref<125xi32, #tpu.memory_space<vmem>>) semaphore(%arg9 : memref<!tpu.dma_semaphore, #tpu.memory_space<semaphore_mem>>) {add = true}
      %dma_start3A_88 = arith.constant 5 : i32
      %dma_start3A_89 = arith.constant 625 : i32
      %dma_start3A_90 = arith.constant 0 : i32
      %dma_start3A_91 = tpu.memref_slice %arg8[%dma_start3A_89, %dma_start3A_90] : memref<1000x16xf32, #tpu.memory_space<vmem>> -> memref<125x16xf32, #tpu.memory_space<vmem>>
      %dma_start3A_92 = arith.constant 0 : i32
      %dma_start3A_93 = tpu.memref_slice %arg7[%dma_start3A_88, %dma_start3A_92] : memref<8x125xi32, #tpu.memory_space<vmem>> -> memref<1x125xi32, #tpu.memory_space<vmem>>
      %dma_start3A_94 = tpu.memref_squeeze %dma_start3A_93 : memref<1x125xi32, #tpu.memory_space<vmem>> -> memref<125xi32, #tpu.memory_space<vmem>>
      %dma_start3A_95 = arith.constant 0 : i32
      %dma_start3A_96 = arith.constant 0 : i32
      %dma_start3A_97 = tpu.memref_slice %arg6[%dma_start3A_95, %dma_start3A_96] : memref<10000x16xf32, #tpu.memory_space<vmem_shared>> -> memref<10000x16xf32, #tpu.memory_space<vmem_shared>>
      tpu.enqueue_indirect_dma source(%dma_start3A_91 : memref<125x16xf32, #tpu.memory_space<vmem>>) target(%dma_start3A_97 : memref<10000x16xf32, #tpu.memory_space<vmem_shared>>) offsets(%dma_start3A_94 : memref<125xi32, #tpu.memory_space<vmem>>) semaphore(%arg9 : memref<!tpu.dma_semaphore, #tpu.memory_space<semaphore_mem>>) {add = true}
      %dma_start3A_98 = arith.constant 6 : i32
      %dma_start3A_99 = arith.constant 750 : i32
      %dma_start3A_100 = arith.constant 0 : i32
      %dma_start3A_101 = tpu.memref_slice %arg8[%dma_start3A_99, %dma_start3A_100] : memref<1000x16xf32, #tpu.memory_space<vmem>> -> memref<125x16xf32, #tpu.memory_space<vmem>>
      %dma_start3A_102 = arith.constant 0 : i32
      %dma_start3A_103 = tpu.memref_slice %arg7[%dma_start3A_98, %dma_start3A_102] : memref<8x125xi32, #tpu.memory_space<vmem>> -> memref<1x125xi32, #tpu.memory_space<vmem>>
      %dma_start3A_104 = tpu.memref_squeeze %dma_start3A_103 : memref<1x125xi32, #tpu.memory_space<vmem>> -> memref<125xi32, #tpu.memory_space<vmem>>
      %dma_start3A_105 = arith.constant 0 : i32
      %dma_start3A_106 = arith.constant 0 : i32
      %dma_start3A_107 = tpu.memref_slice %arg6[%dma_start3A_105, %dma_start3A_106] : memref<10000x16xf32, #tpu.memory_space<vmem_shared>> -> memref<10000x16xf32, #tpu.memory_space<vmem_shared>>
      tpu.enqueue_indirect_dma source(%dma_start3A_101 : memref<125x16xf32, #tpu.memory_space<vmem>>) target(%dma_start3A_107 : memref<10000x16xf32, #tpu.memory_space<vmem_shared>>) offsets(%dma_start3A_104 : memref<125xi32, #tpu.memory_space<vmem>>) semaphore(%arg9 : memref<!tpu.dma_semaphore, #tpu.memory_space<semaphore_mem>>) {add = true}
      %dma_start3A_108 = arith.constant 7 : i32
      %dma_start3A_109 = arith.constant 875 : i32
      %dma_start3A_110 = arith.constant 0 : i32
      %dma_start3A_111 = tpu.memref_slice %arg8[%dma_start3A_109, %dma_start3A_110] : memref<1000x16xf32, #tpu.memory_space<vmem>> -> memref<125x16xf32, #tpu.memory_space<vmem>>
      %dma_start3A_112 = arith.constant 0 : i32
      %dma_start3A_113 = tpu.memref_slice %arg7[%dma_start3A_108, %dma_start3A_112] : memref<8x125xi32, #tpu.memory_space<vmem>> -> memref<1x125xi32, #tpu.memory_space<vmem>>
      %dma_start3A_114 = tpu.memref_squeeze %dma_start3A_113 : memref<1x125xi32, #tpu.memory_space<vmem>> -> memref<125xi32, #tpu.memory_space<vmem>>
      %dma_start3A_115 = arith.constant 0 : i32
      %dma_start3A_116 = arith.constant 0 : i32
      %dma_start3A_117 = tpu.memref_slice %arg6[%dma_start3A_115, %dma_start3A_116] : memref<10000x16xf32, #tpu.memory_space<vmem_shared>> -> memref<10000x16xf32, #tpu.memory_space<vmem_shared>>
      tpu.enqueue_indirect_dma source(%dma_start3A_111 : memref<125x16xf32, #tpu.memory_space<vmem>>) target(%dma_start3A_117 : memref<10000x16xf32, #tpu.memory_space<vmem_shared>>) offsets(%dma_start3A_114 : memref<125xi32, #tpu.memory_space<vmem>>) semaphore(%arg9 : memref<!tpu.dma_semaphore, #tpu.memory_space<semaphore_mem>>) {add = true}
      %dma_wait3A = arith.constant 0 : i32
      %dma_wait3A_118 = arith.constant 0 : i32
      %dma_wait3A_119 = arith.constant 0 : i32
      %dma_wait3A_120 = tpu.memref_slice %arg8[%dma_wait3A_118, %dma_wait3A_119] : memref<1000x16xf32, #tpu.memory_space<vmem>> -> memref<125x16xf32, #tpu.memory_space<vmem>>
      %dma_wait3A_121 = arith.constant 0 : i32
      %dma_wait3A_122 = tpu.memref_slice %arg7[%dma_wait3A, %dma_wait3A_121] : memref<8x125xi32, #tpu.memory_space<vmem>> -> memref<1x125xi32, #tpu.memory_space<vmem>>
      %dma_wait3A_123 = tpu.memref_squeeze %dma_wait3A_122 : memref<1x125xi32, #tpu.memory_space<vmem>> -> memref<125xi32, #tpu.memory_space<vmem>>
      %dma_wait3A_124 = arith.constant 0 : i32
      %dma_wait3A_125 = arith.constant 0 : i32
      %dma_wait3A_126 = tpu.memref_slice %arg6[%dma_wait3A_124, %dma_wait3A_125] : memref<10000x16xf32, #tpu.memory_space<vmem_shared>> -> memref<10000x16xf32, #tpu.memory_space<vmem_shared>>
      tpu.wait_indirect_dma semaphore(%arg9 : memref<!tpu.dma_semaphore, #tpu.memory_space<semaphore_mem>>) src(%dma_wait3A_120 : memref<125x16xf32, #tpu.memory_space<vmem>>) dst(%dma_wait3A_126 : memref<10000x16xf32, #tpu.memory_space<vmem_shared>>)
      %dma_wait3A_127 = arith.constant 1 : i32
      %dma_wait3A_128 = arith.constant 125 : i32
      %dma_wait3A_129 = arith.constant 0 : i32
      %dma_wait3A_130 = tpu.memref_slice %arg8[%dma_wait3A_128, %dma_wait3A_129] : memref<1000x16xf32, #tpu.memory_space<vmem>> -> memref<125x16xf32, #tpu.memory_space<vmem>>
      %dma_wait3A_131 = arith.constant 0 : i32
      %dma_wait3A_132 = tpu.memref_slice %arg7[%dma_wait3A_127, %dma_wait3A_131] : memref<8x125xi32, #tpu.memory_space<vmem>> -> memref<1x125xi32, #tpu.memory_space<vmem>>
      %dma_wait3A_133 = tpu.memref_squeeze %dma_wait3A_132 : memref<1x125xi32, #tpu.memory_space<vmem>> -> memref<125xi32, #tpu.memory_space<vmem>>
      %dma_wait3A_134 = arith.constant 0 : i32
      %dma_wait3A_135 = arith.constant 0 : i32
      %dma_wait3A_136 = tpu.memref_slice %arg6[%dma_wait3A_134, %dma_wait3A_135] : memref<10000x16xf32, #tpu.memory_space<vmem_shared>> -> memref<10000x16xf32, #tpu.memory_space<vmem_shared>>
      tpu.wait_indirect_dma semaphore(%arg9 : memref<!tpu.dma_semaphore, #tpu.memory_space<semaphore_mem>>) src(%dma_wait3A_130 : memref<125x16xf32, #tpu.memory_space<vmem>>) dst(%dma_wait3A_136 : memref<10000x16xf32, #tpu.memory_space<vmem_shared>>)
      %dma_wait3A_137 = arith.constant 2 : i32
      %dma_wait3A_138 = arith.constant 250 : i32
      %dma_wait3A_139 = arith.constant 0 : i32
      %dma_wait3A_140 = tpu.memref_slice %arg8[%dma_wait3A_138, %dma_wait3A_139] : memref<1000x16xf32, #tpu.memory_space<vmem>> -> memref<125x16xf32, #tpu.memory_space<vmem>>
      %dma_wait3A_141 = arith.constant 0 : i32
      %dma_wait3A_142 = tpu.memref_slice %arg7[%dma_wait3A_137, %dma_wait3A_141] : memref<8x125xi32, #tpu.memory_space<vmem>> -> memref<1x125xi32, #tpu.memory_space<vmem>>
      %dma_wait3A_143 = tpu.memref_squeeze %dma_wait3A_142 : memref<1x125xi32, #tpu.memory_space<vmem>> -> memref<125xi32, #tpu.memory_space<vmem>>
      %dma_wait3A_144 = arith.constant 0 : i32
      %dma_wait3A_145 = arith.constant 0 : i32
      %dma_wait3A_146 = tpu.memref_slice %arg6[%dma_wait3A_144, %dma_wait3A_145] : memref<10000x16xf32, #tpu.memory_space<vmem_shared>> -> memref<10000x16xf32, #tpu.memory_space<vmem_shared>>
      tpu.wait_indirect_dma semaphore(%arg9 : memref<!tpu.dma_semaphore, #tpu.memory_space<semaphore_mem>>) src(%dma_wait3A_140 : memref<125x16xf32, #tpu.memory_space<vmem>>) dst(%dma_wait3A_146 : memref<10000x16xf32, #tpu.memory_space<vmem_shared>>)
      %dma_wait3A_147 = arith.constant 3 : i32
      %dma_wait3A_148 = arith.constant 375 : i32
      %dma_wait3A_149 = arith.constant 0 : i32
      %dma_wait3A_150 = tpu.memref_slice %arg8[%dma_wait3A_148, %dma_wait3A_149] : memref<1000x16xf32, #tpu.memory_space<vmem>> -> memref<125x16xf32, #tpu.memory_space<vmem>>
      %dma_wait3A_151 = arith.constant 0 : i32
      %dma_wait3A_152 = tpu.memref_slice %arg7[%dma_wait3A_147, %dma_wait3A_151] : memref<8x125xi32, #tpu.memory_space<vmem>> -> memref<1x125xi32, #tpu.memory_space<vmem>>
      %dma_wait3A_153 = tpu.memref_squeeze %dma_wait3A_152 : memref<1x125xi32, #tpu.memory_space<vmem>> -> memref<125xi32, #tpu.memory_space<vmem>>
      %dma_wait3A_154 = arith.constant 0 : i32
      %dma_wait3A_155 = arith.constant 0 : i32
      %dma_wait3A_156 = tpu.memref_slice %arg6[%dma_wait3A_154, %dma_wait3A_155] : memref<10000x16xf32, #tpu.memory_space<vmem_shared>> -> memref<10000x16xf32, #tpu.memory_space<vmem_shared>>
      tpu.wait_indirect_dma semaphore(%arg9 : memref<!tpu.dma_semaphore, #tpu.memory_space<semaphore_mem>>) src(%dma_wait3A_150 : memref<125x16xf32, #tpu.memory_space<vmem>>) dst(%dma_wait3A_156 : memref<10000x16xf32, #tpu.memory_space<vmem_shared>>)
      %dma_wait3A_157 = arith.constant 4 : i32
      %dma_wait3A_158 = arith.constant 500 : i32
      %dma_wait3A_159 = arith.constant 0 : i32
      %dma_wait3A_160 = tpu.memref_slice %arg8[%dma_wait3A_158, %dma_wait3A_159] : memref<1000x16xf32, #tpu.memory_space<vmem>> -> memref<125x16xf32, #tpu.memory_space<vmem>>
      %dma_wait3A_161 = arith.constant 0 : i32
      %dma_wait3A_162 = tpu.memref_slice %arg7[%dma_wait3A_157, %dma_wait3A_161] : memref<8x125xi32, #tpu.memory_space<vmem>> -> memref<1x125xi32, #tpu.memory_space<vmem>>
      %dma_wait3A_163 = tpu.memref_squeeze %dma_wait3A_162 : memref<1x125xi32, #tpu.memory_space<vmem>> -> memref<125xi32, #tpu.memory_space<vmem>>
      %dma_wait3A_164 = arith.constant 0 : i32
      %dma_wait3A_165 = arith.constant 0 : i32
      %dma_wait3A_166 = tpu.memref_slice %arg6[%dma_wait3A_164, %dma_wait3A_165] : memref<10000x16xf32, #tpu.memory_space<vmem_shared>> -> memref<10000x16xf32, #tpu.memory_space<vmem_shared>>
      tpu.wait_indirect_dma semaphore(%arg9 : memref<!tpu.dma_semaphore, #tpu.memory_space<semaphore_mem>>) src(%dma_wait3A_160 : memref<125x16xf32, #tpu.memory_space<vmem>>) dst(%dma_wait3A_166 : memref<10000x16xf32, #tpu.memory_space<vmem_shared>>)
      %dma_wait3A_167 = arith.constant 5 : i32
      %dma_wait3A_168 = arith.constant 625 : i32
      %dma_wait3A_169 = arith.constant 0 : i32
      %dma_wait3A_170 = tpu.memref_slice %arg8[%dma_wait3A_168, %dma_wait3A_169] : memref<1000x16xf32, #tpu.memory_space<vmem>> -> memref<125x16xf32, #tpu.memory_space<vmem>>
      %dma_wait3A_171 = arith.constant 0 : i32
      %dma_wait3A_172 = tpu.memref_slice %arg7[%dma_wait3A_167, %dma_wait3A_171] : memref<8x125xi32, #tpu.memory_space<vmem>> -> memref<1x125xi32, #tpu.memory_space<vmem>>
      %dma_wait3A_173 = tpu.memref_squeeze %dma_wait3A_172 : memref<1x125xi32, #tpu.memory_space<vmem>> -> memref<125xi32, #tpu.memory_space<vmem>>
      %dma_wait3A_174 = arith.constant 0 : i32
      %dma_wait3A_175 = arith.constant 0 : i32
      %dma_wait3A_176 = tpu.memref_slice %arg6[%dma_wait3A_174, %dma_wait3A_175] : memref<10000x16xf32, #tpu.memory_space<vmem_shared>> -> memref<10000x16xf32, #tpu.memory_space<vmem_shared>>
      tpu.wait_indirect_dma semaphore(%arg9 : memref<!tpu.dma_semaphore, #tpu.memory_space<semaphore_mem>>) src(%dma_wait3A_170 : memref<125x16xf32, #tpu.memory_space<vmem>>) dst(%dma_wait3A_176 : memref<10000x16xf32, #tpu.memory_space<vmem_shared>>)
      %dma_wait3A_177 = arith.constant 6 : i32
      %dma_wait3A_178 = arith.constant 750 : i32
      %dma_wait3A_179 = arith.constant 0 : i32
      %dma_wait3A_180 = tpu.memref_slice %arg8[%dma_wait3A_178, %dma_wait3A_179] : memref<1000x16xf32, #tpu.memory_space<vmem>> -> memref<125x16xf32, #tpu.memory_space<vmem>>
      %dma_wait3A_181 = arith.constant 0 : i32
      %dma_wait3A_182 = tpu.memref_slice %arg7[%dma_wait3A_177, %dma_wait3A_181] : memref<8x125xi32, #tpu.memory_space<vmem>> -> memref<1x125xi32, #tpu.memory_space<vmem>>
      %dma_wait3A_183 = tpu.memref_squeeze %dma_wait3A_182 : memref<1x125xi32, #tpu.memory_space<vmem>> -> memref<125xi32, #tpu.memory_space<vmem>>
      %dma_wait3A_184 = arith.constant 0 : i32
      %dma_wait3A_185 = arith.constant 0 : i32
      %dma_wait3A_186 = tpu.memref_slice %arg6[%dma_wait3A_184, %dma_wait3A_185] : memref<10000x16xf32, #tpu.memory_space<vmem_shared>> -> memref<10000x16xf32, #tpu.memory_space<vmem_shared>>
      tpu.wait_indirect_dma semaphore(%arg9 : memref<!tpu.dma_semaphore, #tpu.memory_space<semaphore_mem>>) src(%dma_wait3A_180 : memref<125x16xf32, #tpu.memory_space<vmem>>) dst(%dma_wait3A_186 : memref<10000x16xf32, #tpu.memory_space<vmem_shared>>)
      %dma_wait3A_187 = arith.constant 7 : i32
      %dma_wait3A_188 = arith.constant 875 : i32
      %dma_wait3A_189 = arith.constant 0 : i32
      %dma_wait3A_190 = tpu.memref_slice %arg8[%dma_wait3A_188, %dma_wait3A_189] : memref<1000x16xf32, #tpu.memory_space<vmem>> -> memref<125x16xf32, #tpu.memory_space<vmem>>
      %dma_wait3A_191 = arith.constant 0 : i32
      %dma_wait3A_192 = tpu.memref_slice %arg7[%dma_wait3A_187, %dma_wait3A_191] : memref<8x125xi32, #tpu.memory_space<vmem>> -> memref<1x125xi32, #tpu.memory_space<vmem>>
      %dma_wait3A_193 = tpu.memref_squeeze %dma_wait3A_192 : memref<1x125xi32, #tpu.memory_space<vmem>> -> memref<125xi32, #tpu.memory_space<vmem>>
      %dma_wait3A_194 = arith.constant 0 : i32
      %dma_wait3A_195 = arith.constant 0 : i32
      %dma_wait3A_196 = tpu.memref_slice %arg6[%dma_wait3A_194, %dma_wait3A_195] : memref<10000x16xf32, #tpu.memory_space<vmem_shared>> -> memref<10000x16xf32, #tpu.memory_space<vmem_shared>>
      tpu.wait_indirect_dma semaphore(%arg9 : memref<!tpu.dma_semaphore, #tpu.memory_space<semaphore_mem>>) src(%dma_wait3A_190 : memref<125x16xf32, #tpu.memory_space<vmem>>) dst(%dma_wait3A_196 : memref<10000x16xf32, #tpu.memory_space<vmem_shared>>)
    }
    %scan3A_17 = arith.constant 10 : i32
    %barrier3A_18 = arith.constant 0 : index
    tpu.barrier barrier_id(%barrier3A_18)
    %mul3A_19 = arith.constant 625 : i32
    %mul3A_20 = arith.muli %arg1, %mul3A_19 : i32
    %add3A_21 = arith.constant 0 : i32
    %add3A_22 = arith.addi %mul3A_20, %add3A_21 : i32
    "tpu.region"() ({
      %run_scoped3A = tpu.sem_alloc : memref<!tpu.dma_semaphore, #tpu.memory_space<semaphore_mem>>
      %dma_start3A = arith.constant 0 : i32
      %dma_start3A_30 = arith.constant 0 : i32
      %dma_start3A_31 = tpu.memref_slice %arg8[%dma_start3A, %dma_start3A_30] : memref<1000x16xf32, #tpu.memory_space<vmem>> -> memref<625x16xf32, #tpu.memory_space<vmem>>
      %dma_start3A_32 = arith.constant 0 : i32
      %dma_start3A_33 = tpu.memref_slice %arg6[%add3A_22, %dma_start3A_32] : memref<10000x16xf32, #tpu.memory_space<vmem_shared>> -> memref<625x16xf32, #tpu.memory_space<vmem_shared>>
      %dma_start3A_34 = arith.constant 0 : i32
      %dma_start3A_35 = arith.constant 0 : i32
      %dma_start3A_36 = tpu.memref_slice %arg8[%dma_start3A_34, %dma_start3A_35] : memref<1000x16xf32, #tpu.memory_space<vmem>> -> memref<625x16xf32, #tpu.memory_space<vmem>>
      %dma_start3A_37 = arith.constant 0 : i32
      %dma_start3A_38 = tpu.memref_slice %arg6[%add3A_22, %dma_start3A_37] : memref<10000x16xf32, #tpu.memory_space<vmem_shared>> -> memref<625x16xf32, #tpu.memory_space<vmem_shared>>
      tpu.enqueue_dma source(%dma_start3A_38 : memref<625x16xf32, #tpu.memory_space<vmem_shared>>) target(%dma_start3A_36 : memref<625x16xf32, #tpu.memory_space<vmem>>) target_semaphore(%run_scoped3A : memref<!tpu.dma_semaphore, #tpu.memory_space<semaphore_mem>>)
      %dma_wait3A = arith.constant 0 : i32
      %dma_wait3A_39 = arith.constant 0 : i32
      %dma_wait3A_40 = tpu.memref_slice %arg8[%dma_wait3A, %dma_wait3A_39] : memref<1000x16xf32, #tpu.memory_space<vmem>> -> memref<625x16xf32, #tpu.memory_space<vmem>>
      %dma_wait3A_41 = arith.constant 0 : i32
      %dma_wait3A_42 = tpu.memref_slice %arg6[%add3A_22, %dma_wait3A_41] : memref<10000x16xf32, #tpu.memory_space<vmem_shared>> -> memref<625x16xf32, #tpu.memory_space<vmem_shared>>
      %dma_wait3A_43 = arith.constant 0 : i32
      %dma_wait3A_44 = arith.constant 0 : i32
      %dma_wait3A_45 = tpu.memref_slice %arg8[%dma_wait3A_43, %dma_wait3A_44] : memref<1000x16xf32, #tpu.memory_space<vmem>> -> memref<625x16xf32, #tpu.memory_space<vmem>>
      %dma_wait3A_46 = arith.constant 0 : i32
      %dma_wait3A_47 = tpu.memref_slice %arg6[%add3A_22, %dma_wait3A_46] : memref<10000x16xf32, #tpu.memory_space<vmem_shared>> -> memref<625x16xf32, #tpu.memory_space<vmem_shared>>
      tpu.wait_dma2 semaphore(%run_scoped3A : memref<!tpu.dma_semaphore, #tpu.memory_space<semaphore_mem>>) src(%dma_wait3A_47 : memref<625x16xf32, #tpu.memory_space<vmem_shared>>) dst(%dma_wait3A_45 : memref<625x16xf32, #tpu.memory_space<vmem>>)
      tpu.yield
    }) : () -> ()
    %eq3A = arith.constant 0 : i32
    %eq3A_23 = arith.cmpi eq, %arg0, %eq3A : i32
    %convert_element_type3A = arith.extui %eq3A_23 : i1 to i32
    %cond3A = arith.constant 0 : i32
    %cond3A_24 = arith.cmpi ne, %convert_element_type3A, %cond3A : i32
    scf.if %cond3A_24 {
      %mul3A_30 = arith.constant 625 : i32
      %mul3A_31 = arith.muli %arg1, %mul3A_30 : i32
      %add3A_32 = arith.constant 0 : i32
      %add3A_33 = arith.addi %mul3A_31, %add3A_32 : i32
      "tpu.region"() ({
        %run_scoped3A = tpu.sem_alloc : memref<!tpu.dma_semaphore, #tpu.memory_space<semaphore_mem>>
        %dma_start3A = arith.constant 0 : i32
        %dma_start3A_34 = arith.constant 0 : i32
        %dma_start3A_35 = tpu.memref_slice %arg8[%dma_start3A, %dma_start3A_34] : memref<1000x16xf32, #tpu.memory_space<vmem>> -> memref<625x16xf32, #tpu.memory_space<vmem>>
        %dma_start3A_36 = arith.constant 0 : i32
        %dma_start3A_37 = tpu.memref_slice %arg4[%add3A_33, %dma_start3A_36] : memref<10000x16xf32, #tpu.memory_space<hbm>> -> memref<625x16xf32, #tpu.memory_space<hbm>>
        %dma_start3A_38 = arith.constant 0 : i32
        %dma_start3A_39 = tpu.memref_slice %arg4[%add3A_33, %dma_start3A_38] : memref<10000x16xf32, #tpu.memory_space<hbm>> -> memref<625x16xf32, #tpu.memory_space<hbm>>
        %dma_start3A_40 = arith.constant 0 : i32
        %dma_start3A_41 = arith.constant 0 : i32
        %dma_start3A_42 = tpu.memref_slice %arg8[%dma_start3A_40, %dma_start3A_41] : memref<1000x16xf32, #tpu.memory_space<vmem>> -> memref<625x16xf32, #tpu.memory_space<vmem>>
        tpu.enqueue_dma source(%dma_start3A_42 : memref<625x16xf32, #tpu.memory_space<vmem>>) target(%dma_start3A_39 : memref<625x16xf32, #tpu.memory_space<hbm>>) target_semaphore(%run_scoped3A : memref<!tpu.dma_semaphore, #tpu.memory_space<semaphore_mem>>)
        %dma_wait3A = arith.constant 0 : i32
        %dma_wait3A_43 = arith.constant 0 : i32
        %dma_wait3A_44 = tpu.memref_slice %arg8[%dma_wait3A, %dma_wait3A_43] : memref<1000x16xf32, #tpu.memory_space<vmem>> -> memref<625x16xf32, #tpu.memory_space<vmem>>
        %dma_wait3A_45 = arith.constant 0 : i32
        %dma_wait3A_46 = tpu.memref_slice %arg4[%add3A_33, %dma_wait3A_45] : memref<10000x16xf32, #tpu.memory_space<hbm>> -> memref<625x16xf32, #tpu.memory_space<hbm>>
        %dma_wait3A_47 = arith.constant 0 : i32
        %dma_wait3A_48 = tpu.memref_slice %arg4[%add3A_33, %dma_wait3A_47] : memref<10000x16xf32, #tpu.memory_space<hbm>> -> memref<625x16xf32, #tpu.memory_space<hbm>>
        %dma_wait3A_49 = arith.constant 0 : i32
        %dma_wait3A_50 = arith.constant 0 : i32
        %dma_wait3A_51 = tpu.memref_slice %arg8[%dma_wait3A_49, %dma_wait3A_50] : memref<1000x16xf32, #tpu.memory_space<vmem>> -> memref<625x16xf32, #tpu.memory_space<vmem>>
        tpu.wait_dma2 semaphore(%run_scoped3A : memref<!tpu.dma_semaphore, #tpu.memory_space<semaphore_mem>>) src(%dma_wait3A_51 : memref<625x16xf32, #tpu.memory_space<vmem>>) dst(%dma_wait3A_48 : memref<625x16xf32, #tpu.memory_space<hbm>>)
        tpu.yield
      }) : () -> ()
    } else {
    }
    %eq3A_25 = arith.constant 1 : i32
    %eq3A_26 = arith.cmpi eq, %arg0, %eq3A_25 : i32
    %convert_element_type3A_27 = arith.extui %eq3A_26 : i1 to i32
    %cond3A_28 = arith.constant 0 : i32
    %cond3A_29 = arith.cmpi ne, %convert_element_type3A_27, %cond3A_28 : i32
    scf.if %cond3A_29 {
      %mul3A_30 = arith.constant 625 : i32
      %mul3A_31 = arith.muli %arg1, %mul3A_30 : i32
      %add3A_32 = arith.constant 0 : i32
      %add3A_33 = arith.addi %mul3A_31, %add3A_32 : i32
      "tpu.region"() ({
        %run_scoped3A = tpu.sem_alloc : memref<!tpu.dma_semaphore, #tpu.memory_space<semaphore_mem>>
        %dma_start3A = arith.constant 0 : i32
        %dma_start3A_34 = arith.constant 0 : i32
        %dma_start3A_35 = tpu.memref_slice %arg8[%dma_start3A, %dma_start3A_34] : memref<1000x16xf32, #tpu.memory_space<vmem>> -> memref<625x16xf32, #tpu.memory_space<vmem>>
        %dma_start3A_36 = arith.constant 0 : i32
        %dma_start3A_37 = tpu.memref_slice %arg5[%add3A_33, %dma_start3A_36] : memref<10000x16xf32, #tpu.memory_space<hbm>> -> memref<625x16xf32, #tpu.memory_space<hbm>>
        %dma_start3A_38 = arith.constant 0 : i32
        %dma_start3A_39 = tpu.memref_slice %arg5[%add3A_33, %dma_start3A_38] : memref<10000x16xf32, #tpu.memory_space<hbm>> -> memref<625x16xf32, #tpu.memory_space<hbm>>
        %dma_start3A_40 = arith.constant 0 : i32
        %dma_start3A_41 = arith.constant 0 : i32
        %dma_start3A_42 = tpu.memref_slice %arg8[%dma_start3A_40, %dma_start3A_41] : memref<1000x16xf32, #tpu.memory_space<vmem>> -> memref<625x16xf32, #tpu.memory_space<vmem>>
        tpu.enqueue_dma source(%dma_start3A_42 : memref<625x16xf32, #tpu.memory_space<vmem>>) target(%dma_start3A_39 : memref<625x16xf32, #tpu.memory_space<hbm>>) target_semaphore(%run_scoped3A : memref<!tpu.dma_semaphore, #tpu.memory_space<semaphore_mem>>)
        %dma_wait3A = arith.constant 0 : i32
        %dma_wait3A_43 = arith.constant 0 : i32
        %dma_wait3A_44 = tpu.memref_slice %arg8[%dma_wait3A, %dma_wait3A_43] : memref<1000x16xf32, #tpu.memory_space<vmem>> -> memref<625x16xf32, #tpu.memory_space<vmem>>
        %dma_wait3A_45 = arith.constant 0 : i32
        %dma_wait3A_46 = tpu.memref_slice %arg5[%add3A_33, %dma_wait3A_45] : memref<10000x16xf32, #tpu.memory_space<hbm>> -> memref<625x16xf32, #tpu.memory_space<hbm>>
        %dma_wait3A_47 = arith.constant 0 : i32
        %dma_wait3A_48 = tpu.memref_slice %arg5[%add3A_33, %dma_wait3A_47] : memref<10000x16xf32, #tpu.memory_space<hbm>> -> memref<625x16xf32, #tpu.memory_space<hbm>>
        %dma_wait3A_49 = arith.constant 0 : i32
        %dma_wait3A_50 = arith.constant 0 : i32
        %dma_wait3A_51 = tpu.memref_slice %arg8[%dma_wait3A_49, %dma_wait3A_50] : memref<1000x16xf32, #tpu.memory_space<vmem>> -> memref<625x16xf32, #tpu.memory_space<vmem>>
        tpu.wait_dma2 semaphore(%run_scoped3A : memref<!tpu.dma_semaphore, #tpu.memory_space<semaphore_mem>>) src(%dma_wait3A_51 : memref<625x16xf32, #tpu.memory_space<vmem>>) dst(%dma_wait3A_48 : memref<625x16xf32, #tpu.memory_space<hbm>>)
        tpu.yield
      }) : () -> ()
    } else {
    }
    return
  }
}

#map = affine_map<(d0, d1) -> (0, 0)>
module attributes {stable_mosaic.version = 14 : i64} {
  func.func @k(%arg0: i32, %arg1: i32, %arg2: memref<10000x16xf32, #tpu.memory_space<hbm>>, %arg3: memref<10000x16xf32, #tpu.memory_space<hbm>>, %arg4: memref<2560x125xi32, #tpu.memory_space<hbm>>, %arg5: memref<320000x16xf32, #tpu.memory_space<hbm>>, %arg6: memref<8x125xi32, #tpu.memory_space<vmem>>, %arg7: memref<1000x16xf32, #tpu.memory_space<vmem>>, %arg8: memref<1000x16xf32, #tpu.memory_space<vmem>>, %arg9: memref<!tpu.dma_semaphore, #tpu.memory_space<semaphore_mem>>) attributes {dimension_semantics = [#tpu.dimension_semantics<core_parallel>, #tpu.dimension_semantics<subcore_parallel>], iteration_bounds = array<i64: 2, 16>, scalar_prefetch = 0 : i64, scratch_operands = 4 : i64, tpu.core_type = #tpu.core_type<sc_vector_subcore>, window_params = [{transform_indices = #map}, {transform_indices = #map}, {transform_indices = #map}, {transform_indices = #map}]} {
    %mul3A = arith.constant 16 : i32
    %mul3A_0 = arith.muli %arg0, %mul3A : i32
    %add3A = arith.addi %mul3A_0, %arg1 : i32
    %mul3A_1 = arith.constant 80 : i32
    %mul3A_2 = arith.muli %add3A, %mul3A_1 : i32
    %scan3A = arith.constant 0 : i32
    %scan3A_3 = arith.constant 0 : i32
    %scan3A_4 = arith.constant 10 : i32
    %scan3A_5 = arith.addi %scan3A_3, %scan3A_4 : i32
    %scan3A_6 = arith.constant 1 : i32
    scf.for %scan3A_8 = %scan3A_3 to %scan3A_5 step %scan3A_6  : i32 {
      %mul3A_9 = arith.constant 8 : i32
      %mul3A_10 = arith.muli %scan3A_8, %mul3A_9 : i32
      %add3A_11 = arith.addi %mul3A_2, %mul3A_10 : i32
      "tpu.region"() ({
        %run_scoped3A = tpu.sem_alloc : memref<!tpu.dma_semaphore, #tpu.memory_space<semaphore_mem>>
        %dma_start3A_341 = arith.constant 0 : i32
        %dma_start3A_342 = tpu.memref_slice %arg4[%add3A_11, %dma_start3A_341] : memref<2560x125xi32, #tpu.memory_space<hbm>> -> memref<8x125xi32, #tpu.memory_space<hbm>>
        %dma_start3A_343 = arith.constant 0 : i32
        %dma_start3A_344 = tpu.memref_slice %arg4[%add3A_11, %dma_start3A_343] : memref<2560x125xi32, #tpu.memory_space<hbm>> -> memref<8x125xi32, #tpu.memory_space<hbm>>
        tpu.enqueue_dma source(%dma_start3A_344 : memref<8x125xi32, #tpu.memory_space<hbm>>) target(%arg6 : memref<8x125xi32, #tpu.memory_space<vmem>>) target_semaphore(%run_scoped3A : memref<!tpu.dma_semaphore, #tpu.memory_space<semaphore_mem>>)
        %dma_wait3A_345 = arith.constant 0 : i32
        %dma_wait3A_346 = tpu.memref_slice %arg4[%add3A_11, %dma_wait3A_345] : memref<2560x125xi32, #tpu.memory_space<hbm>> -> memref<8x125xi32, #tpu.memory_space<hbm>>
        %dma_wait3A_347 = arith.constant 0 : i32
        %dma_wait3A_348 = tpu.memref_slice %arg4[%add3A_11, %dma_wait3A_347] : memref<2560x125xi32, #tpu.memory_space<hbm>> -> memref<8x125xi32, #tpu.memory_space<hbm>>
        tpu.wait_dma2 semaphore(%run_scoped3A : memref<!tpu.dma_semaphore, #tpu.memory_space<semaphore_mem>>) src(%dma_wait3A_348 : memref<8x125xi32, #tpu.memory_space<hbm>>) dst(%arg6 : memref<8x125xi32, #tpu.memory_space<vmem>>)
        tpu.yield
      }) : () -> ()
      %dma_start3A = arith.constant 0 : i32
      %dma_start3A_12 = arith.constant 0 : i32
      %dma_start3A_13 = arith.constant 0 : i32
      %dma_start3A_14 = tpu.memref_slice %arg7[%dma_start3A_12, %dma_start3A_13] : memref<1000x16xf32, #tpu.memory_space<vmem>> -> memref<125x16xf32, #tpu.memory_space<vmem>>
      %dma_start3A_15 = arith.constant 0 : i32
      %dma_start3A_16 = tpu.memref_slice %arg6[%dma_start3A, %dma_start3A_15] : memref<8x125xi32, #tpu.memory_space<vmem>> -> memref<1x125xi32, #tpu.memory_space<vmem>>
      %dma_start3A_17 = tpu.memref_squeeze %dma_start3A_16 : memref<1x125xi32, #tpu.memory_space<vmem>> -> memref<125xi32, #tpu.memory_space<vmem>>
      %dma_start3A_18 = arith.constant 0 : i32
      %dma_start3A_19 = arith.constant 0 : i32
      %dma_start3A_20 = tpu.memref_slice %arg2[%dma_start3A_18, %dma_start3A_19] : memref<10000x16xf32, #tpu.memory_space<hbm>> -> memref<10000x16xf32, #tpu.memory_space<hbm>>
      tpu.enqueue_indirect_dma source(%dma_start3A_20 : memref<10000x16xf32, #tpu.memory_space<hbm>>) target(%dma_start3A_14 : memref<125x16xf32, #tpu.memory_space<vmem>>) offsets(%dma_start3A_17 : memref<125xi32, #tpu.memory_space<vmem>>) semaphore(%arg9 : memref<!tpu.dma_semaphore, #tpu.memory_space<semaphore_mem>>)
      %dma_start3A_21 = arith.constant 0 : i32
      %dma_start3A_22 = arith.constant 0 : i32
      %dma_start3A_23 = arith.constant 0 : i32
      %dma_start3A_24 = tpu.memref_slice %arg8[%dma_start3A_22, %dma_start3A_23] : memref<1000x16xf32, #tpu.memory_space<vmem>> -> memref<125x16xf32, #tpu.memory_space<vmem>>
      %dma_start3A_25 = arith.constant 0 : i32
      %dma_start3A_26 = tpu.memref_slice %arg6[%dma_start3A_21, %dma_start3A_25] : memref<8x125xi32, #tpu.memory_space<vmem>> -> memref<1x125xi32, #tpu.memory_space<vmem>>
      %dma_start3A_27 = tpu.memref_squeeze %dma_start3A_26 : memref<1x125xi32, #tpu.memory_space<vmem>> -> memref<125xi32, #tpu.memory_space<vmem>>
      %dma_start3A_28 = arith.constant 0 : i32
      %dma_start3A_29 = arith.constant 0 : i32
      %dma_start3A_30 = tpu.memref_slice %arg3[%dma_start3A_28, %dma_start3A_29] : memref<10000x16xf32, #tpu.memory_space<hbm>> -> memref<10000x16xf32, #tpu.memory_space<hbm>>
      tpu.enqueue_indirect_dma source(%dma_start3A_30 : memref<10000x16xf32, #tpu.memory_space<hbm>>) target(%dma_start3A_24 : memref<125x16xf32, #tpu.memory_space<vmem>>) offsets(%dma_start3A_27 : memref<125xi32, #tpu.memory_space<vmem>>) semaphore(%arg9 : memref<!tpu.dma_semaphore, #tpu.memory_space<semaphore_mem>>)
      %dma_start3A_31 = arith.constant 1 : i32
      %dma_start3A_32 = arith.constant 125 : i32
      %dma_start3A_33 = arith.constant 0 : i32
      %dma_start3A_34 = tpu.memref_slice %arg7[%dma_start3A_32, %dma_start3A_33] : memref<1000x16xf32, #tpu.memory_space<vmem>> -> memref<125x16xf32, #tpu.memory_space<vmem>>
      %dma_start3A_35 = arith.constant 0 : i32
      %dma_start3A_36 = tpu.memref_slice %arg6[%dma_start3A_31, %dma_start3A_35] : memref<8x125xi32, #tpu.memory_space<vmem>> -> memref<1x125xi32, #tpu.memory_space<vmem>>
      %dma_start3A_37 = tpu.memref_squeeze %dma_start3A_36 : memref<1x125xi32, #tpu.memory_space<vmem>> -> memref<125xi32, #tpu.memory_space<vmem>>
      %dma_start3A_38 = arith.constant 0 : i32
      %dma_start3A_39 = arith.constant 0 : i32
      %dma_start3A_40 = tpu.memref_slice %arg2[%dma_start3A_38, %dma_start3A_39] : memref<10000x16xf32, #tpu.memory_space<hbm>> -> memref<10000x16xf32, #tpu.memory_space<hbm>>
      tpu.enqueue_indirect_dma source(%dma_start3A_40 : memref<10000x16xf32, #tpu.memory_space<hbm>>) target(%dma_start3A_34 : memref<125x16xf32, #tpu.memory_space<vmem>>) offsets(%dma_start3A_37 : memref<125xi32, #tpu.memory_space<vmem>>) semaphore(%arg9 : memref<!tpu.dma_semaphore, #tpu.memory_space<semaphore_mem>>)
      %dma_start3A_41 = arith.constant 1 : i32
      %dma_start3A_42 = arith.constant 125 : i32
      %dma_start3A_43 = arith.constant 0 : i32
      %dma_start3A_44 = tpu.memref_slice %arg8[%dma_start3A_42, %dma_start3A_43] : memref<1000x16xf32, #tpu.memory_space<vmem>> -> memref<125x16xf32, #tpu.memory_space<vmem>>
      %dma_start3A_45 = arith.constant 0 : i32
      %dma_start3A_46 = tpu.memref_slice %arg6[%dma_start3A_41, %dma_start3A_45] : memref<8x125xi32, #tpu.memory_space<vmem>> -> memref<1x125xi32, #tpu.memory_space<vmem>>
      %dma_start3A_47 = tpu.memref_squeeze %dma_start3A_46 : memref<1x125xi32, #tpu.memory_space<vmem>> -> memref<125xi32, #tpu.memory_space<vmem>>
      %dma_start3A_48 = arith.constant 0 : i32
      %dma_start3A_49 = arith.constant 0 : i32
      %dma_start3A_50 = tpu.memref_slice %arg3[%dma_start3A_48, %dma_start3A_49] : memref<10000x16xf32, #tpu.memory_space<hbm>> -> memref<10000x16xf32, #tpu.memory_space<hbm>>
      tpu.enqueue_indirect_dma source(%dma_start3A_50 : memref<10000x16xf32, #tpu.memory_space<hbm>>) target(%dma_start3A_44 : memref<125x16xf32, #tpu.memory_space<vmem>>) offsets(%dma_start3A_47 : memref<125xi32, #tpu.memory_space<vmem>>) semaphore(%arg9 : memref<!tpu.dma_semaphore, #tpu.memory_space<semaphore_mem>>)
      %dma_start3A_51 = arith.constant 2 : i32
      %dma_start3A_52 = arith.constant 250 : i32
      %dma_start3A_53 = arith.constant 0 : i32
      %dma_start3A_54 = tpu.memref_slice %arg7[%dma_start3A_52, %dma_start3A_53] : memref<1000x16xf32, #tpu.memory_space<vmem>> -> memref<125x16xf32, #tpu.memory_space<vmem>>
      %dma_start3A_55 = arith.constant 0 : i32
      %dma_start3A_56 = tpu.memref_slice %arg6[%dma_start3A_51, %dma_start3A_55] : memref<8x125xi32, #tpu.memory_space<vmem>> -> memref<1x125xi32, #tpu.memory_space<vmem>>
      %dma_start3A_57 = tpu.memref_squeeze %dma_start3A_56 : memref<1x125xi32, #tpu.memory_space<vmem>> -> memref<125xi32, #tpu.memory_space<vmem>>
      %dma_start3A_58 = arith.constant 0 : i32
      %dma_start3A_59 = arith.constant 0 : i32
      %dma_start3A_60 = tpu.memref_slice %arg2[%dma_start3A_58, %dma_start3A_59] : memref<10000x16xf32, #tpu.memory_space<hbm>> -> memref<10000x16xf32, #tpu.memory_space<hbm>>
      tpu.enqueue_indirect_dma source(%dma_start3A_60 : memref<10000x16xf32, #tpu.memory_space<hbm>>) target(%dma_start3A_54 : memref<125x16xf32, #tpu.memory_space<vmem>>) offsets(%dma_start3A_57 : memref<125xi32, #tpu.memory_space<vmem>>) semaphore(%arg9 : memref<!tpu.dma_semaphore, #tpu.memory_space<semaphore_mem>>)
      %dma_start3A_61 = arith.constant 2 : i32
      %dma_start3A_62 = arith.constant 250 : i32
      %dma_start3A_63 = arith.constant 0 : i32
      %dma_start3A_64 = tpu.memref_slice %arg8[%dma_start3A_62, %dma_start3A_63] : memref<1000x16xf32, #tpu.memory_space<vmem>> -> memref<125x16xf32, #tpu.memory_space<vmem>>
      %dma_start3A_65 = arith.constant 0 : i32
      %dma_start3A_66 = tpu.memref_slice %arg6[%dma_start3A_61, %dma_start3A_65] : memref<8x125xi32, #tpu.memory_space<vmem>> -> memref<1x125xi32, #tpu.memory_space<vmem>>
      %dma_start3A_67 = tpu.memref_squeeze %dma_start3A_66 : memref<1x125xi32, #tpu.memory_space<vmem>> -> memref<125xi32, #tpu.memory_space<vmem>>
      %dma_start3A_68 = arith.constant 0 : i32
      %dma_start3A_69 = arith.constant 0 : i32
      %dma_start3A_70 = tpu.memref_slice %arg3[%dma_start3A_68, %dma_start3A_69] : memref<10000x16xf32, #tpu.memory_space<hbm>> -> memref<10000x16xf32, #tpu.memory_space<hbm>>
      tpu.enqueue_indirect_dma source(%dma_start3A_70 : memref<10000x16xf32, #tpu.memory_space<hbm>>) target(%dma_start3A_64 : memref<125x16xf32, #tpu.memory_space<vmem>>) offsets(%dma_start3A_67 : memref<125xi32, #tpu.memory_space<vmem>>) semaphore(%arg9 : memref<!tpu.dma_semaphore, #tpu.memory_space<semaphore_mem>>)
      %dma_start3A_71 = arith.constant 3 : i32
      %dma_start3A_72 = arith.constant 375 : i32
      %dma_start3A_73 = arith.constant 0 : i32
      %dma_start3A_74 = tpu.memref_slice %arg7[%dma_start3A_72, %dma_start3A_73] : memref<1000x16xf32, #tpu.memory_space<vmem>> -> memref<125x16xf32, #tpu.memory_space<vmem>>
      %dma_start3A_75 = arith.constant 0 : i32
      %dma_start3A_76 = tpu.memref_slice %arg6[%dma_start3A_71, %dma_start3A_75] : memref<8x125xi32, #tpu.memory_space<vmem>> -> memref<1x125xi32, #tpu.memory_space<vmem>>
      %dma_start3A_77 = tpu.memref_squeeze %dma_start3A_76 : memref<1x125xi32, #tpu.memory_space<vmem>> -> memref<125xi32, #tpu.memory_space<vmem>>
      %dma_start3A_78 = arith.constant 0 : i32
      %dma_start3A_79 = arith.constant 0 : i32
      %dma_start3A_80 = tpu.memref_slice %arg2[%dma_start3A_78, %dma_start3A_79] : memref<10000x16xf32, #tpu.memory_space<hbm>> -> memref<10000x16xf32, #tpu.memory_space<hbm>>
      tpu.enqueue_indirect_dma source(%dma_start3A_80 : memref<10000x16xf32, #tpu.memory_space<hbm>>) target(%dma_start3A_74 : memref<125x16xf32, #tpu.memory_space<vmem>>) offsets(%dma_start3A_77 : memref<125xi32, #tpu.memory_space<vmem>>) semaphore(%arg9 : memref<!tpu.dma_semaphore, #tpu.memory_space<semaphore_mem>>)
      %dma_start3A_81 = arith.constant 3 : i32
      %dma_start3A_82 = arith.constant 375 : i32
      %dma_start3A_83 = arith.constant 0 : i32
      %dma_start3A_84 = tpu.memref_slice %arg8[%dma_start3A_82, %dma_start3A_83] : memref<1000x16xf32, #tpu.memory_space<vmem>> -> memref<125x16xf32, #tpu.memory_space<vmem>>
      %dma_start3A_85 = arith.constant 0 : i32
      %dma_start3A_86 = tpu.memref_slice %arg6[%dma_start3A_81, %dma_start3A_85] : memref<8x125xi32, #tpu.memory_space<vmem>> -> memref<1x125xi32, #tpu.memory_space<vmem>>
      %dma_start3A_87 = tpu.memref_squeeze %dma_start3A_86 : memref<1x125xi32, #tpu.memory_space<vmem>> -> memref<125xi32, #tpu.memory_space<vmem>>
      %dma_start3A_88 = arith.constant 0 : i32
      %dma_start3A_89 = arith.constant 0 : i32
      %dma_start3A_90 = tpu.memref_slice %arg3[%dma_start3A_88, %dma_start3A_89] : memref<10000x16xf32, #tpu.memory_space<hbm>> -> memref<10000x16xf32, #tpu.memory_space<hbm>>
      tpu.enqueue_indirect_dma source(%dma_start3A_90 : memref<10000x16xf32, #tpu.memory_space<hbm>>) target(%dma_start3A_84 : memref<125x16xf32, #tpu.memory_space<vmem>>) offsets(%dma_start3A_87 : memref<125xi32, #tpu.memory_space<vmem>>) semaphore(%arg9 : memref<!tpu.dma_semaphore, #tpu.memory_space<semaphore_mem>>)
      %dma_start3A_91 = arith.constant 4 : i32
      %dma_start3A_92 = arith.constant 500 : i32
      %dma_start3A_93 = arith.constant 0 : i32
      %dma_start3A_94 = tpu.memref_slice %arg7[%dma_start3A_92, %dma_start3A_93] : memref<1000x16xf32, #tpu.memory_space<vmem>> -> memref<125x16xf32, #tpu.memory_space<vmem>>
      %dma_start3A_95 = arith.constant 0 : i32
      %dma_start3A_96 = tpu.memref_slice %arg6[%dma_start3A_91, %dma_start3A_95] : memref<8x125xi32, #tpu.memory_space<vmem>> -> memref<1x125xi32, #tpu.memory_space<vmem>>
      %dma_start3A_97 = tpu.memref_squeeze %dma_start3A_96 : memref<1x125xi32, #tpu.memory_space<vmem>> -> memref<125xi32, #tpu.memory_space<vmem>>
      %dma_start3A_98 = arith.constant 0 : i32
      %dma_start3A_99 = arith.constant 0 : i32
      %dma_start3A_100 = tpu.memref_slice %arg2[%dma_start3A_98, %dma_start3A_99] : memref<10000x16xf32, #tpu.memory_space<hbm>> -> memref<10000x16xf32, #tpu.memory_space<hbm>>
      tpu.enqueue_indirect_dma source(%dma_start3A_100 : memref<10000x16xf32, #tpu.memory_space<hbm>>) target(%dma_start3A_94 : memref<125x16xf32, #tpu.memory_space<vmem>>) offsets(%dma_start3A_97 : memref<125xi32, #tpu.memory_space<vmem>>) semaphore(%arg9 : memref<!tpu.dma_semaphore, #tpu.memory_space<semaphore_mem>>)
      %dma_start3A_101 = arith.constant 4 : i32
      %dma_start3A_102 = arith.constant 500 : i32
      %dma_start3A_103 = arith.constant 0 : i32
      %dma_start3A_104 = tpu.memref_slice %arg8[%dma_start3A_102, %dma_start3A_103] : memref<1000x16xf32, #tpu.memory_space<vmem>> -> memref<125x16xf32, #tpu.memory_space<vmem>>
      %dma_start3A_105 = arith.constant 0 : i32
      %dma_start3A_106 = tpu.memref_slice %arg6[%dma_start3A_101, %dma_start3A_105] : memref<8x125xi32, #tpu.memory_space<vmem>> -> memref<1x125xi32, #tpu.memory_space<vmem>>
      %dma_start3A_107 = tpu.memref_squeeze %dma_start3A_106 : memref<1x125xi32, #tpu.memory_space<vmem>> -> memref<125xi32, #tpu.memory_space<vmem>>
      %dma_start3A_108 = arith.constant 0 : i32
      %dma_start3A_109 = arith.constant 0 : i32
      %dma_start3A_110 = tpu.memref_slice %arg3[%dma_start3A_108, %dma_start3A_109] : memref<10000x16xf32, #tpu.memory_space<hbm>> -> memref<10000x16xf32, #tpu.memory_space<hbm>>
      tpu.enqueue_indirect_dma source(%dma_start3A_110 : memref<10000x16xf32, #tpu.memory_space<hbm>>) target(%dma_start3A_104 : memref<125x16xf32, #tpu.memory_space<vmem>>) offsets(%dma_start3A_107 : memref<125xi32, #tpu.memory_space<vmem>>) semaphore(%arg9 : memref<!tpu.dma_semaphore, #tpu.memory_space<semaphore_mem>>)
      %dma_start3A_111 = arith.constant 5 : i32
      %dma_start3A_112 = arith.constant 625 : i32
      %dma_start3A_113 = arith.constant 0 : i32
      %dma_start3A_114 = tpu.memref_slice %arg7[%dma_start3A_112, %dma_start3A_113] : memref<1000x16xf32, #tpu.memory_space<vmem>> -> memref<125x16xf32, #tpu.memory_space<vmem>>
      %dma_start3A_115 = arith.constant 0 : i32
      %dma_start3A_116 = tpu.memref_slice %arg6[%dma_start3A_111, %dma_start3A_115] : memref<8x125xi32, #tpu.memory_space<vmem>> -> memref<1x125xi32, #tpu.memory_space<vmem>>
      %dma_start3A_117 = tpu.memref_squeeze %dma_start3A_116 : memref<1x125xi32, #tpu.memory_space<vmem>> -> memref<125xi32, #tpu.memory_space<vmem>>
      %dma_start3A_118 = arith.constant 0 : i32
      %dma_start3A_119 = arith.constant 0 : i32
      %dma_start3A_120 = tpu.memref_slice %arg2[%dma_start3A_118, %dma_start3A_119] : memref<10000x16xf32, #tpu.memory_space<hbm>> -> memref<10000x16xf32, #tpu.memory_space<hbm>>
      tpu.enqueue_indirect_dma source(%dma_start3A_120 : memref<10000x16xf32, #tpu.memory_space<hbm>>) target(%dma_start3A_114 : memref<125x16xf32, #tpu.memory_space<vmem>>) offsets(%dma_start3A_117 : memref<125xi32, #tpu.memory_space<vmem>>) semaphore(%arg9 : memref<!tpu.dma_semaphore, #tpu.memory_space<semaphore_mem>>)
      %dma_start3A_121 = arith.constant 5 : i32
      %dma_start3A_122 = arith.constant 625 : i32
      %dma_start3A_123 = arith.constant 0 : i32
      %dma_start3A_124 = tpu.memref_slice %arg8[%dma_start3A_122, %dma_start3A_123] : memref<1000x16xf32, #tpu.memory_space<vmem>> -> memref<125x16xf32, #tpu.memory_space<vmem>>
      %dma_start3A_125 = arith.constant 0 : i32
      %dma_start3A_126 = tpu.memref_slice %arg6[%dma_start3A_121, %dma_start3A_125] : memref<8x125xi32, #tpu.memory_space<vmem>> -> memref<1x125xi32, #tpu.memory_space<vmem>>
      %dma_start3A_127 = tpu.memref_squeeze %dma_start3A_126 : memref<1x125xi32, #tpu.memory_space<vmem>> -> memref<125xi32, #tpu.memory_space<vmem>>
      %dma_start3A_128 = arith.constant 0 : i32
      %dma_start3A_129 = arith.constant 0 : i32
      %dma_start3A_130 = tpu.memref_slice %arg3[%dma_start3A_128, %dma_start3A_129] : memref<10000x16xf32, #tpu.memory_space<hbm>> -> memref<10000x16xf32, #tpu.memory_space<hbm>>
      tpu.enqueue_indirect_dma source(%dma_start3A_130 : memref<10000x16xf32, #tpu.memory_space<hbm>>) target(%dma_start3A_124 : memref<125x16xf32, #tpu.memory_space<vmem>>) offsets(%dma_start3A_127 : memref<125xi32, #tpu.memory_space<vmem>>) semaphore(%arg9 : memref<!tpu.dma_semaphore, #tpu.memory_space<semaphore_mem>>)
      %dma_start3A_131 = arith.constant 6 : i32
      %dma_start3A_132 = arith.constant 750 : i32
      %dma_start3A_133 = arith.constant 0 : i32
      %dma_start3A_134 = tpu.memref_slice %arg7[%dma_start3A_132, %dma_start3A_133] : memref<1000x16xf32, #tpu.memory_space<vmem>> -> memref<125x16xf32, #tpu.memory_space<vmem>>
      %dma_start3A_135 = arith.constant 0 : i32
      %dma_start3A_136 = tpu.memref_slice %arg6[%dma_start3A_131, %dma_start3A_135] : memref<8x125xi32, #tpu.memory_space<vmem>> -> memref<1x125xi32, #tpu.memory_space<vmem>>
      %dma_start3A_137 = tpu.memref_squeeze %dma_start3A_136 : memref<1x125xi32, #tpu.memory_space<vmem>> -> memref<125xi32, #tpu.memory_space<vmem>>
      %dma_start3A_138 = arith.constant 0 : i32
      %dma_start3A_139 = arith.constant 0 : i32
      %dma_start3A_140 = tpu.memref_slice %arg2[%dma_start3A_138, %dma_start3A_139] : memref<10000x16xf32, #tpu.memory_space<hbm>> -> memref<10000x16xf32, #tpu.memory_space<hbm>>
      tpu.enqueue_indirect_dma source(%dma_start3A_140 : memref<10000x16xf32, #tpu.memory_space<hbm>>) target(%dma_start3A_134 : memref<125x16xf32, #tpu.memory_space<vmem>>) offsets(%dma_start3A_137 : memref<125xi32, #tpu.memory_space<vmem>>) semaphore(%arg9 : memref<!tpu.dma_semaphore, #tpu.memory_space<semaphore_mem>>)
      %dma_start3A_141 = arith.constant 6 : i32
      %dma_start3A_142 = arith.constant 750 : i32
      %dma_start3A_143 = arith.constant 0 : i32
      %dma_start3A_144 = tpu.memref_slice %arg8[%dma_start3A_142, %dma_start3A_143] : memref<1000x16xf32, #tpu.memory_space<vmem>> -> memref<125x16xf32, #tpu.memory_space<vmem>>
      %dma_start3A_145 = arith.constant 0 : i32
      %dma_start3A_146 = tpu.memref_slice %arg6[%dma_start3A_141, %dma_start3A_145] : memref<8x125xi32, #tpu.memory_space<vmem>> -> memref<1x125xi32, #tpu.memory_space<vmem>>
      %dma_start3A_147 = tpu.memref_squeeze %dma_start3A_146 : memref<1x125xi32, #tpu.memory_space<vmem>> -> memref<125xi32, #tpu.memory_space<vmem>>
      %dma_start3A_148 = arith.constant 0 : i32
      %dma_start3A_149 = arith.constant 0 : i32
      %dma_start3A_150 = tpu.memref_slice %arg3[%dma_start3A_148, %dma_start3A_149] : memref<10000x16xf32, #tpu.memory_space<hbm>> -> memref<10000x16xf32, #tpu.memory_space<hbm>>
      tpu.enqueue_indirect_dma source(%dma_start3A_150 : memref<10000x16xf32, #tpu.memory_space<hbm>>) target(%dma_start3A_144 : memref<125x16xf32, #tpu.memory_space<vmem>>) offsets(%dma_start3A_147 : memref<125xi32, #tpu.memory_space<vmem>>) semaphore(%arg9 : memref<!tpu.dma_semaphore, #tpu.memory_space<semaphore_mem>>)
      %dma_start3A_151 = arith.constant 7 : i32
      %dma_start3A_152 = arith.constant 875 : i32
      %dma_start3A_153 = arith.constant 0 : i32
      %dma_start3A_154 = tpu.memref_slice %arg7[%dma_start3A_152, %dma_start3A_153] : memref<1000x16xf32, #tpu.memory_space<vmem>> -> memref<125x16xf32, #tpu.memory_space<vmem>>
      %dma_start3A_155 = arith.constant 0 : i32
      %dma_start3A_156 = tpu.memref_slice %arg6[%dma_start3A_151, %dma_start3A_155] : memref<8x125xi32, #tpu.memory_space<vmem>> -> memref<1x125xi32, #tpu.memory_space<vmem>>
      %dma_start3A_157 = tpu.memref_squeeze %dma_start3A_156 : memref<1x125xi32, #tpu.memory_space<vmem>> -> memref<125xi32, #tpu.memory_space<vmem>>
      %dma_start3A_158 = arith.constant 0 : i32
      %dma_start3A_159 = arith.constant 0 : i32
      %dma_start3A_160 = tpu.memref_slice %arg2[%dma_start3A_158, %dma_start3A_159] : memref<10000x16xf32, #tpu.memory_space<hbm>> -> memref<10000x16xf32, #tpu.memory_space<hbm>>
      tpu.enqueue_indirect_dma source(%dma_start3A_160 : memref<10000x16xf32, #tpu.memory_space<hbm>>) target(%dma_start3A_154 : memref<125x16xf32, #tpu.memory_space<vmem>>) offsets(%dma_start3A_157 : memref<125xi32, #tpu.memory_space<vmem>>) semaphore(%arg9 : memref<!tpu.dma_semaphore, #tpu.memory_space<semaphore_mem>>)
      %dma_start3A_161 = arith.constant 7 : i32
      %dma_start3A_162 = arith.constant 875 : i32
      %dma_start3A_163 = arith.constant 0 : i32
      %dma_start3A_164 = tpu.memref_slice %arg8[%dma_start3A_162, %dma_start3A_163] : memref<1000x16xf32, #tpu.memory_space<vmem>> -> memref<125x16xf32, #tpu.memory_space<vmem>>
      %dma_start3A_165 = arith.constant 0 : i32
      %dma_start3A_166 = tpu.memref_slice %arg6[%dma_start3A_161, %dma_start3A_165] : memref<8x125xi32, #tpu.memory_space<vmem>> -> memref<1x125xi32, #tpu.memory_space<vmem>>
      %dma_start3A_167 = tpu.memref_squeeze %dma_start3A_166 : memref<1x125xi32, #tpu.memory_space<vmem>> -> memref<125xi32, #tpu.memory_space<vmem>>
      %dma_start3A_168 = arith.constant 0 : i32
      %dma_start3A_169 = arith.constant 0 : i32
      %dma_start3A_170 = tpu.memref_slice %arg3[%dma_start3A_168, %dma_start3A_169] : memref<10000x16xf32, #tpu.memory_space<hbm>> -> memref<10000x16xf32, #tpu.memory_space<hbm>>
      tpu.enqueue_indirect_dma source(%dma_start3A_170 : memref<10000x16xf32, #tpu.memory_space<hbm>>) target(%dma_start3A_164 : memref<125x16xf32, #tpu.memory_space<vmem>>) offsets(%dma_start3A_167 : memref<125xi32, #tpu.memory_space<vmem>>) semaphore(%arg9 : memref<!tpu.dma_semaphore, #tpu.memory_space<semaphore_mem>>)
      %dma_wait3A = arith.constant 0 : i32
      %dma_wait3A_171 = arith.constant 0 : i32
      %dma_wait3A_172 = arith.constant 0 : i32
      %dma_wait3A_173 = tpu.memref_slice %arg7[%dma_wait3A_171, %dma_wait3A_172] : memref<1000x16xf32, #tpu.memory_space<vmem>> -> memref<125x16xf32, #tpu.memory_space<vmem>>
      %dma_wait3A_174 = arith.constant 0 : i32
      %dma_wait3A_175 = tpu.memref_slice %arg6[%dma_wait3A, %dma_wait3A_174] : memref<8x125xi32, #tpu.memory_space<vmem>> -> memref<1x125xi32, #tpu.memory_space<vmem>>
      %dma_wait3A_176 = tpu.memref_squeeze %dma_wait3A_175 : memref<1x125xi32, #tpu.memory_space<vmem>> -> memref<125xi32, #tpu.memory_space<vmem>>
      %dma_wait3A_177 = arith.constant 0 : i32
      %dma_wait3A_178 = arith.constant 0 : i32
      %dma_wait3A_179 = tpu.memref_slice %arg2[%dma_wait3A_177, %dma_wait3A_178] : memref<10000x16xf32, #tpu.memory_space<hbm>> -> memref<10000x16xf32, #tpu.memory_space<hbm>>
      tpu.wait_indirect_dma semaphore(%arg9 : memref<!tpu.dma_semaphore, #tpu.memory_space<semaphore_mem>>) src(%dma_wait3A_179 : memref<10000x16xf32, #tpu.memory_space<hbm>>) dst(%dma_wait3A_173 : memref<125x16xf32, #tpu.memory_space<vmem>>)
      %dma_wait3A_180 = arith.constant 0 : i32
      %dma_wait3A_181 = arith.constant 0 : i32
      %dma_wait3A_182 = arith.constant 0 : i32
      %dma_wait3A_183 = tpu.memref_slice %arg8[%dma_wait3A_181, %dma_wait3A_182] : memref<1000x16xf32, #tpu.memory_space<vmem>> -> memref<125x16xf32, #tpu.memory_space<vmem>>
      %dma_wait3A_184 = arith.constant 0 : i32
      %dma_wait3A_185 = tpu.memref_slice %arg6[%dma_wait3A_180, %dma_wait3A_184] : memref<8x125xi32, #tpu.memory_space<vmem>> -> memref<1x125xi32, #tpu.memory_space<vmem>>
      %dma_wait3A_186 = tpu.memref_squeeze %dma_wait3A_185 : memref<1x125xi32, #tpu.memory_space<vmem>> -> memref<125xi32, #tpu.memory_space<vmem>>
      %dma_wait3A_187 = arith.constant 0 : i32
      %dma_wait3A_188 = arith.constant 0 : i32
      %dma_wait3A_189 = tpu.memref_slice %arg3[%dma_wait3A_187, %dma_wait3A_188] : memref<10000x16xf32, #tpu.memory_space<hbm>> -> memref<10000x16xf32, #tpu.memory_space<hbm>>
      tpu.wait_indirect_dma semaphore(%arg9 : memref<!tpu.dma_semaphore, #tpu.memory_space<semaphore_mem>>) src(%dma_wait3A_189 : memref<10000x16xf32, #tpu.memory_space<hbm>>) dst(%dma_wait3A_183 : memref<125x16xf32, #tpu.memory_space<vmem>>)
      %dma_wait3A_190 = arith.constant 1 : i32
      %dma_wait3A_191 = arith.constant 125 : i32
      %dma_wait3A_192 = arith.constant 0 : i32
      %dma_wait3A_193 = tpu.memref_slice %arg7[%dma_wait3A_191, %dma_wait3A_192] : memref<1000x16xf32, #tpu.memory_space<vmem>> -> memref<125x16xf32, #tpu.memory_space<vmem>>
      %dma_wait3A_194 = arith.constant 0 : i32
      %dma_wait3A_195 = tpu.memref_slice %arg6[%dma_wait3A_190, %dma_wait3A_194] : memref<8x125xi32, #tpu.memory_space<vmem>> -> memref<1x125xi32, #tpu.memory_space<vmem>>
      %dma_wait3A_196 = tpu.memref_squeeze %dma_wait3A_195 : memref<1x125xi32, #tpu.memory_space<vmem>> -> memref<125xi32, #tpu.memory_space<vmem>>
      %dma_wait3A_197 = arith.constant 0 : i32
      %dma_wait3A_198 = arith.constant 0 : i32
      %dma_wait3A_199 = tpu.memref_slice %arg2[%dma_wait3A_197, %dma_wait3A_198] : memref<10000x16xf32, #tpu.memory_space<hbm>> -> memref<10000x16xf32, #tpu.memory_space<hbm>>
      tpu.wait_indirect_dma semaphore(%arg9 : memref<!tpu.dma_semaphore, #tpu.memory_space<semaphore_mem>>) src(%dma_wait3A_199 : memref<10000x16xf32, #tpu.memory_space<hbm>>) dst(%dma_wait3A_193 : memref<125x16xf32, #tpu.memory_space<vmem>>)
      %dma_wait3A_200 = arith.constant 1 : i32
      %dma_wait3A_201 = arith.constant 125 : i32
      %dma_wait3A_202 = arith.constant 0 : i32
      %dma_wait3A_203 = tpu.memref_slice %arg8[%dma_wait3A_201, %dma_wait3A_202] : memref<1000x16xf32, #tpu.memory_space<vmem>> -> memref<125x16xf32, #tpu.memory_space<vmem>>
      %dma_wait3A_204 = arith.constant 0 : i32
      %dma_wait3A_205 = tpu.memref_slice %arg6[%dma_wait3A_200, %dma_wait3A_204] : memref<8x125xi32, #tpu.memory_space<vmem>> -> memref<1x125xi32, #tpu.memory_space<vmem>>
      %dma_wait3A_206 = tpu.memref_squeeze %dma_wait3A_205 : memref<1x125xi32, #tpu.memory_space<vmem>> -> memref<125xi32, #tpu.memory_space<vmem>>
      %dma_wait3A_207 = arith.constant 0 : i32
      %dma_wait3A_208 = arith.constant 0 : i32
      %dma_wait3A_209 = tpu.memref_slice %arg3[%dma_wait3A_207, %dma_wait3A_208] : memref<10000x16xf32, #tpu.memory_space<hbm>> -> memref<10000x16xf32, #tpu.memory_space<hbm>>
      tpu.wait_indirect_dma semaphore(%arg9 : memref<!tpu.dma_semaphore, #tpu.memory_space<semaphore_mem>>) src(%dma_wait3A_209 : memref<10000x16xf32, #tpu.memory_space<hbm>>) dst(%dma_wait3A_203 : memref<125x16xf32, #tpu.memory_space<vmem>>)
      %dma_wait3A_210 = arith.constant 2 : i32
      %dma_wait3A_211 = arith.constant 250 : i32
      %dma_wait3A_212 = arith.constant 0 : i32
      %dma_wait3A_213 = tpu.memref_slice %arg7[%dma_wait3A_211, %dma_wait3A_212] : memref<1000x16xf32, #tpu.memory_space<vmem>> -> memref<125x16xf32, #tpu.memory_space<vmem>>
      %dma_wait3A_214 = arith.constant 0 : i32
      %dma_wait3A_215 = tpu.memref_slice %arg6[%dma_wait3A_210, %dma_wait3A_214] : memref<8x125xi32, #tpu.memory_space<vmem>> -> memref<1x125xi32, #tpu.memory_space<vmem>>
      %dma_wait3A_216 = tpu.memref_squeeze %dma_wait3A_215 : memref<1x125xi32, #tpu.memory_space<vmem>> -> memref<125xi32, #tpu.memory_space<vmem>>
      %dma_wait3A_217 = arith.constant 0 : i32
      %dma_wait3A_218 = arith.constant 0 : i32
      %dma_wait3A_219 = tpu.memref_slice %arg2[%dma_wait3A_217, %dma_wait3A_218] : memref<10000x16xf32, #tpu.memory_space<hbm>> -> memref<10000x16xf32, #tpu.memory_space<hbm>>
      tpu.wait_indirect_dma semaphore(%arg9 : memref<!tpu.dma_semaphore, #tpu.memory_space<semaphore_mem>>) src(%dma_wait3A_219 : memref<10000x16xf32, #tpu.memory_space<hbm>>) dst(%dma_wait3A_213 : memref<125x16xf32, #tpu.memory_space<vmem>>)
      %dma_wait3A_220 = arith.constant 2 : i32
      %dma_wait3A_221 = arith.constant 250 : i32
      %dma_wait3A_222 = arith.constant 0 : i32
      %dma_wait3A_223 = tpu.memref_slice %arg8[%dma_wait3A_221, %dma_wait3A_222] : memref<1000x16xf32, #tpu.memory_space<vmem>> -> memref<125x16xf32, #tpu.memory_space<vmem>>
      %dma_wait3A_224 = arith.constant 0 : i32
      %dma_wait3A_225 = tpu.memref_slice %arg6[%dma_wait3A_220, %dma_wait3A_224] : memref<8x125xi32, #tpu.memory_space<vmem>> -> memref<1x125xi32, #tpu.memory_space<vmem>>
      %dma_wait3A_226 = tpu.memref_squeeze %dma_wait3A_225 : memref<1x125xi32, #tpu.memory_space<vmem>> -> memref<125xi32, #tpu.memory_space<vmem>>
      %dma_wait3A_227 = arith.constant 0 : i32
      %dma_wait3A_228 = arith.constant 0 : i32
      %dma_wait3A_229 = tpu.memref_slice %arg3[%dma_wait3A_227, %dma_wait3A_228] : memref<10000x16xf32, #tpu.memory_space<hbm>> -> memref<10000x16xf32, #tpu.memory_space<hbm>>
      tpu.wait_indirect_dma semaphore(%arg9 : memref<!tpu.dma_semaphore, #tpu.memory_space<semaphore_mem>>) src(%dma_wait3A_229 : memref<10000x16xf32, #tpu.memory_space<hbm>>) dst(%dma_wait3A_223 : memref<125x16xf32, #tpu.memory_space<vmem>>)
      %dma_wait3A_230 = arith.constant 3 : i32
      %dma_wait3A_231 = arith.constant 375 : i32
      %dma_wait3A_232 = arith.constant 0 : i32
      %dma_wait3A_233 = tpu.memref_slice %arg7[%dma_wait3A_231, %dma_wait3A_232] : memref<1000x16xf32, #tpu.memory_space<vmem>> -> memref<125x16xf32, #tpu.memory_space<vmem>>
      %dma_wait3A_234 = arith.constant 0 : i32
      %dma_wait3A_235 = tpu.memref_slice %arg6[%dma_wait3A_230, %dma_wait3A_234] : memref<8x125xi32, #tpu.memory_space<vmem>> -> memref<1x125xi32, #tpu.memory_space<vmem>>
      %dma_wait3A_236 = tpu.memref_squeeze %dma_wait3A_235 : memref<1x125xi32, #tpu.memory_space<vmem>> -> memref<125xi32, #tpu.memory_space<vmem>>
      %dma_wait3A_237 = arith.constant 0 : i32
      %dma_wait3A_238 = arith.constant 0 : i32
      %dma_wait3A_239 = tpu.memref_slice %arg2[%dma_wait3A_237, %dma_wait3A_238] : memref<10000x16xf32, #tpu.memory_space<hbm>> -> memref<10000x16xf32, #tpu.memory_space<hbm>>
      tpu.wait_indirect_dma semaphore(%arg9 : memref<!tpu.dma_semaphore, #tpu.memory_space<semaphore_mem>>) src(%dma_wait3A_239 : memref<10000x16xf32, #tpu.memory_space<hbm>>) dst(%dma_wait3A_233 : memref<125x16xf32, #tpu.memory_space<vmem>>)
      %dma_wait3A_240 = arith.constant 3 : i32
      %dma_wait3A_241 = arith.constant 375 : i32
      %dma_wait3A_242 = arith.constant 0 : i32
      %dma_wait3A_243 = tpu.memref_slice %arg8[%dma_wait3A_241, %dma_wait3A_242] : memref<1000x16xf32, #tpu.memory_space<vmem>> -> memref<125x16xf32, #tpu.memory_space<vmem>>
      %dma_wait3A_244 = arith.constant 0 : i32
      %dma_wait3A_245 = tpu.memref_slice %arg6[%dma_wait3A_240, %dma_wait3A_244] : memref<8x125xi32, #tpu.memory_space<vmem>> -> memref<1x125xi32, #tpu.memory_space<vmem>>
      %dma_wait3A_246 = tpu.memref_squeeze %dma_wait3A_245 : memref<1x125xi32, #tpu.memory_space<vmem>> -> memref<125xi32, #tpu.memory_space<vmem>>
      %dma_wait3A_247 = arith.constant 0 : i32
      %dma_wait3A_248 = arith.constant 0 : i32
      %dma_wait3A_249 = tpu.memref_slice %arg3[%dma_wait3A_247, %dma_wait3A_248] : memref<10000x16xf32, #tpu.memory_space<hbm>> -> memref<10000x16xf32, #tpu.memory_space<hbm>>
      tpu.wait_indirect_dma semaphore(%arg9 : memref<!tpu.dma_semaphore, #tpu.memory_space<semaphore_mem>>) src(%dma_wait3A_249 : memref<10000x16xf32, #tpu.memory_space<hbm>>) dst(%dma_wait3A_243 : memref<125x16xf32, #tpu.memory_space<vmem>>)
      %dma_wait3A_250 = arith.constant 4 : i32
      %dma_wait3A_251 = arith.constant 500 : i32
      %dma_wait3A_252 = arith.constant 0 : i32
      %dma_wait3A_253 = tpu.memref_slice %arg7[%dma_wait3A_251, %dma_wait3A_252] : memref<1000x16xf32, #tpu.memory_space<vmem>> -> memref<125x16xf32, #tpu.memory_space<vmem>>
      %dma_wait3A_254 = arith.constant 0 : i32
      %dma_wait3A_255 = tpu.memref_slice %arg6[%dma_wait3A_250, %dma_wait3A_254] : memref<8x125xi32, #tpu.memory_space<vmem>> -> memref<1x125xi32, #tpu.memory_space<vmem>>
      %dma_wait3A_256 = tpu.memref_squeeze %dma_wait3A_255 : memref<1x125xi32, #tpu.memory_space<vmem>> -> memref<125xi32, #tpu.memory_space<vmem>>
      %dma_wait3A_257 = arith.constant 0 : i32
      %dma_wait3A_258 = arith.constant 0 : i32
      %dma_wait3A_259 = tpu.memref_slice %arg2[%dma_wait3A_257, %dma_wait3A_258] : memref<10000x16xf32, #tpu.memory_space<hbm>> -> memref<10000x16xf32, #tpu.memory_space<hbm>>
      tpu.wait_indirect_dma semaphore(%arg9 : memref<!tpu.dma_semaphore, #tpu.memory_space<semaphore_mem>>) src(%dma_wait3A_259 : memref<10000x16xf32, #tpu.memory_space<hbm>>) dst(%dma_wait3A_253 : memref<125x16xf32, #tpu.memory_space<vmem>>)
      %dma_wait3A_260 = arith.constant 4 : i32
      %dma_wait3A_261 = arith.constant 500 : i32
      %dma_wait3A_262 = arith.constant 0 : i32
      %dma_wait3A_263 = tpu.memref_slice %arg8[%dma_wait3A_261, %dma_wait3A_262] : memref<1000x16xf32, #tpu.memory_space<vmem>> -> memref<125x16xf32, #tpu.memory_space<vmem>>
      %dma_wait3A_264 = arith.constant 0 : i32
      %dma_wait3A_265 = tpu.memref_slice %arg6[%dma_wait3A_260, %dma_wait3A_264] : memref<8x125xi32, #tpu.memory_space<vmem>> -> memref<1x125xi32, #tpu.memory_space<vmem>>
      %dma_wait3A_266 = tpu.memref_squeeze %dma_wait3A_265 : memref<1x125xi32, #tpu.memory_space<vmem>> -> memref<125xi32, #tpu.memory_space<vmem>>
      %dma_wait3A_267 = arith.constant 0 : i32
      %dma_wait3A_268 = arith.constant 0 : i32
      %dma_wait3A_269 = tpu.memref_slice %arg3[%dma_wait3A_267, %dma_wait3A_268] : memref<10000x16xf32, #tpu.memory_space<hbm>> -> memref<10000x16xf32, #tpu.memory_space<hbm>>
      tpu.wait_indirect_dma semaphore(%arg9 : memref<!tpu.dma_semaphore, #tpu.memory_space<semaphore_mem>>) src(%dma_wait3A_269 : memref<10000x16xf32, #tpu.memory_space<hbm>>) dst(%dma_wait3A_263 : memref<125x16xf32, #tpu.memory_space<vmem>>)
      %dma_wait3A_270 = arith.constant 5 : i32
      %dma_wait3A_271 = arith.constant 625 : i32
      %dma_wait3A_272 = arith.constant 0 : i32
      %dma_wait3A_273 = tpu.memref_slice %arg7[%dma_wait3A_271, %dma_wait3A_272] : memref<1000x16xf32, #tpu.memory_space<vmem>> -> memref<125x16xf32, #tpu.memory_space<vmem>>
      %dma_wait3A_274 = arith.constant 0 : i32
      %dma_wait3A_275 = tpu.memref_slice %arg6[%dma_wait3A_270, %dma_wait3A_274] : memref<8x125xi32, #tpu.memory_space<vmem>> -> memref<1x125xi32, #tpu.memory_space<vmem>>
      %dma_wait3A_276 = tpu.memref_squeeze %dma_wait3A_275 : memref<1x125xi32, #tpu.memory_space<vmem>> -> memref<125xi32, #tpu.memory_space<vmem>>
      %dma_wait3A_277 = arith.constant 0 : i32
      %dma_wait3A_278 = arith.constant 0 : i32
      %dma_wait3A_279 = tpu.memref_slice %arg2[%dma_wait3A_277, %dma_wait3A_278] : memref<10000x16xf32, #tpu.memory_space<hbm>> -> memref<10000x16xf32, #tpu.memory_space<hbm>>
      tpu.wait_indirect_dma semaphore(%arg9 : memref<!tpu.dma_semaphore, #tpu.memory_space<semaphore_mem>>) src(%dma_wait3A_279 : memref<10000x16xf32, #tpu.memory_space<hbm>>) dst(%dma_wait3A_273 : memref<125x16xf32, #tpu.memory_space<vmem>>)
      %dma_wait3A_280 = arith.constant 5 : i32
      %dma_wait3A_281 = arith.constant 625 : i32
      %dma_wait3A_282 = arith.constant 0 : i32
      %dma_wait3A_283 = tpu.memref_slice %arg8[%dma_wait3A_281, %dma_wait3A_282] : memref<1000x16xf32, #tpu.memory_space<vmem>> -> memref<125x16xf32, #tpu.memory_space<vmem>>
      %dma_wait3A_284 = arith.constant 0 : i32
      %dma_wait3A_285 = tpu.memref_slice %arg6[%dma_wait3A_280, %dma_wait3A_284] : memref<8x125xi32, #tpu.memory_space<vmem>> -> memref<1x125xi32, #tpu.memory_space<vmem>>
      %dma_wait3A_286 = tpu.memref_squeeze %dma_wait3A_285 : memref<1x125xi32, #tpu.memory_space<vmem>> -> memref<125xi32, #tpu.memory_space<vmem>>
      %dma_wait3A_287 = arith.constant 0 : i32
      %dma_wait3A_288 = arith.constant 0 : i32
      %dma_wait3A_289 = tpu.memref_slice %arg3[%dma_wait3A_287, %dma_wait3A_288] : memref<10000x16xf32, #tpu.memory_space<hbm>> -> memref<10000x16xf32, #tpu.memory_space<hbm>>
      tpu.wait_indirect_dma semaphore(%arg9 : memref<!tpu.dma_semaphore, #tpu.memory_space<semaphore_mem>>) src(%dma_wait3A_289 : memref<10000x16xf32, #tpu.memory_space<hbm>>) dst(%dma_wait3A_283 : memref<125x16xf32, #tpu.memory_space<vmem>>)
      %dma_wait3A_290 = arith.constant 6 : i32
      %dma_wait3A_291 = arith.constant 750 : i32
      %dma_wait3A_292 = arith.constant 0 : i32
      %dma_wait3A_293 = tpu.memref_slice %arg7[%dma_wait3A_291, %dma_wait3A_292] : memref<1000x16xf32, #tpu.memory_space<vmem>> -> memref<125x16xf32, #tpu.memory_space<vmem>>
      %dma_wait3A_294 = arith.constant 0 : i32
      %dma_wait3A_295 = tpu.memref_slice %arg6[%dma_wait3A_290, %dma_wait3A_294] : memref<8x125xi32, #tpu.memory_space<vmem>> -> memref<1x125xi32, #tpu.memory_space<vmem>>
      %dma_wait3A_296 = tpu.memref_squeeze %dma_wait3A_295 : memref<1x125xi32, #tpu.memory_space<vmem>> -> memref<125xi32, #tpu.memory_space<vmem>>
      %dma_wait3A_297 = arith.constant 0 : i32
      %dma_wait3A_298 = arith.constant 0 : i32
      %dma_wait3A_299 = tpu.memref_slice %arg2[%dma_wait3A_297, %dma_wait3A_298] : memref<10000x16xf32, #tpu.memory_space<hbm>> -> memref<10000x16xf32, #tpu.memory_space<hbm>>
      tpu.wait_indirect_dma semaphore(%arg9 : memref<!tpu.dma_semaphore, #tpu.memory_space<semaphore_mem>>) src(%dma_wait3A_299 : memref<10000x16xf32, #tpu.memory_space<hbm>>) dst(%dma_wait3A_293 : memref<125x16xf32, #tpu.memory_space<vmem>>)
      %dma_wait3A_300 = arith.constant 6 : i32
      %dma_wait3A_301 = arith.constant 750 : i32
      %dma_wait3A_302 = arith.constant 0 : i32
      %dma_wait3A_303 = tpu.memref_slice %arg8[%dma_wait3A_301, %dma_wait3A_302] : memref<1000x16xf32, #tpu.memory_space<vmem>> -> memref<125x16xf32, #tpu.memory_space<vmem>>
      %dma_wait3A_304 = arith.constant 0 : i32
      %dma_wait3A_305 = tpu.memref_slice %arg6[%dma_wait3A_300, %dma_wait3A_304] : memref<8x125xi32, #tpu.memory_space<vmem>> -> memref<1x125xi32, #tpu.memory_space<vmem>>
      %dma_wait3A_306 = tpu.memref_squeeze %dma_wait3A_305 : memref<1x125xi32, #tpu.memory_space<vmem>> -> memref<125xi32, #tpu.memory_space<vmem>>
      %dma_wait3A_307 = arith.constant 0 : i32
      %dma_wait3A_308 = arith.constant 0 : i32
      %dma_wait3A_309 = tpu.memref_slice %arg3[%dma_wait3A_307, %dma_wait3A_308] : memref<10000x16xf32, #tpu.memory_space<hbm>> -> memref<10000x16xf32, #tpu.memory_space<hbm>>
      tpu.wait_indirect_dma semaphore(%arg9 : memref<!tpu.dma_semaphore, #tpu.memory_space<semaphore_mem>>) src(%dma_wait3A_309 : memref<10000x16xf32, #tpu.memory_space<hbm>>) dst(%dma_wait3A_303 : memref<125x16xf32, #tpu.memory_space<vmem>>)
      %dma_wait3A_310 = arith.constant 7 : i32
      %dma_wait3A_311 = arith.constant 875 : i32
      %dma_wait3A_312 = arith.constant 0 : i32
      %dma_wait3A_313 = tpu.memref_slice %arg7[%dma_wait3A_311, %dma_wait3A_312] : memref<1000x16xf32, #tpu.memory_space<vmem>> -> memref<125x16xf32, #tpu.memory_space<vmem>>
      %dma_wait3A_314 = arith.constant 0 : i32
      %dma_wait3A_315 = tpu.memref_slice %arg6[%dma_wait3A_310, %dma_wait3A_314] : memref<8x125xi32, #tpu.memory_space<vmem>> -> memref<1x125xi32, #tpu.memory_space<vmem>>
      %dma_wait3A_316 = tpu.memref_squeeze %dma_wait3A_315 : memref<1x125xi32, #tpu.memory_space<vmem>> -> memref<125xi32, #tpu.memory_space<vmem>>
      %dma_wait3A_317 = arith.constant 0 : i32
      %dma_wait3A_318 = arith.constant 0 : i32
      %dma_wait3A_319 = tpu.memref_slice %arg2[%dma_wait3A_317, %dma_wait3A_318] : memref<10000x16xf32, #tpu.memory_space<hbm>> -> memref<10000x16xf32, #tpu.memory_space<hbm>>
      tpu.wait_indirect_dma semaphore(%arg9 : memref<!tpu.dma_semaphore, #tpu.memory_space<semaphore_mem>>) src(%dma_wait3A_319 : memref<10000x16xf32, #tpu.memory_space<hbm>>) dst(%dma_wait3A_313 : memref<125x16xf32, #tpu.memory_space<vmem>>)
      %dma_wait3A_320 = arith.constant 7 : i32
      %dma_wait3A_321 = arith.constant 875 : i32
      %dma_wait3A_322 = arith.constant 0 : i32
      %dma_wait3A_323 = tpu.memref_slice %arg8[%dma_wait3A_321, %dma_wait3A_322] : memref<1000x16xf32, #tpu.memory_space<vmem>> -> memref<125x16xf32, #tpu.memory_space<vmem>>
      %dma_wait3A_324 = arith.constant 0 : i32
      %dma_wait3A_325 = tpu.memref_slice %arg6[%dma_wait3A_320, %dma_wait3A_324] : memref<8x125xi32, #tpu.memory_space<vmem>> -> memref<1x125xi32, #tpu.memory_space<vmem>>
      %dma_wait3A_326 = tpu.memref_squeeze %dma_wait3A_325 : memref<1x125xi32, #tpu.memory_space<vmem>> -> memref<125xi32, #tpu.memory_space<vmem>>
      %dma_wait3A_327 = arith.constant 0 : i32
      %dma_wait3A_328 = arith.constant 0 : i32
      %dma_wait3A_329 = tpu.memref_slice %arg3[%dma_wait3A_327, %dma_wait3A_328] : memref<10000x16xf32, #tpu.memory_space<hbm>> -> memref<10000x16xf32, #tpu.memory_space<hbm>>
      tpu.wait_indirect_dma semaphore(%arg9 : memref<!tpu.dma_semaphore, #tpu.memory_space<semaphore_mem>>) src(%dma_wait3A_329 : memref<10000x16xf32, #tpu.memory_space<hbm>>) dst(%dma_wait3A_323 : memref<125x16xf32, #tpu.memory_space<vmem>>)
      %scan3A_330 = arith.constant 0 : i32
      %scan3A_331 = arith.constant 0 : i32
      %scan3A_332 = arith.constant 250 : i32
      %scan3A_333 = arith.addi %scan3A_331, %scan3A_332 : i32
      %scan3A_334 = arith.constant 1 : i32
      scf.for %scan3A_341 = %scan3A_331 to %scan3A_333 step %scan3A_334  : i32 {
        %mul3A_342 = arith.constant 4 : i32
        %mul3A_343 = arith.muli %scan3A_341, %mul3A_342 : i32
        %add3A_344 = arith.constant 0 : i32
        %add3A_345 = arith.addi %mul3A_343, %add3A_344 : i32
        %get3A = arith.index_cast %add3A_345 : i32 to index
        %get3A_346 = arith.constant 0 : index
        %get3A_347 = tpu.vector_load %arg7[%get3A, %get3A_346] {strides = array<i32>} : memref<1000x16xf32, #tpu.memory_space<vmem>>, vector<1x16xf32>,
        %get3A_348 = vector.shape_cast %get3A_347 : vector<1x16xf32> to vector<16xf32>
        %get3A_349 = arith.index_cast %add3A_345 : i32 to index
        %get3A_350 = arith.constant 0 : index
        %get3A_351 = tpu.vector_load %arg8[%get3A_349, %get3A_350] {strides = array<i32>} : memref<1000x16xf32, #tpu.memory_space<vmem>>, vector<1x16xf32>,
        %get3A_352 = vector.shape_cast %get3A_351 : vector<1x16xf32> to vector<16xf32>
        %add3A_353 = arith.addf %get3A_348, %get3A_352 : vector<16xf32>
        %swap3A = arith.index_cast %add3A_345 : i32 to index
        %swap3A_354 = arith.constant 0 : index
        %swap3A_355 = tpu.vector_load %arg7[%swap3A, %swap3A_354] {strides = array<i32>} : memref<1000x16xf32, #tpu.memory_space<vmem>>, vector<1x16xf32>,
        %swap3A_356 = vector.shape_cast %swap3A_355 : vector<1x16xf32> to vector<16xf32>
        %swap3A_357 = vector.shape_cast %add3A_353 : vector<16xf32> to vector<1x16xf32>
        tpu.vector_store %arg7[%swap3A, %swap3A_354], %swap3A_357 {strides = array<i32>} : memref<1000x16xf32, #tpu.memory_space<vmem>>, vector<1x16xf32>,
        %mul3A_358 = arith.constant 4 : i32
        %mul3A_359 = arith.muli %scan3A_341, %mul3A_358 : i32
        %add3A_360 = arith.constant 1 : i32
        %add3A_361 = arith.addi %mul3A_359, %add3A_360 : i32
        %get3A_362 = arith.index_cast %add3A_361 : i32 to index
        %get3A_363 = arith.constant 0 : index
        %get3A_364 = tpu.vector_load %arg7[%get3A_362, %get3A_363] {strides = array<i32>} : memref<1000x16xf32, #tpu.memory_space<vmem>>, vector<1x16xf32>,
        %get3A_365 = vector.shape_cast %get3A_364 : vector<1x16xf32> to vector<16xf32>
        %get3A_366 = arith.index_cast %add3A_361 : i32 to index
        %get3A_367 = arith.constant 0 : index
        %get3A_368 = tpu.vector_load %arg8[%get3A_366, %get3A_367] {strides = array<i32>} : memref<1000x16xf32, #tpu.memory_space<vmem>>, vector<1x16xf32>,
        %get3A_369 = vector.shape_cast %get3A_368 : vector<1x16xf32> to vector<16xf32>
        %add3A_370 = arith.addf %get3A_365, %get3A_369 : vector<16xf32>
        %swap3A_371 = arith.index_cast %add3A_361 : i32 to index
        %swap3A_372 = arith.constant 0 : index
        %swap3A_373 = tpu.vector_load %arg7[%swap3A_371, %swap3A_372] {strides = array<i32>} : memref<1000x16xf32, #tpu.memory_space<vmem>>, vector<1x16xf32>,
        %swap3A_374 = vector.shape_cast %swap3A_373 : vector<1x16xf32> to vector<16xf32>
        %swap3A_375 = vector.shape_cast %add3A_370 : vector<16xf32> to vector<1x16xf32>
        tpu.vector_store %arg7[%swap3A_371, %swap3A_372], %swap3A_375 {strides = array<i32>} : memref<1000x16xf32, #tpu.memory_space<vmem>>, vector<1x16xf32>,
        %mul3A_376 = arith.constant 4 : i32
        %mul3A_377 = arith.muli %scan3A_341, %mul3A_376 : i32
        %add3A_378 = arith.constant 2 : i32
        %add3A_379 = arith.addi %mul3A_377, %add3A_378 : i32
        %get3A_380 = arith.index_cast %add3A_379 : i32 to index
        %get3A_381 = arith.constant 0 : index
        %get3A_382 = tpu.vector_load %arg7[%get3A_380, %get3A_381] {strides = array<i32>} : memref<1000x16xf32, #tpu.memory_space<vmem>>, vector<1x16xf32>,
        %get3A_383 = vector.shape_cast %get3A_382 : vector<1x16xf32> to vector<16xf32>
        %get3A_384 = arith.index_cast %add3A_379 : i32 to index
        %get3A_385 = arith.constant 0 : index
        %get3A_386 = tpu.vector_load %arg8[%get3A_384, %get3A_385] {strides = array<i32>} : memref<1000x16xf32, #tpu.memory_space<vmem>>, vector<1x16xf32>,
        %get3A_387 = vector.shape_cast %get3A_386 : vector<1x16xf32> to vector<16xf32>
        %add3A_388 = arith.addf %get3A_383, %get3A_387 : vector<16xf32>
        %swap3A_389 = arith.index_cast %add3A_379 : i32 to index
        %swap3A_390 = arith.constant 0 : index
        %swap3A_391 = tpu.vector_load %arg7[%swap3A_389, %swap3A_390] {strides = array<i32>} : memref<1000x16xf32, #tpu.memory_space<vmem>>, vector<1x16xf32>,
        %swap3A_392 = vector.shape_cast %swap3A_391 : vector<1x16xf32> to vector<16xf32>
        %swap3A_393 = vector.shape_cast %add3A_388 : vector<16xf32> to vector<1x16xf32>
        tpu.vector_store %arg7[%swap3A_389, %swap3A_390], %swap3A_393 {strides = array<i32>} : memref<1000x16xf32, #tpu.memory_space<vmem>>, vector<1x16xf32>,
        %mul3A_394 = arith.constant 4 : i32
        %mul3A_395 = arith.muli %scan3A_341, %mul3A_394 : i32
        %add3A_396 = arith.constant 3 : i32
        %add3A_397 = arith.addi %mul3A_395, %add3A_396 : i32
        %get3A_398 = arith.index_cast %add3A_397 : i32 to index
        %get3A_399 = arith.constant 0 : index
        %get3A_400 = tpu.vector_load %arg7[%get3A_398, %get3A_399] {strides = array<i32>} : memref<1000x16xf32, #tpu.memory_space<vmem>>, vector<1x16xf32>,
        %get3A_401 = vector.shape_cast %get3A_400 : vector<1x16xf32> to vector<16xf32>
        %get3A_402 = arith.index_cast %add3A_397 : i32 to index
        %get3A_403 = arith.constant 0 : index
        %get3A_404 = tpu.vector_load %arg8[%get3A_402, %get3A_403] {strides = array<i32>} : memref<1000x16xf32, #tpu.memory_space<vmem>>, vector<1x16xf32>,
        %get3A_405 = vector.shape_cast %get3A_404 : vector<1x16xf32> to vector<16xf32>
        %add3A_406 = arith.addf %get3A_401, %get3A_405 : vector<16xf32>
        %swap3A_407 = arith.index_cast %add3A_397 : i32 to index
        %swap3A_408 = arith.constant 0 : index
        %swap3A_409 = tpu.vector_load %arg7[%swap3A_407, %swap3A_408] {strides = array<i32>} : memref<1000x16xf32, #tpu.memory_space<vmem>>, vector<1x16xf32>,
        %swap3A_410 = vector.shape_cast %swap3A_409 : vector<1x16xf32> to vector<16xf32>
        %swap3A_411 = vector.shape_cast %add3A_406 : vector<16xf32> to vector<1x16xf32>
        tpu.vector_store %arg7[%swap3A_407, %swap3A_408], %swap3A_411 {strides = array<i32>} : memref<1000x16xf32, #tpu.memory_space<vmem>>, vector<1x16xf32>,
      }
      %scan3A_335 = arith.constant 250 : i32
      %mul3A_336 = arith.constant 10000 : i32
      %mul3A_337 = arith.muli %add3A, %mul3A_336 : i32
      %mul3A_338 = arith.constant 1000 : i32
      %mul3A_339 = arith.muli %scan3A_8, %mul3A_338 : i32
      %add3A_340 = arith.addi %mul3A_337, %mul3A_339 : i32
      "tpu.region"() ({
        %run_scoped3A = tpu.sem_alloc : memref<!tpu.dma_semaphore, #tpu.memory_space<semaphore_mem>>
        %dma_start3A_341 = arith.constant 0 : i32
        %dma_start3A_342 = tpu.memref_slice %arg5[%add3A_340, %dma_start3A_341] : memref<320000x16xf32, #tpu.memory_space<hbm>> -> memref<1000x16xf32, #tpu.memory_space<hbm>>
        %dma_start3A_343 = arith.constant 0 : i32
        %dma_start3A_344 = tpu.memref_slice %arg5[%add3A_340, %dma_start3A_343] : memref<320000x16xf32, #tpu.memory_space<hbm>> -> memref<1000x16xf32, #tpu.memory_space<hbm>>
        tpu.enqueue_dma source(%arg7 : memref<1000x16xf32, #tpu.memory_space<vmem>>) target(%dma_start3A_344 : memref<1000x16xf32, #tpu.memory_space<hbm>>) target_semaphore(%run_scoped3A : memref<!tpu.dma_semaphore, #tpu.memory_space<semaphore_mem>>)
        %dma_wait3A_345 = arith.constant 0 : i32
        %dma_wait3A_346 = tpu.memref_slice %arg5[%add3A_340, %dma_wait3A_345] : memref<320000x16xf32, #tpu.memory_space<hbm>> -> memref<1000x16xf32, #tpu.memory_space<hbm>>
        %dma_wait3A_347 = arith.constant 0 : i32
        %dma_wait3A_348 = tpu.memref_slice %arg5[%add3A_340, %dma_wait3A_347] : memref<320000x16xf32, #tpu.memory_space<hbm>> -> memref<1000x16xf32, #tpu.memory_space<hbm>>
        tpu.wait_dma2 semaphore(%run_scoped3A : memref<!tpu.dma_semaphore, #tpu.memory_space<semaphore_mem>>) src(%arg7 : memref<1000x16xf32, #tpu.memory_space<vmem>>) dst(%dma_wait3A_348 : memref<1000x16xf32, #tpu.memory_space<hbm>>)
        tpu.yield
      }) : () -> ()
    }
    %scan3A_7 = arith.constant 10 : i32
    return
  }
}

#map = affine_map<(d0, d1) -> (0, 0)>
module attributes {stable_mosaic.version = 14 : i64} {
  func.func @k(%arg0: i32, %arg1: i32, %arg2: memref<10000x64xf32, #tpu.memory_space<hbm>>, %arg3: memref<2560x125xi32, #tpu.memory_space<hbm>>, %arg4: memref<2560x125xi32, #tpu.memory_space<hbm>>, %arg5: memref<320000x64xf32, #tpu.memory_space<hbm>>, %arg6: memref<320000x64xf32, #tpu.memory_space<hbm>>, %arg7: memref<4x125xi32, #tpu.memory_space<vmem>>, %arg8: memref<4x125xi32, #tpu.memory_space<vmem>>, %arg9: memref<500x64xf32, #tpu.memory_space<vmem>>, %arg10: memref<500x64xf32, #tpu.memory_space<vmem>>, %arg11: memref<!tpu.dma_semaphore, #tpu.memory_space<semaphore_mem>>, %arg12: memref<!tpu.dma_semaphore, #tpu.memory_space<semaphore_mem>>) attributes {dimension_semantics = [#tpu.dimension_semantics<core_parallel>, #tpu.dimension_semantics<subcore_parallel>], iteration_bounds = array<i64: 2, 16>, scalar_prefetch = 0 : i64, scratch_operands = 6 : i64, tpu.core_type = #tpu.core_type<sc_vector_subcore>, window_params = [{transform_indices = #map}, {transform_indices = #map}, {transform_indices = #map}, {transform_indices = #map}, {transform_indices = #map}]} {
    %mul3A = arith.constant 160 : i32
    %mul3A_0 = arith.muli %arg1, %mul3A : i32
    %eq3A = arith.constant 0 : i32
    %eq3A_1 = arith.cmpi eq, %arg0, %eq3A : i32
    %convert_element_type3A = arith.extui %eq3A_1 : i1 to i32
    %cond3A = arith.constant 0 : i32
    %cond3A_2 = arith.cmpi ne, %convert_element_type3A, %cond3A : i32
    scf.if %cond3A_2 {
      %add3A = arith.constant 0 : i32
      %add3A_8 = arith.addi %mul3A_0, %add3A : i32
      "tpu.region"() ({
        %run_scoped3A = tpu.sem_alloc : memref<!tpu.dma_semaphore, #tpu.memory_space<semaphore_mem>>
        %dma_start3A_53 = arith.constant 0 : i32
        %dma_start3A_54 = tpu.memref_slice %arg3[%add3A_8, %dma_start3A_53] : memref<2560x125xi32, #tpu.memory_space<hbm>> -> memref<4x125xi32, #tpu.memory_space<hbm>>
        %dma_start3A_55 = arith.constant 0 : i32
        %dma_start3A_56 = tpu.memref_slice %arg3[%add3A_8, %dma_start3A_55] : memref<2560x125xi32, #tpu.memory_space<hbm>> -> memref<4x125xi32, #tpu.memory_space<hbm>>
        tpu.enqueue_dma source(%dma_start3A_56 : memref<4x125xi32, #tpu.memory_space<hbm>>) target(%arg7 : memref<4x125xi32, #tpu.memory_space<vmem>>) target_semaphore(%run_scoped3A : memref<!tpu.dma_semaphore, #tpu.memory_space<semaphore_mem>>)
        %dma_wait3A = arith.constant 0 : i32
        %dma_wait3A_57 = tpu.memref_slice %arg3[%add3A_8, %dma_wait3A] : memref<2560x125xi32, #tpu.memory_space<hbm>> -> memref<4x125xi32, #tpu.memory_space<hbm>>
        %dma_wait3A_58 = arith.constant 0 : i32
        %dma_wait3A_59 = tpu.memref_slice %arg3[%add3A_8, %dma_wait3A_58] : memref<2560x125xi32, #tpu.memory_space<hbm>> -> memref<4x125xi32, #tpu.memory_space<hbm>>
        tpu.wait_dma2 semaphore(%run_scoped3A : memref<!tpu.dma_semaphore, #tpu.memory_space<semaphore_mem>>) src(%dma_wait3A_59 : memref<4x125xi32, #tpu.memory_space<hbm>>) dst(%arg7 : memref<4x125xi32, #tpu.memory_space<vmem>>)
        tpu.yield
      }) : () -> ()
      %dma_start3A = arith.constant 0 : i32
      %dma_start3A_9 = arith.constant 0 : i32
      %dma_start3A_10 = arith.constant 0 : i32
      %dma_start3A_11 = tpu.memref_slice %arg9[%dma_start3A_9, %dma_start3A_10] : memref<500x64xf32, #tpu.memory_space<vmem>> -> memref<125x64xf32, #tpu.memory_space<vmem>>
      %dma_start3A_12 = arith.constant 0 : i32
      %dma_start3A_13 = tpu.memref_slice %arg7[%dma_start3A, %dma_start3A_12] : memref<4x125xi32, #tpu.memory_space<vmem>> -> memref<1x125xi32, #tpu.memory_space<vmem>>
      %dma_start3A_14 = tpu.memref_squeeze %dma_start3A_13 : memref<1x125xi32, #tpu.memory_space<vmem>> -> memref<125xi32, #tpu.memory_space<vmem>>
      %dma_start3A_15 = arith.constant 0 : i32
      %dma_start3A_16 = arith.constant 0 : i32
      %dma_start3A_17 = tpu.memref_slice %arg2[%dma_start3A_15, %dma_start3A_16] : memref<10000x64xf32, #tpu.memory_space<hbm>> -> memref<10000x64xf32, #tpu.memory_space<hbm>>
      tpu.enqueue_indirect_dma source(%dma_start3A_17 : memref<10000x64xf32, #tpu.memory_space<hbm>>) target(%dma_start3A_11 : memref<125x64xf32, #tpu.memory_space<vmem>>) offsets(%dma_start3A_14 : memref<125xi32, #tpu.memory_space<vmem>>) semaphore(%arg11 : memref<!tpu.dma_semaphore, #tpu.memory_space<semaphore_mem>>)
      %dma_start3A_18 = arith.constant 1 : i32
      %dma_start3A_19 = arith.constant 125 : i32
      %dma_start3A_20 = arith.constant 0 : i32
      %dma_start3A_21 = tpu.memref_slice %arg9[%dma_start3A_19, %dma_start3A_20] : memref<500x64xf32, #tpu.memory_space<vmem>> -> memref<125x64xf32, #tpu.memory_space<vmem>>
      %dma_start3A_22 = arith.constant 0 : i32
      %dma_start3A_23 = tpu.memref_slice %arg7[%dma_start3A_18, %dma_start3A_22] : memref<4x125xi32, #tpu.memory_space<vmem>> -> memref<1x125xi32, #tpu.memory_space<vmem>>
      %dma_start3A_24 = tpu.memref_squeeze %dma_start3A_23 : memref<1x125xi32, #tpu.memory_space<vmem>> -> memref<125xi32, #tpu.memory_space<vmem>>
      %dma_start3A_25 = arith.constant 0 : i32
      %dma_start3A_26 = arith.constant 0 : i32
      %dma_start3A_27 = tpu.memref_slice %arg2[%dma_start3A_25, %dma_start3A_26] : memref<10000x64xf32, #tpu.memory_space<hbm>> -> memref<10000x64xf32, #tpu.memory_space<hbm>>
      tpu.enqueue_indirect_dma source(%dma_start3A_27 : memref<10000x64xf32, #tpu.memory_space<hbm>>) target(%dma_start3A_21 : memref<125x64xf32, #tpu.memory_space<vmem>>) offsets(%dma_start3A_24 : memref<125xi32, #tpu.memory_space<vmem>>) semaphore(%arg11 : memref<!tpu.dma_semaphore, #tpu.memory_space<semaphore_mem>>)
      %dma_start3A_28 = arith.constant 2 : i32
      %dma_start3A_29 = arith.constant 250 : i32
      %dma_start3A_30 = arith.constant 0 : i32
      %dma_start3A_31 = tpu.memref_slice %arg9[%dma_start3A_29, %dma_start3A_30] : memref<500x64xf32, #tpu.memory_space<vmem>> -> memref<125x64xf32, #tpu.memory_space<vmem>>
      %dma_start3A_32 = arith.constant 0 : i32
      %dma_start3A_33 = tpu.memref_slice %arg7[%dma_start3A_28, %dma_start3A_32] : memref<4x125xi32, #tpu.memory_space<vmem>> -> memref<1x125xi32, #tpu.memory_space<vmem>>
      %dma_start3A_34 = tpu.memref_squeeze %dma_start3A_33 : memref<1x125xi32, #tpu.memory_space<vmem>> -> memref<125xi32, #tpu.memory_space<vmem>>
      %dma_start3A_35 = arith.constant 0 : i32
      %dma_start3A_36 = arith.constant 0 : i32
      %dma_start3A_37 = tpu.memref_slice %arg2[%dma_start3A_35, %dma_start3A_36] : memref<10000x64xf32, #tpu.memory_space<hbm>> -> memref<10000x64xf32, #tpu.memory_space<hbm>>
      tpu.enqueue_indirect_dma source(%dma_start3A_37 : memref<10000x64xf32, #tpu.memory_space<hbm>>) target(%dma_start3A_31 : memref<125x64xf32, #tpu.memory_space<vmem>>) offsets(%dma_start3A_34 : memref<125xi32, #tpu.memory_space<vmem>>) semaphore(%arg11 : memref<!tpu.dma_semaphore, #tpu.memory_space<semaphore_mem>>)
      %dma_start3A_38 = arith.constant 3 : i32
      %dma_start3A_39 = arith.constant 375 : i32
      %dma_start3A_40 = arith.constant 0 : i32
      %dma_start3A_41 = tpu.memref_slice %arg9[%dma_start3A_39, %dma_start3A_40] : memref<500x64xf32, #tpu.memory_space<vmem>> -> memref<125x64xf32, #tpu.memory_space<vmem>>
      %dma_start3A_42 = arith.constant 0 : i32
      %dma_start3A_43 = tpu.memref_slice %arg7[%dma_start3A_38, %dma_start3A_42] : memref<4x125xi32, #tpu.memory_space<vmem>> -> memref<1x125xi32, #tpu.memory_space<vmem>>
      %dma_start3A_44 = tpu.memref_squeeze %dma_start3A_43 : memref<1x125xi32, #tpu.memory_space<vmem>> -> memref<125xi32, #tpu.memory_space<vmem>>
      %dma_start3A_45 = arith.constant 0 : i32
      %dma_start3A_46 = arith.constant 0 : i32
      %dma_start3A_47 = tpu.memref_slice %arg2[%dma_start3A_45, %dma_start3A_46] : memref<10000x64xf32, #tpu.memory_space<hbm>> -> memref<10000x64xf32, #tpu.memory_space<hbm>>
      tpu.enqueue_indirect_dma source(%dma_start3A_47 : memref<10000x64xf32, #tpu.memory_space<hbm>>) target(%dma_start3A_41 : memref<125x64xf32, #tpu.memory_space<vmem>>) offsets(%dma_start3A_44 : memref<125xi32, #tpu.memory_space<vmem>>) semaphore(%arg11 : memref<!tpu.dma_semaphore, #tpu.memory_space<semaphore_mem>>)
      %scan3A = arith.constant 0 : i32
      %scan3A_48 = arith.constant 0 : i32
      %scan3A_49 = arith.constant 20 : i32
      %scan3A_50 = arith.addi %scan3A_48, %scan3A_49 : i32
      %scan3A_51 = arith.constant 1 : i32
      scf.for %scan3A_53 = %scan3A_48 to %scan3A_50 step %scan3A_51  : i32 {
        %mul3A_54 = arith.constant 2 : i32
        %mul3A_55 = arith.muli %mul3A_54, %scan3A_53 : i32
        %add3A_56 = arith.constant 1 : i32
        %add3A_57 = arith.addi %mul3A_55, %add3A_56 : i32
        %mul3A_58 = arith.constant 4 : i32
        %mul3A_59 = arith.muli %add3A_57, %mul3A_58 : i32
        %add3A_60 = arith.addi %mul3A_0, %mul3A_59 : i32
        "tpu.region"() ({
          %run_scoped3A = tpu.sem_alloc : memref<!tpu.dma_semaphore, #tpu.memory_space<semaphore_mem>>
          %dma_start3A_198 = arith.constant 0 : i32
          %dma_start3A_199 = tpu.memref_slice %arg3[%add3A_60, %dma_start3A_198] : memref<2560x125xi32, #tpu.memory_space<hbm>> -> memref<4x125xi32, #tpu.memory_space<hbm>>
          %dma_start3A_200 = arith.constant 0 : i32
          %dma_start3A_201 = tpu.memref_slice %arg3[%add3A_60, %dma_start3A_200] : memref<2560x125xi32, #tpu.memory_space<hbm>> -> memref<4x125xi32, #tpu.memory_space<hbm>>
          tpu.enqueue_dma source(%dma_start3A_201 : memref<4x125xi32, #tpu.memory_space<hbm>>) target(%arg8 : memref<4x125xi32, #tpu.memory_space<vmem>>) target_semaphore(%run_scoped3A : memref<!tpu.dma_semaphore, #tpu.memory_space<semaphore_mem>>)
          %dma_wait3A_202 = arith.constant 0 : i32
          %dma_wait3A_203 = tpu.memref_slice %arg3[%add3A_60, %dma_wait3A_202] : memref<2560x125xi32, #tpu.memory_space<hbm>> -> memref<4x125xi32, #tpu.memory_space<hbm>>
          %dma_wait3A_204 = arith.constant 0 : i32
          %dma_wait3A_205 = tpu.memref_slice %arg3[%add3A_60, %dma_wait3A_204] : memref<2560x125xi32, #tpu.memory_space<hbm>> -> memref<4x125xi32, #tpu.memory_space<hbm>>
          tpu.wait_dma2 semaphore(%run_scoped3A : memref<!tpu.dma_semaphore, #tpu.memory_space<semaphore_mem>>) src(%dma_wait3A_205 : memref<4x125xi32, #tpu.memory_space<hbm>>) dst(%arg8 : memref<4x125xi32, #tpu.memory_space<vmem>>)
          tpu.yield
        }) : () -> ()
        %dma_start3A_61 = arith.constant 0 : i32
        %dma_start3A_62 = arith.constant 0 : i32
        %dma_start3A_63 = arith.constant 0 : i32
        %dma_start3A_64 = tpu.memref_slice %arg10[%dma_start3A_62, %dma_start3A_63] : memref<500x64xf32, #tpu.memory_space<vmem>> -> memref<125x64xf32, #tpu.memory_space<vmem>>
        %dma_start3A_65 = arith.constant 0 : i32
        %dma_start3A_66 = tpu.memref_slice %arg8[%dma_start3A_61, %dma_start3A_65] : memref<4x125xi32, #tpu.memory_space<vmem>> -> memref<1x125xi32, #tpu.memory_space<vmem>>
        %dma_start3A_67 = tpu.memref_squeeze %dma_start3A_66 : memref<1x125xi32, #tpu.memory_space<vmem>> -> memref<125xi32, #tpu.memory_space<vmem>>
        %dma_start3A_68 = arith.constant 0 : i32
        %dma_start3A_69 = arith.constant 0 : i32
        %dma_start3A_70 = tpu.memref_slice %arg2[%dma_start3A_68, %dma_start3A_69] : memref<10000x64xf32, #tpu.memory_space<hbm>> -> memref<10000x64xf32, #tpu.memory_space<hbm>>
        tpu.enqueue_indirect_dma source(%dma_start3A_70 : memref<10000x64xf32, #tpu.memory_space<hbm>>) target(%dma_start3A_64 : memref<125x64xf32, #tpu.memory_space<vmem>>) offsets(%dma_start3A_67 : memref<125xi32, #tpu.memory_space<vmem>>) semaphore(%arg12 : memref<!tpu.dma_semaphore, #tpu.memory_space<semaphore_mem>>)
        %dma_start3A_71 = arith.constant 1 : i32
        %dma_start3A_72 = arith.constant 125 : i32
        %dma_start3A_73 = arith.constant 0 : i32
        %dma_start3A_74 = tpu.memref_slice %arg10[%dma_start3A_72, %dma_start3A_73] : memref<500x64xf32, #tpu.memory_space<vmem>> -> memref<125x64xf32, #tpu.memory_space<vmem>>
        %dma_start3A_75 = arith.constant 0 : i32
        %dma_start3A_76 = tpu.memref_slice %arg8[%dma_start3A_71, %dma_start3A_75] : memref<4x125xi32, #tpu.memory_space<vmem>> -> memref<1x125xi32, #tpu.memory_space<vmem>>
        %dma_start3A_77 = tpu.memref_squeeze %dma_start3A_76 : memref<1x125xi32, #tpu.memory_space<vmem>> -> memref<125xi32, #tpu.memory_space<vmem>>
        %dma_start3A_78 = arith.constant 0 : i32
        %dma_start3A_79 = arith.constant 0 : i32
        %dma_start3A_80 = tpu.memref_slice %arg2[%dma_start3A_78, %dma_start3A_79] : memref<10000x64xf32, #tpu.memory_space<hbm>> -> memref<10000x64xf32, #tpu.memory_space<hbm>>
        tpu.enqueue_indirect_dma source(%dma_start3A_80 : memref<10000x64xf32, #tpu.memory_space<hbm>>) target(%dma_start3A_74 : memref<125x64xf32, #tpu.memory_space<vmem>>) offsets(%dma_start3A_77 : memref<125xi32, #tpu.memory_space<vmem>>) semaphore(%arg12 : memref<!tpu.dma_semaphore, #tpu.memory_space<semaphore_mem>>)
        %dma_start3A_81 = arith.constant 2 : i32
        %dma_start3A_82 = arith.constant 250 : i32
        %dma_start3A_83 = arith.constant 0 : i32
        %dma_start3A_84 = tpu.memref_slice %arg10[%dma_start3A_82, %dma_start3A_83] : memref<500x64xf32, #tpu.memory_space<vmem>> -> memref<125x64xf32, #tpu.memory_space<vmem>>
        %dma_start3A_85 = arith.constant 0 : i32
        %dma_start3A_86 = tpu.memref_slice %arg8[%dma_start3A_81, %dma_start3A_85] : memref<4x125xi32, #tpu.memory_space<vmem>> -> memref<1x125xi32, #tpu.memory_space<vmem>>
        %dma_start3A_87 = tpu.memref_squeeze %dma_start3A_86 : memref<1x125xi32, #tpu.memory_space<vmem>> -> memref<125xi32, #tpu.memory_space<vmem>>
        %dma_start3A_88 = arith.constant 0 : i32
        %dma_start3A_89 = arith.constant 0 : i32
        %dma_start3A_90 = tpu.memref_slice %arg2[%dma_start3A_88, %dma_start3A_89] : memref<10000x64xf32, #tpu.memory_space<hbm>> -> memref<10000x64xf32, #tpu.memory_space<hbm>>
        tpu.enqueue_indirect_dma source(%dma_start3A_90 : memref<10000x64xf32, #tpu.memory_space<hbm>>) target(%dma_start3A_84 : memref<125x64xf32, #tpu.memory_space<vmem>>) offsets(%dma_start3A_87 : memref<125xi32, #tpu.memory_space<vmem>>) semaphore(%arg12 : memref<!tpu.dma_semaphore, #tpu.memory_space<semaphore_mem>>)
        %dma_start3A_91 = arith.constant 3 : i32
        %dma_start3A_92 = arith.constant 375 : i32
        %dma_start3A_93 = arith.constant 0 : i32
        %dma_start3A_94 = tpu.memref_slice %arg10[%dma_start3A_92, %dma_start3A_93] : memref<500x64xf32, #tpu.memory_space<vmem>> -> memref<125x64xf32, #tpu.memory_space<vmem>>
        %dma_start3A_95 = arith.constant 0 : i32
        %dma_start3A_96 = tpu.memref_slice %arg8[%dma_start3A_91, %dma_start3A_95] : memref<4x125xi32, #tpu.memory_space<vmem>> -> memref<1x125xi32, #tpu.memory_space<vmem>>
        %dma_start3A_97 = tpu.memref_squeeze %dma_start3A_96 : memref<1x125xi32, #tpu.memory_space<vmem>> -> memref<125xi32, #tpu.memory_space<vmem>>
        %dma_start3A_98 = arith.constant 0 : i32
        %dma_start3A_99 = arith.constant 0 : i32
        %dma_start3A_100 = tpu.memref_slice %arg2[%dma_start3A_98, %dma_start3A_99] : memref<10000x64xf32, #tpu.memory_space<hbm>> -> memref<10000x64xf32, #tpu.memory_space<hbm>>
        tpu.enqueue_indirect_dma source(%dma_start3A_100 : memref<10000x64xf32, #tpu.memory_space<hbm>>) target(%dma_start3A_94 : memref<125x64xf32, #tpu.memory_space<vmem>>) offsets(%dma_start3A_97 : memref<125xi32, #tpu.memory_space<vmem>>) semaphore(%arg12 : memref<!tpu.dma_semaphore, #tpu.memory_space<semaphore_mem>>)
        %dma_wait3A = arith.constant 0 : i32
        %dma_wait3A_101 = arith.constant 0 : i32
        %dma_wait3A_102 = arith.constant 0 : i32
        %dma_wait3A_103 = tpu.memref_slice %arg9[%dma_wait3A_101, %dma_wait3A_102] : memref<500x64xf32, #tpu.memory_space<vmem>> -> memref<125x64xf32, #tpu.memory_space<vmem>>
        %dma_wait3A_104 = arith.constant 0 : i32
        %dma_wait3A_105 = tpu.memref_slice %arg7[%dma_wait3A, %dma_wait3A_104] : memref<4x125xi32, #tpu.memory_space<vmem>> -> memref<1x125xi32, #tpu.memory_space<vmem>>
        %dma_wait3A_106 = tpu.memref_squeeze %dma_wait3A_105 : memref<1x125xi32, #tpu.memory_space<vmem>> -> memref<125xi32, #tpu.memory_space<vmem>>
        %dma_wait3A_107 = arith.constant 0 : i32
        %dma_wait3A_108 = arith.constant 0 : i32
        %dma_wait3A_109 = tpu.memref_slice %arg2[%dma_wait3A_107, %dma_wait3A_108] : memref<10000x64xf32, #tpu.memory_space<hbm>> -> memref<10000x64xf32, #tpu.memory_space<hbm>>
        tpu.wait_indirect_dma semaphore(%arg11 : memref<!tpu.dma_semaphore, #tpu.memory_space<semaphore_mem>>) src(%dma_wait3A_109 : memref<10000x64xf32, #tpu.memory_space<hbm>>) dst(%dma_wait3A_103 : memref<125x64xf32, #tpu.memory_space<vmem>>)
        %dma_wait3A_110 = arith.constant 1 : i32
        %dma_wait3A_111 = arith.constant 125 : i32
        %dma_wait3A_112 = arith.constant 0 : i32
        %dma_wait3A_113 = tpu.memref_slice %arg9[%dma_wait3A_111, %dma_wait3A_112] : memref<500x64xf32, #tpu.memory_space<vmem>> -> memref<125x64xf32, #tpu.memory_space<vmem>>
        %dma_wait3A_114 = arith.constant 0 : i32
        %dma_wait3A_115 = tpu.memref_slice %arg7[%dma_wait3A_110, %dma_wait3A_114] : memref<4x125xi32, #tpu.memory_space<vmem>> -> memref<1x125xi32, #tpu.memory_space<vmem>>
        %dma_wait3A_116 = tpu.memref_squeeze %dma_wait3A_115 : memref<1x125xi32, #tpu.memory_space<vmem>> -> memref<125xi32, #tpu.memory_space<vmem>>
        %dma_wait3A_117 = arith.constant 0 : i32
        %dma_wait3A_118 = arith.constant 0 : i32
        %dma_wait3A_119 = tpu.memref_slice %arg2[%dma_wait3A_117, %dma_wait3A_118] : memref<10000x64xf32, #tpu.memory_space<hbm>> -> memref<10000x64xf32, #tpu.memory_space<hbm>>
        tpu.wait_indirect_dma semaphore(%arg11 : memref<!tpu.dma_semaphore, #tpu.memory_space<semaphore_mem>>) src(%dma_wait3A_119 : memref<10000x64xf32, #tpu.memory_space<hbm>>) dst(%dma_wait3A_113 : memref<125x64xf32, #tpu.memory_space<vmem>>)
        %dma_wait3A_120 = arith.constant 2 : i32
        %dma_wait3A_121 = arith.constant 250 : i32
        %dma_wait3A_122 = arith.constant 0 : i32
        %dma_wait3A_123 = tpu.memref_slice %arg9[%dma_wait3A_121, %dma_wait3A_122] : memref<500x64xf32, #tpu.memory_space<vmem>> -> memref<125x64xf32, #tpu.memory_space<vmem>>
        %dma_wait3A_124 = arith.constant 0 : i32
        %dma_wait3A_125 = tpu.memref_slice %arg7[%dma_wait3A_120, %dma_wait3A_124] : memref<4x125xi32, #tpu.memory_space<vmem>> -> memref<1x125xi32, #tpu.memory_space<vmem>>
        %dma_wait3A_126 = tpu.memref_squeeze %dma_wait3A_125 : memref<1x125xi32, #tpu.memory_space<vmem>> -> memref<125xi32, #tpu.memory_space<vmem>>
        %dma_wait3A_127 = arith.constant 0 : i32
        %dma_wait3A_128 = arith.constant 0 : i32
        %dma_wait3A_129 = tpu.memref_slice %arg2[%dma_wait3A_127, %dma_wait3A_128] : memref<10000x64xf32, #tpu.memory_space<hbm>> -> memref<10000x64xf32, #tpu.memory_space<hbm>>
        tpu.wait_indirect_dma semaphore(%arg11 : memref<!tpu.dma_semaphore, #tpu.memory_space<semaphore_mem>>) src(%dma_wait3A_129 : memref<10000x64xf32, #tpu.memory_space<hbm>>) dst(%dma_wait3A_123 : memref<125x64xf32, #tpu.memory_space<vmem>>)
        %dma_wait3A_130 = arith.constant 3 : i32
        %dma_wait3A_131 = arith.constant 375 : i32
        %dma_wait3A_132 = arith.constant 0 : i32
        %dma_wait3A_133 = tpu.memref_slice %arg9[%dma_wait3A_131, %dma_wait3A_132] : memref<500x64xf32, #tpu.memory_space<vmem>> -> memref<125x64xf32, #tpu.memory_space<vmem>>
        %dma_wait3A_134 = arith.constant 0 : i32
        %dma_wait3A_135 = tpu.memref_slice %arg7[%dma_wait3A_130, %dma_wait3A_134] : memref<4x125xi32, #tpu.memory_space<vmem>> -> memref<1x125xi32, #tpu.memory_space<vmem>>
        %dma_wait3A_136 = tpu.memref_squeeze %dma_wait3A_135 : memref<1x125xi32, #tpu.memory_space<vmem>> -> memref<125xi32, #tpu.memory_space<vmem>>
        %dma_wait3A_137 = arith.constant 0 : i32
        %dma_wait3A_138 = arith.constant 0 : i32
        %dma_wait3A_139 = tpu.memref_slice %arg2[%dma_wait3A_137, %dma_wait3A_138] : memref<10000x64xf32, #tpu.memory_space<hbm>> -> memref<10000x64xf32, #tpu.memory_space<hbm>>
        tpu.wait_indirect_dma semaphore(%arg11 : memref<!tpu.dma_semaphore, #tpu.memory_space<semaphore_mem>>) src(%dma_wait3A_139 : memref<10000x64xf32, #tpu.memory_space<hbm>>) dst(%dma_wait3A_133 : memref<125x64xf32, #tpu.memory_space<vmem>>)
        %mul3A_140 = arith.constant 20000 : i32
        %mul3A_141 = arith.muli %arg1, %mul3A_140 : i32
        %mul3A_142 = arith.constant 500 : i32
        %mul3A_143 = arith.muli %mul3A_55, %mul3A_142 : i32
        %add3A_144 = arith.addi %mul3A_141, %mul3A_143 : i32
        "tpu.region"() ({
          %run_scoped3A = tpu.sem_alloc : memref<!tpu.dma_semaphore, #tpu.memory_space<semaphore_mem>>
          %dma_start3A_198 = arith.constant 0 : i32
          %dma_start3A_199 = tpu.memref_slice %arg5[%add3A_144, %dma_start3A_198] : memref<320000x64xf32, #tpu.memory_space<hbm>> -> memref<500x64xf32, #tpu.memory_space<hbm>>
          %dma_start3A_200 = arith.constant 0 : i32
          %dma_start3A_201 = tpu.memref_slice %arg5[%add3A_144, %dma_start3A_200] : memref<320000x64xf32, #tpu.memory_space<hbm>> -> memref<500x64xf32, #tpu.memory_space<hbm>>
          tpu.enqueue_dma source(%arg9 : memref<500x64xf32, #tpu.memory_space<vmem>>) target(%dma_start3A_201 : memref<500x64xf32, #tpu.memory_space<hbm>>) target_semaphore(%run_scoped3A : memref<!tpu.dma_semaphore, #tpu.memory_space<semaphore_mem>>)
          %dma_wait3A_202 = arith.constant 0 : i32
          %dma_wait3A_203 = tpu.memref_slice %arg5[%add3A_144, %dma_wait3A_202] : memref<320000x64xf32, #tpu.memory_space<hbm>> -> memref<500x64xf32, #tpu.memory_space<hbm>>
          %dma_wait3A_204 = arith.constant 0 : i32
          %dma_wait3A_205 = tpu.memref_slice %arg5[%add3A_144, %dma_wait3A_204] : memref<320000x64xf32, #tpu.memory_space<hbm>> -> memref<500x64xf32, #tpu.memory_space<hbm>>
          tpu.wait_dma2 semaphore(%run_scoped3A : memref<!tpu.dma_semaphore, #tpu.memory_space<semaphore_mem>>) src(%arg9 : memref<500x64xf32, #tpu.memory_space<vmem>>) dst(%dma_wait3A_205 : memref<500x64xf32, #tpu.memory_space<hbm>>)
          tpu.yield
        }) : () -> ()
        %add3A_145 = arith.constant 2 : i32
        %add3A_146 = arith.addi %mul3A_55, %add3A_145 : i32
        %lt3A = arith.constant 40 : i32
        %lt3A_147 = arith.cmpi slt, %add3A_146, %lt3A : i32
        %convert_element_type3A_148 = arith.extui %lt3A_147 : i1 to i32
        %cond3A_149 = arith.constant 0 : i32
        %cond3A_150 = arith.cmpi ne, %convert_element_type3A_148, %cond3A_149 : i32
        scf.if %cond3A_150 {
          %add3A_198 = arith.constant 2 : i32
          %add3A_199 = arith.addi %mul3A_55, %add3A_198 : i32
          %mul3A_200 = arith.constant 4 : i32
          %mul3A_201 = arith.muli %add3A_199, %mul3A_200 : i32
          %add3A_202 = arith.addi %mul3A_0, %mul3A_201 : i32
          "tpu.region"() ({
            %run_scoped3A = tpu.sem_alloc : memref<!tpu.dma_semaphore, #tpu.memory_space<semaphore_mem>>
            %dma_start3A_243 = arith.constant 0 : i32
            %dma_start3A_244 = tpu.memref_slice %arg3[%add3A_202, %dma_start3A_243] : memref<2560x125xi32, #tpu.memory_space<hbm>> -> memref<4x125xi32, #tpu.memory_space<hbm>>
            %dma_start3A_245 = arith.constant 0 : i32
            %dma_start3A_246 = tpu.memref_slice %arg3[%add3A_202, %dma_start3A_245] : memref<2560x125xi32, #tpu.memory_space<hbm>> -> memref<4x125xi32, #tpu.memory_space<hbm>>
            tpu.enqueue_dma source(%dma_start3A_246 : memref<4x125xi32, #tpu.memory_space<hbm>>) target(%arg7 : memref<4x125xi32, #tpu.memory_space<vmem>>) target_semaphore(%run_scoped3A : memref<!tpu.dma_semaphore, #tpu.memory_space<semaphore_mem>>)
            %dma_wait3A_247 = arith.constant 0 : i32
            %dma_wait3A_248 = tpu.memref_slice %arg3[%add3A_202, %dma_wait3A_247] : memref<2560x125xi32, #tpu.memory_space<hbm>> -> memref<4x125xi32, #tpu.memory_space<hbm>>
            %dma_wait3A_249 = arith.constant 0 : i32
            %dma_wait3A_250 = tpu.memref_slice %arg3[%add3A_202, %dma_wait3A_249] : memref<2560x125xi32, #tpu.memory_space<hbm>> -> memref<4x125xi32, #tpu.memory_space<hbm>>
            tpu.wait_dma2 semaphore(%run_scoped3A : memref<!tpu.dma_semaphore, #tpu.memory_space<semaphore_mem>>) src(%dma_wait3A_250 : memref<4x125xi32, #tpu.memory_space<hbm>>) dst(%arg7 : memref<4x125xi32, #tpu.memory_space<vmem>>)
            tpu.yield
          }) : () -> ()
          %dma_start3A_203 = arith.constant 0 : i32
          %dma_start3A_204 = arith.constant 0 : i32
          %dma_start3A_205 = arith.constant 0 : i32
          %dma_start3A_206 = tpu.memref_slice %arg9[%dma_start3A_204, %dma_start3A_205] : memref<500x64xf32, #tpu.memory_space<vmem>> -> memref<125x64xf32, #tpu.memory_space<vmem>>
          %dma_start3A_207 = arith.constant 0 : i32
          %dma_start3A_208 = tpu.memref_slice %arg7[%dma_start3A_203, %dma_start3A_207] : memref<4x125xi32, #tpu.memory_space<vmem>> -> memref<1x125xi32, #tpu.memory_space<vmem>>
          %dma_start3A_209 = tpu.memref_squeeze %dma_start3A_208 : memref<1x125xi32, #tpu.memory_space<vmem>> -> memref<125xi32, #tpu.memory_space<vmem>>
          %dma_start3A_210 = arith.constant 0 : i32
          %dma_start3A_211 = arith.constant 0 : i32
          %dma_start3A_212 = tpu.memref_slice %arg2[%dma_start3A_210, %dma_start3A_211] : memref<10000x64xf32, #tpu.memory_space<hbm>> -> memref<10000x64xf32, #tpu.memory_space<hbm>>
          tpu.enqueue_indirect_dma source(%dma_start3A_212 : memref<10000x64xf32, #tpu.memory_space<hbm>>) target(%dma_start3A_206 : memref<125x64xf32, #tpu.memory_space<vmem>>) offsets(%dma_start3A_209 : memref<125xi32, #tpu.memory_space<vmem>>) semaphore(%arg11 : memref<!tpu.dma_semaphore, #tpu.memory_space<semaphore_mem>>)
          %dma_start3A_213 = arith.constant 1 : i32
          %dma_start3A_214 = arith.constant 125 : i32
          %dma_start3A_215 = arith.constant 0 : i32
          %dma_start3A_216 = tpu.memref_slice %arg9[%dma_start3A_214, %dma_start3A_215] : memref<500x64xf32, #tpu.memory_space<vmem>> -> memref<125x64xf32, #tpu.memory_space<vmem>>
          %dma_start3A_217 = arith.constant 0 : i32
          %dma_start3A_218 = tpu.memref_slice %arg7[%dma_start3A_213, %dma_start3A_217] : memref<4x125xi32, #tpu.memory_space<vmem>> -> memref<1x125xi32, #tpu.memory_space<vmem>>
          %dma_start3A_219 = tpu.memref_squeeze %dma_start3A_218 : memref<1x125xi32, #tpu.memory_space<vmem>> -> memref<125xi32, #tpu.memory_space<vmem>>
          %dma_start3A_220 = arith.constant 0 : i32
          %dma_start3A_221 = arith.constant 0 : i32
          %dma_start3A_222 = tpu.memref_slice %arg2[%dma_start3A_220, %dma_start3A_221] : memref<10000x64xf32, #tpu.memory_space<hbm>> -> memref<10000x64xf32, #tpu.memory_space<hbm>>
          tpu.enqueue_indirect_dma source(%dma_start3A_222 : memref<10000x64xf32, #tpu.memory_space<hbm>>) target(%dma_start3A_216 : memref<125x64xf32, #tpu.memory_space<vmem>>) offsets(%dma_start3A_219 : memref<125xi32, #tpu.memory_space<vmem>>) semaphore(%arg11 : memref<!tpu.dma_semaphore, #tpu.memory_space<semaphore_mem>>)
          %dma_start3A_223 = arith.constant 2 : i32
          %dma_start3A_224 = arith.constant 250 : i32
          %dma_start3A_225 = arith.constant 0 : i32
          %dma_start3A_226 = tpu.memref_slice %arg9[%dma_start3A_224, %dma_start3A_225] : memref<500x64xf32, #tpu.memory_space<vmem>> -> memref<125x64xf32, #tpu.memory_space<vmem>>
          %dma_start3A_227 = arith.constant 0 : i32
          %dma_start3A_228 = tpu.memref_slice %arg7[%dma_start3A_223, %dma_start3A_227] : memref<4x125xi32, #tpu.memory_space<vmem>> -> memref<1x125xi32, #tpu.memory_space<vmem>>
          %dma_start3A_229 = tpu.memref_squeeze %dma_start3A_228 : memref<1x125xi32, #tpu.memory_space<vmem>> -> memref<125xi32, #tpu.memory_space<vmem>>
          %dma_start3A_230 = arith.constant 0 : i32
          %dma_start3A_231 = arith.constant 0 : i32
          %dma_start3A_232 = tpu.memref_slice %arg2[%dma_start3A_230, %dma_start3A_231] : memref<10000x64xf32, #tpu.memory_space<hbm>> -> memref<10000x64xf32, #tpu.memory_space<hbm>>
          tpu.enqueue_indirect_dma source(%dma_start3A_232 : memref<10000x64xf32, #tpu.memory_space<hbm>>) target(%dma_start3A_226 : memref<125x64xf32, #tpu.memory_space<vmem>>) offsets(%dma_start3A_229 : memref<125xi32, #tpu.memory_space<vmem>>) semaphore(%arg11 : memref<!tpu.dma_semaphore, #tpu.memory_space<semaphore_mem>>)
          %dma_start3A_233 = arith.constant 3 : i32
          %dma_start3A_234 = arith.constant 375 : i32
          %dma_start3A_235 = arith.constant 0 : i32
          %dma_start3A_236 = tpu.memref_slice %arg9[%dma_start3A_234, %dma_start3A_235] : memref<500x64xf32, #tpu.memory_space<vmem>> -> memref<125x64xf32, #tpu.memory_space<vmem>>
          %dma_start3A_237 = arith.constant 0 : i32
          %dma_start3A_238 = tpu.memref_slice %arg7[%dma_start3A_233, %dma_start3A_237] : memref<4x125xi32, #tpu.memory_space<vmem>> -> memref<1x125xi32, #tpu.memory_space<vmem>>
          %dma_start3A_239 = tpu.memref_squeeze %dma_start3A_238 : memref<1x125xi32, #tpu.memory_space<vmem>> -> memref<125xi32, #tpu.memory_space<vmem>>
          %dma_start3A_240 = arith.constant 0 : i32
          %dma_start3A_241 = arith.constant 0 : i32
          %dma_start3A_242 = tpu.memref_slice %arg2[%dma_start3A_240, %dma_start3A_241] : memref<10000x64xf32, #tpu.memory_space<hbm>> -> memref<10000x64xf32, #tpu.memory_space<hbm>>
          tpu.enqueue_indirect_dma source(%dma_start3A_242 : memref<10000x64xf32, #tpu.memory_space<hbm>>) target(%dma_start3A_236 : memref<125x64xf32, #tpu.memory_space<vmem>>) offsets(%dma_start3A_239 : memref<125xi32, #tpu.memory_space<vmem>>) semaphore(%arg11 : memref<!tpu.dma_semaphore, #tpu.memory_space<semaphore_mem>>)
        } else {
        }
        %add3A_151 = arith.constant 1 : i32
        %add3A_152 = arith.addi %mul3A_55, %add3A_151 : i32
        %dma_wait3A_153 = arith.constant 0 : i32
        %dma_wait3A_154 = arith.constant 0 : i32
        %dma_wait3A_155 = arith.constant 0 : i32
        %dma_wait3A_156 = tpu.memref_slice %arg10[%dma_wait3A_154, %dma_wait3A_155] : memref<500x64xf32, #tpu.memory_space<vmem>> -> memref<125x64xf32, #tpu.memory_space<vmem>>
        %dma_wait3A_157 = arith.constant 0 : i32
        %dma_wait3A_158 = tpu.memref_slice %arg8[%dma_wait3A_153, %dma_wait3A_157] : memref<4x125xi32, #tpu.memory_space<vmem>> -> memref<1x125xi32, #tpu.memory_space<vmem>>
        %dma_wait3A_159 = tpu.memref_squeeze %dma_wait3A_158 : memref<1x125xi32, #tpu.memory_space<vmem>> -> memref<125xi32, #tpu.memory_space<vmem>>
        %dma_wait3A_160 = arith.constant 0 : i32
        %dma_wait3A_161 = arith.constant 0 : i32
        %dma_wait3A_162 = tpu.memref_slice %arg2[%dma_wait3A_160, %dma_wait3A_161] : memref<10000x64xf32, #tpu.memory_space<hbm>> -> memref<10000x64xf32, #tpu.memory_space<hbm>>
        tpu.wait_indirect_dma semaphore(%arg12 : memref<!tpu.dma_semaphore, #tpu.memory_space<semaphore_mem>>) src(%dma_wait3A_162 : memref<10000x64xf32, #tpu.memory_space<hbm>>) dst(%dma_wait3A_156 : memref<125x64xf32, #tpu.memory_space<vmem>>)
        %dma_wait3A_163 = arith.constant 1 : i32
        %dma_wait3A_164 = arith.constant 125 : i32
        %dma_wait3A_165 = arith.constant 0 : i32
        %dma_wait3A_166 = tpu.memref_slice %arg10[%dma_wait3A_164, %dma_wait3A_165] : memref<500x64xf32, #tpu.memory_space<vmem>> -> memref<125x64xf32, #tpu.memory_space<vmem>>
        %dma_wait3A_167 = arith.constant 0 : i32
        %dma_wait3A_168 = tpu.memref_slice %arg8[%dma_wait3A_163, %dma_wait3A_167] : memref<4x125xi32, #tpu.memory_space<vmem>> -> memref<1x125xi32, #tpu.memory_space<vmem>>
        %dma_wait3A_169 = tpu.memref_squeeze %dma_wait3A_168 : memref<1x125xi32, #tpu.memory_space<vmem>> -> memref<125xi32, #tpu.memory_space<vmem>>
        %dma_wait3A_170 = arith.constant 0 : i32
        %dma_wait3A_171 = arith.constant 0 : i32
        %dma_wait3A_172 = tpu.memref_slice %arg2[%dma_wait3A_170, %dma_wait3A_171] : memref<10000x64xf32, #tpu.memory_space<hbm>> -> memref<10000x64xf32, #tpu.memory_space<hbm>>
        tpu.wait_indirect_dma semaphore(%arg12 : memref<!tpu.dma_semaphore, #tpu.memory_space<semaphore_mem>>) src(%dma_wait3A_172 : memref<10000x64xf32, #tpu.memory_space<hbm>>) dst(%dma_wait3A_166 : memref<125x64xf32, #tpu.memory_space<vmem>>)
        %dma_wait3A_173 = arith.constant 2 : i32
        %dma_wait3A_174 = arith.constant 250 : i32
        %dma_wait3A_175 = arith.constant 0 : i32
        %dma_wait3A_176 = tpu.memref_slice %arg10[%dma_wait3A_174, %dma_wait3A_175] : memref<500x64xf32, #tpu.memory_space<vmem>> -> memref<125x64xf32, #tpu.memory_space<vmem>>
        %dma_wait3A_177 = arith.constant 0 : i32
        %dma_wait3A_178 = tpu.memref_slice %arg8[%dma_wait3A_173, %dma_wait3A_177] : memref<4x125xi32, #tpu.memory_space<vmem>> -> memref<1x125xi32, #tpu.memory_space<vmem>>
        %dma_wait3A_179 = tpu.memref_squeeze %dma_wait3A_178 : memref<1x125xi32, #tpu.memory_space<vmem>> -> memref<125xi32, #tpu.memory_space<vmem>>
        %dma_wait3A_180 = arith.constant 0 : i32
        %dma_wait3A_181 = arith.constant 0 : i32
        %dma_wait3A_182 = tpu.memref_slice %arg2[%dma_wait3A_180, %dma_wait3A_181] : memref<10000x64xf32, #tpu.memory_space<hbm>> -> memref<10000x64xf32, #tpu.memory_space<hbm>>
        tpu.wait_indirect_dma semaphore(%arg12 : memref<!tpu.dma_semaphore, #tpu.memory_space<semaphore_mem>>) src(%dma_wait3A_182 : memref<10000x64xf32, #tpu.memory_space<hbm>>) dst(%dma_wait3A_176 : memref<125x64xf32, #tpu.memory_space<vmem>>)
        %dma_wait3A_183 = arith.constant 3 : i32
        %dma_wait3A_184 = arith.constant 375 : i32
        %dma_wait3A_185 = arith.constant 0 : i32
        %dma_wait3A_186 = tpu.memref_slice %arg10[%dma_wait3A_184, %dma_wait3A_185] : memref<500x64xf32, #tpu.memory_space<vmem>> -> memref<125x64xf32, #tpu.memory_space<vmem>>
        %dma_wait3A_187 = arith.constant 0 : i32
        %dma_wait3A_188 = tpu.memref_slice %arg8[%dma_wait3A_183, %dma_wait3A_187] : memref<4x125xi32, #tpu.memory_space<vmem>> -> memref<1x125xi32, #tpu.memory_space<vmem>>
        %dma_wait3A_189 = tpu.memref_squeeze %dma_wait3A_188 : memref<1x125xi32, #tpu.memory_space<vmem>> -> memref<125xi32, #tpu.memory_space<vmem>>
        %dma_wait3A_190 = arith.constant 0 : i32
        %dma_wait3A_191 = arith.constant 0 : i32
        %dma_wait3A_192 = tpu.memref_slice %arg2[%dma_wait3A_190, %dma_wait3A_191] : memref<10000x64xf32, #tpu.memory_space<hbm>> -> memref<10000x64xf32, #tpu.memory_space<hbm>>
        tpu.wait_indirect_dma semaphore(%arg12 : memref<!tpu.dma_semaphore, #tpu.memory_space<semaphore_mem>>) src(%dma_wait3A_192 : memref<10000x64xf32, #tpu.memory_space<hbm>>) dst(%dma_wait3A_186 : memref<125x64xf32, #tpu.memory_space<vmem>>)
        %mul3A_193 = arith.constant 20000 : i32
        %mul3A_194 = arith.muli %arg1, %mul3A_193 : i32
        %mul3A_195 = arith.constant 500 : i32
        %mul3A_196 = arith.muli %add3A_152, %mul3A_195 : i32
        %add3A_197 = arith.addi %mul3A_194, %mul3A_196 : i32
        "tpu.region"() ({
          %run_scoped3A = tpu.sem_alloc : memref<!tpu.dma_semaphore, #tpu.memory_space<semaphore_mem>>
          %dma_start3A_198 = arith.constant 0 : i32
          %dma_start3A_199 = tpu.memref_slice %arg5[%add3A_197, %dma_start3A_198] : memref<320000x64xf32, #tpu.memory_space<hbm>> -> memref<500x64xf32, #tpu.memory_space<hbm>>
          %dma_start3A_200 = arith.constant 0 : i32
          %dma_start3A_201 = tpu.memref_slice %arg5[%add3A_197, %dma_start3A_200] : memref<320000x64xf32, #tpu.memory_space<hbm>> -> memref<500x64xf32, #tpu.memory_space<hbm>>
          tpu.enqueue_dma source(%arg10 : memref<500x64xf32, #tpu.memory_space<vmem>>) target(%dma_start3A_201 : memref<500x64xf32, #tpu.memory_space<hbm>>) target_semaphore(%run_scoped3A : memref<!tpu.dma_semaphore, #tpu.memory_space<semaphore_mem>>)
          %dma_wait3A_202 = arith.constant 0 : i32
          %dma_wait3A_203 = tpu.memref_slice %arg5[%add3A_197, %dma_wait3A_202] : memref<320000x64xf32, #tpu.memory_space<hbm>> -> memref<500x64xf32, #tpu.memory_space<hbm>>
          %dma_wait3A_204 = arith.constant 0 : i32
          %dma_wait3A_205 = tpu.memref_slice %arg5[%add3A_197, %dma_wait3A_204] : memref<320000x64xf32, #tpu.memory_space<hbm>> -> memref<500x64xf32, #tpu.memory_space<hbm>>
          tpu.wait_dma2 semaphore(%run_scoped3A : memref<!tpu.dma_semaphore, #tpu.memory_space<semaphore_mem>>) src(%arg10 : memref<500x64xf32, #tpu.memory_space<vmem>>) dst(%dma_wait3A_205 : memref<500x64xf32, #tpu.memory_space<hbm>>)
          tpu.yield
        }) : () -> ()
      }
      %scan3A_52 = arith.constant 20 : i32
    } else {
    }
    %eq3A_3 = arith.constant 1 : i32
    %eq3A_4 = arith.cmpi eq, %arg0, %eq3A_3 : i32
    %convert_element_type3A_5 = arith.extui %eq3A_4 : i1 to i32
    %cond3A_6 = arith.constant 0 : i32
    %cond3A_7 = arith.cmpi ne, %convert_element_type3A_5, %cond3A_6 : i32
    scf.if %cond3A_7 {
      %add3A = arith.constant 0 : i32
      %add3A_8 = arith.addi %mul3A_0, %add3A : i32
      "tpu.region"() ({
        %run_scoped3A = tpu.sem_alloc : memref<!tpu.dma_semaphore, #tpu.memory_space<semaphore_mem>>
        %dma_start3A_53 = arith.constant 0 : i32
        %dma_start3A_54 = tpu.memref_slice %arg4[%add3A_8, %dma_start3A_53] : memref<2560x125xi32, #tpu.memory_space<hbm>> -> memref<4x125xi32, #tpu.memory_space<hbm>>
        %dma_start3A_55 = arith.constant 0 : i32
        %dma_start3A_56 = tpu.memref_slice %arg4[%add3A_8, %dma_start3A_55] : memref<2560x125xi32, #tpu.memory_space<hbm>> -> memref<4x125xi32, #tpu.memory_space<hbm>>
        tpu.enqueue_dma source(%dma_start3A_56 : memref<4x125xi32, #tpu.memory_space<hbm>>) target(%arg7 : memref<4x125xi32, #tpu.memory_space<vmem>>) target_semaphore(%run_scoped3A : memref<!tpu.dma_semaphore, #tpu.memory_space<semaphore_mem>>)
        %dma_wait3A = arith.constant 0 : i32
        %dma_wait3A_57 = tpu.memref_slice %arg4[%add3A_8, %dma_wait3A] : memref<2560x125xi32, #tpu.memory_space<hbm>> -> memref<4x125xi32, #tpu.memory_space<hbm>>
        %dma_wait3A_58 = arith.constant 0 : i32
        %dma_wait3A_59 = tpu.memref_slice %arg4[%add3A_8, %dma_wait3A_58] : memref<2560x125xi32, #tpu.memory_space<hbm>> -> memref<4x125xi32, #tpu.memory_space<hbm>>
        tpu.wait_dma2 semaphore(%run_scoped3A : memref<!tpu.dma_semaphore, #tpu.memory_space<semaphore_mem>>) src(%dma_wait3A_59 : memref<4x125xi32, #tpu.memory_space<hbm>>) dst(%arg7 : memref<4x125xi32, #tpu.memory_space<vmem>>)
        tpu.yield
      }) : () -> ()
      %dma_start3A = arith.constant 0 : i32
      %dma_start3A_9 = arith.constant 0 : i32
      %dma_start3A_10 = arith.constant 0 : i32
      %dma_start3A_11 = tpu.memref_slice %arg9[%dma_start3A_9, %dma_start3A_10] : memref<500x64xf32, #tpu.memory_space<vmem>> -> memref<125x64xf32, #tpu.memory_space<vmem>>
      %dma_start3A_12 = arith.constant 0 : i32
      %dma_start3A_13 = tpu.memref_slice %arg7[%dma_start3A, %dma_start3A_12] : memref<4x125xi32, #tpu.memory_space<vmem>> -> memref<1x125xi32, #tpu.memory_space<vmem>>
      %dma_start3A_14 = tpu.memref_squeeze %dma_start3A_13 : memref<1x125xi32, #tpu.memory_space<vmem>> -> memref<125xi32, #tpu.memory_space<vmem>>
      %dma_start3A_15 = arith.constant 0 : i32
      %dma_start3A_16 = arith.constant 0 : i32
      %dma_start3A_17 = tpu.memref_slice %arg2[%dma_start3A_15, %dma_start3A_16] : memref<10000x64xf32, #tpu.memory_space<hbm>> -> memref<10000x64xf32, #tpu.memory_space<hbm>>
      tpu.enqueue_indirect_dma source(%dma_start3A_17 : memref<10000x64xf32, #tpu.memory_space<hbm>>) target(%dma_start3A_11 : memref<125x64xf32, #tpu.memory_space<vmem>>) offsets(%dma_start3A_14 : memref<125xi32, #tpu.memory_space<vmem>>) semaphore(%arg11 : memref<!tpu.dma_semaphore, #tpu.memory_space<semaphore_mem>>)
      %dma_start3A_18 = arith.constant 1 : i32
      %dma_start3A_19 = arith.constant 125 : i32
      %dma_start3A_20 = arith.constant 0 : i32
      %dma_start3A_21 = tpu.memref_slice %arg9[%dma_start3A_19, %dma_start3A_20] : memref<500x64xf32, #tpu.memory_space<vmem>> -> memref<125x64xf32, #tpu.memory_space<vmem>>
      %dma_start3A_22 = arith.constant 0 : i32
      %dma_start3A_23 = tpu.memref_slice %arg7[%dma_start3A_18, %dma_start3A_22] : memref<4x125xi32, #tpu.memory_space<vmem>> -> memref<1x125xi32, #tpu.memory_space<vmem>>
      %dma_start3A_24 = tpu.memref_squeeze %dma_start3A_23 : memref<1x125xi32, #tpu.memory_space<vmem>> -> memref<125xi32, #tpu.memory_space<vmem>>
      %dma_start3A_25 = arith.constant 0 : i32
      %dma_start3A_26 = arith.constant 0 : i32
      %dma_start3A_27 = tpu.memref_slice %arg2[%dma_start3A_25, %dma_start3A_26] : memref<10000x64xf32, #tpu.memory_space<hbm>> -> memref<10000x64xf32, #tpu.memory_space<hbm>>
      tpu.enqueue_indirect_dma source(%dma_start3A_27 : memref<10000x64xf32, #tpu.memory_space<hbm>>) target(%dma_start3A_21 : memref<125x64xf32, #tpu.memory_space<vmem>>) offsets(%dma_start3A_24 : memref<125xi32, #tpu.memory_space<vmem>>) semaphore(%arg11 : memref<!tpu.dma_semaphore, #tpu.memory_space<semaphore_mem>>)
      %dma_start3A_28 = arith.constant 2 : i32
      %dma_start3A_29 = arith.constant 250 : i32
      %dma_start3A_30 = arith.constant 0 : i32
      %dma_start3A_31 = tpu.memref_slice %arg9[%dma_start3A_29, %dma_start3A_30] : memref<500x64xf32, #tpu.memory_space<vmem>> -> memref<125x64xf32, #tpu.memory_space<vmem>>
      %dma_start3A_32 = arith.constant 0 : i32
      %dma_start3A_33 = tpu.memref_slice %arg7[%dma_start3A_28, %dma_start3A_32] : memref<4x125xi32, #tpu.memory_space<vmem>> -> memref<1x125xi32, #tpu.memory_space<vmem>>
      %dma_start3A_34 = tpu.memref_squeeze %dma_start3A_33 : memref<1x125xi32, #tpu.memory_space<vmem>> -> memref<125xi32, #tpu.memory_space<vmem>>
      %dma_start3A_35 = arith.constant 0 : i32
      %dma_start3A_36 = arith.constant 0 : i32
      %dma_start3A_37 = tpu.memref_slice %arg2[%dma_start3A_35, %dma_start3A_36] : memref<10000x64xf32, #tpu.memory_space<hbm>> -> memref<10000x64xf32, #tpu.memory_space<hbm>>
      tpu.enqueue_indirect_dma source(%dma_start3A_37 : memref<10000x64xf32, #tpu.memory_space<hbm>>) target(%dma_start3A_31 : memref<125x64xf32, #tpu.memory_space<vmem>>) offsets(%dma_start3A_34 : memref<125xi32, #tpu.memory_space<vmem>>) semaphore(%arg11 : memref<!tpu.dma_semaphore, #tpu.memory_space<semaphore_mem>>)
      %dma_start3A_38 = arith.constant 3 : i32
      %dma_start3A_39 = arith.constant 375 : i32
      %dma_start3A_40 = arith.constant 0 : i32
      %dma_start3A_41 = tpu.memref_slice %arg9[%dma_start3A_39, %dma_start3A_40] : memref<500x64xf32, #tpu.memory_space<vmem>> -> memref<125x64xf32, #tpu.memory_space<vmem>>
      %dma_start3A_42 = arith.constant 0 : i32
      %dma_start3A_43 = tpu.memref_slice %arg7[%dma_start3A_38, %dma_start3A_42] : memref<4x125xi32, #tpu.memory_space<vmem>> -> memref<1x125xi32, #tpu.memory_space<vmem>>
      %dma_start3A_44 = tpu.memref_squeeze %dma_start3A_43 : memref<1x125xi32, #tpu.memory_space<vmem>> -> memref<125xi32, #tpu.memory_space<vmem>>
      %dma_start3A_45 = arith.constant 0 : i32
      %dma_start3A_46 = arith.constant 0 : i32
      %dma_start3A_47 = tpu.memref_slice %arg2[%dma_start3A_45, %dma_start3A_46] : memref<10000x64xf32, #tpu.memory_space<hbm>> -> memref<10000x64xf32, #tpu.memory_space<hbm>>
      tpu.enqueue_indirect_dma source(%dma_start3A_47 : memref<10000x64xf32, #tpu.memory_space<hbm>>) target(%dma_start3A_41 : memref<125x64xf32, #tpu.memory_space<vmem>>) offsets(%dma_start3A_44 : memref<125xi32, #tpu.memory_space<vmem>>) semaphore(%arg11 : memref<!tpu.dma_semaphore, #tpu.memory_space<semaphore_mem>>)
      %scan3A = arith.constant 0 : i32
      %scan3A_48 = arith.constant 0 : i32
      %scan3A_49 = arith.constant 20 : i32
      %scan3A_50 = arith.addi %scan3A_48, %scan3A_49 : i32
      %scan3A_51 = arith.constant 1 : i32
      scf.for %scan3A_53 = %scan3A_48 to %scan3A_50 step %scan3A_51  : i32 {
        %mul3A_54 = arith.constant 2 : i32
        %mul3A_55 = arith.muli %mul3A_54, %scan3A_53 : i32
        %add3A_56 = arith.constant 1 : i32
        %add3A_57 = arith.addi %mul3A_55, %add3A_56 : i32
        %mul3A_58 = arith.constant 4 : i32
        %mul3A_59 = arith.muli %add3A_57, %mul3A_58 : i32
        %add3A_60 = arith.addi %mul3A_0, %mul3A_59 : i32
        "tpu.region"() ({
          %run_scoped3A = tpu.sem_alloc : memref<!tpu.dma_semaphore, #tpu.memory_space<semaphore_mem>>
          %dma_start3A_198 = arith.constant 0 : i32
          %dma_start3A_199 = tpu.memref_slice %arg4[%add3A_60, %dma_start3A_198] : memref<2560x125xi32, #tpu.memory_space<hbm>> -> memref<4x125xi32, #tpu.memory_space<hbm>>
          %dma_start3A_200 = arith.constant 0 : i32
          %dma_start3A_201 = tpu.memref_slice %arg4[%add3A_60, %dma_start3A_200] : memref<2560x125xi32, #tpu.memory_space<hbm>> -> memref<4x125xi32, #tpu.memory_space<hbm>>
          tpu.enqueue_dma source(%dma_start3A_201 : memref<4x125xi32, #tpu.memory_space<hbm>>) target(%arg8 : memref<4x125xi32, #tpu.memory_space<vmem>>) target_semaphore(%run_scoped3A : memref<!tpu.dma_semaphore, #tpu.memory_space<semaphore_mem>>)
          %dma_wait3A_202 = arith.constant 0 : i32
          %dma_wait3A_203 = tpu.memref_slice %arg4[%add3A_60, %dma_wait3A_202] : memref<2560x125xi32, #tpu.memory_space<hbm>> -> memref<4x125xi32, #tpu.memory_space<hbm>>
          %dma_wait3A_204 = arith.constant 0 : i32
          %dma_wait3A_205 = tpu.memref_slice %arg4[%add3A_60, %dma_wait3A_204] : memref<2560x125xi32, #tpu.memory_space<hbm>> -> memref<4x125xi32, #tpu.memory_space<hbm>>
          tpu.wait_dma2 semaphore(%run_scoped3A : memref<!tpu.dma_semaphore, #tpu.memory_space<semaphore_mem>>) src(%dma_wait3A_205 : memref<4x125xi32, #tpu.memory_space<hbm>>) dst(%arg8 : memref<4x125xi32, #tpu.memory_space<vmem>>)
          tpu.yield
        }) : () -> ()
        %dma_start3A_61 = arith.constant 0 : i32
        %dma_start3A_62 = arith.constant 0 : i32
        %dma_start3A_63 = arith.constant 0 : i32
        %dma_start3A_64 = tpu.memref_slice %arg10[%dma_start3A_62, %dma_start3A_63] : memref<500x64xf32, #tpu.memory_space<vmem>> -> memref<125x64xf32, #tpu.memory_space<vmem>>
        %dma_start3A_65 = arith.constant 0 : i32
        %dma_start3A_66 = tpu.memref_slice %arg8[%dma_start3A_61, %dma_start3A_65] : memref<4x125xi32, #tpu.memory_space<vmem>> -> memref<1x125xi32, #tpu.memory_space<vmem>>
        %dma_start3A_67 = tpu.memref_squeeze %dma_start3A_66 : memref<1x125xi32, #tpu.memory_space<vmem>> -> memref<125xi32, #tpu.memory_space<vmem>>
        %dma_start3A_68 = arith.constant 0 : i32
        %dma_start3A_69 = arith.constant 0 : i32
        %dma_start3A_70 = tpu.memref_slice %arg2[%dma_start3A_68, %dma_start3A_69] : memref<10000x64xf32, #tpu.memory_space<hbm>> -> memref<10000x64xf32, #tpu.memory_space<hbm>>
        tpu.enqueue_indirect_dma source(%dma_start3A_70 : memref<10000x64xf32, #tpu.memory_space<hbm>>) target(%dma_start3A_64 : memref<125x64xf32, #tpu.memory_space<vmem>>) offsets(%dma_start3A_67 : memref<125xi32, #tpu.memory_space<vmem>>) semaphore(%arg12 : memref<!tpu.dma_semaphore, #tpu.memory_space<semaphore_mem>>)
        %dma_start3A_71 = arith.constant 1 : i32
        %dma_start3A_72 = arith.constant 125 : i32
        %dma_start3A_73 = arith.constant 0 : i32
        %dma_start3A_74 = tpu.memref_slice %arg10[%dma_start3A_72, %dma_start3A_73] : memref<500x64xf32, #tpu.memory_space<vmem>> -> memref<125x64xf32, #tpu.memory_space<vmem>>
        %dma_start3A_75 = arith.constant 0 : i32
        %dma_start3A_76 = tpu.memref_slice %arg8[%dma_start3A_71, %dma_start3A_75] : memref<4x125xi32, #tpu.memory_space<vmem>> -> memref<1x125xi32, #tpu.memory_space<vmem>>
        %dma_start3A_77 = tpu.memref_squeeze %dma_start3A_76 : memref<1x125xi32, #tpu.memory_space<vmem>> -> memref<125xi32, #tpu.memory_space<vmem>>
        %dma_start3A_78 = arith.constant 0 : i32
        %dma_start3A_79 = arith.constant 0 : i32
        %dma_start3A_80 = tpu.memref_slice %arg2[%dma_start3A_78, %dma_start3A_79] : memref<10000x64xf32, #tpu.memory_space<hbm>> -> memref<10000x64xf32, #tpu.memory_space<hbm>>
        tpu.enqueue_indirect_dma source(%dma_start3A_80 : memref<10000x64xf32, #tpu.memory_space<hbm>>) target(%dma_start3A_74 : memref<125x64xf32, #tpu.memory_space<vmem>>) offsets(%dma_start3A_77 : memref<125xi32, #tpu.memory_space<vmem>>) semaphore(%arg12 : memref<!tpu.dma_semaphore, #tpu.memory_space<semaphore_mem>>)
        %dma_start3A_81 = arith.constant 2 : i32
        %dma_start3A_82 = arith.constant 250 : i32
        %dma_start3A_83 = arith.constant 0 : i32
        %dma_start3A_84 = tpu.memref_slice %arg10[%dma_start3A_82, %dma_start3A_83] : memref<500x64xf32, #tpu.memory_space<vmem>> -> memref<125x64xf32, #tpu.memory_space<vmem>>
        %dma_start3A_85 = arith.constant 0 : i32
        %dma_start3A_86 = tpu.memref_slice %arg8[%dma_start3A_81, %dma_start3A_85] : memref<4x125xi32, #tpu.memory_space<vmem>> -> memref<1x125xi32, #tpu.memory_space<vmem>>
        %dma_start3A_87 = tpu.memref_squeeze %dma_start3A_86 : memref<1x125xi32, #tpu.memory_space<vmem>> -> memref<125xi32, #tpu.memory_space<vmem>>
        %dma_start3A_88 = arith.constant 0 : i32
        %dma_start3A_89 = arith.constant 0 : i32
        %dma_start3A_90 = tpu.memref_slice %arg2[%dma_start3A_88, %dma_start3A_89] : memref<10000x64xf32, #tpu.memory_space<hbm>> -> memref<10000x64xf32, #tpu.memory_space<hbm>>
        tpu.enqueue_indirect_dma source(%dma_start3A_90 : memref<10000x64xf32, #tpu.memory_space<hbm>>) target(%dma_start3A_84 : memref<125x64xf32, #tpu.memory_space<vmem>>) offsets(%dma_start3A_87 : memref<125xi32, #tpu.memory_space<vmem>>) semaphore(%arg12 : memref<!tpu.dma_semaphore, #tpu.memory_space<semaphore_mem>>)
        %dma_start3A_91 = arith.constant 3 : i32
        %dma_start3A_92 = arith.constant 375 : i32
        %dma_start3A_93 = arith.constant 0 : i32
        %dma_start3A_94 = tpu.memref_slice %arg10[%dma_start3A_92, %dma_start3A_93] : memref<500x64xf32, #tpu.memory_space<vmem>> -> memref<125x64xf32, #tpu.memory_space<vmem>>
        %dma_start3A_95 = arith.constant 0 : i32
        %dma_start3A_96 = tpu.memref_slice %arg8[%dma_start3A_91, %dma_start3A_95] : memref<4x125xi32, #tpu.memory_space<vmem>> -> memref<1x125xi32, #tpu.memory_space<vmem>>
        %dma_start3A_97 = tpu.memref_squeeze %dma_start3A_96 : memref<1x125xi32, #tpu.memory_space<vmem>> -> memref<125xi32, #tpu.memory_space<vmem>>
        %dma_start3A_98 = arith.constant 0 : i32
        %dma_start3A_99 = arith.constant 0 : i32
        %dma_start3A_100 = tpu.memref_slice %arg2[%dma_start3A_98, %dma_start3A_99] : memref<10000x64xf32, #tpu.memory_space<hbm>> -> memref<10000x64xf32, #tpu.memory_space<hbm>>
        tpu.enqueue_indirect_dma source(%dma_start3A_100 : memref<10000x64xf32, #tpu.memory_space<hbm>>) target(%dma_start3A_94 : memref<125x64xf32, #tpu.memory_space<vmem>>) offsets(%dma_start3A_97 : memref<125xi32, #tpu.memory_space<vmem>>) semaphore(%arg12 : memref<!tpu.dma_semaphore, #tpu.memory_space<semaphore_mem>>)
        %dma_wait3A = arith.constant 0 : i32
        %dma_wait3A_101 = arith.constant 0 : i32
        %dma_wait3A_102 = arith.constant 0 : i32
        %dma_wait3A_103 = tpu.memref_slice %arg9[%dma_wait3A_101, %dma_wait3A_102] : memref<500x64xf32, #tpu.memory_space<vmem>> -> memref<125x64xf32, #tpu.memory_space<vmem>>
        %dma_wait3A_104 = arith.constant 0 : i32
        %dma_wait3A_105 = tpu.memref_slice %arg7[%dma_wait3A, %dma_wait3A_104] : memref<4x125xi32, #tpu.memory_space<vmem>> -> memref<1x125xi32, #tpu.memory_space<vmem>>
        %dma_wait3A_106 = tpu.memref_squeeze %dma_wait3A_105 : memref<1x125xi32, #tpu.memory_space<vmem>> -> memref<125xi32, #tpu.memory_space<vmem>>
        %dma_wait3A_107 = arith.constant 0 : i32
        %dma_wait3A_108 = arith.constant 0 : i32
        %dma_wait3A_109 = tpu.memref_slice %arg2[%dma_wait3A_107, %dma_wait3A_108] : memref<10000x64xf32, #tpu.memory_space<hbm>> -> memref<10000x64xf32, #tpu.memory_space<hbm>>
        tpu.wait_indirect_dma semaphore(%arg11 : memref<!tpu.dma_semaphore, #tpu.memory_space<semaphore_mem>>) src(%dma_wait3A_109 : memref<10000x64xf32, #tpu.memory_space<hbm>>) dst(%dma_wait3A_103 : memref<125x64xf32, #tpu.memory_space<vmem>>)
        %dma_wait3A_110 = arith.constant 1 : i32
        %dma_wait3A_111 = arith.constant 125 : i32
        %dma_wait3A_112 = arith.constant 0 : i32
        %dma_wait3A_113 = tpu.memref_slice %arg9[%dma_wait3A_111, %dma_wait3A_112] : memref<500x64xf32, #tpu.memory_space<vmem>> -> memref<125x64xf32, #tpu.memory_space<vmem>>
        %dma_wait3A_114 = arith.constant 0 : i32
        %dma_wait3A_115 = tpu.memref_slice %arg7[%dma_wait3A_110, %dma_wait3A_114] : memref<4x125xi32, #tpu.memory_space<vmem>> -> memref<1x125xi32, #tpu.memory_space<vmem>>
        %dma_wait3A_116 = tpu.memref_squeeze %dma_wait3A_115 : memref<1x125xi32, #tpu.memory_space<vmem>> -> memref<125xi32, #tpu.memory_space<vmem>>
        %dma_wait3A_117 = arith.constant 0 : i32
        %dma_wait3A_118 = arith.constant 0 : i32
        %dma_wait3A_119 = tpu.memref_slice %arg2[%dma_wait3A_117, %dma_wait3A_118] : memref<10000x64xf32, #tpu.memory_space<hbm>> -> memref<10000x64xf32, #tpu.memory_space<hbm>>
        tpu.wait_indirect_dma semaphore(%arg11 : memref<!tpu.dma_semaphore, #tpu.memory_space<semaphore_mem>>) src(%dma_wait3A_119 : memref<10000x64xf32, #tpu.memory_space<hbm>>) dst(%dma_wait3A_113 : memref<125x64xf32, #tpu.memory_space<vmem>>)
        %dma_wait3A_120 = arith.constant 2 : i32
        %dma_wait3A_121 = arith.constant 250 : i32
        %dma_wait3A_122 = arith.constant 0 : i32
        %dma_wait3A_123 = tpu.memref_slice %arg9[%dma_wait3A_121, %dma_wait3A_122] : memref<500x64xf32, #tpu.memory_space<vmem>> -> memref<125x64xf32, #tpu.memory_space<vmem>>
        %dma_wait3A_124 = arith.constant 0 : i32
        %dma_wait3A_125 = tpu.memref_slice %arg7[%dma_wait3A_120, %dma_wait3A_124] : memref<4x125xi32, #tpu.memory_space<vmem>> -> memref<1x125xi32, #tpu.memory_space<vmem>>
        %dma_wait3A_126 = tpu.memref_squeeze %dma_wait3A_125 : memref<1x125xi32, #tpu.memory_space<vmem>> -> memref<125xi32, #tpu.memory_space<vmem>>
        %dma_wait3A_127 = arith.constant 0 : i32
        %dma_wait3A_128 = arith.constant 0 : i32
        %dma_wait3A_129 = tpu.memref_slice %arg2[%dma_wait3A_127, %dma_wait3A_128] : memref<10000x64xf32, #tpu.memory_space<hbm>> -> memref<10000x64xf32, #tpu.memory_space<hbm>>
        tpu.wait_indirect_dma semaphore(%arg11 : memref<!tpu.dma_semaphore, #tpu.memory_space<semaphore_mem>>) src(%dma_wait3A_129 : memref<10000x64xf32, #tpu.memory_space<hbm>>) dst(%dma_wait3A_123 : memref<125x64xf32, #tpu.memory_space<vmem>>)
        %dma_wait3A_130 = arith.constant 3 : i32
        %dma_wait3A_131 = arith.constant 375 : i32
        %dma_wait3A_132 = arith.constant 0 : i32
        %dma_wait3A_133 = tpu.memref_slice %arg9[%dma_wait3A_131, %dma_wait3A_132] : memref<500x64xf32, #tpu.memory_space<vmem>> -> memref<125x64xf32, #tpu.memory_space<vmem>>
        %dma_wait3A_134 = arith.constant 0 : i32
        %dma_wait3A_135 = tpu.memref_slice %arg7[%dma_wait3A_130, %dma_wait3A_134] : memref<4x125xi32, #tpu.memory_space<vmem>> -> memref<1x125xi32, #tpu.memory_space<vmem>>
        %dma_wait3A_136 = tpu.memref_squeeze %dma_wait3A_135 : memref<1x125xi32, #tpu.memory_space<vmem>> -> memref<125xi32, #tpu.memory_space<vmem>>
        %dma_wait3A_137 = arith.constant 0 : i32
        %dma_wait3A_138 = arith.constant 0 : i32
        %dma_wait3A_139 = tpu.memref_slice %arg2[%dma_wait3A_137, %dma_wait3A_138] : memref<10000x64xf32, #tpu.memory_space<hbm>> -> memref<10000x64xf32, #tpu.memory_space<hbm>>
        tpu.wait_indirect_dma semaphore(%arg11 : memref<!tpu.dma_semaphore, #tpu.memory_space<semaphore_mem>>) src(%dma_wait3A_139 : memref<10000x64xf32, #tpu.memory_space<hbm>>) dst(%dma_wait3A_133 : memref<125x64xf32, #tpu.memory_space<vmem>>)
        %mul3A_140 = arith.constant 20000 : i32
        %mul3A_141 = arith.muli %arg1, %mul3A_140 : i32
        %mul3A_142 = arith.constant 500 : i32
        %mul3A_143 = arith.muli %mul3A_55, %mul3A_142 : i32
        %add3A_144 = arith.addi %mul3A_141, %mul3A_143 : i32
        "tpu.region"() ({
          %run_scoped3A = tpu.sem_alloc : memref<!tpu.dma_semaphore, #tpu.memory_space<semaphore_mem>>
          %dma_start3A_198 = arith.constant 0 : i32
          %dma_start3A_199 = tpu.memref_slice %arg6[%add3A_144, %dma_start3A_198] : memref<320000x64xf32, #tpu.memory_space<hbm>> -> memref<500x64xf32, #tpu.memory_space<hbm>>
          %dma_start3A_200 = arith.constant 0 : i32
          %dma_start3A_201 = tpu.memref_slice %arg6[%add3A_144, %dma_start3A_200] : memref<320000x64xf32, #tpu.memory_space<hbm>> -> memref<500x64xf32, #tpu.memory_space<hbm>>
          tpu.enqueue_dma source(%arg9 : memref<500x64xf32, #tpu.memory_space<vmem>>) target(%dma_start3A_201 : memref<500x64xf32, #tpu.memory_space<hbm>>) target_semaphore(%run_scoped3A : memref<!tpu.dma_semaphore, #tpu.memory_space<semaphore_mem>>)
          %dma_wait3A_202 = arith.constant 0 : i32
          %dma_wait3A_203 = tpu.memref_slice %arg6[%add3A_144, %dma_wait3A_202] : memref<320000x64xf32, #tpu.memory_space<hbm>> -> memref<500x64xf32, #tpu.memory_space<hbm>>
          %dma_wait3A_204 = arith.constant 0 : i32
          %dma_wait3A_205 = tpu.memref_slice %arg6[%add3A_144, %dma_wait3A_204] : memref<320000x64xf32, #tpu.memory_space<hbm>> -> memref<500x64xf32, #tpu.memory_space<hbm>>
          tpu.wait_dma2 semaphore(%run_scoped3A : memref<!tpu.dma_semaphore, #tpu.memory_space<semaphore_mem>>) src(%arg9 : memref<500x64xf32, #tpu.memory_space<vmem>>) dst(%dma_wait3A_205 : memref<500x64xf32, #tpu.memory_space<hbm>>)
          tpu.yield
        }) : () -> ()
        %add3A_145 = arith.constant 2 : i32
        %add3A_146 = arith.addi %mul3A_55, %add3A_145 : i32
        %lt3A = arith.constant 40 : i32
        %lt3A_147 = arith.cmpi slt, %add3A_146, %lt3A : i32
        %convert_element_type3A_148 = arith.extui %lt3A_147 : i1 to i32
        %cond3A_149 = arith.constant 0 : i32
        %cond3A_150 = arith.cmpi ne, %convert_element_type3A_148, %cond3A_149 : i32
        scf.if %cond3A_150 {
          %add3A_198 = arith.constant 2 : i32
          %add3A_199 = arith.addi %mul3A_55, %add3A_198 : i32
          %mul3A_200 = arith.constant 4 : i32
          %mul3A_201 = arith.muli %add3A_199, %mul3A_200 : i32
          %add3A_202 = arith.addi %mul3A_0, %mul3A_201 : i32
          "tpu.region"() ({
            %run_scoped3A = tpu.sem_alloc : memref<!tpu.dma_semaphore, #tpu.memory_space<semaphore_mem>>
            %dma_start3A_243 = arith.constant 0 : i32
            %dma_start3A_244 = tpu.memref_slice %arg4[%add3A_202, %dma_start3A_243] : memref<2560x125xi32, #tpu.memory_space<hbm>> -> memref<4x125xi32, #tpu.memory_space<hbm>>
            %dma_start3A_245 = arith.constant 0 : i32
            %dma_start3A_246 = tpu.memref_slice %arg4[%add3A_202, %dma_start3A_245] : memref<2560x125xi32, #tpu.memory_space<hbm>> -> memref<4x125xi32, #tpu.memory_space<hbm>>
            tpu.enqueue_dma source(%dma_start3A_246 : memref<4x125xi32, #tpu.memory_space<hbm>>) target(%arg7 : memref<4x125xi32, #tpu.memory_space<vmem>>) target_semaphore(%run_scoped3A : memref<!tpu.dma_semaphore, #tpu.memory_space<semaphore_mem>>)
            %dma_wait3A_247 = arith.constant 0 : i32
            %dma_wait3A_248 = tpu.memref_slice %arg4[%add3A_202, %dma_wait3A_247] : memref<2560x125xi32, #tpu.memory_space<hbm>> -> memref<4x125xi32, #tpu.memory_space<hbm>>
            %dma_wait3A_249 = arith.constant 0 : i32
            %dma_wait3A_250 = tpu.memref_slice %arg4[%add3A_202, %dma_wait3A_249] : memref<2560x125xi32, #tpu.memory_space<hbm>> -> memref<4x125xi32, #tpu.memory_space<hbm>>
            tpu.wait_dma2 semaphore(%run_scoped3A : memref<!tpu.dma_semaphore, #tpu.memory_space<semaphore_mem>>) src(%dma_wait3A_250 : memref<4x125xi32, #tpu.memory_space<hbm>>) dst(%arg7 : memref<4x125xi32, #tpu.memory_space<vmem>>)
            tpu.yield
          }) : () -> ()
          %dma_start3A_203 = arith.constant 0 : i32
          %dma_start3A_204 = arith.constant 0 : i32
          %dma_start3A_205 = arith.constant 0 : i32
          %dma_start3A_206 = tpu.memref_slice %arg9[%dma_start3A_204, %dma_start3A_205] : memref<500x64xf32, #tpu.memory_space<vmem>> -> memref<125x64xf32, #tpu.memory_space<vmem>>
          %dma_start3A_207 = arith.constant 0 : i32
          %dma_start3A_208 = tpu.memref_slice %arg7[%dma_start3A_203, %dma_start3A_207] : memref<4x125xi32, #tpu.memory_space<vmem>> -> memref<1x125xi32, #tpu.memory_space<vmem>>
          %dma_start3A_209 = tpu.memref_squeeze %dma_start3A_208 : memref<1x125xi32, #tpu.memory_space<vmem>> -> memref<125xi32, #tpu.memory_space<vmem>>
          %dma_start3A_210 = arith.constant 0 : i32
          %dma_start3A_211 = arith.constant 0 : i32
          %dma_start3A_212 = tpu.memref_slice %arg2[%dma_start3A_210, %dma_start3A_211] : memref<10000x64xf32, #tpu.memory_space<hbm>> -> memref<10000x64xf32, #tpu.memory_space<hbm>>
          tpu.enqueue_indirect_dma source(%dma_start3A_212 : memref<10000x64xf32, #tpu.memory_space<hbm>>) target(%dma_start3A_206 : memref<125x64xf32, #tpu.memory_space<vmem>>) offsets(%dma_start3A_209 : memref<125xi32, #tpu.memory_space<vmem>>) semaphore(%arg11 : memref<!tpu.dma_semaphore, #tpu.memory_space<semaphore_mem>>)
          %dma_start3A_213 = arith.constant 1 : i32
          %dma_start3A_214 = arith.constant 125 : i32
          %dma_start3A_215 = arith.constant 0 : i32
          %dma_start3A_216 = tpu.memref_slice %arg9[%dma_start3A_214, %dma_start3A_215] : memref<500x64xf32, #tpu.memory_space<vmem>> -> memref<125x64xf32, #tpu.memory_space<vmem>>
          %dma_start3A_217 = arith.constant 0 : i32
          %dma_start3A_218 = tpu.memref_slice %arg7[%dma_start3A_213, %dma_start3A_217] : memref<4x125xi32, #tpu.memory_space<vmem>> -> memref<1x125xi32, #tpu.memory_space<vmem>>
          %dma_start3A_219 = tpu.memref_squeeze %dma_start3A_218 : memref<1x125xi32, #tpu.memory_space<vmem>> -> memref<125xi32, #tpu.memory_space<vmem>>
          %dma_start3A_220 = arith.constant 0 : i32
          %dma_start3A_221 = arith.constant 0 : i32
          %dma_start3A_222 = tpu.memref_slice %arg2[%dma_start3A_220, %dma_start3A_221] : memref<10000x64xf32, #tpu.memory_space<hbm>> -> memref<10000x64xf32, #tpu.memory_space<hbm>>
          tpu.enqueue_indirect_dma source(%dma_start3A_222 : memref<10000x64xf32, #tpu.memory_space<hbm>>) target(%dma_start3A_216 : memref<125x64xf32, #tpu.memory_space<vmem>>) offsets(%dma_start3A_219 : memref<125xi32, #tpu.memory_space<vmem>>) semaphore(%arg11 : memref<!tpu.dma_semaphore, #tpu.memory_space<semaphore_mem>>)
          %dma_start3A_223 = arith.constant 2 : i32
          %dma_start3A_224 = arith.constant 250 : i32
          %dma_start3A_225 = arith.constant 0 : i32
          %dma_start3A_226 = tpu.memref_slice %arg9[%dma_start3A_224, %dma_start3A_225] : memref<500x64xf32, #tpu.memory_space<vmem>> -> memref<125x64xf32, #tpu.memory_space<vmem>>
          %dma_start3A_227 = arith.constant 0 : i32
          %dma_start3A_228 = tpu.memref_slice %arg7[%dma_start3A_223, %dma_start3A_227] : memref<4x125xi32, #tpu.memory_space<vmem>> -> memref<1x125xi32, #tpu.memory_space<vmem>>
          %dma_start3A_229 = tpu.memref_squeeze %dma_start3A_228 : memref<1x125xi32, #tpu.memory_space<vmem>> -> memref<125xi32, #tpu.memory_space<vmem>>
          %dma_start3A_230 = arith.constant 0 : i32
          %dma_start3A_231 = arith.constant 0 : i32
          %dma_start3A_232 = tpu.memref_slice %arg2[%dma_start3A_230, %dma_start3A_231] : memref<10000x64xf32, #tpu.memory_space<hbm>> -> memref<10000x64xf32, #tpu.memory_space<hbm>>
          tpu.enqueue_indirect_dma source(%dma_start3A_232 : memref<10000x64xf32, #tpu.memory_space<hbm>>) target(%dma_start3A_226 : memref<125x64xf32, #tpu.memory_space<vmem>>) offsets(%dma_start3A_229 : memref<125xi32, #tpu.memory_space<vmem>>) semaphore(%arg11 : memref<!tpu.dma_semaphore, #tpu.memory_space<semaphore_mem>>)
          %dma_start3A_233 = arith.constant 3 : i32
          %dma_start3A_234 = arith.constant 375 : i32
          %dma_start3A_235 = arith.constant 0 : i32
          %dma_start3A_236 = tpu.memref_slice %arg9[%dma_start3A_234, %dma_start3A_235] : memref<500x64xf32, #tpu.memory_space<vmem>> -> memref<125x64xf32, #tpu.memory_space<vmem>>
          %dma_start3A_237 = arith.constant 0 : i32
          %dma_start3A_238 = tpu.memref_slice %arg7[%dma_start3A_233, %dma_start3A_237] : memref<4x125xi32, #tpu.memory_space<vmem>> -> memref<1x125xi32, #tpu.memory_space<vmem>>
          %dma_start3A_239 = tpu.memref_squeeze %dma_start3A_238 : memref<1x125xi32, #tpu.memory_space<vmem>> -> memref<125xi32, #tpu.memory_space<vmem>>
          %dma_start3A_240 = arith.constant 0 : i32
          %dma_start3A_241 = arith.constant 0 : i32
          %dma_start3A_242 = tpu.memref_slice %arg2[%dma_start3A_240, %dma_start3A_241] : memref<10000x64xf32, #tpu.memory_space<hbm>> -> memref<10000x64xf32, #tpu.memory_space<hbm>>
          tpu.enqueue_indirect_dma source(%dma_start3A_242 : memref<10000x64xf32, #tpu.memory_space<hbm>>) target(%dma_start3A_236 : memref<125x64xf32, #tpu.memory_space<vmem>>) offsets(%dma_start3A_239 : memref<125xi32, #tpu.memory_space<vmem>>) semaphore(%arg11 : memref<!tpu.dma_semaphore, #tpu.memory_space<semaphore_mem>>)
        } else {
        }
        %add3A_151 = arith.constant 1 : i32
        %add3A_152 = arith.addi %mul3A_55, %add3A_151 : i32
        %dma_wait3A_153 = arith.constant 0 : i32
        %dma_wait3A_154 = arith.constant 0 : i32
        %dma_wait3A_155 = arith.constant 0 : i32
        %dma_wait3A_156 = tpu.memref_slice %arg10[%dma_wait3A_154, %dma_wait3A_155] : memref<500x64xf32, #tpu.memory_space<vmem>> -> memref<125x64xf32, #tpu.memory_space<vmem>>
        %dma_wait3A_157 = arith.constant 0 : i32
        %dma_wait3A_158 = tpu.memref_slice %arg8[%dma_wait3A_153, %dma_wait3A_157] : memref<4x125xi32, #tpu.memory_space<vmem>> -> memref<1x125xi32, #tpu.memory_space<vmem>>
        %dma_wait3A_159 = tpu.memref_squeeze %dma_wait3A_158 : memref<1x125xi32, #tpu.memory_space<vmem>> -> memref<125xi32, #tpu.memory_space<vmem>>
        %dma_wait3A_160 = arith.constant 0 : i32
        %dma_wait3A_161 = arith.constant 0 : i32
        %dma_wait3A_162 = tpu.memref_slice %arg2[%dma_wait3A_160, %dma_wait3A_161] : memref<10000x64xf32, #tpu.memory_space<hbm>> -> memref<10000x64xf32, #tpu.memory_space<hbm>>
        tpu.wait_indirect_dma semaphore(%arg12 : memref<!tpu.dma_semaphore, #tpu.memory_space<semaphore_mem>>) src(%dma_wait3A_162 : memref<10000x64xf32, #tpu.memory_space<hbm>>) dst(%dma_wait3A_156 : memref<125x64xf32, #tpu.memory_space<vmem>>)
        %dma_wait3A_163 = arith.constant 1 : i32
        %dma_wait3A_164 = arith.constant 125 : i32
        %dma_wait3A_165 = arith.constant 0 : i32
        %dma_wait3A_166 = tpu.memref_slice %arg10[%dma_wait3A_164, %dma_wait3A_165] : memref<500x64xf32, #tpu.memory_space<vmem>> -> memref<125x64xf32, #tpu.memory_space<vmem>>
        %dma_wait3A_167 = arith.constant 0 : i32
        %dma_wait3A_168 = tpu.memref_slice %arg8[%dma_wait3A_163, %dma_wait3A_167] : memref<4x125xi32, #tpu.memory_space<vmem>> -> memref<1x125xi32, #tpu.memory_space<vmem>>
        %dma_wait3A_169 = tpu.memref_squeeze %dma_wait3A_168 : memref<1x125xi32, #tpu.memory_space<vmem>> -> memref<125xi32, #tpu.memory_space<vmem>>
        %dma_wait3A_170 = arith.constant 0 : i32
        %dma_wait3A_171 = arith.constant 0 : i32
        %dma_wait3A_172 = tpu.memref_slice %arg2[%dma_wait3A_170, %dma_wait3A_171] : memref<10000x64xf32, #tpu.memory_space<hbm>> -> memref<10000x64xf32, #tpu.memory_space<hbm>>
        tpu.wait_indirect_dma semaphore(%arg12 : memref<!tpu.dma_semaphore, #tpu.memory_space<semaphore_mem>>) src(%dma_wait3A_172 : memref<10000x64xf32, #tpu.memory_space<hbm>>) dst(%dma_wait3A_166 : memref<125x64xf32, #tpu.memory_space<vmem>>)
        %dma_wait3A_173 = arith.constant 2 : i32
        %dma_wait3A_174 = arith.constant 250 : i32
        %dma_wait3A_175 = arith.constant 0 : i32
        %dma_wait3A_176 = tpu.memref_slice %arg10[%dma_wait3A_174, %dma_wait3A_175] : memref<500x64xf32, #tpu.memory_space<vmem>> -> memref<125x64xf32, #tpu.memory_space<vmem>>
        %dma_wait3A_177 = arith.constant 0 : i32
        %dma_wait3A_178 = tpu.memref_slice %arg8[%dma_wait3A_173, %dma_wait3A_177] : memref<4x125xi32, #tpu.memory_space<vmem>> -> memref<1x125xi32, #tpu.memory_space<vmem>>
        %dma_wait3A_179 = tpu.memref_squeeze %dma_wait3A_178 : memref<1x125xi32, #tpu.memory_space<vmem>> -> memref<125xi32, #tpu.memory_space<vmem>>
        %dma_wait3A_180 = arith.constant 0 : i32
        %dma_wait3A_181 = arith.constant 0 : i32
        %dma_wait3A_182 = tpu.memref_slice %arg2[%dma_wait3A_180, %dma_wait3A_181] : memref<10000x64xf32, #tpu.memory_space<hbm>> -> memref<10000x64xf32, #tpu.memory_space<hbm>>
        tpu.wait_indirect_dma semaphore(%arg12 : memref<!tpu.dma_semaphore, #tpu.memory_space<semaphore_mem>>) src(%dma_wait3A_182 : memref<10000x64xf32, #tpu.memory_space<hbm>>) dst(%dma_wait3A_176 : memref<125x64xf32, #tpu.memory_space<vmem>>)
        %dma_wait3A_183 = arith.constant 3 : i32
        %dma_wait3A_184 = arith.constant 375 : i32
        %dma_wait3A_185 = arith.constant 0 : i32
        %dma_wait3A_186 = tpu.memref_slice %arg10[%dma_wait3A_184, %dma_wait3A_185] : memref<500x64xf32, #tpu.memory_space<vmem>> -> memref<125x64xf32, #tpu.memory_space<vmem>>
        %dma_wait3A_187 = arith.constant 0 : i32
        %dma_wait3A_188 = tpu.memref_slice %arg8[%dma_wait3A_183, %dma_wait3A_187] : memref<4x125xi32, #tpu.memory_space<vmem>> -> memref<1x125xi32, #tpu.memory_space<vmem>>
        %dma_wait3A_189 = tpu.memref_squeeze %dma_wait3A_188 : memref<1x125xi32, #tpu.memory_space<vmem>> -> memref<125xi32, #tpu.memory_space<vmem>>
        %dma_wait3A_190 = arith.constant 0 : i32
        %dma_wait3A_191 = arith.constant 0 : i32
        %dma_wait3A_192 = tpu.memref_slice %arg2[%dma_wait3A_190, %dma_wait3A_191] : memref<10000x64xf32, #tpu.memory_space<hbm>> -> memref<10000x64xf32, #tpu.memory_space<hbm>>
        tpu.wait_indirect_dma semaphore(%arg12 : memref<!tpu.dma_semaphore, #tpu.memory_space<semaphore_mem>>) src(%dma_wait3A_192 : memref<10000x64xf32, #tpu.memory_space<hbm>>) dst(%dma_wait3A_186 : memref<125x64xf32, #tpu.memory_space<vmem>>)
        %mul3A_193 = arith.constant 20000 : i32
        %mul3A_194 = arith.muli %arg1, %mul3A_193 : i32
        %mul3A_195 = arith.constant 500 : i32
        %mul3A_196 = arith.muli %add3A_152, %mul3A_195 : i32
        %add3A_197 = arith.addi %mul3A_194, %mul3A_196 : i32
        "tpu.region"() ({
          %run_scoped3A = tpu.sem_alloc : memref<!tpu.dma_semaphore, #tpu.memory_space<semaphore_mem>>
          %dma_start3A_198 = arith.constant 0 : i32
          %dma_start3A_199 = tpu.memref_slice %arg6[%add3A_197, %dma_start3A_198] : memref<320000x64xf32, #tpu.memory_space<hbm>> -> memref<500x64xf32, #tpu.memory_space<hbm>>
          %dma_start3A_200 = arith.constant 0 : i32
          %dma_start3A_201 = tpu.memref_slice %arg6[%add3A_197, %dma_start3A_200] : memref<320000x64xf32, #tpu.memory_space<hbm>> -> memref<500x64xf32, #tpu.memory_space<hbm>>
          tpu.enqueue_dma source(%arg10 : memref<500x64xf32, #tpu.memory_space<vmem>>) target(%dma_start3A_201 : memref<500x64xf32, #tpu.memory_space<hbm>>) target_semaphore(%run_scoped3A : memref<!tpu.dma_semaphore, #tpu.memory_space<semaphore_mem>>)
          %dma_wait3A_202 = arith.constant 0 : i32
          %dma_wait3A_203 = tpu.memref_slice %arg6[%add3A_197, %dma_wait3A_202] : memref<320000x64xf32, #tpu.memory_space<hbm>> -> memref<500x64xf32, #tpu.memory_space<hbm>>
          %dma_wait3A_204 = arith.constant 0 : i32
          %dma_wait3A_205 = tpu.memref_slice %arg6[%add3A_197, %dma_wait3A_204] : memref<320000x64xf32, #tpu.memory_space<hbm>> -> memref<500x64xf32, #tpu.memory_space<hbm>>
          tpu.wait_dma2 semaphore(%run_scoped3A : memref<!tpu.dma_semaphore, #tpu.memory_space<semaphore_mem>>) src(%arg10 : memref<500x64xf32, #tpu.memory_space<vmem>>) dst(%dma_wait3A_205 : memref<500x64xf32, #tpu.memory_space<hbm>>)
          tpu.yield
        }) : () -> ()
      }
      %scan3A_52 = arith.constant 20 : i32
    } else {
    }
    return
  }
}

#map = affine_map<(d0, d1) -> (0, 0)>
module attributes {stable_mosaic.version = 14 : i64} {
  func.func @k(%arg0: i32, %arg1: i32, %arg2: memref<2560x125xi32, #tpu.memory_space<hbm>>, %arg3: memref<320000x64xf32, #tpu.memory_space<hbm>>, %arg4: memref<10000x64xf32, #tpu.memory_space<hbm>>, %arg5: memref<10000x64xf32, #tpu.memory_space<hbm>>, %arg6: memref<10000x64xf32, #tpu.memory_space<vmem_shared>>, %arg7: memref<4x125xi32, #tpu.memory_space<vmem>>, %arg8: memref<500x64xf32, #tpu.memory_space<vmem>>, %arg9: memref<!tpu.dma_semaphore, #tpu.memory_space<semaphore_mem>>) attributes {dimension_semantics = [#tpu.dimension_semantics<core_parallel>, #tpu.dimension_semantics<subcore_parallel>], iteration_bounds = array<i64: 2, 16>, scalar_prefetch = 0 : i64, scratch_operands = 4 : i64, tpu.core_type = #tpu.core_type<sc_vector_subcore>, window_params = [{transform_indices = #map}, {transform_indices = #map}, {transform_indices = #map}, {transform_indices = #map}]} {
    %scan3A = arith.constant 0 : i32
    %scan3A_0 = arith.constant 0 : i32
    %scan3A_1 = arith.constant 500 : i32
    %scan3A_2 = arith.addi %scan3A_0, %scan3A_1 : i32
    %scan3A_3 = arith.constant 1 : i32
    scf.for %scan3A_48 = %scan3A_0 to %scan3A_2 step %scan3A_3  : i32 {
      %broadcast_in_dim3A = arith.constant 0.000000e+00 : f32
      %broadcast_in_dim3A_49 = vector.broadcast %broadcast_in_dim3A : f32 to vector<16xf32>
      %swap3A = arith.index_cast %scan3A_48 : i32 to index
      %swap3A_50 = arith.constant 0 : index
      %swap3A_51 = tpu.vector_load %arg8[%swap3A, %swap3A_50] {strides = array<i32>} : memref<500x64xf32, #tpu.memory_space<vmem>>, vector<1x16xf32>,
      %swap3A_52 = vector.shape_cast %swap3A_51 : vector<1x16xf32> to vector<16xf32>
      %swap3A_53 = vector.shape_cast %broadcast_in_dim3A_49 : vector<16xf32> to vector<1x16xf32>
      tpu.vector_store %arg8[%swap3A, %swap3A_50], %swap3A_53 {strides = array<i32>} : memref<500x64xf32, #tpu.memory_space<vmem>>, vector<1x16xf32>,
      %broadcast_in_dim3A_54 = arith.constant 0.000000e+00 : f32
      %broadcast_in_dim3A_55 = vector.broadcast %broadcast_in_dim3A_54 : f32 to vector<16xf32>
      %swap3A_56 = arith.index_cast %scan3A_48 : i32 to index
      %swap3A_57 = arith.constant 16 : index
      %swap3A_58 = tpu.vector_load %arg8[%swap3A_56, %swap3A_57] {strides = array<i32>} : memref<500x64xf32, #tpu.memory_space<vmem>>, vector<1x16xf32>,
      %swap3A_59 = vector.shape_cast %swap3A_58 : vector<1x16xf32> to vector<16xf32>
      %swap3A_60 = vector.shape_cast %broadcast_in_dim3A_55 : vector<16xf32> to vector<1x16xf32>
      tpu.vector_store %arg8[%swap3A_56, %swap3A_57], %swap3A_60 {strides = array<i32>} : memref<500x64xf32, #tpu.memory_space<vmem>>, vector<1x16xf32>,
      %broadcast_in_dim3A_61 = arith.constant 0.000000e+00 : f32
      %broadcast_in_dim3A_62 = vector.broadcast %broadcast_in_dim3A_61 : f32 to vector<16xf32>
      %swap3A_63 = arith.index_cast %scan3A_48 : i32 to index
      %swap3A_64 = arith.constant 32 : index
      %swap3A_65 = tpu.vector_load %arg8[%swap3A_63, %swap3A_64] {strides = array<i32>} : memref<500x64xf32, #tpu.memory_space<vmem>>, vector<1x16xf32>,
      %swap3A_66 = vector.shape_cast %swap3A_65 : vector<1x16xf32> to vector<16xf32>
      %swap3A_67 = vector.shape_cast %broadcast_in_dim3A_62 : vector<16xf32> to vector<1x16xf32>
      tpu.vector_store %arg8[%swap3A_63, %swap3A_64], %swap3A_67 {strides = array<i32>} : memref<500x64xf32, #tpu.memory_space<vmem>>, vector<1x16xf32>,
      %broadcast_in_dim3A_68 = arith.constant 0.000000e+00 : f32
      %broadcast_in_dim3A_69 = vector.broadcast %broadcast_in_dim3A_68 : f32 to vector<16xf32>
      %swap3A_70 = arith.index_cast %scan3A_48 : i32 to index
      %swap3A_71 = arith.constant 48 : index
      %swap3A_72 = tpu.vector_load %arg8[%swap3A_70, %swap3A_71] {strides = array<i32>} : memref<500x64xf32, #tpu.memory_space<vmem>>, vector<1x16xf32>,
      %swap3A_73 = vector.shape_cast %swap3A_72 : vector<1x16xf32> to vector<16xf32>
      %swap3A_74 = vector.shape_cast %broadcast_in_dim3A_69 : vector<16xf32> to vector<1x16xf32>
      tpu.vector_store %arg8[%swap3A_70, %swap3A_71], %swap3A_74 {strides = array<i32>} : memref<500x64xf32, #tpu.memory_space<vmem>>, vector<1x16xf32>,
    }
    %scan3A_4 = arith.constant 500 : i32
    %mul3A = arith.constant 625 : i32
    %mul3A_5 = arith.muli %arg1, %mul3A : i32
    %add3A = arith.constant 0 : i32
    %add3A_6 = arith.addi %mul3A_5, %add3A : i32
    "tpu.region"() ({
      %run_scoped3A = tpu.sem_alloc : memref<!tpu.dma_semaphore, #tpu.memory_space<semaphore_mem>>
      %dma_start3A = arith.constant 0 : i32
      %dma_start3A_48 = arith.constant 0 : i32
      %dma_start3A_49 = tpu.memref_slice %arg8[%dma_start3A, %dma_start3A_48] : memref<500x64xf32, #tpu.memory_space<vmem>> -> memref<500x64xf32, #tpu.memory_space<vmem>>
      %dma_start3A_50 = arith.constant 0 : i32
      %dma_start3A_51 = tpu.memref_slice %arg6[%add3A_6, %dma_start3A_50] : memref<10000x64xf32, #tpu.memory_space<vmem_shared>> -> memref<500x64xf32, #tpu.memory_space<vmem_shared>>
      %dma_start3A_52 = arith.constant 0 : i32
      %dma_start3A_53 = tpu.memref_slice %arg6[%add3A_6, %dma_start3A_52] : memref<10000x64xf32, #tpu.memory_space<vmem_shared>> -> memref<500x64xf32, #tpu.memory_space<vmem_shared>>
      %dma_start3A_54 = arith.constant 0 : i32
      %dma_start3A_55 = arith.constant 0 : i32
      %dma_start3A_56 = tpu.memref_slice %arg8[%dma_start3A_54, %dma_start3A_55] : memref<500x64xf32, #tpu.memory_space<vmem>> -> memref<500x64xf32, #tpu.memory_space<vmem>>
      tpu.enqueue_dma source(%dma_start3A_56 : memref<500x64xf32, #tpu.memory_space<vmem>>) target(%dma_start3A_53 : memref<500x64xf32, #tpu.memory_space<vmem_shared>>) target_semaphore(%run_scoped3A : memref<!tpu.dma_semaphore, #tpu.memory_space<semaphore_mem>>)
      %dma_wait3A = arith.constant 0 : i32
      %dma_wait3A_57 = arith.constant 0 : i32
      %dma_wait3A_58 = tpu.memref_slice %arg8[%dma_wait3A, %dma_wait3A_57] : memref<500x64xf32, #tpu.memory_space<vmem>> -> memref<500x64xf32, #tpu.memory_space<vmem>>
      %dma_wait3A_59 = arith.constant 0 : i32
      %dma_wait3A_60 = tpu.memref_slice %arg6[%add3A_6, %dma_wait3A_59] : memref<10000x64xf32, #tpu.memory_space<vmem_shared>> -> memref<500x64xf32, #tpu.memory_space<vmem_shared>>
      %dma_wait3A_61 = arith.constant 0 : i32
      %dma_wait3A_62 = tpu.memref_slice %arg6[%add3A_6, %dma_wait3A_61] : memref<10000x64xf32, #tpu.memory_space<vmem_shared>> -> memref<500x64xf32, #tpu.memory_space<vmem_shared>>
      %dma_wait3A_63 = arith.constant 0 : i32
      %dma_wait3A_64 = arith.constant 0 : i32
      %dma_wait3A_65 = tpu.memref_slice %arg8[%dma_wait3A_63, %dma_wait3A_64] : memref<500x64xf32, #tpu.memory_space<vmem>> -> memref<500x64xf32, #tpu.memory_space<vmem>>
      tpu.wait_dma2 semaphore(%run_scoped3A : memref<!tpu.dma_semaphore, #tpu.memory_space<semaphore_mem>>) src(%dma_wait3A_65 : memref<500x64xf32, #tpu.memory_space<vmem>>) dst(%dma_wait3A_62 : memref<500x64xf32, #tpu.memory_space<vmem_shared>>)
      tpu.yield
    }) : () -> ()
    %mul3A_7 = arith.constant 625 : i32
    %mul3A_8 = arith.muli %arg1, %mul3A_7 : i32
    %add3A_9 = arith.constant 500 : i32
    %add3A_10 = arith.addi %mul3A_8, %add3A_9 : i32
    "tpu.region"() ({
      %run_scoped3A = tpu.sem_alloc : memref<!tpu.dma_semaphore, #tpu.memory_space<semaphore_mem>>
      %dma_start3A = arith.constant 0 : i32
      %dma_start3A_48 = arith.constant 0 : i32
      %dma_start3A_49 = tpu.memref_slice %arg8[%dma_start3A, %dma_start3A_48] : memref<500x64xf32, #tpu.memory_space<vmem>> -> memref<125x64xf32, #tpu.memory_space<vmem>>
      %dma_start3A_50 = arith.constant 0 : i32
      %dma_start3A_51 = tpu.memref_slice %arg6[%add3A_10, %dma_start3A_50] : memref<10000x64xf32, #tpu.memory_space<vmem_shared>> -> memref<125x64xf32, #tpu.memory_space<vmem_shared>>
      %dma_start3A_52 = arith.constant 0 : i32
      %dma_start3A_53 = tpu.memref_slice %arg6[%add3A_10, %dma_start3A_52] : memref<10000x64xf32, #tpu.memory_space<vmem_shared>> -> memref<125x64xf32, #tpu.memory_space<vmem_shared>>
      %dma_start3A_54 = arith.constant 0 : i32
      %dma_start3A_55 = arith.constant 0 : i32
      %dma_start3A_56 = tpu.memref_slice %arg8[%dma_start3A_54, %dma_start3A_55] : memref<500x64xf32, #tpu.memory_space<vmem>> -> memref<125x64xf32, #tpu.memory_space<vmem>>
      tpu.enqueue_dma source(%dma_start3A_56 : memref<125x64xf32, #tpu.memory_space<vmem>>) target(%dma_start3A_53 : memref<125x64xf32, #tpu.memory_space<vmem_shared>>) target_semaphore(%run_scoped3A : memref<!tpu.dma_semaphore, #tpu.memory_space<semaphore_mem>>)
      %dma_wait3A = arith.constant 0 : i32
      %dma_wait3A_57 = arith.constant 0 : i32
      %dma_wait3A_58 = tpu.memref_slice %arg8[%dma_wait3A, %dma_wait3A_57] : memref<500x64xf32, #tpu.memory_space<vmem>> -> memref<125x64xf32, #tpu.memory_space<vmem>>
      %dma_wait3A_59 = arith.constant 0 : i32
      %dma_wait3A_60 = tpu.memref_slice %arg6[%add3A_10, %dma_wait3A_59] : memref<10000x64xf32, #tpu.memory_space<vmem_shared>> -> memref<125x64xf32, #tpu.memory_space<vmem_shared>>
      %dma_wait3A_61 = arith.constant 0 : i32
      %dma_wait3A_62 = tpu.memref_slice %arg6[%add3A_10, %dma_wait3A_61] : memref<10000x64xf32, #tpu.memory_space<vmem_shared>> -> memref<125x64xf32, #tpu.memory_space<vmem_shared>>
      %dma_wait3A_63 = arith.constant 0 : i32
      %dma_wait3A_64 = arith.constant 0 : i32
      %dma_wait3A_65 = tpu.memref_slice %arg8[%dma_wait3A_63, %dma_wait3A_64] : memref<500x64xf32, #tpu.memory_space<vmem>> -> memref<125x64xf32, #tpu.memory_space<vmem>>
      tpu.wait_dma2 semaphore(%run_scoped3A : memref<!tpu.dma_semaphore, #tpu.memory_space<semaphore_mem>>) src(%dma_wait3A_65 : memref<125x64xf32, #tpu.memory_space<vmem>>) dst(%dma_wait3A_62 : memref<125x64xf32, #tpu.memory_space<vmem_shared>>)
      tpu.yield
    }) : () -> ()
    %barrier3A = arith.constant 0 : index
    tpu.barrier barrier_id(%barrier3A)
    %mul3A_11 = arith.constant 16 : i32
    %mul3A_12 = arith.muli %arg0, %mul3A_11 : i32
    %add3A_13 = arith.addi %mul3A_12, %arg1 : i32
    %mul3A_14 = arith.constant 80 : i32
    %mul3A_15 = arith.muli %add3A_13, %mul3A_14 : i32
    %scan3A_16 = arith.constant 0 : i32
    %scan3A_17 = arith.constant 0 : i32
    %scan3A_18 = arith.constant 20 : i32
    %scan3A_19 = arith.addi %scan3A_17, %scan3A_18 : i32
    %scan3A_20 = arith.constant 1 : i32
    scf.for %scan3A_48 = %scan3A_17 to %scan3A_19 step %scan3A_20  : i32 {
      %mul3A_49 = arith.constant 4 : i32
      %mul3A_50 = arith.muli %scan3A_48, %mul3A_49 : i32
      %add3A_51 = arith.addi %mul3A_15, %mul3A_50 : i32
      "tpu.region"() ({
        %run_scoped3A = tpu.sem_alloc : memref<!tpu.dma_semaphore, #tpu.memory_space<semaphore_mem>>
        %dma_start3A_135 = arith.constant 0 : i32
        %dma_start3A_136 = tpu.memref_slice %arg2[%add3A_51, %dma_start3A_135] : memref<2560x125xi32, #tpu.memory_space<hbm>> -> memref<4x125xi32, #tpu.memory_space<hbm>>
        %dma_start3A_137 = arith.constant 0 : i32
        %dma_start3A_138 = tpu.memref_slice %arg2[%add3A_51, %dma_start3A_137] : memref<2560x125xi32, #tpu.memory_space<hbm>> -> memref<4x125xi32, #tpu.memory_space<hbm>>
        tpu.enqueue_dma source(%dma_start3A_138 : memref<4x125xi32, #tpu.memory_space<hbm>>) target(%arg7 : memref<4x125xi32, #tpu.memory_space<vmem>>) target_semaphore(%run_scoped3A : memref<!tpu.dma_semaphore, #tpu.memory_space<semaphore_mem>>)
        %dma_wait3A_139 = arith.constant 0 : i32
        %dma_wait3A_140 = tpu.memref_slice %arg2[%add3A_51, %dma_wait3A_139] : memref<2560x125xi32, #tpu.memory_space<hbm>> -> memref<4x125xi32, #tpu.memory_space<hbm>>
        %dma_wait3A_141 = arith.constant 0 : i32
        %dma_wait3A_142 = tpu.memref_slice %arg2[%add3A_51, %dma_wait3A_141] : memref<2560x125xi32, #tpu.memory_space<hbm>> -> memref<4x125xi32, #tpu.memory_space<hbm>>
        tpu.wait_dma2 semaphore(%run_scoped3A : memref<!tpu.dma_semaphore, #tpu.memory_space<semaphore_mem>>) src(%dma_wait3A_142 : memref<4x125xi32, #tpu.memory_space<hbm>>) dst(%arg7 : memref<4x125xi32, #tpu.memory_space<vmem>>)
        tpu.yield
      }) : () -> ()
      %mul3A_52 = arith.constant 10000 : i32
      %mul3A_53 = arith.muli %add3A_13, %mul3A_52 : i32
      %mul3A_54 = arith.constant 500 : i32
      %mul3A_55 = arith.muli %scan3A_48, %mul3A_54 : i32
      %add3A_56 = arith.addi %mul3A_53, %mul3A_55 : i32
      "tpu.region"() ({
        %run_scoped3A = tpu.sem_alloc : memref<!tpu.dma_semaphore, #tpu.memory_space<semaphore_mem>>
        %dma_start3A_135 = arith.constant 0 : i32
        %dma_start3A_136 = tpu.memref_slice %arg3[%add3A_56, %dma_start3A_135] : memref<320000x64xf32, #tpu.memory_space<hbm>> -> memref<500x64xf32, #tpu.memory_space<hbm>>
        %dma_start3A_137 = arith.constant 0 : i32
        %dma_start3A_138 = tpu.memref_slice %arg3[%add3A_56, %dma_start3A_137] : memref<320000x64xf32, #tpu.memory_space<hbm>> -> memref<500x64xf32, #tpu.memory_space<hbm>>
        tpu.enqueue_dma source(%dma_start3A_138 : memref<500x64xf32, #tpu.memory_space<hbm>>) target(%arg8 : memref<500x64xf32, #tpu.memory_space<vmem>>) target_semaphore(%run_scoped3A : memref<!tpu.dma_semaphore, #tpu.memory_space<semaphore_mem>>)
        %dma_wait3A_139 = arith.constant 0 : i32
        %dma_wait3A_140 = tpu.memref_slice %arg3[%add3A_56, %dma_wait3A_139] : memref<320000x64xf32, #tpu.memory_space<hbm>> -> memref<500x64xf32, #tpu.memory_space<hbm>>
        %dma_wait3A_141 = arith.constant 0 : i32
        %dma_wait3A_142 = tpu.memref_slice %arg3[%add3A_56, %dma_wait3A_141] : memref<320000x64xf32, #tpu.memory_space<hbm>> -> memref<500x64xf32, #tpu.memory_space<hbm>>
        tpu.wait_dma2 semaphore(%run_scoped3A : memref<!tpu.dma_semaphore, #tpu.memory_space<semaphore_mem>>) src(%dma_wait3A_142 : memref<500x64xf32, #tpu.memory_space<hbm>>) dst(%arg8 : memref<500x64xf32, #tpu.memory_space<vmem>>)
        tpu.yield
      }) : () -> ()
      %dma_start3A = arith.constant 0 : i32
      %dma_start3A_57 = arith.constant 0 : i32
      %dma_start3A_58 = arith.constant 0 : i32
      %dma_start3A_59 = tpu.memref_slice %arg8[%dma_start3A_57, %dma_start3A_58] : memref<500x64xf32, #tpu.memory_space<vmem>> -> memref<125x64xf32, #tpu.memory_space<vmem>>
      %dma_start3A_60 = arith.constant 0 : i32
      %dma_start3A_61 = tpu.memref_slice %arg7[%dma_start3A, %dma_start3A_60] : memref<4x125xi32, #tpu.memory_space<vmem>> -> memref<1x125xi32, #tpu.memory_space<vmem>>
      %dma_start3A_62 = tpu.memref_squeeze %dma_start3A_61 : memref<1x125xi32, #tpu.memory_space<vmem>> -> memref<125xi32, #tpu.memory_space<vmem>>
      %dma_start3A_63 = arith.constant 0 : i32
      %dma_start3A_64 = arith.constant 0 : i32
      %dma_start3A_65 = tpu.memref_slice %arg6[%dma_start3A_63, %dma_start3A_64] : memref<10000x64xf32, #tpu.memory_space<vmem_shared>> -> memref<10000x64xf32, #tpu.memory_space<vmem_shared>>
      tpu.enqueue_indirect_dma source(%dma_start3A_59 : memref<125x64xf32, #tpu.memory_space<vmem>>) target(%dma_start3A_65 : memref<10000x64xf32, #tpu.memory_space<vmem_shared>>) offsets(%dma_start3A_62 : memref<125xi32, #tpu.memory_space<vmem>>) semaphore(%arg9 : memref<!tpu.dma_semaphore, #tpu.memory_space<semaphore_mem>>) {add = true}
      %dma_start3A_66 = arith.constant 1 : i32
      %dma_start3A_67 = arith.constant 125 : i32
      %dma_start3A_68 = arith.constant 0 : i32
      %dma_start3A_69 = tpu.memref_slice %arg8[%dma_start3A_67, %dma_start3A_68] : memref<500x64xf32, #tpu.memory_space<vmem>> -> memref<125x64xf32, #tpu.memory_space<vmem>>
      %dma_start3A_70 = arith.constant 0 : i32
      %dma_start3A_71 = tpu.memref_slice %arg7[%dma_start3A_66, %dma_start3A_70] : memref<4x125xi32, #tpu.memory_space<vmem>> -> memref<1x125xi32, #tpu.memory_space<vmem>>
      %dma_start3A_72 = tpu.memref_squeeze %dma_start3A_71 : memref<1x125xi32, #tpu.memory_space<vmem>> -> memref<125xi32, #tpu.memory_space<vmem>>
      %dma_start3A_73 = arith.constant 0 : i32
      %dma_start3A_74 = arith.constant 0 : i32
      %dma_start3A_75 = tpu.memref_slice %arg6[%dma_start3A_73, %dma_start3A_74] : memref<10000x64xf32, #tpu.memory_space<vmem_shared>> -> memref<10000x64xf32, #tpu.memory_space<vmem_shared>>
      tpu.enqueue_indirect_dma source(%dma_start3A_69 : memref<125x64xf32, #tpu.memory_space<vmem>>) target(%dma_start3A_75 : memref<10000x64xf32, #tpu.memory_space<vmem_shared>>) offsets(%dma_start3A_72 : memref<125xi32, #tpu.memory_space<vmem>>) semaphore(%arg9 : memref<!tpu.dma_semaphore, #tpu.memory_space<semaphore_mem>>) {add = true}
      %dma_start3A_76 = arith.constant 2 : i32
      %dma_start3A_77 = arith.constant 250 : i32
      %dma_start3A_78 = arith.constant 0 : i32
      %dma_start3A_79 = tpu.memref_slice %arg8[%dma_start3A_77, %dma_start3A_78] : memref<500x64xf32, #tpu.memory_space<vmem>> -> memref<125x64xf32, #tpu.memory_space<vmem>>
      %dma_start3A_80 = arith.constant 0 : i32
      %dma_start3A_81 = tpu.memref_slice %arg7[%dma_start3A_76, %dma_start3A_80] : memref<4x125xi32, #tpu.memory_space<vmem>> -> memref<1x125xi32, #tpu.memory_space<vmem>>
      %dma_start3A_82 = tpu.memref_squeeze %dma_start3A_81 : memref<1x125xi32, #tpu.memory_space<vmem>> -> memref<125xi32, #tpu.memory_space<vmem>>
      %dma_start3A_83 = arith.constant 0 : i32
      %dma_start3A_84 = arith.constant 0 : i32
      %dma_start3A_85 = tpu.memref_slice %arg6[%dma_start3A_83, %dma_start3A_84] : memref<10000x64xf32, #tpu.memory_space<vmem_shared>> -> memref<10000x64xf32, #tpu.memory_space<vmem_shared>>
      tpu.enqueue_indirect_dma source(%dma_start3A_79 : memref<125x64xf32, #tpu.memory_space<vmem>>) target(%dma_start3A_85 : memref<10000x64xf32, #tpu.memory_space<vmem_shared>>) offsets(%dma_start3A_82 : memref<125xi32, #tpu.memory_space<vmem>>) semaphore(%arg9 : memref<!tpu.dma_semaphore, #tpu.memory_space<semaphore_mem>>) {add = true}
      %dma_start3A_86 = arith.constant 3 : i32
      %dma_start3A_87 = arith.constant 375 : i32
      %dma_start3A_88 = arith.constant 0 : i32
      %dma_start3A_89 = tpu.memref_slice %arg8[%dma_start3A_87, %dma_start3A_88] : memref<500x64xf32, #tpu.memory_space<vmem>> -> memref<125x64xf32, #tpu.memory_space<vmem>>
      %dma_start3A_90 = arith.constant 0 : i32
      %dma_start3A_91 = tpu.memref_slice %arg7[%dma_start3A_86, %dma_start3A_90] : memref<4x125xi32, #tpu.memory_space<vmem>> -> memref<1x125xi32, #tpu.memory_space<vmem>>
      %dma_start3A_92 = tpu.memref_squeeze %dma_start3A_91 : memref<1x125xi32, #tpu.memory_space<vmem>> -> memref<125xi32, #tpu.memory_space<vmem>>
      %dma_start3A_93 = arith.constant 0 : i32
      %dma_start3A_94 = arith.constant 0 : i32
      %dma_start3A_95 = tpu.memref_slice %arg6[%dma_start3A_93, %dma_start3A_94] : memref<10000x64xf32, #tpu.memory_space<vmem_shared>> -> memref<10000x64xf32, #tpu.memory_space<vmem_shared>>
      tpu.enqueue_indirect_dma source(%dma_start3A_89 : memref<125x64xf32, #tpu.memory_space<vmem>>) target(%dma_start3A_95 : memref<10000x64xf32, #tpu.memory_space<vmem_shared>>) offsets(%dma_start3A_92 : memref<125xi32, #tpu.memory_space<vmem>>) semaphore(%arg9 : memref<!tpu.dma_semaphore, #tpu.memory_space<semaphore_mem>>) {add = true}
      %dma_wait3A = arith.constant 0 : i32
      %dma_wait3A_96 = arith.constant 0 : i32
      %dma_wait3A_97 = arith.constant 0 : i32
      %dma_wait3A_98 = tpu.memref_slice %arg8[%dma_wait3A_96, %dma_wait3A_97] : memref<500x64xf32, #tpu.memory_space<vmem>> -> memref<125x64xf32, #tpu.memory_space<vmem>>
      %dma_wait3A_99 = arith.constant 0 : i32
      %dma_wait3A_100 = tpu.memref_slice %arg7[%dma_wait3A, %dma_wait3A_99] : memref<4x125xi32, #tpu.memory_space<vmem>> -> memref<1x125xi32, #tpu.memory_space<vmem>>
      %dma_wait3A_101 = tpu.memref_squeeze %dma_wait3A_100 : memref<1x125xi32, #tpu.memory_space<vmem>> -> memref<125xi32, #tpu.memory_space<vmem>>
      %dma_wait3A_102 = arith.constant 0 : i32
      %dma_wait3A_103 = arith.constant 0 : i32
      %dma_wait3A_104 = tpu.memref_slice %arg6[%dma_wait3A_102, %dma_wait3A_103] : memref<10000x64xf32, #tpu.memory_space<vmem_shared>> -> memref<10000x64xf32, #tpu.memory_space<vmem_shared>>
      tpu.wait_indirect_dma semaphore(%arg9 : memref<!tpu.dma_semaphore, #tpu.memory_space<semaphore_mem>>) src(%dma_wait3A_98 : memref<125x64xf32, #tpu.memory_space<vmem>>) dst(%dma_wait3A_104 : memref<10000x64xf32, #tpu.memory_space<vmem_shared>>)
      %dma_wait3A_105 = arith.constant 1 : i32
      %dma_wait3A_106 = arith.constant 125 : i32
      %dma_wait3A_107 = arith.constant 0 : i32
      %dma_wait3A_108 = tpu.memref_slice %arg8[%dma_wait3A_106, %dma_wait3A_107] : memref<500x64xf32, #tpu.memory_space<vmem>> -> memref<125x64xf32, #tpu.memory_space<vmem>>
      %dma_wait3A_109 = arith.constant 0 : i32
      %dma_wait3A_110 = tpu.memref_slice %arg7[%dma_wait3A_105, %dma_wait3A_109] : memref<4x125xi32, #tpu.memory_space<vmem>> -> memref<1x125xi32, #tpu.memory_space<vmem>>
      %dma_wait3A_111 = tpu.memref_squeeze %dma_wait3A_110 : memref<1x125xi32, #tpu.memory_space<vmem>> -> memref<125xi32, #tpu.memory_space<vmem>>
      %dma_wait3A_112 = arith.constant 0 : i32
      %dma_wait3A_113 = arith.constant 0 : i32
      %dma_wait3A_114 = tpu.memref_slice %arg6[%dma_wait3A_112, %dma_wait3A_113] : memref<10000x64xf32, #tpu.memory_space<vmem_shared>> -> memref<10000x64xf32, #tpu.memory_space<vmem_shared>>
      tpu.wait_indirect_dma semaphore(%arg9 : memref<!tpu.dma_semaphore, #tpu.memory_space<semaphore_mem>>) src(%dma_wait3A_108 : memref<125x64xf32, #tpu.memory_space<vmem>>) dst(%dma_wait3A_114 : memref<10000x64xf32, #tpu.memory_space<vmem_shared>>)
      %dma_wait3A_115 = arith.constant 2 : i32
      %dma_wait3A_116 = arith.constant 250 : i32
      %dma_wait3A_117 = arith.constant 0 : i32
      %dma_wait3A_118 = tpu.memref_slice %arg8[%dma_wait3A_116, %dma_wait3A_117] : memref<500x64xf32, #tpu.memory_space<vmem>> -> memref<125x64xf32, #tpu.memory_space<vmem>>
      %dma_wait3A_119 = arith.constant 0 : i32
      %dma_wait3A_120 = tpu.memref_slice %arg7[%dma_wait3A_115, %dma_wait3A_119] : memref<4x125xi32, #tpu.memory_space<vmem>> -> memref<1x125xi32, #tpu.memory_space<vmem>>
      %dma_wait3A_121 = tpu.memref_squeeze %dma_wait3A_120 : memref<1x125xi32, #tpu.memory_space<vmem>> -> memref<125xi32, #tpu.memory_space<vmem>>
      %dma_wait3A_122 = arith.constant 0 : i32
      %dma_wait3A_123 = arith.constant 0 : i32
      %dma_wait3A_124 = tpu.memref_slice %arg6[%dma_wait3A_122, %dma_wait3A_123] : memref<10000x64xf32, #tpu.memory_space<vmem_shared>> -> memref<10000x64xf32, #tpu.memory_space<vmem_shared>>
      tpu.wait_indirect_dma semaphore(%arg9 : memref<!tpu.dma_semaphore, #tpu.memory_space<semaphore_mem>>) src(%dma_wait3A_118 : memref<125x64xf32, #tpu.memory_space<vmem>>) dst(%dma_wait3A_124 : memref<10000x64xf32, #tpu.memory_space<vmem_shared>>)
      %dma_wait3A_125 = arith.constant 3 : i32
      %dma_wait3A_126 = arith.constant 375 : i32
      %dma_wait3A_127 = arith.constant 0 : i32
      %dma_wait3A_128 = tpu.memref_slice %arg8[%dma_wait3A_126, %dma_wait3A_127] : memref<500x64xf32, #tpu.memory_space<vmem>> -> memref<125x64xf32, #tpu.memory_space<vmem>>
      %dma_wait3A_129 = arith.constant 0 : i32
      %dma_wait3A_130 = tpu.memref_slice %arg7[%dma_wait3A_125, %dma_wait3A_129] : memref<4x125xi32, #tpu.memory_space<vmem>> -> memref<1x125xi32, #tpu.memory_space<vmem>>
      %dma_wait3A_131 = tpu.memref_squeeze %dma_wait3A_130 : memref<1x125xi32, #tpu.memory_space<vmem>> -> memref<125xi32, #tpu.memory_space<vmem>>
      %dma_wait3A_132 = arith.constant 0 : i32
      %dma_wait3A_133 = arith.constant 0 : i32
      %dma_wait3A_134 = tpu.memref_slice %arg6[%dma_wait3A_132, %dma_wait3A_133] : memref<10000x64xf32, #tpu.memory_space<vmem_shared>> -> memref<10000x64xf32, #tpu.memory_space<vmem_shared>>
      tpu.wait_indirect_dma semaphore(%arg9 : memref<!tpu.dma_semaphore, #tpu.memory_space<semaphore_mem>>) src(%dma_wait3A_128 : memref<125x64xf32, #tpu.memory_space<vmem>>) dst(%dma_wait3A_134 : memref<10000x64xf32, #tpu.memory_space<vmem_shared>>)
    }
    %scan3A_21 = arith.constant 20 : i32
    %barrier3A_22 = arith.constant 0 : index
    tpu.barrier barrier_id(%barrier3A_22)
    %mul3A_23 = arith.constant 625 : i32
    %mul3A_24 = arith.muli %arg1, %mul3A_23 : i32
    %add3A_25 = arith.constant 0 : i32
    %add3A_26 = arith.addi %mul3A_24, %add3A_25 : i32
    "tpu.region"() ({
      %run_scoped3A = tpu.sem_alloc : memref<!tpu.dma_semaphore, #tpu.memory_space<semaphore_mem>>
      %dma_start3A = arith.constant 0 : i32
      %dma_start3A_48 = arith.constant 0 : i32
      %dma_start3A_49 = tpu.memref_slice %arg8[%dma_start3A, %dma_start3A_48] : memref<500x64xf32, #tpu.memory_space<vmem>> -> memref<500x64xf32, #tpu.memory_space<vmem>>
      %dma_start3A_50 = arith.constant 0 : i32
      %dma_start3A_51 = tpu.memref_slice %arg6[%add3A_26, %dma_start3A_50] : memref<10000x64xf32, #tpu.memory_space<vmem_shared>> -> memref<500x64xf32, #tpu.memory_space<vmem_shared>>
      %dma_start3A_52 = arith.constant 0 : i32
      %dma_start3A_53 = arith.constant 0 : i32
      %dma_start3A_54 = tpu.memref_slice %arg8[%dma_start3A_52, %dma_start3A_53] : memref<500x64xf32, #tpu.memory_space<vmem>> -> memref<500x64xf32, #tpu.memory_space<vmem>>
      %dma_start3A_55 = arith.constant 0 : i32
      %dma_start3A_56 = tpu.memref_slice %arg6[%add3A_26, %dma_start3A_55] : memref<10000x64xf32, #tpu.memory_space<vmem_shared>> -> memref<500x64xf32, #tpu.memory_space<vmem_shared>>
      tpu.enqueue_dma source(%dma_start3A_56 : memref<500x64xf32, #tpu.memory_space<vmem_shared>>) target(%dma_start3A_54 : memref<500x64xf32, #tpu.memory_space<vmem>>) target_semaphore(%run_scoped3A : memref<!tpu.dma_semaphore, #tpu.memory_space<semaphore_mem>>)
      %dma_wait3A = arith.constant 0 : i32
      %dma_wait3A_57 = arith.constant 0 : i32
      %dma_wait3A_58 = tpu.memref_slice %arg8[%dma_wait3A, %dma_wait3A_57] : memref<500x64xf32, #tpu.memory_space<vmem>> -> memref<500x64xf32, #tpu.memory_space<vmem>>
      %dma_wait3A_59 = arith.constant 0 : i32
      %dma_wait3A_60 = tpu.memref_slice %arg6[%add3A_26, %dma_wait3A_59] : memref<10000x64xf32, #tpu.memory_space<vmem_shared>> -> memref<500x64xf32, #tpu.memory_space<vmem_shared>>
      %dma_wait3A_61 = arith.constant 0 : i32
      %dma_wait3A_62 = arith.constant 0 : i32
      %dma_wait3A_63 = tpu.memref_slice %arg8[%dma_wait3A_61, %dma_wait3A_62] : memref<500x64xf32, #tpu.memory_space<vmem>> -> memref<500x64xf32, #tpu.memory_space<vmem>>
      %dma_wait3A_64 = arith.constant 0 : i32
      %dma_wait3A_65 = tpu.memref_slice %arg6[%add3A_26, %dma_wait3A_64] : memref<10000x64xf32, #tpu.memory_space<vmem_shared>> -> memref<500x64xf32, #tpu.memory_space<vmem_shared>>
      tpu.wait_dma2 semaphore(%run_scoped3A : memref<!tpu.dma_semaphore, #tpu.memory_space<semaphore_mem>>) src(%dma_wait3A_65 : memref<500x64xf32, #tpu.memory_space<vmem_shared>>) dst(%dma_wait3A_63 : memref<500x64xf32, #tpu.memory_space<vmem>>)
      tpu.yield
    }) : () -> ()
    %eq3A = arith.constant 0 : i32
    %eq3A_27 = arith.cmpi eq, %arg0, %eq3A : i32
    %convert_element_type3A = arith.extui %eq3A_27 : i1 to i32
    %cond3A = arith.constant 0 : i32
    %cond3A_28 = arith.cmpi ne, %convert_element_type3A, %cond3A : i32
    scf.if %cond3A_28 {
      %mul3A_48 = arith.constant 625 : i32
      %mul3A_49 = arith.muli %arg1, %mul3A_48 : i32
      %add3A_50 = arith.constant 0 : i32
      %add3A_51 = arith.addi %mul3A_49, %add3A_50 : i32
      "tpu.region"() ({
        %run_scoped3A = tpu.sem_alloc : memref<!tpu.dma_semaphore, #tpu.memory_space<semaphore_mem>>
        %dma_start3A = arith.constant 0 : i32
        %dma_start3A_52 = arith.constant 0 : i32
        %dma_start3A_53 = tpu.memref_slice %arg8[%dma_start3A, %dma_start3A_52] : memref<500x64xf32, #tpu.memory_space<vmem>> -> memref<500x64xf32, #tpu.memory_space<vmem>>
        %dma_start3A_54 = arith.constant 0 : i32
        %dma_start3A_55 = tpu.memref_slice %arg4[%add3A_51, %dma_start3A_54] : memref<10000x64xf32, #tpu.memory_space<hbm>> -> memref<500x64xf32, #tpu.memory_space<hbm>>
        %dma_start3A_56 = arith.constant 0 : i32
        %dma_start3A_57 = tpu.memref_slice %arg4[%add3A_51, %dma_start3A_56] : memref<10000x64xf32, #tpu.memory_space<hbm>> -> memref<500x64xf32, #tpu.memory_space<hbm>>
        %dma_start3A_58 = arith.constant 0 : i32
        %dma_start3A_59 = arith.constant 0 : i32
        %dma_start3A_60 = tpu.memref_slice %arg8[%dma_start3A_58, %dma_start3A_59] : memref<500x64xf32, #tpu.memory_space<vmem>> -> memref<500x64xf32, #tpu.memory_space<vmem>>
        tpu.enqueue_dma source(%dma_start3A_60 : memref<500x64xf32, #tpu.memory_space<vmem>>) target(%dma_start3A_57 : memref<500x64xf32, #tpu.memory_space<hbm>>) target_semaphore(%run_scoped3A : memref<!tpu.dma_semaphore, #tpu.memory_space<semaphore_mem>>)
        %dma_wait3A = arith.constant 0 : i32
        %dma_wait3A_61 = arith.constant 0 : i32
        %dma_wait3A_62 = tpu.memref_slice %arg8[%dma_wait3A, %dma_wait3A_61] : memref<500x64xf32, #tpu.memory_space<vmem>> -> memref<500x64xf32, #tpu.memory_space<vmem>>
        %dma_wait3A_63 = arith.constant 0 : i32
        %dma_wait3A_64 = tpu.memref_slice %arg4[%add3A_51, %dma_wait3A_63] : memref<10000x64xf32, #tpu.memory_space<hbm>> -> memref<500x64xf32, #tpu.memory_space<hbm>>
        %dma_wait3A_65 = arith.constant 0 : i32
        %dma_wait3A_66 = tpu.memref_slice %arg4[%add3A_51, %dma_wait3A_65] : memref<10000x64xf32, #tpu.memory_space<hbm>> -> memref<500x64xf32, #tpu.memory_space<hbm>>
        %dma_wait3A_67 = arith.constant 0 : i32
        %dma_wait3A_68 = arith.constant 0 : i32
        %dma_wait3A_69 = tpu.memref_slice %arg8[%dma_wait3A_67, %dma_wait3A_68] : memref<500x64xf32, #tpu.memory_space<vmem>> -> memref<500x64xf32, #tpu.memory_space<vmem>>
        tpu.wait_dma2 semaphore(%run_scoped3A : memref<!tpu.dma_semaphore, #tpu.memory_space<semaphore_mem>>) src(%dma_wait3A_69 : memref<500x64xf32, #tpu.memory_space<vmem>>) dst(%dma_wait3A_66 : memref<500x64xf32, #tpu.memory_space<hbm>>)
        tpu.yield
      }) : () -> ()
    } else {
    }
    %eq3A_29 = arith.constant 1 : i32
    %eq3A_30 = arith.cmpi eq, %arg0, %eq3A_29 : i32
    %convert_element_type3A_31 = arith.extui %eq3A_30 : i1 to i32
    %cond3A_32 = arith.constant 0 : i32
    %cond3A_33 = arith.cmpi ne, %convert_element_type3A_31, %cond3A_32 : i32
    scf.if %cond3A_33 {
      %mul3A_48 = arith.constant 625 : i32
      %mul3A_49 = arith.muli %arg1, %mul3A_48 : i32
      %add3A_50 = arith.constant 0 : i32
      %add3A_51 = arith.addi %mul3A_49, %add3A_50 : i32
      "tpu.region"() ({
        %run_scoped3A = tpu.sem_alloc : memref<!tpu.dma_semaphore, #tpu.memory_space<semaphore_mem>>
        %dma_start3A = arith.constant 0 : i32
        %dma_start3A_52 = arith.constant 0 : i32
        %dma_start3A_53 = tpu.memref_slice %arg8[%dma_start3A, %dma_start3A_52] : memref<500x64xf32, #tpu.memory_space<vmem>> -> memref<500x64xf32, #tpu.memory_space<vmem>>
        %dma_start3A_54 = arith.constant 0 : i32
        %dma_start3A_55 = tpu.memref_slice %arg5[%add3A_51, %dma_start3A_54] : memref<10000x64xf32, #tpu.memory_space<hbm>> -> memref<500x64xf32, #tpu.memory_space<hbm>>
        %dma_start3A_56 = arith.constant 0 : i32
        %dma_start3A_57 = tpu.memref_slice %arg5[%add3A_51, %dma_start3A_56] : memref<10000x64xf32, #tpu.memory_space<hbm>> -> memref<500x64xf32, #tpu.memory_space<hbm>>
        %dma_start3A_58 = arith.constant 0 : i32
        %dma_start3A_59 = arith.constant 0 : i32
        %dma_start3A_60 = tpu.memref_slice %arg8[%dma_start3A_58, %dma_start3A_59] : memref<500x64xf32, #tpu.memory_space<vmem>> -> memref<500x64xf32, #tpu.memory_space<vmem>>
        tpu.enqueue_dma source(%dma_start3A_60 : memref<500x64xf32, #tpu.memory_space<vmem>>) target(%dma_start3A_57 : memref<500x64xf32, #tpu.memory_space<hbm>>) target_semaphore(%run_scoped3A : memref<!tpu.dma_semaphore, #tpu.memory_space<semaphore_mem>>)
        %dma_wait3A = arith.constant 0 : i32
        %dma_wait3A_61 = arith.constant 0 : i32
        %dma_wait3A_62 = tpu.memref_slice %arg8[%dma_wait3A, %dma_wait3A_61] : memref<500x64xf32, #tpu.memory_space<vmem>> -> memref<500x64xf32, #tpu.memory_space<vmem>>
        %dma_wait3A_63 = arith.constant 0 : i32
        %dma_wait3A_64 = tpu.memref_slice %arg5[%add3A_51, %dma_wait3A_63] : memref<10000x64xf32, #tpu.memory_space<hbm>> -> memref<500x64xf32, #tpu.memory_space<hbm>>
        %dma_wait3A_65 = arith.constant 0 : i32
        %dma_wait3A_66 = tpu.memref_slice %arg5[%add3A_51, %dma_wait3A_65] : memref<10000x64xf32, #tpu.memory_space<hbm>> -> memref<500x64xf32, #tpu.memory_space<hbm>>
        %dma_wait3A_67 = arith.constant 0 : i32
        %dma_wait3A_68 = arith.constant 0 : i32
        %dma_wait3A_69 = tpu.memref_slice %arg8[%dma_wait3A_67, %dma_wait3A_68] : memref<500x64xf32, #tpu.memory_space<vmem>> -> memref<500x64xf32, #tpu.memory_space<vmem>>
        tpu.wait_dma2 semaphore(%run_scoped3A : memref<!tpu.dma_semaphore, #tpu.memory_space<semaphore_mem>>) src(%dma_wait3A_69 : memref<500x64xf32, #tpu.memory_space<vmem>>) dst(%dma_wait3A_66 : memref<500x64xf32, #tpu.memory_space<hbm>>)
        tpu.yield
      }) : () -> ()
    } else {
    }
    %mul3A_34 = arith.constant 625 : i32
    %mul3A_35 = arith.muli %arg1, %mul3A_34 : i32
    %add3A_36 = arith.constant 500 : i32
    %add3A_37 = arith.addi %mul3A_35, %add3A_36 : i32
    "tpu.region"() ({
      %run_scoped3A = tpu.sem_alloc : memref<!tpu.dma_semaphore, #tpu.memory_space<semaphore_mem>>
      %dma_start3A = arith.constant 0 : i32
      %dma_start3A_48 = arith.constant 0 : i32
      %dma_start3A_49 = tpu.memref_slice %arg8[%dma_start3A, %dma_start3A_48] : memref<500x64xf32, #tpu.memory_space<vmem>> -> memref<125x64xf32, #tpu.memory_space<vmem>>
      %dma_start3A_50 = arith.constant 0 : i32
      %dma_start3A_51 = tpu.memref_slice %arg6[%add3A_37, %dma_start3A_50] : memref<10000x64xf32, #tpu.memory_space<vmem_shared>> -> memref<125x64xf32, #tpu.memory_space<vmem_shared>>
      %dma_start3A_52 = arith.constant 0 : i32
      %dma_start3A_53 = arith.constant 0 : i32
      %dma_start3A_54 = tpu.memref_slice %arg8[%dma_start3A_52, %dma_start3A_53] : memref<500x64xf32, #tpu.memory_space<vmem>> -> memref<125x64xf32, #tpu.memory_space<vmem>>
      %dma_start3A_55 = arith.constant 0 : i32
      %dma_start3A_56 = tpu.memref_slice %arg6[%add3A_37, %dma_start3A_55] : memref<10000x64xf32, #tpu.memory_space<vmem_shared>> -> memref<125x64xf32, #tpu.memory_space<vmem_shared>>
      tpu.enqueue_dma source(%dma_start3A_56 : memref<125x64xf32, #tpu.memory_space<vmem_shared>>) target(%dma_start3A_54 : memref<125x64xf32, #tpu.memory_space<vmem>>) target_semaphore(%run_scoped3A : memref<!tpu.dma_semaphore, #tpu.memory_space<semaphore_mem>>)
      %dma_wait3A = arith.constant 0 : i32
      %dma_wait3A_57 = arith.constant 0 : i32
      %dma_wait3A_58 = tpu.memref_slice %arg8[%dma_wait3A, %dma_wait3A_57] : memref<500x64xf32, #tpu.memory_space<vmem>> -> memref<125x64xf32, #tpu.memory_space<vmem>>
      %dma_wait3A_59 = arith.constant 0 : i32
      %dma_wait3A_60 = tpu.memref_slice %arg6[%add3A_37, %dma_wait3A_59] : memref<10000x64xf32, #tpu.memory_space<vmem_shared>> -> memref<125x64xf32, #tpu.memory_space<vmem_shared>>
      %dma_wait3A_61 = arith.constant 0 : i32
      %dma_wait3A_62 = arith.constant 0 : i32
      %dma_wait3A_63 = tpu.memref_slice %arg8[%dma_wait3A_61, %dma_wait3A_62] : memref<500x64xf32, #tpu.memory_space<vmem>> -> memref<125x64xf32, #tpu.memory_space<vmem>>
      %dma_wait3A_64 = arith.constant 0 : i32
      %dma_wait3A_65 = tpu.memref_slice %arg6[%add3A_37, %dma_wait3A_64] : memref<10000x64xf32, #tpu.memory_space<vmem_shared>> -> memref<125x64xf32, #tpu.memory_space<vmem_shared>>
      tpu.wait_dma2 semaphore(%run_scoped3A : memref<!tpu.dma_semaphore, #tpu.memory_space<semaphore_mem>>) src(%dma_wait3A_65 : memref<125x64xf32, #tpu.memory_space<vmem_shared>>) dst(%dma_wait3A_63 : memref<125x64xf32, #tpu.memory_space<vmem>>)
      tpu.yield
    }) : () -> ()
    %eq3A_38 = arith.constant 0 : i32
    %eq3A_39 = arith.cmpi eq, %arg0, %eq3A_38 : i32
    %convert_element_type3A_40 = arith.extui %eq3A_39 : i1 to i32
    %cond3A_41 = arith.constant 0 : i32
    %cond3A_42 = arith.cmpi ne, %convert_element_type3A_40, %cond3A_41 : i32
    scf.if %cond3A_42 {
      %mul3A_48 = arith.constant 625 : i32
      %mul3A_49 = arith.muli %arg1, %mul3A_48 : i32
      %add3A_50 = arith.constant 500 : i32
      %add3A_51 = arith.addi %mul3A_49, %add3A_50 : i32
      "tpu.region"() ({
        %run_scoped3A = tpu.sem_alloc : memref<!tpu.dma_semaphore, #tpu.memory_space<semaphore_mem>>
        %dma_start3A = arith.constant 0 : i32
        %dma_start3A_52 = arith.constant 0 : i32
        %dma_start3A_53 = tpu.memref_slice %arg8[%dma_start3A, %dma_start3A_52] : memref<500x64xf32, #tpu.memory_space<vmem>> -> memref<125x64xf32, #tpu.memory_space<vmem>>
        %dma_start3A_54 = arith.constant 0 : i32
        %dma_start3A_55 = tpu.memref_slice %arg4[%add3A_51, %dma_start3A_54] : memref<10000x64xf32, #tpu.memory_space<hbm>> -> memref<125x64xf32, #tpu.memory_space<hbm>>
        %dma_start3A_56 = arith.constant 0 : i32
        %dma_start3A_57 = tpu.memref_slice %arg4[%add3A_51, %dma_start3A_56] : memref<10000x64xf32, #tpu.memory_space<hbm>> -> memref<125x64xf32, #tpu.memory_space<hbm>>
        %dma_start3A_58 = arith.constant 0 : i32
        %dma_start3A_59 = arith.constant 0 : i32
        %dma_start3A_60 = tpu.memref_slice %arg8[%dma_start3A_58, %dma_start3A_59] : memref<500x64xf32, #tpu.memory_space<vmem>> -> memref<125x64xf32, #tpu.memory_space<vmem>>
        tpu.enqueue_dma source(%dma_start3A_60 : memref<125x64xf32, #tpu.memory_space<vmem>>) target(%dma_start3A_57 : memref<125x64xf32, #tpu.memory_space<hbm>>) target_semaphore(%run_scoped3A : memref<!tpu.dma_semaphore, #tpu.memory_space<semaphore_mem>>)
        %dma_wait3A = arith.constant 0 : i32
        %dma_wait3A_61 = arith.constant 0 : i32
        %dma_wait3A_62 = tpu.memref_slice %arg8[%dma_wait3A, %dma_wait3A_61] : memref<500x64xf32, #tpu.memory_space<vmem>> -> memref<125x64xf32, #tpu.memory_space<vmem>>
        %dma_wait3A_63 = arith.constant 0 : i32
        %dma_wait3A_64 = tpu.memref_slice %arg4[%add3A_51, %dma_wait3A_63] : memref<10000x64xf32, #tpu.memory_space<hbm>> -> memref<125x64xf32, #tpu.memory_space<hbm>>
        %dma_wait3A_65 = arith.constant 0 : i32
        %dma_wait3A_66 = tpu.memref_slice %arg4[%add3A_51, %dma_wait3A_65] : memref<10000x64xf32, #tpu.memory_space<hbm>> -> memref<125x64xf32, #tpu.memory_space<hbm>>
        %dma_wait3A_67 = arith.constant 0 : i32
        %dma_wait3A_68 = arith.constant 0 : i32
        %dma_wait3A_69 = tpu.memref_slice %arg8[%dma_wait3A_67, %dma_wait3A_68] : memref<500x64xf32, #tpu.memory_space<vmem>> -> memref<125x64xf32, #tpu.memory_space<vmem>>
        tpu.wait_dma2 semaphore(%run_scoped3A : memref<!tpu.dma_semaphore, #tpu.memory_space<semaphore_mem>>) src(%dma_wait3A_69 : memref<125x64xf32, #tpu.memory_space<vmem>>) dst(%dma_wait3A_66 : memref<125x64xf32, #tpu.memory_space<hbm>>)
        tpu.yield
      }) : () -> ()
    } else {
    }
    %eq3A_43 = arith.constant 1 : i32
    %eq3A_44 = arith.cmpi eq, %arg0, %eq3A_43 : i32
    %convert_element_type3A_45 = arith.extui %eq3A_44 : i1 to i32
    %cond3A_46 = arith.constant 0 : i32
    %cond3A_47 = arith.cmpi ne, %convert_element_type3A_45, %cond3A_46 : i32
    scf.if %cond3A_47 {
      %mul3A_48 = arith.constant 625 : i32
      %mul3A_49 = arith.muli %arg1, %mul3A_48 : i32
      %add3A_50 = arith.constant 500 : i32
      %add3A_51 = arith.addi %mul3A_49, %add3A_50 : i32
      "tpu.region"() ({
        %run_scoped3A = tpu.sem_alloc : memref<!tpu.dma_semaphore, #tpu.memory_space<semaphore_mem>>
        %dma_start3A = arith.constant 0 : i32
        %dma_start3A_52 = arith.constant 0 : i32
        %dma_start3A_53 = tpu.memref_slice %arg8[%dma_start3A, %dma_start3A_52] : memref<500x64xf32, #tpu.memory_space<vmem>> -> memref<125x64xf32, #tpu.memory_space<vmem>>
        %dma_start3A_54 = arith.constant 0 : i32
        %dma_start3A_55 = tpu.memref_slice %arg5[%add3A_51, %dma_start3A_54] : memref<10000x64xf32, #tpu.memory_space<hbm>> -> memref<125x64xf32, #tpu.memory_space<hbm>>
        %dma_start3A_56 = arith.constant 0 : i32
        %dma_start3A_57 = tpu.memref_slice %arg5[%add3A_51, %dma_start3A_56] : memref<10000x64xf32, #tpu.memory_space<hbm>> -> memref<125x64xf32, #tpu.memory_space<hbm>>
        %dma_start3A_58 = arith.constant 0 : i32
        %dma_start3A_59 = arith.constant 0 : i32
        %dma_start3A_60 = tpu.memref_slice %arg8[%dma_start3A_58, %dma_start3A_59] : memref<500x64xf32, #tpu.memory_space<vmem>> -> memref<125x64xf32, #tpu.memory_space<vmem>>
        tpu.enqueue_dma source(%dma_start3A_60 : memref<125x64xf32, #tpu.memory_space<vmem>>) target(%dma_start3A_57 : memref<125x64xf32, #tpu.memory_space<hbm>>) target_semaphore(%run_scoped3A : memref<!tpu.dma_semaphore, #tpu.memory_space<semaphore_mem>>)
        %dma_wait3A = arith.constant 0 : i32
        %dma_wait3A_61 = arith.constant 0 : i32
        %dma_wait3A_62 = tpu.memref_slice %arg8[%dma_wait3A, %dma_wait3A_61] : memref<500x64xf32, #tpu.memory_space<vmem>> -> memref<125x64xf32, #tpu.memory_space<vmem>>
        %dma_wait3A_63 = arith.constant 0 : i32
        %dma_wait3A_64 = tpu.memref_slice %arg5[%add3A_51, %dma_wait3A_63] : memref<10000x64xf32, #tpu.memory_space<hbm>> -> memref<125x64xf32, #tpu.memory_space<hbm>>
        %dma_wait3A_65 = arith.constant 0 : i32
        %dma_wait3A_66 = tpu.memref_slice %arg5[%add3A_51, %dma_wait3A_65] : memref<10000x64xf32, #tpu.memory_space<hbm>> -> memref<125x64xf32, #tpu.memory_space<hbm>>
        %dma_wait3A_67 = arith.constant 0 : i32
        %dma_wait3A_68 = arith.constant 0 : i32
        %dma_wait3A_69 = tpu.memref_slice %arg8[%dma_wait3A_67, %dma_wait3A_68] : memref<500x64xf32, #tpu.memory_space<vmem>> -> memref<125x64xf32, #tpu.memory_space<vmem>>
        tpu.wait_dma2 semaphore(%run_scoped3A : memref<!tpu.dma_semaphore, #tpu.memory_space<semaphore_mem>>) src(%dma_wait3A_69 : memref<125x64xf32, #tpu.memory_space<vmem>>) dst(%dma_wait3A_66 : memref<125x64xf32, #tpu.memory_space<hbm>>)
        tpu.yield
      }) : () -> ()
    } else {
    }
    return
  }
}

module attributes {stable_mosaic.version = 14 : i64} {
  func.func @_k1_body(%arg0: i32, %arg1: memref<1280x128xf32, #tpu.memory_space<vmem>>, %arg2: memref<1280x128xf32, #tpu.memory_space<vmem>>, %arg3: memref<1280x128xf32, #tpu.memory_space<vmem>>, %arg4: memref<128x128xf32, #tpu.memory_space<vmem>>, %arg5: memref<1x128xf32, #tpu.memory_space<vmem>>, %arg6: memref<128x128xf32, #tpu.memory_space<vmem>>, %arg7: memref<1x128xf32, #tpu.memory_space<vmem>>, %arg8: memref<128x192xf32, #tpu.memory_space<vmem>>, %arg9: memref<1x192xf32, #tpu.memory_space<vmem>>, %arg10: memref<128x128xf32, #tpu.memory_space<vmem>>, %arg11: memref<256x256xf32, #tpu.memory_space<vmem>>, %arg12: memref<1x128xf32, #tpu.memory_space<vmem>>, %arg13: memref<1x128xf32, #tpu.memory_space<vmem>>, %arg14: memref<1x128xf32, #tpu.memory_space<vmem>>, %arg15: memref<128x8xf32, #tpu.memory_space<vmem>>, %arg16: memref<1280x32xf32, #tpu.memory_space<vmem>>, %arg17: memref<1280x128xf32, #tpu.memory_space<vmem>>) attributes {dimension_semantics = [#tpu.dimension_semantics<arbitrary>], iteration_bounds = array<i64: 125>, scalar_prefetch = 0 : i64, scratch_operands = 0 : i64, tpu.core_type = #tpu.core_type<tc>, window_params = [{transform_indices = @transform_0, window_bounds = array<i64: 1280, 128>}, {transform_indices = @transform_1, window_bounds = array<i64: 1280, 128>}, {transform_indices = @transform_2, window_bounds = array<i64: 1280, 128>}, {pipeline_mode = #tpu.pipeline_mode<synchronous>, transform_indices = @transform_3, window_bounds = array<i64: 128, 128>}, {pipeline_mode = #tpu.pipeline_mode<synchronous>, transform_indices = @transform_4, window_bounds = array<i64: 1, 128>}, {pipeline_mode = #tpu.pipeline_mode<synchronous>, transform_indices = @transform_5, window_bounds = array<i64: 128, 128>}, {pipeline_mode = #tpu.pipeline_mode<synchronous>, transform_indices = @transform_6, window_bounds = array<i64: 1, 128>}, {pipeline_mode = #tpu.pipeline_mode<synchronous>, transform_indices = @transform_7, window_bounds = array<i64: 128, 192>}, {pipeline_mode = #tpu.pipeline_mode<synchronous>, transform_indices = @transform_8, window_bounds = array<i64: 1, 192>}, {pipeline_mode = #tpu.pipeline_mode<synchronous>, transform_indices = @transform_9, window_bounds = array<i64: 128, 128>}, {pipeline_mode = #tpu.pipeline_mode<synchronous>, transform_indices = @transform_10, window_bounds = array<i64: 256, 256>}, {pipeline_mode = #tpu.pipeline_mode<synchronous>, transform_indices = @transform_11, window_bounds = array<i64: 1, 128>}, {pipeline_mode = #tpu.pipeline_mode<synchronous>, transform_indices = @transform_12, window_bounds = array<i64: 1, 128>}, {pipeline_mode = #tpu.pipeline_mode<synchronous>, transform_indices = @transform_13, window_bounds = array<i64: 1, 128>}, {pipeline_mode = #tpu.pipeline_mode<synchronous>, transform_indices = @transform_14, window_bounds = array<i64: 128, 8>}, {transform_indices = @transform_15, window_bounds = array<i64: 1280, 32>}, {transform_indices = @transform_16, window_bounds = array<i64: 1280, 128>}]} {
    %get3A = arith.constant 0 : index
    %get3A_0 = arith.constant 0 : index
    %get3A_1 = vector.load %arg1[%get3A, %get3A_0] : memref<1280x128xf32, #tpu.memory_space<vmem>>, vector<1280x128xf32>
    %get3A_2 = arith.constant 0 : index
    %get3A_3 = arith.constant 0 : index
    %get3A_4 = vector.load %arg4[%get3A_2, %get3A_3] : memref<128x128xf32, #tpu.memory_space<vmem>>, vector<128x128xf32>
    %dot_general3A = arith.constant dense<0.000000e+00> : vector<1280x128xf32>
    %dot_general3A_5 = tpu.matmul %get3A_1, %get3A_4, %dot_general3A {dimension_numbers = #tpu.dot_dimension_numbers<[1], [0], [0], [1], [0, 0, 1, 1], [], []>, transpose_lhs_hint = false} : vector<1280x128xf32>, vector<128x128xf32>, vector<1280x128xf32> -> vector<1280x128xf32>
    %get3A_6 = arith.constant 0 : index
    %get3A_7 = arith.constant 0 : index
    %get3A_8 = vector.load %arg5[%get3A_6, %get3A_7] : memref<1x128xf32, #tpu.memory_space<vmem>>, vector<1x128xf32>
    %add3A = vector.broadcast %get3A_8 : vector<1x128xf32> to vector<1280x128xf32>
    %add3A_9 = arith.addf %dot_general3A_5, %add3A : vector<1280x128xf32>
    %logistic3A = arith.negf %add3A_9 : vector<1280x128xf32>
    %logistic3A_10 = math.exp %logistic3A : vector<1280x128xf32>
    %logistic3A_11 = arith.constant 1.000000e+00 : f32
    %logistic3A_12 = vector.broadcast %logistic3A_11 : f32 to vector<1280x128xf32>
    %logistic3A_13 = arith.addf %logistic3A_12, %logistic3A_10 : vector<1280x128xf32>
    %logistic3A_14 = arith.divf %logistic3A_12, %logistic3A_13 : vector<1280x128xf32>
    %mul3A = arith.mulf %add3A_9, %logistic3A_14 : vector<1280x128xf32>
    %get3A_15 = arith.constant 0 : index
    %get3A_16 = arith.constant 0 : index
    %get3A_17 = vector.load %arg6[%get3A_15, %get3A_16] : memref<128x128xf32, #tpu.memory_space<vmem>>, vector<128x128xf32>
    %dot_general3A_18 = arith.constant dense<0.000000e+00> : vector<1280x128xf32>
    %dot_general3A_19 = tpu.matmul %mul3A, %get3A_17, %dot_general3A_18 {dimension_numbers = #tpu.dot_dimension_numbers<[1], [0], [0], [1], [0, 0, 1, 1], [], []>, transpose_lhs_hint = false} : vector<1280x128xf32>, vector<128x128xf32>, vector<1280x128xf32> -> vector<1280x128xf32>
    %get3A_20 = arith.constant 0 : index
    %get3A_21 = arith.constant 0 : index
    %get3A_22 = vector.load %arg7[%get3A_20, %get3A_21] : memref<1x128xf32, #tpu.memory_space<vmem>>, vector<1x128xf32>
    %add3A_23 = vector.broadcast %get3A_22 : vector<1x128xf32> to vector<1280x128xf32>
    %add3A_24 = arith.addf %dot_general3A_19, %add3A_23 : vector<1280x128xf32>
    %logistic3A_25 = arith.negf %add3A_24 : vector<1280x128xf32>
    %logistic3A_26 = math.exp %logistic3A_25 : vector<1280x128xf32>
    %logistic3A_27 = arith.constant 1.000000e+00 : f32
    %logistic3A_28 = vector.broadcast %logistic3A_27 : f32 to vector<1280x128xf32>
    %logistic3A_29 = arith.addf %logistic3A_28, %logistic3A_26 : vector<1280x128xf32>
    %logistic3A_30 = arith.divf %logistic3A_28, %logistic3A_29 : vector<1280x128xf32>
    %mul3A_31 = arith.mulf %add3A_24, %logistic3A_30 : vector<1280x128xf32>
    %swap3A = arith.constant 0 : index
    %swap3A_32 = arith.constant 0 : index
    %swap3A_33 = vector.load %arg17[%swap3A, %swap3A_32] : memref<1280x128xf32, #tpu.memory_space<vmem>>, vector<1280x128xf32>
    tpu.vector_store %arg17[%swap3A, %swap3A_32], %mul3A_31 {strides = array<i32>} : memref<1280x128xf32, #tpu.memory_space<vmem>>, vector<1280x128xf32>,
    %get3A_34 = arith.constant 0 : index
    %get3A_35 = arith.constant 0 : index
    %get3A_36 = vector.load %arg8[%get3A_34, %get3A_35] : memref<128x192xf32, #tpu.memory_space<vmem>>, vector<128x192xf32>
    %dot_general3A_37 = arith.constant dense<0.000000e+00> : vector<1280x192xf32>
    %dot_general3A_38 = tpu.matmul %mul3A_31, %get3A_36, %dot_general3A_37 {dimension_numbers = #tpu.dot_dimension_numbers<[1], [0], [0], [1], [0, 0, 1, 1], [], []>, transpose_lhs_hint = false} : vector<1280x128xf32>, vector<128x192xf32>, vector<1280x192xf32> -> vector<1280x192xf32>
    %get3A_39 = arith.constant 0 : index
    %get3A_40 = arith.constant 0 : index
    %get3A_41 = vector.load %arg9[%get3A_39, %get3A_40] : memref<1x192xf32, #tpu.memory_space<vmem>>, vector<1x192xf32>
    %add3A_42 = vector.broadcast %get3A_41 : vector<1x192xf32> to vector<1280x192xf32>
    %add3A_43 = arith.addf %dot_general3A_38, %add3A_42 : vector<1280x192xf32>
    %slice3A = vector.extract_strided_slice %add3A_43 {offsets = [0, 0], sizes = [1280, 64], strides = [1, 1]} : vector<1280x192xf32> to vector<1280x64xf32>
    %slice3A_44 = vector.extract_strided_slice %add3A_43 {offsets = [0, 96], sizes = [1280, 64], strides = [1, 1]} : vector<1280x192xf32> to vector<1280x64xf32>
    %concatenate3A = tpu.concatenate %slice3A, %slice3A_44 in 1 : vector<1280x64xf32>, vector<1280x64xf32> -> vector<1280x128xf32>
    %get3A_45 = arith.constant 0 : index
    %get3A_46 = arith.constant 0 : index
    %get3A_47 = vector.load %arg2[%get3A_45, %get3A_46] : memref<1280x128xf32, #tpu.memory_space<vmem>>, vector<1280x128xf32>
    %get3A_48 = arith.constant 0 : index
    %get3A_49 = arith.constant 0 : index
    %get3A_50 = vector.load %arg3[%get3A_48, %get3A_49] : memref<1280x128xf32, #tpu.memory_space<vmem>>, vector<1280x128xf32>
    %slice3A_51 = vector.extract_strided_slice %get3A_47 {offsets = [0, 0], sizes = [1280, 16], strides = [1, 1]} : vector<1280x128xf32> to vector<1280x16xf32>
    %slice3A_52 = vector.extract_strided_slice %get3A_50 {offsets = [0, 0], sizes = [1280, 16], strides = [1, 1]} : vector<1280x128xf32> to vector<1280x16xf32>
    %slice3A_53 = vector.extract_strided_slice %get3A_47 {offsets = [0, 32], sizes = [1280, 16], strides = [1, 1]} : vector<1280x128xf32> to vector<1280x16xf32>
    %slice3A_54 = vector.extract_strided_slice %get3A_50 {offsets = [0, 32], sizes = [1280, 16], strides = [1, 1]} : vector<1280x128xf32> to vector<1280x16xf32>
    %slice3A_55 = vector.extract_strided_slice %get3A_47 {offsets = [0, 64], sizes = [1280, 16], strides = [1, 1]} : vector<1280x128xf32> to vector<1280x16xf32>
    %slice3A_56 = vector.extract_strided_slice %get3A_50 {offsets = [0, 64], sizes = [1280, 16], strides = [1, 1]} : vector<1280x128xf32> to vector<1280x16xf32>
    %slice3A_57 = vector.extract_strided_slice %get3A_47 {offsets = [0, 96], sizes = [1280, 16], strides = [1, 1]} : vector<1280x128xf32> to vector<1280x16xf32>
    %slice3A_58 = vector.extract_strided_slice %get3A_50 {offsets = [0, 96], sizes = [1280, 16], strides = [1, 1]} : vector<1280x128xf32> to vector<1280x16xf32>
    %concatenate3A_59 = tpu.concatenate %slice3A_51, %slice3A_52, %slice3A_53, %slice3A_54, %slice3A_55, %slice3A_56, %slice3A_57, %slice3A_58 in 1 : vector<1280x16xf32>, vector<1280x16xf32>, vector<1280x16xf32>, vector<1280x16xf32>, vector<1280x16xf32>, vector<1280x16xf32>, vector<1280x16xf32>, vector<1280x16xf32> -> vector<1280x128xf32>
    %mul3A_60 = arith.mulf %concatenate3A_59, %concatenate3A : vector<1280x128xf32>
    %get3A_61 = arith.constant 0 : index
    %get3A_62 = arith.constant 0 : index
    %get3A_63 = vector.load %arg10[%get3A_61, %get3A_62] : memref<128x128xf32, #tpu.memory_space<vmem>>, vector<128x128xf32>
    %dot_general3A_64 = arith.constant dense<0.000000e+00> : vector<1280x128xf32>
    %dot_general3A_65 = tpu.matmul %mul3A_60, %get3A_63, %dot_general3A_64 {dimension_numbers = #tpu.dot_dimension_numbers<[1], [0], [0], [1], [0, 0, 1, 1], [], []>, transpose_lhs_hint = false} : vector<1280x128xf32>, vector<128x128xf32>, vector<1280x128xf32> -> vector<1280x128xf32>
    %mul3A_66 = arith.mulf %dot_general3A_65, %dot_general3A_65 : vector<1280x128xf32>
    %concatenate3A_67 = tpu.concatenate %dot_general3A_65, %mul3A_66 in 1 : vector<1280x128xf32>, vector<1280x128xf32> -> vector<1280x256xf32>
    %get3A_68 = arith.constant 0 : index
    %get3A_69 = arith.constant 0 : index
    %get3A_70 = vector.load %arg11[%get3A_68, %get3A_69] : memref<256x256xf32, #tpu.memory_space<vmem>>, vector<256x256xf32>
    %dot_general3A_71 = arith.constant dense<0.000000e+00> : vector<1280x256xf32>
    %dot_general3A_72 = tpu.matmul %concatenate3A_67, %get3A_70, %dot_general3A_71 {dimension_numbers = #tpu.dot_dimension_numbers<[1], [0], [0], [1], [0, 0, 1, 1], [], []>, transpose_lhs_hint = false} : vector<1280x256xf32>, vector<256x256xf32>, vector<1280x256xf32> -> vector<1280x256xf32>
    %slice3A_73 = vector.extract_strided_slice %dot_general3A_72 {offsets = [0, 0], sizes = [1280, 64], strides = [1, 1]} : vector<1280x256xf32> to vector<1280x64xf32>
    %slice3A_74 = vector.extract_strided_slice %dot_general3A_72 {offsets = [0, 128], sizes = [1280, 64], strides = [1, 1]} : vector<1280x256xf32> to vector<1280x64xf32>
    %concatenate3A_75 = tpu.concatenate %slice3A_73, %slice3A_74 in 1 : vector<1280x64xf32>, vector<1280x64xf32> -> vector<1280x128xf32>
    %slice3A_76 = vector.extract_strided_slice %dot_general3A_72 {offsets = [0, 64], sizes = [1280, 64], strides = [1, 1]} : vector<1280x256xf32> to vector<1280x64xf32>
    %slice3A_77 = vector.extract_strided_slice %dot_general3A_72 {offsets = [0, 192], sizes = [1280, 64], strides = [1, 1]} : vector<1280x256xf32> to vector<1280x64xf32>
    %concatenate3A_78 = tpu.concatenate %slice3A_76, %slice3A_77 in 1 : vector<1280x64xf32>, vector<1280x64xf32> -> vector<1280x128xf32>
    %mul3A_79 = arith.mulf %concatenate3A_75, %concatenate3A_75 : vector<1280x128xf32>
    %sub3A = arith.subf %concatenate3A_78, %mul3A_79 : vector<1280x128xf32>
    %sub3A_80 = arith.subf %dot_general3A_65, %concatenate3A_75 : vector<1280x128xf32>
    %add3A_81 = arith.constant 9.99999974E-6 : f32
    %add3A_82 = vector.broadcast %add3A_81 : f32 to vector<1280x128xf32>
    %add3A_83 = arith.addf %sub3A, %add3A_82 : vector<1280x128xf32>
    %rsqrt3A = math.rsqrt %add3A_83 : vector<1280x128xf32>
    %mul3A_84 = arith.mulf %sub3A_80, %rsqrt3A : vector<1280x128xf32>
    %get3A_85 = arith.constant 0 : index
    %get3A_86 = arith.constant 0 : index
    %get3A_87 = vector.load %arg12[%get3A_85, %get3A_86] : memref<1x128xf32, #tpu.memory_space<vmem>>, vector<1x128xf32>
    %mul3A_88 = vector.broadcast %get3A_87 : vector<1x128xf32> to vector<1280x128xf32>
    %mul3A_89 = arith.mulf %mul3A_84, %mul3A_88 : vector<1280x128xf32>
    %get3A_90 = arith.constant 0 : index
    %get3A_91 = arith.constant 0 : index
    %get3A_92 = vector.load %arg13[%get3A_90, %get3A_91] : memref<1x128xf32, #tpu.memory_space<vmem>>, vector<1x128xf32>
    %add3A_93 = vector.broadcast %get3A_92 : vector<1x128xf32> to vector<1280x128xf32>
    %add3A_94 = arith.addf %mul3A_89, %add3A_93 : vector<1280x128xf32>
    %mul3A_95 = arith.constant 8.000000e-01 : f32
    %mul3A_96 = vector.broadcast %mul3A_95 : f32 to vector<1280x128xf32>
    %mul3A_97 = arith.mulf %mul3A_96, %add3A_94 : vector<1280x128xf32>
    %logistic3A_98 = arith.negf %add3A_94 : vector<1280x128xf32>
    %logistic3A_99 = math.exp %logistic3A_98 : vector<1280x128xf32>
    %logistic3A_100 = arith.constant 1.000000e+00 : f32
    %logistic3A_101 = vector.broadcast %logistic3A_100 : f32 to vector<1280x128xf32>
    %logistic3A_102 = arith.addf %logistic3A_101, %logistic3A_99 : vector<1280x128xf32>
    %logistic3A_103 = arith.divf %logistic3A_101, %logistic3A_102 : vector<1280x128xf32>
    %mul3A_104 = arith.mulf %mul3A_97, %logistic3A_103 : vector<1280x128xf32>
    %mul3A_105 = arith.constant 2.000000e-01 : f32
    %mul3A_106 = vector.broadcast %mul3A_105 : f32 to vector<1280x128xf32>
    %mul3A_107 = arith.mulf %mul3A_106, %add3A_94 : vector<1280x128xf32>
    %add3A_108 = arith.addf %mul3A_104, %mul3A_107 : vector<1280x128xf32>
    %get3A_109 = arith.constant 0 : index
    %get3A_110 = arith.constant 0 : index
    %get3A_111 = vector.load %arg14[%get3A_109, %get3A_110] : memref<1x128xf32, #tpu.memory_space<vmem>>, vector<1x128xf32>
    %mul3A_112 = vector.broadcast %get3A_111 : vector<1x128xf32> to vector<1280x128xf32>
    %mul3A_113 = arith.mulf %add3A_108, %mul3A_112 : vector<1280x128xf32>
    %get3A_114 = arith.constant 0 : index
    %get3A_115 = arith.constant 0 : index
    %get3A_116 = vector.load %arg15[%get3A_114, %get3A_115] : memref<128x8xf32, #tpu.memory_space<vmem>>, vector<128x8xf32>
    %dot_general3A_117 = arith.constant dense<0.000000e+00> : vector<1280x8xf32>
    %dot_general3A_118 = tpu.matmul %mul3A_113, %get3A_116, %dot_general3A_117 {dimension_numbers = #tpu.dot_dimension_numbers<[1], [0], [0], [1], [0, 0, 1, 1], [], []>, transpose_lhs_hint = false} : vector<1280x128xf32>, vector<128x8xf32>, vector<1280x8xf32> -> vector<1280x8xf32>
    %exp3A = math.exp %dot_general3A_118 : vector<1280x8xf32>
    %broadcast_in_dim3A = arith.constant 0.000000e+00 : f32
    %broadcast_in_dim3A_119 = vector.broadcast %broadcast_in_dim3A : f32 to vector<1280x12xf32>
    %slice3A_120 = vector.extract_strided_slice %exp3A {offsets = [0, 0], sizes = [1280, 4], strides = [1, 1]} : vector<1280x8xf32> to vector<1280x4xf32>
    %slice3A_121 = vector.extract_strided_slice %exp3A {offsets = [0, 4], sizes = [1280, 4], strides = [1, 1]} : vector<1280x8xf32> to vector<1280x4xf32>
    %concatenate3A_122 = tpu.concatenate %slice3A_120, %broadcast_in_dim3A_119, %slice3A_121, %broadcast_in_dim3A_119 in 1 : vector<1280x4xf32>, vector<1280x12xf32>, vector<1280x4xf32>, vector<1280x12xf32> -> vector<1280x32xf32>
    %swap3A_123 = arith.constant 0 : index
    %swap3A_124 = arith.constant 0 : index
    %swap3A_125 = vector.load %arg16[%swap3A_123, %swap3A_124] : memref<1280x32xf32, #tpu.memory_space<vmem>>, vector<1280x32xf32>
    tpu.vector_store %arg16[%swap3A_123, %swap3A_124], %concatenate3A_122 {strides = array<i32>} : memref<1280x32xf32, #tpu.memory_space<vmem>>, vector<1280x32xf32>,
    return
  }
  func.func @transform_0(%arg0: i32) -> (i32, i32) {
    %c0_i32 = arith.constant 0 : i32
    %c0_i32_0 = arith.constant 0 : i32
    return %arg0, %c0_i32 : i32, i32
  }
  func.func @transform_1(%arg0: i32) -> (i32, i32) {
    %c0_i32 = arith.constant 0 : i32
    %c0_i32_0 = arith.constant 0 : i32
    return %arg0, %c0_i32 : i32, i32
  }
  func.func @transform_2(%arg0: i32) -> (i32, i32) {
    %c0_i32 = arith.constant 0 : i32
    %c0_i32_0 = arith.constant 0 : i32
    return %arg0, %c0_i32 : i32, i32
  }
  func.func @transform_3(%arg0: i32) -> (i32, i32) {
    %c0_i32 = arith.constant 0 : i32
    %c0_i32_0 = arith.constant 0 : i32
    %c0_i32_1 = arith.constant 0 : i32
    return %c0_i32, %c0_i32_0 : i32, i32
  }
  func.func @transform_4(%arg0: i32) -> (i32, i32) {
    %c0_i32 = arith.constant 0 : i32
    %c0_i32_0 = arith.constant 0 : i32
    %c0_i32_1 = arith.constant 0 : i32
    return %c0_i32, %c0_i32_0 : i32, i32
  }
  func.func @transform_5(%arg0: i32) -> (i32, i32) {
    %c0_i32 = arith.constant 0 : i32
    %c0_i32_0 = arith.constant 0 : i32
    %c0_i32_1 = arith.constant 0 : i32
    return %c0_i32, %c0_i32_0 : i32, i32
  }
  func.func @transform_6(%arg0: i32) -> (i32, i32) {
    %c0_i32 = arith.constant 0 : i32
    %c0_i32_0 = arith.constant 0 : i32
    %c0_i32_1 = arith.constant 0 : i32
    return %c0_i32, %c0_i32_0 : i32, i32
  }
  func.func @transform_7(%arg0: i32) -> (i32, i32) {
    %c0_i32 = arith.constant 0 : i32
    %c0_i32_0 = arith.constant 0 : i32
    %c0_i32_1 = arith.constant 0 : i32
    return %c0_i32, %c0_i32_0 : i32, i32
  }
  func.func @transform_8(%arg0: i32) -> (i32, i32) {
    %c0_i32 = arith.constant 0 : i32
    %c0_i32_0 = arith.constant 0 : i32
    %c0_i32_1 = arith.constant 0 : i32
    return %c0_i32, %c0_i32_0 : i32, i32
  }
  func.func @transform_9(%arg0: i32) -> (i32, i32) {
    %c0_i32 = arith.constant 0 : i32
    %c0_i32_0 = arith.constant 0 : i32
    %c0_i32_1 = arith.constant 0 : i32
    return %c0_i32, %c0_i32_0 : i32, i32
  }
  func.func @transform_10(%arg0: i32) -> (i32, i32) {
    %c0_i32 = arith.constant 0 : i32
    %c0_i32_0 = arith.constant 0 : i32
    %c0_i32_1 = arith.constant 0 : i32
    return %c0_i32, %c0_i32_0 : i32, i32
  }
  func.func @transform_11(%arg0: i32) -> (i32, i32) {
    %c0_i32 = arith.constant 0 : i32
    %c0_i32_0 = arith.constant 0 : i32
    %c0_i32_1 = arith.constant 0 : i32
    return %c0_i32, %c0_i32_0 : i32, i32
  }
  func.func @transform_12(%arg0: i32) -> (i32, i32) {
    %c0_i32 = arith.constant 0 : i32
    %c0_i32_0 = arith.constant 0 : i32
    %c0_i32_1 = arith.constant 0 : i32
    return %c0_i32, %c0_i32_0 : i32, i32
  }
  func.func @transform_13(%arg0: i32) -> (i32, i32) {
    %c0_i32 = arith.constant 0 : i32
    %c0_i32_0 = arith.constant 0 : i32
    %c0_i32_1 = arith.constant 0 : i32
    return %c0_i32, %c0_i32_0 : i32, i32
  }
  func.func @transform_14(%arg0: i32) -> (i32, i32) {
    %c0_i32 = arith.constant 0 : i32
    %c0_i32_0 = arith.constant 0 : i32
    %c0_i32_1 = arith.constant 0 : i32
    return %c0_i32, %c0_i32_0 : i32, i32
  }
  func.func @transform_15(%arg0: i32) -> (i32, i32) {
    %c0_i32 = arith.constant 0 : i32
    %c0_i32_0 = arith.constant 0 : i32
    return %arg0, %c0_i32 : i32, i32
  }
  func.func @transform_16(%arg0: i32) -> (i32, i32) {
    %c0_i32 = arith.constant 0 : i32
    %c0_i32_0 = arith.constant 0 : i32
    return %arg0, %c0_i32 : i32, i32
  }
}

module attributes {stable_mosaic.version = 14 : i64} {
  func.func @_k3_body(%arg0: i32, %arg1: memref<1280x128xf32, #tpu.memory_space<vmem>>, %arg2: memref<1280x128xf32, #tpu.memory_space<vmem>>, %arg3: memref<1280x128xf32, #tpu.memory_space<vmem>>, %arg4: memref<1280x32xf32, #tpu.memory_space<vmem>>, %arg5: memref<1280x32xf32, #tpu.memory_space<vmem>>, %arg6: memref<128x192xf32, #tpu.memory_space<vmem>>, %arg7: memref<1x192xf32, #tpu.memory_space<vmem>>, %arg8: memref<128x192xf32, #tpu.memory_space<vmem>>, %arg9: memref<8x128xf32, #tpu.memory_space<vmem>>, %arg10: memref<128x128xf32, #tpu.memory_space<vmem>>, %arg11: memref<128x256xf32, #tpu.memory_space<vmem>>, %arg12: memref<128x256xf32, #tpu.memory_space<vmem>>, %arg13: memref<512x128xf32, #tpu.memory_space<vmem>>, %arg14: memref<1280x128xf32, #tpu.memory_space<vmem>>) attributes {dimension_semantics = [#tpu.dimension_semantics<arbitrary>], iteration_bounds = array<i64: 125>, scalar_prefetch = 0 : i64, scratch_operands = 0 : i64, tpu.core_type = #tpu.core_type<tc>, window_params = [{transform_indices = @transform_0, window_bounds = array<i64: 1280, 128>}, {transform_indices = @transform_1, window_bounds = array<i64: 1280, 128>}, {transform_indices = @transform_2, window_bounds = array<i64: 1280, 128>}, {transform_indices = @transform_3, window_bounds = array<i64: 1280, 32>}, {transform_indices = @transform_4, window_bounds = array<i64: 1280, 32>}, {pipeline_mode = #tpu.pipeline_mode<synchronous>, transform_indices = @transform_5, window_bounds = array<i64: 128, 192>}, {pipeline_mode = #tpu.pipeline_mode<synchronous>, transform_indices = @transform_6, window_bounds = array<i64: 1, 192>}, {pipeline_mode = #tpu.pipeline_mode<synchronous>, transform_indices = @transform_7, window_bounds = array<i64: 128, 192>}, {pipeline_mode = #tpu.pipeline_mode<synchronous>, transform_indices = @transform_8, window_bounds = array<i64: 8, 128>}, {pipeline_mode = #tpu.pipeline_mode<synchronous>, transform_indices = @transform_9, window_bounds = array<i64: 128, 128>}, {pipeline_mode = #tpu.pipeline_mode<synchronous>, transform_indices = @transform_10, window_bounds = array<i64: 128, 256>}, {pipeline_mode = #tpu.pipeline_mode<synchronous>, transform_indices = @transform_11, window_bounds = array<i64: 128, 256>}, {pipeline_mode = #tpu.pipeline_mode<synchronous>, transform_indices = @transform_12, window_bounds = array<i64: 512, 128>}, {transform_indices = @transform_13, window_bounds = array<i64: 1280, 128>}]} {
    %get3A = arith.constant 0 : index
    %get3A_0 = arith.constant 0 : index
    %get3A_1 = vector.load %arg1[%get3A, %get3A_0] : memref<1280x128xf32, #tpu.memory_space<vmem>>, vector<1280x128xf32>
    %get3A_2 = arith.constant 0 : index
    %get3A_3 = arith.constant 0 : index
    %get3A_4 = vector.load %arg2[%get3A_2, %get3A_3] : memref<1280x128xf32, #tpu.memory_space<vmem>>, vector<1280x128xf32>
    %get3A_5 = arith.constant 0 : index
    %get3A_6 = arith.constant 0 : index
    %get3A_7 = vector.load %arg5[%get3A_5, %get3A_6] : memref<1280x32xf32, #tpu.memory_space<vmem>>, vector<1280x32xf32>
    %get3A_8 = arith.constant 0 : index
    %get3A_9 = arith.constant 0 : index
    %get3A_10 = vector.load %arg4[%get3A_8, %get3A_9] : memref<1280x32xf32, #tpu.memory_space<vmem>>, vector<1280x32xf32>
    %get3A_11 = arith.constant 0 : index
    %get3A_12 = arith.constant 0 : index
    %get3A_13 = vector.load %arg3[%get3A_11, %get3A_12] : memref<1280x128xf32, #tpu.memory_space<vmem>>, vector<1280x128xf32>
    %get3A_14 = arith.constant 0 : index
    %get3A_15 = arith.constant 0 : index
    %get3A_16 = vector.load %arg6[%get3A_14, %get3A_15] : memref<128x192xf32, #tpu.memory_space<vmem>>, vector<128x192xf32>
    %dot_general3A = arith.constant dense<0.000000e+00> : vector<1280x192xf32>
    %dot_general3A_17 = tpu.matmul %get3A_13, %get3A_16, %dot_general3A {dimension_numbers = #tpu.dot_dimension_numbers<[1], [0], [0], [1], [0, 0, 1, 1], [], []>, transpose_lhs_hint = false} : vector<1280x128xf32>, vector<128x192xf32>, vector<1280x192xf32> -> vector<1280x192xf32>
    %get3A_18 = arith.constant 0 : index
    %get3A_19 = arith.constant 0 : index
    %get3A_20 = vector.load %arg7[%get3A_18, %get3A_19] : memref<1x192xf32, #tpu.memory_space<vmem>>, vector<1x192xf32>
    %add3A = vector.broadcast %get3A_20 : vector<1x192xf32> to vector<1280x192xf32>
    %add3A_21 = arith.addf %dot_general3A_17, %add3A : vector<1280x192xf32>
    %slice3A = vector.extract_strided_slice %add3A_21 {offsets = [0, 0], sizes = [1280, 64], strides = [1, 1]} : vector<1280x192xf32> to vector<1280x64xf32>
    %slice3A_22 = vector.extract_strided_slice %add3A_21 {offsets = [0, 96], sizes = [1280, 64], strides = [1, 1]} : vector<1280x192xf32> to vector<1280x64xf32>
    %concatenate3A = tpu.concatenate %slice3A, %slice3A_22 in 1 : vector<1280x64xf32>, vector<1280x64xf32> -> vector<1280x128xf32>
    %slice3A_23 = vector.extract_strided_slice %get3A_1 {offsets = [0, 0], sizes = [1280, 16], strides = [1, 1]} : vector<1280x128xf32> to vector<1280x16xf32>
    %slice3A_24 = vector.extract_strided_slice %get3A_4 {offsets = [0, 0], sizes = [1280, 16], strides = [1, 1]} : vector<1280x128xf32> to vector<1280x16xf32>
    %slice3A_25 = vector.extract_strided_slice %get3A_1 {offsets = [0, 32], sizes = [1280, 16], strides = [1, 1]} : vector<1280x128xf32> to vector<1280x16xf32>
    %slice3A_26 = vector.extract_strided_slice %get3A_4 {offsets = [0, 32], sizes = [1280, 16], strides = [1, 1]} : vector<1280x128xf32> to vector<1280x16xf32>
    %slice3A_27 = vector.extract_strided_slice %get3A_1 {offsets = [0, 64], sizes = [1280, 16], strides = [1, 1]} : vector<1280x128xf32> to vector<1280x16xf32>
    %slice3A_28 = vector.extract_strided_slice %get3A_4 {offsets = [0, 64], sizes = [1280, 16], strides = [1, 1]} : vector<1280x128xf32> to vector<1280x16xf32>
    %slice3A_29 = vector.extract_strided_slice %get3A_1 {offsets = [0, 96], sizes = [1280, 16], strides = [1, 1]} : vector<1280x128xf32> to vector<1280x16xf32>
    %slice3A_30 = vector.extract_strided_slice %get3A_4 {offsets = [0, 96], sizes = [1280, 16], strides = [1, 1]} : vector<1280x128xf32> to vector<1280x16xf32>
    %concatenate3A_31 = tpu.concatenate %slice3A_23, %slice3A_24, %slice3A_25, %slice3A_26, %slice3A_27, %slice3A_28, %slice3A_29, %slice3A_30 in 1 : vector<1280x16xf32>, vector<1280x16xf32>, vector<1280x16xf32>, vector<1280x16xf32>, vector<1280x16xf32>, vector<1280x16xf32>, vector<1280x16xf32>, vector<1280x16xf32> -> vector<1280x128xf32>
    %mul3A = arith.mulf %concatenate3A_31, %concatenate3A : vector<1280x128xf32>
    %get3A_32 = arith.constant 0 : index
    %get3A_33 = arith.constant 0 : index
    %get3A_34 = vector.load %arg8[%get3A_32, %get3A_33] : memref<128x192xf32, #tpu.memory_space<vmem>>, vector<128x192xf32>
    %dot_general3A_35 = arith.constant dense<0.000000e+00> : vector<1280x192xf32>
    %dot_general3A_36 = tpu.matmul %mul3A, %get3A_34, %dot_general3A_35 {dimension_numbers = #tpu.dot_dimension_numbers<[1], [0], [0], [1], [0, 0, 1, 1], [], []>, transpose_lhs_hint = false} : vector<1280x128xf32>, vector<128x192xf32>, vector<1280x192xf32> -> vector<1280x192xf32>
    %slice3A_37 = vector.extract_strided_slice %get3A_10 {offsets = [0, 0], sizes = [1280, 4], strides = [1, 1]} : vector<1280x32xf32> to vector<1280x4xf32>
    %slice3A_38 = vector.extract_strided_slice %get3A_10 {offsets = [0, 16], sizes = [1280, 4], strides = [1, 1]} : vector<1280x32xf32> to vector<1280x4xf32>
    %concatenate3A_39 = tpu.concatenate %slice3A_37, %slice3A_38 in 1 : vector<1280x4xf32>, vector<1280x4xf32> -> vector<1280x8xf32>
    %slice3A_40 = vector.extract_strided_slice %get3A_7 {offsets = [0, 0], sizes = [1280, 4], strides = [1, 1]} : vector<1280x32xf32> to vector<1280x4xf32>
    %slice3A_41 = vector.extract_strided_slice %get3A_7 {offsets = [0, 16], sizes = [1280, 4], strides = [1, 1]} : vector<1280x32xf32> to vector<1280x4xf32>
    %concatenate3A_42 = tpu.concatenate %slice3A_40, %slice3A_41 in 1 : vector<1280x4xf32>, vector<1280x4xf32> -> vector<1280x8xf32>
    %add3A_43 = arith.constant 9.99999971E-10 : f32
    %add3A_44 = vector.broadcast %add3A_43 : f32 to vector<1280x8xf32>
    %add3A_45 = arith.addf %concatenate3A_42, %add3A_44 : vector<1280x8xf32>
    %div3A = arith.divf %concatenate3A_39, %add3A_45 : vector<1280x8xf32>
    %get3A_46 = arith.constant 0 : index
    %get3A_47 = arith.constant 0 : index
    %get3A_48 = vector.load %arg9[%get3A_46, %get3A_47] : memref<8x128xf32, #tpu.memory_space<vmem>>, vector<8x128xf32>
    %dot_general3A_49 = arith.constant dense<0.000000e+00> : vector<1280x128xf32>
    %dot_general3A_50 = tpu.matmul %div3A, %get3A_48, %dot_general3A_49 {dimension_numbers = #tpu.dot_dimension_numbers<[1], [0], [0], [1], [0, 0, 1, 1], [], []>, transpose_lhs_hint = false} : vector<1280x8xf32>, vector<8x128xf32>, vector<1280x128xf32> -> vector<1280x128xf32>
    %slice3A_51 = vector.extract_strided_slice %dot_general3A_36 {offsets = [0, 32], sizes = [1280, 32], strides = [1, 1]} : vector<1280x192xf32> to vector<1280x32xf32>
    %slice3A_52 = vector.extract_strided_slice %dot_general3A_36 {offsets = [0, 128], sizes = [1280, 32], strides = [1, 1]} : vector<1280x192xf32> to vector<1280x32xf32>
    %concatenate3A_53 = tpu.concatenate %slice3A_51, %slice3A_52 in 1 : vector<1280x32xf32>, vector<1280x32xf32> -> vector<1280x64xf32>
    %slice3A_54 = vector.extract_strided_slice %dot_general3A_36 {offsets = [0, 64], sizes = [1280, 32], strides = [1, 1]} : vector<1280x192xf32> to vector<1280x32xf32>
    %slice3A_55 = vector.extract_strided_slice %dot_general3A_36 {offsets = [0, 160], sizes = [1280, 32], strides = [1, 1]} : vector<1280x192xf32> to vector<1280x32xf32>
    %concatenate3A_56 = tpu.concatenate %slice3A_54, %slice3A_55 in 1 : vector<1280x32xf32>, vector<1280x32xf32> -> vector<1280x64xf32>
    %logistic3A = arith.negf %concatenate3A_56 : vector<1280x64xf32>
    %logistic3A_57 = math.exp %logistic3A : vector<1280x64xf32>
    %logistic3A_58 = arith.constant 1.000000e+00 : f32
    %logistic3A_59 = vector.broadcast %logistic3A_58 : f32 to vector<1280x64xf32>
    %logistic3A_60 = arith.addf %logistic3A_59, %logistic3A_57 : vector<1280x64xf32>
    %logistic3A_61 = arith.divf %logistic3A_59, %logistic3A_60 : vector<1280x64xf32>
    %slice3A_62 = vector.extract_strided_slice %add3A_21 {offsets = [0, 64], sizes = [1280, 32], strides = [1, 1]} : vector<1280x192xf32> to vector<1280x32xf32>
    %slice3A_63 = vector.extract_strided_slice %add3A_21 {offsets = [0, 160], sizes = [1280, 32], strides = [1, 1]} : vector<1280x192xf32> to vector<1280x32xf32>
    %slice3A_64 = vector.extract_strided_slice %get3A_1 {offsets = [0, 16], sizes = [1280, 16], strides = [1, 1]} : vector<1280x128xf32> to vector<1280x16xf32>
    %slice3A_65 = vector.extract_strided_slice %get3A_4 {offsets = [0, 16], sizes = [1280, 16], strides = [1, 1]} : vector<1280x128xf32> to vector<1280x16xf32>
    %slice3A_66 = vector.extract_strided_slice %get3A_1 {offsets = [0, 48], sizes = [1280, 16], strides = [1, 1]} : vector<1280x128xf32> to vector<1280x16xf32>
    %slice3A_67 = vector.extract_strided_slice %get3A_4 {offsets = [0, 48], sizes = [1280, 16], strides = [1, 1]} : vector<1280x128xf32> to vector<1280x16xf32>
    %slice3A_68 = vector.extract_strided_slice %get3A_1 {offsets = [0, 80], sizes = [1280, 16], strides = [1, 1]} : vector<1280x128xf32> to vector<1280x16xf32>
    %slice3A_69 = vector.extract_strided_slice %get3A_4 {offsets = [0, 80], sizes = [1280, 16], strides = [1, 1]} : vector<1280x128xf32> to vector<1280x16xf32>
    %slice3A_70 = vector.extract_strided_slice %get3A_1 {offsets = [0, 112], sizes = [1280, 16], strides = [1, 1]} : vector<1280x128xf32> to vector<1280x16xf32>
    %slice3A_71 = vector.extract_strided_slice %get3A_4 {offsets = [0, 112], sizes = [1280, 16], strides = [1, 1]} : vector<1280x128xf32> to vector<1280x16xf32>
    %concatenate3A_72 = tpu.concatenate %slice3A_64, %slice3A_65, %slice3A_66, %slice3A_67, %slice3A_68, %slice3A_69, %slice3A_70, %slice3A_71 in 1 : vector<1280x16xf32>, vector<1280x16xf32>, vector<1280x16xf32>, vector<1280x16xf32>, vector<1280x16xf32>, vector<1280x16xf32>, vector<1280x16xf32>, vector<1280x16xf32> -> vector<1280x128xf32>
    %concatenate3A_73 = tpu.concatenate %slice3A_62, %slice3A_62, %slice3A_63, %slice3A_63 in 1 : vector<1280x32xf32>, vector<1280x32xf32>, vector<1280x32xf32>, vector<1280x32xf32> -> vector<1280x128xf32>
    %mul3A_74 = arith.mulf %concatenate3A_72, %concatenate3A_73 : vector<1280x128xf32>
    %get3A_75 = arith.constant 0 : index
    %get3A_76 = arith.constant 0 : index
    %get3A_77 = vector.load %arg10[%get3A_75, %get3A_76] : memref<128x128xf32, #tpu.memory_space<vmem>>, vector<128x128xf32>
    %dot_general3A_78 = arith.constant dense<0.000000e+00> : vector<1280x128xf32>
    %dot_general3A_79 = tpu.matmul %mul3A_74, %get3A_77, %dot_general3A_78 {dimension_numbers = #tpu.dot_dimension_numbers<[1], [0], [0], [1], [0, 0, 1, 1], [], []>, transpose_lhs_hint = false} : vector<1280x128xf32>, vector<128x128xf32>, vector<1280x128xf32> -> vector<1280x128xf32>
    %slice3A_80 = vector.extract_strided_slice %concatenate3A_56 {offsets = [0, 0], sizes = [1280, 32], strides = [1, 1]} : vector<1280x64xf32> to vector<1280x32xf32>
    %slice3A_81 = vector.extract_strided_slice %logistic3A_61 {offsets = [0, 0], sizes = [1280, 32], strides = [1, 1]} : vector<1280x64xf32> to vector<1280x32xf32>
    %mul3A_82 = arith.mulf %slice3A_80, %slice3A_81 : vector<1280x32xf32>
    %slice3A_83 = vector.extract_strided_slice %concatenate3A_53 {offsets = [0, 0], sizes = [1280, 32], strides = [1, 1]} : vector<1280x64xf32> to vector<1280x32xf32>
    %slice3A_84 = vector.extract_strided_slice %logistic3A_61 {offsets = [0, 0], sizes = [1280, 32], strides = [1, 1]} : vector<1280x64xf32> to vector<1280x32xf32>
    %mul3A_85 = arith.mulf %slice3A_83, %slice3A_84 : vector<1280x32xf32>
    %slice3A_86 = vector.extract_strided_slice %concatenate3A_56 {offsets = [0, 32], sizes = [1280, 32], strides = [1, 1]} : vector<1280x64xf32> to vector<1280x32xf32>
    %slice3A_87 = vector.extract_strided_slice %logistic3A_61 {offsets = [0, 32], sizes = [1280, 32], strides = [1, 1]} : vector<1280x64xf32> to vector<1280x32xf32>
    %mul3A_88 = arith.mulf %slice3A_86, %slice3A_87 : vector<1280x32xf32>
    %slice3A_89 = vector.extract_strided_slice %concatenate3A_53 {offsets = [0, 32], sizes = [1280, 32], strides = [1, 1]} : vector<1280x64xf32> to vector<1280x32xf32>
    %slice3A_90 = vector.extract_strided_slice %logistic3A_61 {offsets = [0, 32], sizes = [1280, 32], strides = [1, 1]} : vector<1280x64xf32> to vector<1280x32xf32>
    %mul3A_91 = arith.mulf %slice3A_89, %slice3A_90 : vector<1280x32xf32>
    %concatenate3A_92 = tpu.concatenate %mul3A_82, %mul3A_85, %mul3A_88, %mul3A_91 in 1 : vector<1280x32xf32>, vector<1280x32xf32>, vector<1280x32xf32>, vector<1280x32xf32> -> vector<1280x128xf32>
    %get3A_93 = arith.constant 0 : index
    %get3A_94 = arith.constant 0 : index
    %get3A_95 = vector.load %arg11[%get3A_93, %get3A_94] : memref<128x256xf32, #tpu.memory_space<vmem>>, vector<128x256xf32>
    %dot_general3A_96 = arith.constant dense<0.000000e+00> : vector<1280x256xf32>
    %dot_general3A_97 = tpu.matmul %concatenate3A_92, %get3A_95, %dot_general3A_96 {dimension_numbers = #tpu.dot_dimension_numbers<[1], [0], [0], [1], [0, 0, 1, 1], [], []>, transpose_lhs_hint = false} : vector<1280x128xf32>, vector<128x256xf32>, vector<1280x256xf32> -> vector<1280x256xf32>
    %slice3A_98 = vector.extract_strided_slice %dot_general3A_79 {offsets = [0, 0], sizes = [1280, 32], strides = [1, 1]} : vector<1280x128xf32> to vector<1280x32xf32>
    %slice3A_99 = vector.extract_strided_slice %logistic3A_61 {offsets = [0, 0], sizes = [1280, 32], strides = [1, 1]} : vector<1280x64xf32> to vector<1280x32xf32>
    %mul3A_100 = arith.mulf %slice3A_98, %slice3A_99 : vector<1280x32xf32>
    %slice3A_101 = vector.extract_strided_slice %dot_general3A_79 {offsets = [0, 32], sizes = [1280, 32], strides = [1, 1]} : vector<1280x128xf32> to vector<1280x32xf32>
    %slice3A_102 = vector.extract_strided_slice %logistic3A_61 {offsets = [0, 0], sizes = [1280, 32], strides = [1, 1]} : vector<1280x64xf32> to vector<1280x32xf32>
    %mul3A_103 = arith.mulf %slice3A_101, %slice3A_102 : vector<1280x32xf32>
    %slice3A_104 = vector.extract_strided_slice %dot_general3A_79 {offsets = [0, 64], sizes = [1280, 32], strides = [1, 1]} : vector<1280x128xf32> to vector<1280x32xf32>
    %slice3A_105 = vector.extract_strided_slice %logistic3A_61 {offsets = [0, 32], sizes = [1280, 32], strides = [1, 1]} : vector<1280x64xf32> to vector<1280x32xf32>
    %mul3A_106 = arith.mulf %slice3A_104, %slice3A_105 : vector<1280x32xf32>
    %slice3A_107 = vector.extract_strided_slice %dot_general3A_79 {offsets = [0, 96], sizes = [1280, 32], strides = [1, 1]} : vector<1280x128xf32> to vector<1280x32xf32>
    %slice3A_108 = vector.extract_strided_slice %logistic3A_61 {offsets = [0, 32], sizes = [1280, 32], strides = [1, 1]} : vector<1280x64xf32> to vector<1280x32xf32>
    %mul3A_109 = arith.mulf %slice3A_107, %slice3A_108 : vector<1280x32xf32>
    %concatenate3A_110 = tpu.concatenate %mul3A_100, %mul3A_103, %mul3A_106, %mul3A_109 in 1 : vector<1280x32xf32>, vector<1280x32xf32>, vector<1280x32xf32>, vector<1280x32xf32> -> vector<1280x128xf32>
    %get3A_111 = arith.constant 0 : index
    %get3A_112 = arith.constant 0 : index
    %get3A_113 = vector.load %arg12[%get3A_111, %get3A_112] : memref<128x256xf32, #tpu.memory_space<vmem>>, vector<128x256xf32>
    %dot_general3A_114 = arith.constant dense<0.000000e+00> : vector<1280x256xf32>
    %dot_general3A_115 = tpu.matmul %concatenate3A_110, %get3A_113, %dot_general3A_114 {dimension_numbers = #tpu.dot_dimension_numbers<[1], [0], [0], [1], [0, 0, 1, 1], [], []>, transpose_lhs_hint = false} : vector<1280x128xf32>, vector<128x256xf32>, vector<1280x256xf32> -> vector<1280x256xf32>
    %slice3A_116 = vector.extract_strided_slice %dot_general3A_50 {offsets = [0, 0], sizes = [1280, 64], strides = [1, 1]} : vector<1280x128xf32> to vector<1280x64xf32>
    %slice3A_117 = vector.extract_strided_slice %dot_general3A_50 {offsets = [0, 64], sizes = [1280, 64], strides = [1, 1]} : vector<1280x128xf32> to vector<1280x64xf32>
    %slice3A_118 = vector.extract_strided_slice %dot_general3A_97 {offsets = [0, 0], sizes = [1280, 64], strides = [1, 1]} : vector<1280x256xf32> to vector<1280x64xf32>
    %mul3A_119 = arith.mulf %slice3A_118, %slice3A_116 : vector<1280x64xf32>
    %slice3A_120 = vector.extract_strided_slice %dot_general3A_115 {offsets = [0, 0], sizes = [1280, 64], strides = [1, 1]} : vector<1280x256xf32> to vector<1280x64xf32>
    %mul3A_121 = arith.mulf %slice3A_120, %slice3A_116 : vector<1280x64xf32>
    %slice3A_122 = vector.extract_strided_slice %dot_general3A_97 {offsets = [0, 64], sizes = [1280, 64], strides = [1, 1]} : vector<1280x256xf32> to vector<1280x64xf32>
    %mul3A_123 = arith.mulf %slice3A_122, %slice3A_116 : vector<1280x64xf32>
    %slice3A_124 = vector.extract_strided_slice %dot_general3A_115 {offsets = [0, 64], sizes = [1280, 64], strides = [1, 1]} : vector<1280x256xf32> to vector<1280x64xf32>
    %mul3A_125 = arith.mulf %slice3A_124, %slice3A_116 : vector<1280x64xf32>
    %slice3A_126 = vector.extract_strided_slice %dot_general3A_97 {offsets = [0, 128], sizes = [1280, 64], strides = [1, 1]} : vector<1280x256xf32> to vector<1280x64xf32>
    %mul3A_127 = arith.mulf %slice3A_126, %slice3A_117 : vector<1280x64xf32>
    %slice3A_128 = vector.extract_strided_slice %dot_general3A_115 {offsets = [0, 128], sizes = [1280, 64], strides = [1, 1]} : vector<1280x256xf32> to vector<1280x64xf32>
    %mul3A_129 = arith.mulf %slice3A_128, %slice3A_117 : vector<1280x64xf32>
    %slice3A_130 = vector.extract_strided_slice %dot_general3A_97 {offsets = [0, 192], sizes = [1280, 64], strides = [1, 1]} : vector<1280x256xf32> to vector<1280x64xf32>
    %mul3A_131 = arith.mulf %slice3A_130, %slice3A_117 : vector<1280x64xf32>
    %slice3A_132 = vector.extract_strided_slice %dot_general3A_115 {offsets = [0, 192], sizes = [1280, 64], strides = [1, 1]} : vector<1280x256xf32> to vector<1280x64xf32>
    %mul3A_133 = arith.mulf %slice3A_132, %slice3A_117 : vector<1280x64xf32>
    %concatenate3A_134 = tpu.concatenate %mul3A_119, %mul3A_121, %mul3A_123, %mul3A_125, %mul3A_127, %mul3A_129, %mul3A_131, %mul3A_133 in 1 : vector<1280x64xf32>, vector<1280x64xf32>, vector<1280x64xf32>, vector<1280x64xf32>, vector<1280x64xf32>, vector<1280x64xf32>, vector<1280x64xf32>, vector<1280x64xf32> -> vector<1280x512xf32>
    %get3A_135 = arith.constant 0 : index
    %get3A_136 = arith.constant 0 : index
    %get3A_137 = vector.load %arg13[%get3A_135, %get3A_136] : memref<512x128xf32, #tpu.memory_space<vmem>>, vector<512x128xf32>
    %dot_general3A_138 = arith.constant dense<0.000000e+00> : vector<1280x128xf32>
    %dot_general3A_139 = tpu.matmul %concatenate3A_134, %get3A_137, %dot_general3A_138 {dimension_numbers = #tpu.dot_dimension_numbers<[1], [0], [0], [1], [0, 0, 1, 1], [], []>, transpose_lhs_hint = false} : vector<1280x512xf32>, vector<512x128xf32>, vector<1280x128xf32> -> vector<1280x128xf32>
    %swap3A = arith.constant 0 : index
    %swap3A_140 = arith.constant 0 : index
    %swap3A_141 = vector.load %arg14[%swap3A, %swap3A_140] : memref<1280x128xf32, #tpu.memory_space<vmem>>, vector<1280x128xf32>
    tpu.vector_store %arg14[%swap3A, %swap3A_140], %dot_general3A_139 {strides = array<i32>} : memref<1280x128xf32, #tpu.memory_space<vmem>>, vector<1280x128xf32>,
    return
  }
  func.func @transform_0(%arg0: i32) -> (i32, i32) {
    %c0_i32 = arith.constant 0 : i32
    %c0_i32_0 = arith.constant 0 : i32
    return %arg0, %c0_i32 : i32, i32
  }
  func.func @transform_1(%arg0: i32) -> (i32, i32) {
    %c0_i32 = arith.constant 0 : i32
    %c0_i32_0 = arith.constant 0 : i32
    return %arg0, %c0_i32 : i32, i32
  }
  func.func @transform_2(%arg0: i32) -> (i32, i32) {
    %c0_i32 = arith.constant 0 : i32
    %c0_i32_0 = arith.constant 0 : i32
    return %arg0, %c0_i32 : i32, i32
  }
  func.func @transform_3(%arg0: i32) -> (i32, i32) {
    %c0_i32 = arith.constant 0 : i32
    %c0_i32_0 = arith.constant 0 : i32
    return %arg0, %c0_i32 : i32, i32
  }
  func.func @transform_4(%arg0: i32) -> (i32, i32) {
    %c0_i32 = arith.constant 0 : i32
    %c0_i32_0 = arith.constant 0 : i32
    return %arg0, %c0_i32 : i32, i32
  }
  func.func @transform_5(%arg0: i32) -> (i32, i32) {
    %c0_i32 = arith.constant 0 : i32
    %c0_i32_0 = arith.constant 0 : i32
    %c0_i32_1 = arith.constant 0 : i32
    return %c0_i32, %c0_i32_0 : i32, i32
  }
  func.func @transform_6(%arg0: i32) -> (i32, i32) {
    %c0_i32 = arith.constant 0 : i32
    %c0_i32_0 = arith.constant 0 : i32
    %c0_i32_1 = arith.constant 0 : i32
    return %c0_i32, %c0_i32_0 : i32, i32
  }
  func.func @transform_7(%arg0: i32) -> (i32, i32) {
    %c0_i32 = arith.constant 0 : i32
    %c0_i32_0 = arith.constant 0 : i32
    %c0_i32_1 = arith.constant 0 : i32
    return %c0_i32, %c0_i32_0 : i32, i32
  }
  func.func @transform_8(%arg0: i32) -> (i32, i32) {
    %c0_i32 = arith.constant 0 : i32
    %c0_i32_0 = arith.constant 0 : i32
    %c0_i32_1 = arith.constant 0 : i32
    return %c0_i32, %c0_i32_0 : i32, i32
  }
  func.func @transform_9(%arg0: i32) -> (i32, i32) {
    %c0_i32 = arith.constant 0 : i32
    %c0_i32_0 = arith.constant 0 : i32
    %c0_i32_1 = arith.constant 0 : i32
    return %c0_i32, %c0_i32_0 : i32, i32
  }
  func.func @transform_10(%arg0: i32) -> (i32, i32) {
    %c0_i32 = arith.constant 0 : i32
    %c0_i32_0 = arith.constant 0 : i32
    %c0_i32_1 = arith.constant 0 : i32
    return %c0_i32, %c0_i32_0 : i32, i32
  }
  func.func @transform_11(%arg0: i32) -> (i32, i32) {
    %c0_i32 = arith.constant 0 : i32
    %c0_i32_0 = arith.constant 0 : i32
    %c0_i32_1 = arith.constant 0 : i32
    return %c0_i32, %c0_i32_0 : i32, i32
  }
  func.func @transform_12(%arg0: i32) -> (i32, i32) {
    %c0_i32 = arith.constant 0 : i32
    %c0_i32_0 = arith.constant 0 : i32
    %c0_i32_1 = arith.constant 0 : i32
    return %c0_i32, %c0_i32_0 : i32, i32
  }
  func.func @transform_13(%arg0: i32) -> (i32, i32) {
    %c0_i32 = arith.constant 0 : i32
    %c0_i32_0 = arith.constant 0 : i32
    return %arg0, %c0_i32 : i32, i32
  }
}

module attributes {stable_mosaic.version = 14 : i64} {
  func.func @_k5_body(%arg0: i32, %arg1: memref<2000x64xf32, #tpu.memory_space<vmem>>, %arg2: memref<2000x64xf32, #tpu.memory_space<vmem>>, %arg3: memref<1x64xf32, #tpu.memory_space<vmem>>, %arg4: memref<2000x64xf32, #tpu.memory_space<vmem>>) attributes {dimension_semantics = [#tpu.dimension_semantics<arbitrary>], iteration_bounds = array<i64: 5>, scalar_prefetch = 0 : i64, scratch_operands = 0 : i64, tpu.core_type = #tpu.core_type<tc>, window_params = [{transform_indices = @transform_0, window_bounds = array<i64: 2000, 64>}, {transform_indices = @transform_1, window_bounds = array<i64: 2000, 64>}, {pipeline_mode = #tpu.pipeline_mode<synchronous>, transform_indices = @transform_2, window_bounds = array<i64: 1, 64>}, {transform_indices = @transform_3, window_bounds = array<i64: 2000, 64>}]} {
    %get3A = arith.constant 0 : index
    %get3A_0 = arith.constant 0 : index
    %get3A_1 = vector.load %arg1[%get3A, %get3A_0] : memref<2000x64xf32, #tpu.memory_space<vmem>>, vector<2000x64xf32>
    %get3A_2 = arith.constant 0 : index
    %get3A_3 = arith.constant 0 : index
    %get3A_4 = vector.load %arg2[%get3A_2, %get3A_3] : memref<2000x64xf32, #tpu.memory_space<vmem>>, vector<2000x64xf32>
    %add3A = arith.addf %get3A_1, %get3A_4 : vector<2000x64xf32>
    %get3A_5 = arith.constant 0 : index
    %get3A_6 = arith.constant 0 : index
    %get3A_7 = vector.load %arg3[%get3A_5, %get3A_6] : memref<1x64xf32, #tpu.memory_space<vmem>>, vector<1x64xf32>
    %add3A_8 = vector.broadcast %get3A_7 : vector<1x64xf32> to vector<2000x64xf32>
    %add3A_9 = arith.addf %add3A, %add3A_8 : vector<2000x64xf32>
    %swap3A = arith.constant 0 : index
    %swap3A_10 = arith.constant 0 : index
    %swap3A_11 = vector.load %arg4[%swap3A, %swap3A_10] : memref<2000x64xf32, #tpu.memory_space<vmem>>, vector<2000x64xf32>
    tpu.vector_store %arg4[%swap3A, %swap3A_10], %add3A_9 {strides = array<i32>} : memref<2000x64xf32, #tpu.memory_space<vmem>>, vector<2000x64xf32>,
    return
  }
  func.func @transform_0(%arg0: i32) -> (i32, i32) {
    %c0_i32 = arith.constant 0 : i32
    %c0_i32_0 = arith.constant 0 : i32
    return %arg0, %c0_i32 : i32, i32
  }
  func.func @transform_1(%arg0: i32) -> (i32, i32) {
    %c0_i32 = arith.constant 0 : i32
    %c0_i32_0 = arith.constant 0 : i32
    return %arg0, %c0_i32 : i32, i32
  }
  func.func @transform_2(%arg0: i32) -> (i32, i32) {
    %c0_i32 = arith.constant 0 : i32
    %c0_i32_0 = arith.constant 0 : i32
    %c0_i32_1 = arith.constant 0 : i32
    return %c0_i32, %c0_i32_0 : i32, i32
  }
  func.func @transform_3(%arg0: i32) -> (i32, i32) {
    %c0_i32 = arith.constant 0 : i32
    %c0_i32_0 = arith.constant 0 : i32
    return %arg0, %c0_i32 : i32, i32
  }
}

</mosaic_0001>

<sc_bundles>
// kernel: kernel.12.cloned.1.call-start
scs
__scs_entry_jumppad:
0x0: {  	(pc) =	sbr.rel $0x88, $3  }
0x1: {  	(tag) =	ssettag $0x0;
	lr =	simm.s32 $0x1  }
0x2: {  	[smem:$0x3F8A] =	sst lr;
	_ =	strace $0xD0000000  }
0x3: {  	_ = 	snop  }
0x4: {  	_ = 	snop  }
0x5: {  	_ = 	snop  }
0x6: {  	_ = 	snop  }
0x7: {  	_ = 	snop  }
__scs_overlays_trampoline_lowered:
0x8: {  	[smem:$0x3F99] =	sst s0  }
0x9: {  	[smem:$0x3F9A] =	sst s1  }
0xa: {  	[smem:$0x3F9B] =	sst s2  }
0xb: {  	[smem:$0x3F9C] =	sst s3  }
0xc: {  	[smem:$0x3F9D] =	sst s4  }
0xd: {  	[smem:$0x3F9E] =	sst s5  }
0xe: {  	[smem:$0x3F9F] =	sst s6  }
0xf: {  	[smem:$0x3FA0] =	sst s7  }
0x10: {  	[smem:$0x3FA1] =	sst s8  }
0x11: {  	[smem:$0x3FA2] =	sst s9;
	s0 =	simm.s32 @!p0 $0x0  }
0x12: {  	s1 =	sld [smem:$0x3F88];
	s0 =	simm.s32 @p0 $0x1  }
0x13: {  	[smem:$0x3FA3] =	sst s0;
	s0 =	simm.s32 @!p1 $0x0  }
0x14: {  	s2 =	sld [smem:$0x3F87];
	s0 =	simm.s32 @p1 $0x1  }
0x15: {  	[smem:$0x3FA4] =	sst s0;
	s0 =	simm.s32 @!p2 $0x0  }
0x16: {  	s3 =	sld [smem:$0x3FDB];
	s0 =	simm.s32 @p2 $0x1  }
0x17: {  	s4 =	simm.s32 $0x1BF5;
	[smem:$0x3FA6] =	sst s0  }
0x18: {  	s0 =	sld [smem:$0x3F89];
	_ =	swait.ge [sflag:s4], $0x0  }
0x19: {  	s7 =	sld [smem:$0x3F8A]  }
0x1a: {  	s8 =	sadd.s32 $0xFFFFE003, lr  }
0x1b: {  	s9 =	sadd.s32 $0xFFFFFEF7, lr;
	s5 =	simm.s32 $0xFFFFFFFF;
	p2 =	slt.u32 s8, $0xFFFFF086  }
0x1c: {  	p1 =	slt.u32 s9, $0xF7A;
	s5 =	simm.s32 @!p2 $0x0  }
0x1d: {  	s5 =	simm.s32 @p1 $0x1;
	p0 =	seq.s32 s7, s2  }
0x1e: {  	s7 =	smul.u32 @!p0 $0xF7A, s2;
	p2 =	seq.s32 @!p0 s5, $0x0  }
0x1f: {  	s9 =	smul.u32 $0xF7A, s1;
	s8 =	simm.s32 @!p0 $0x1BF5;
	p2 =	por !p2, p0  }
0x20: {  	[sflag:s8] =	ssyncset.s32 @!p0 $0xFFFFF086;
	s6 =	sadd.s32 @!p0 s3, s7;
	s7 =	simm.s32 @!p0 $0x108  }
0x21: {  	s3 =	sadd.s32 s3, s9;
	s6 =	sadd.s32 @!p0 $0x88, s6;
	s7 =	simm.s32 @p2 $0x1082  }
0x22: {  	[simem:s7], [sflag:s8] =	dma.local @!p0 [hbm:s6], $0xF7A  }
0x23: {  	s9 =	sor.u32 $0xD0000000, s2;
	s6 =	simm.s32 $0x108;
	_ =	swait.ge @!p0 [sflag:s8], $0x0  }
0x24: {  	s3 =	sadd.s32 $0x88, s3;
	s6 =	simm.s32 @!p1 $0x1082;
	[sflag:s4] =	ssyncset.s32 $0xFFFFF086  }
0x25: {  	[simem:s6], [sflag:s4] =	dma.local [hbm:s3], $0xF7A  }
0x26: {  	[smem:$0x3F8A] =	sst s1;
	(tag) =	ssettag s2;
	_ =	strace s9  }
0x27: {  	s1 =	sld [smem:$0x3F9A]  }
0x28: {  	s2 =	sld [smem:$0x3F9B]  }
0x29: {  	s4 =	sld [smem:$0x3F9D]  }
0x2a: {  	p0 =	seq.s32 s5, $0x0;
	s5 =	sld [smem:$0x3F9E]  }
0x2b: {  	s6 =	sld [smem:$0x3F9F]  }
0x2c: {  	s7 =	sld [smem:$0x3FA0]  }
0x2d: {  	s3 =	simm.s32 $0x108;
	s8 =	sld [smem:$0x3FA1]  }
0x2e: {  	s3 =	simm.s32 @!p0 $0x1082;
	s9 =	sld [smem:$0x3FA2]  }
0x2f: {  	lr =	sadd.s32 s0, s3;
	s0 =	sld [smem:$0x3F99]  }
0x30: {  	s3 =	sld [smem:$0x3F9C]  }
0x31: {  	[smem:$0x3FA5] =	sst s10  }
0x32: {  	s10 =	sld [smem:$0x3FA3];
	_ =	sdelay $0x3  }
0x33: {  	p0 =	seq.s32 s10, $0x1;
	s10 =	sld [smem:$0x3FA5];
	_ =	sdelay $0x3  }
0x34: {  	[smem:$0x3FA5] =	sst s10  }
0x35: {  	s10 =	sld [smem:$0x3FA4];
	_ =	sdelay $0x3  }
0x36: {  	p1 =	seq.s32 s10, $0x1;
	s10 =	sld [smem:$0x3FA5];
	_ =	sdelay $0x3  }
0x37: {  	[smem:$0x3FA5] =	sst s10  }
0x38: {  	s10 =	sld [smem:$0x3FA6]  }
0x39: {  	_ = 	snop;
	(pc) =	sbr.ind lr, $3  }
0x3a: {  	_ = 	snop  }
0x3b: {  	_ = 	snop  }
0x3c: {  	p2 =	seq.s32 s10, $0x1;
	s10 =	sld [smem:$0x3FA5]  }
0x3d: {  	_ =	shalt  }
0x3e: {  	_ =	shalt  }
0x3f: {  	_ =	shalt  }
0x40: {  	_ =	shalt  }
0x41: {  	_ =	shalt  }
0x42: {  	_ =	shalt  }
0x43: {  	_ =	shalt  }
0x44: {  	_ =	shalt  }
0x45: {  	_ =	shalt  }
0x46: {  	_ =	shalt  }
0x47: {  	_ =	shalt  }
0x48: {  	_ =	shalt  }
0x49: {  	_ =	shalt  }
0x4a: {  	_ =	shalt  }
0x4b: {  	_ =	shalt  }
0x4c: {  	_ =	shalt  }
0x4d: {  	_ =	shalt  }
0x4e: {  	_ =	shalt  }
0x4f: {  	_ =	shalt  }
0x50: {  	_ =	shalt  }
0x51: {  	_ =	shalt  }
0x52: {  	_ =	shalt  }
0x53: {  	_ =	shalt  }
0x54: {  	_ =	shalt  }
0x55: {  	_ =	shalt  }
0x56: {  	_ =	shalt  }
0x57: {  	_ =	shalt  }
0x58: {  	_ =	shalt  }
0x59: {  	_ =	shalt  }
0x5a: {  	_ =	shalt  }
0x5b: {  	_ =	shalt  }
0x5c: {  	_ =	shalt  }
0x5d: {  	_ =	shalt  }
0x5e: {  	_ =	shalt  }
0x5f: {  	_ =	shalt  }
0x60: {  	_ =	shalt  }
0x61: {  	_ =	shalt  }
0x62: {  	_ =	shalt  }
0x63: {  	_ =	shalt  }
0x64: {  	_ =	shalt  }
0x65: {  	_ =	shalt  }
0x66: {  	_ =	shalt  }
0x67: {  	_ =	shalt  }
0x68: {  	_ =	shalt  }
0x69: {  	_ =	shalt  }
0x6a: {  	_ =	shalt  }
0x6b: {  	_ =	shalt  }
0x6c: {  	_ =	shalt  }
0x6d: {  	_ =	shalt  }
0x6e: {  	_ =	shalt  }
0x6f: {  	_ =	shalt  }
0x70: {  	_ =	shalt  }
0x71: {  	_ =	shalt  }
0x72: {  	_ =	shalt  }
0x73: {  	_ =	shalt  }
0x74: {  	_ =	shalt  }
0x75: {  	_ =	shalt  }
0x76: {  	_ =	shalt  }
0x77: {  	_ =	shalt  }
0x78: {  	_ =	shalt  }
0x79: {  	_ =	shalt  }
0x7a: {  	_ =	shalt  }
0x7b: {  	_ =	shalt  }
0x7c: {  	_ =	shalt  }
0x7d: {  	_ =	shalt  }
0x7e: {  	_ =	shalt  }
0x7f: {  	_ =	shalt  }
0x80: {  	_ =	shalt  }
0x81: {  	_ =	shalt  }
0x82: {  	_ =	shalt  }
0x83: {  	_ =	shalt  }
0x84: {  	_ =	shalt  }
0x85: {  	_ =	shalt  }
0x86: {  	_ =	shalt  }
0x87: {  	_ =	shalt  }
.Lfunc_end0:
.L_simem_size_0:
called_computation.2_lowered:
.L_overlay_start_0:
0x88: {  	s2 =	sld [smem:$0x3FD9]  }
0x89: {  	s3 =	sld [smem:$0x3FFE];
	_ =	sdelay $0x1  }
0x8a: {  	s1 =	srdreg.scid  }
0x8b: {  	s0 =	sand.u32 $0x1, s1  }
0x8c: {  	s17 =	sshll.u32 s0, $0xA;
	s2 =	sadd.s32 s3, s2  }
0x8d: {  	s2 =	sadd.s32 s2, s17  }
0x8e: {  	[smem:$0x3FB1] =	sst s2  }
0x8f: {  	_ = 	snop  }
0x90: {  	s2 =	sld [smem:$0x3FD0];
	(tm) =	ssettm $0x1  }
0x91: {  	s18 =	sld [smem:$0x3FFB];
	_ =	sdelay $0x3  }
0x92: {  	_ =	strace s18  }
0x93: {  	s3 =	sld [smem:$0x3FFC];
	_ =	sdelay $0x3  }
0x94: {  	_ =	strace s3  }
0x95: {  	s3 =	sld [smem:$0x3FFD];
	_ =	sdelay $0x3  }
0x96: {  	_ =	strace s3  }
0x97: {  	_ =	strace $0x8FFFFFFF  }
0x98: {  	s19 =	sld [smem:$0x3FDB];
	_ =	sdelay $0x1  }
0x99: {  	s4 =	simm.s32 $_scs_section_size  }
0x9a: {  	s5 =	simm.s32 $_size__tile_overlayer_lowered;
	s6 =	simm.s32 $_tile_overlayer_lowered  }
0x9b: {  	s22 =	simm.s32 $0x1BFF;
	s21 =	sshll.u32 s6, $0x1;
	s3 =	sadd.s32 s4, s19  }
0x9c: {  	s7 =	simm.s32 $0x0;
	s20 =	sshll.u32 s5, $0x1;
	s5 =	sadd.s32 s21, s3  }
0x9d: {  	[timem:s7], [sflag:s22] =	dma.local [hbm:s5], s20  }
0x9e: {  	_ =	swait.ge [sflag:s22], s20  }
0x9f: {  	s4 =	ssub.s32 $0x0, s20;
	[sflag:s22] =	ssyncset.done $0x0  }
0xa0: {  	[sflag:s22] =	ssyncadd.s32 s4;
	_ =	sdelay $0x1  }
0xa1: {  	s23 =	simm.s32 $0x1B8B  }
0xa2: {  	_ =	swait.ge [sflag:s23], $0x1  }
0xa3: {  	[sflag:s23] =	ssyncset.done $0x0  }
0xa4: {  	s25 =	simm.s32 $0x1B8E;
	s24 =	sld [smem:$0x3FFE];
	[sflag:s23] =	ssyncadd.s32 $0xFFFFFFFF  }
0xa5: {  	s26 =	simm.s32 $execute0_lowered;
	[smem:$0x3FD2] =	sst s25  }
0xa6: {  	s5 =	sshll.u32 s26, $0x1;
	_ =	strace $0x8000004C;
	[dreg:$0x1] =	wrdreg $0xFFFFFFFF  }
0xa7: {  	s28 =	simm.s32 $_size_execute0_lowered;
	s3 =	sadd.s32 s3, s5;
	[dreg:$0x0] =	wrdreg $0x0  }
0xa8: {  	s5 =	sshll.u32 s28, $0x1;
	[dreg:$0x2] =	wrdreg s3  }
0xa9: {  	[dreg:$0x3] =	wrdreg s5  }
0xaa: {  	[dreg:$0x4] =	wrdreg $0xC0  }
0xab: {  	_ =	task [dreg:s7], $0x5FFFF  }
0xac: {  	[dreg:$0x1] =	wrdreg $0xFFFFFFFF  }
0xad: {  	[dreg:$0x0] =	wrdreg $0x60  }
0xae: {  	[dreg:$0x2] =	wrdreg s24  }
0xaf: {  	[dreg:$0x3] =	wrdreg s2  }
0xb0: {  	[dreg:$0x4] =	wrdreg $0x0  }
0xb1: {  	[dreg:$0x5] =	wrdreg $0x9  }
0xb2: {  	_ =	task.clear_ibuf [dreg:s7], $0x6FFFF;
	_ =	strace $0x9000004C  }
0xb3: {  	s29 =	simm.s32 $0x9;
	_ =	strace $0x8000004E  }
0xb4: {  	_ =	swait.ge [sflag:s29], $0x1  }
0xb5: {  	[sflag:s29] =	ssyncadd.s32 $0xFFFFFFFF  }
0xb6: {  	_ =	strace $0x9000004E  }
0xb7: {  	_ =	sfence  }
0xb8: {  	s30 =	sld [smem:$0x0];
	_ =	sdelay $0x2  }
0xb9: {  	s31 =	sshll.u32 s1, $0xD;
	s1 =	sshrl.u32 s1, $0x2  }
0xba: {  	s3 =	sand.u32 $0x4000, s31;
	s1 =	sadd.s32 s1, s30  }
0xbb: {  	s0 =	sor.u32 s3, s0;
	s1 =	sshll.u32 s1, $0x11  }
0xbc: {  	s0 =	sor.u32 s1, s0  }
0xbd: {  	s0 =	sadd.s32 $0x8F2B, s0  }
0xbe: {  	[sflag:s0] =	ssyncadd.remote.s32 $0x1  }
0xbf: {  	_ =	sfence.sel $0xFFFF  }
0xc0: {  	[dreg:$0x0] =	wrdreg $0xFFFFFFFF;
	(pc) =	sbr.abs _section_cstart, $3  }
0xc1: {  	[dreg:$0x1] =	wrdreg $0xFFFFFFFF  }
0xc2: {  	_ =	task.clear_ibuf [dreg:s7], $0x2FFFF;
	_ =	strace $0x9FFFFFFF  }
0xc3: {  	(tm) =	ssettm $0x7FFFFFFF  }
tec
execute0_lowered:
.L_overlay_start_1:
0x0: {  	(tag) =	ssettag $0x1  }
0x1: {  	s0 =	rddreg [dreg:$0x0]  }
0x2: {  	s1 =	rddreg [dreg:$0x1]  }
0x3: {  	s3 =	srdreg.scid;
	s2 =	rddreg [dreg:$0x2]  }
0x4: {  	s11 =	stileid.u32;
	s12 =	simm.s32 $0x7D;
	s13 =	simm.s32 $0x2790  }
0x5: {  	s14 =	simm.s32 $0x32E0;
	s15 =	simm.s32 $0x2810;
	s16 =	simm.s32 $0x3AB0  }
0x6: {  	s17 =	simm.s32 $0x2890;
	s18 =	simm.s32 $0x4280;
	s19 =	simm.s32 $0x2910  }
0x7: {  	s20 =	simm.s32 $0x4A50;
	s21 =	simm.s32 $0x2990;
	s6 =	smul.u32 $0x2800, s11  }
0x8: {  	s22 =	simm.s32 $0x5220;
	s28 =	simm.s32 $0x1;
	s9 =	smul.u32 $0x2710, s11  }
0x9: {  	s5 =	sand.u32 $0x1, s3;
	s3 =	simm.s32 $0x0;
	s11 =	smul.u32 $0x4E20, s11  }
0xa: {  	s29 =	simm.s32 $0x0;
	s4 =	smul.u32 $0x28000, s5;
	[smem:$0x7FF] =	sst s3  }
0xb: {  	s23 =	smul.u32 $0x4E200, s5;
	s7 =	ssub.s32 $0x2, s5;
	p0 =	seq.s32 s5, $0x1  }
0xc: {  	_ =	strace $0x8000004D;
	s24 =	sshrl.u32 s7, $0x1;
	s26 =	sshrl.u32 s9, $0x3  }
0xd: {  	s4 =	sadd.s32 s6, s4;
	s10 =	sadd.s32 s23, s0;
	s25 =	ssub.s32 s7, s24  }
0xe: {  	s23 =	simm.s32 $0x2A10;
	s24 =	simm.s32 $0x59F0;
	s4 =	sshrl.u32 s4, $0x3  }
0xf: {  	s30 =	smax.u32 s25, $0x1;
	s31 =	sadd.s32 s11, s10;
	s10 =	simm.s32 $0x2  }
0x10: {  	s11 =	simm.s32 $0x2710;
	s25 =	simm.s32 $0x2A90;
	s8 =	sadd.s32 s4, s0  }
0x11: {  	s0 =	sadd.s32 $0x9DF600, s0;
	s4 =	sadd.s32 s9, s2;
	[dreg:$0x4] =	wrdreg s30  }
0x12: {  	s9 =	simm.s32 $0x2B10;
	s1 =	smov.u32 @p0 s0;
	s7 =	sadd.s32 $0x4E9400, s8  }
0x13: {  	v0 =	vimm.f32 $0.0e+00;
	s8 =	sadd.s32 $0x7400, s31;
	s6 =	sadd.s32 s1, s26;
	s26 =	simm.s32 $0x61C0  }
.LBB2_1:
0x14: {  	s0 =	simm.s32 $0x40;
	s1 =	simm.s32 $0x0  }
.LBB2_2:
0x15: {  	p0 =	sne.s32 s0, $0x9C00;
	[tilespmem:s1+$0x2B10] =	vst v0;
	s1 =	smov.u32 s0;
	s0 =	sadd.s32 $0x40, s0  }
.Ltmp0:
0x16: {  	(pc) =	sbr.rel @p0 .LBB2_2-.Ltmp0, $2  }
0x17: {  	_ =	sdelay $0x2  }
0x18: {  	s1 =	sshra.s32 s1, $0x2  }
0x19: {  	[tilespmem:s1+$0x2B10] =	vst v0  }
0x1a: {  	[spmem:s4] =	stream.linear.scatter [tilespmem:s9], [sflag:$0x2], $0x2710, $0x38;
	[tilespmem:$0x6990] =	vst v63  }
0x1b: {  	_ =	swait.ge [sflag:s10], $0x2710  }
0x1c: {  	[sflag:s10] =	ssyncset.done $0x0  }
0x1d: {  	[sflag:s10] =	ssyncadd.s32 $0xFFFFD8F0  }
0x1e: {  	s0 =	sadd.s32 $0x0, s7;
	[bflag:$0x0] =	sbarrier.arrive $0xFFFF  }
0x1f: {  	[tilespmem:s11], [sflag:$0x2] =	stream.linear.gather [hbm4b:s0+s3], $0x400, $0x38;
	[tilespmem:$0x6990] =	vst v63  }
0x20: {  	_ =	swait.ge [sflag:s10], $0x400  }
0x21: {  	[sflag:s10] =	ssyncset.done $0x0  }
0x22: {  	[sflag:s10] =	ssyncadd.s32 $0xFFFFFC00  }
0x23: {  	[tilespmem:s9], [sflag:$0x2] =	stream.linear.gather [hbm4b:s8+s3], $0x3E80, $0x38;
	[tilespmem:$0x6990] =	vst v63  }
0x24: {  	_ =	swait.ge [sflag:s10], $0x3E80  }
0x25: {  	[sflag:s10] =	ssyncset.done $0x0  }
0x26: {  	[sflag:s10] =	ssyncadd.s32 $0xFFFFC180  }
0x27: {  	[spmem:s2] =	stream.indirect.scatter.add.f32 [tilespmem:s9], [sflag:$0x1], $0x10, s11, s12, $0xb8;
	[tilespmem:$0x6990] =	vst v63  }
0x28: {  	_ = 	snop  }
0x29: {  	[spmem:s2] =	stream.indirect.scatter.add.f32 [tilespmem:s14], [sflag:$0x1], $0x10, s13, s12, $0xb8;
	[tilespmem:$0x6990] =	vst v63  }
0x2a: {  	_ = 	snop  }
0x2b: {  	[spmem:s2] =	stream.indirect.scatter.add.f32 [tilespmem:s16], [sflag:$0x1], $0x10, s15, s12, $0xb8;
	[tilespmem:$0x6990] =	vst v63  }
0x2c: {  	_ = 	snop  }
0x2d: {  	[spmem:s2] =	stream.indirect.scatter.add.f32 [tilespmem:s18], [sflag:$0x1], $0x10, s17, s12, $0xb8;
	[tilespmem:$0x6990] =	vst v63  }
0x2e: {  	_ = 	snop  }
0x2f: {  	[spmem:s2] =	stream.indirect.scatter.add.f32 [tilespmem:s20], [sflag:$0x1], $0x10, s19, s12, $0xb8;
	[tilespmem:$0x6990] =	vst v63  }
0x30: {  	_ = 	snop  }
0x31: {  	[spmem:s2] =	stream.indirect.scatter.add.f32 [tilespmem:s22], [sflag:$0x1], $0x10, s21, s12, $0xb8;
	[tilespmem:$0x6990] =	vst v63  }
0x32: {  	_ = 	snop  }
0x33: {  	[spmem:s2] =	stream.indirect.scatter.add.f32 [tilespmem:s24], [sflag:$0x1], $0x10, s23, s12, $0xb8;
	[tilespmem:$0x6990] =	vst v63  }
0x34: {  	_ = 	snop  }
0x35: {  	[spmem:s2] =	stream.indirect.scatter.add.f32 [tilespmem:s26], [sflag:$0x1], $0x10, s25, s12, $0xb8;
	[tilespmem:$0x6990] =	vst v63  }
0x36: {  	_ =	swait.ge [sflag:s28], $0x7D0  }
0x37: {  	[sflag:s28] =	ssyncset.done $0x0  }
0x38: {  	[sflag:s28] =	ssyncadd.s32 $0xFFFFF830  }
0x39: {  	_ =	swait.ge [sflag:s28], $0x7D0  }
0x3a: {  	[sflag:s28] =	ssyncset.done $0x0  }
0x3b: {  	[sflag:s28] =	ssyncadd.s32 $0xFFFFF830  }
0x3c: {  	_ =	swait.ge [sflag:s28], $0x7D0  }
0x3d: {  	[sflag:s28] =	ssyncset.done $0x0  }
0x3e: {  	[sflag:s28] =	ssyncadd.s32 $0xFFFFF830  }
0x3f: {  	_ =	swait.ge [sflag:s28], $0x7D0  }
0x40: {  	[sflag:s28] =	ssyncset.done $0x0  }
0x41: {  	[sflag:s28] =	ssyncadd.s32 $0xFFFFF830  }
0x42: {  	_ =	swait.ge [sflag:s28], $0x7D0  }
0x43: {  	[sflag:s28] =	ssyncset.done $0x0  }
0x44: {  	[sflag:s28] =	ssyncadd.s32 $0xFFFFF830  }
0x45: {  	_ =	swait.ge [sflag:s28], $0x7D0  }
0x46: {  	[sflag:s28] =	ssyncset.done $0x0  }
0x47: {  	[sflag:s28] =	ssyncadd.s32 $0xFFFFF830  }
0x48: {  	_ =	swait.ge [sflag:s28], $0x7D0  }
0x49: {  	[sflag:s28] =	ssyncset.done $0x0  }
0x4a: {  	[sflag:s28] =	ssyncadd.s32 $0xFFFFF830  }
0x4b: {  	s31 =	simm.s32 $0x80;
	_ =	swait.ge [sflag:s28], $0x7D0  }
0x4c: {  	s30 =	sadd.s32 $0x7D0, s8;
	s0 =	simm.s32 $0x100;
	[sflag:s28] =	ssyncset.done $0x0  }
.LBB2_4:
0x4d: {  	s5 =	sadd.s32 s31, s7  }
0x4e: {  	[sflag:s28] =	ssyncadd.s32 $0xFFFFF830;
	s31 =	smov.u32 s0;
	s1 =	sadd.s32 $0x80, s0  }
0x4f: {  	[tilespmem:s11], [sflag:$0x2] =	stream.linear.gather [hbm4b:s5+s3], $0x400, $0x38;
	[tilespmem:$0x6990] =	vst v63  }
0x50: {  	p0 =	sne.s32 s0, $0x480;
	_ =	swait.ge [sflag:s10], $0x400  }
0x51: {  	[sflag:s10] =	ssyncset.done $0x0  }
0x52: {  	[sflag:s10] =	ssyncadd.s32 $0xFFFFFC00  }
0x53: {  	[tilespmem:s9], [sflag:$0x2] =	stream.linear.gather [hbm4b:s30+s3], $0x3E80, $0x38;
	[tilespmem:$0x6990] =	vst v63  }
0x54: {  	_ =	swait.ge [sflag:s10], $0x3E80  }
0x55: {  	[sflag:s10] =	ssyncset.done $0x0  }
0x56: {  	[sflag:s10] =	ssyncadd.s32 $0xFFFFC180  }
0x57: {  	[spmem:s2] =	stream.indirect.scatter.add.f32 [tilespmem:s9], [sflag:$0x1], $0x10, s11, s12, $0xb8;
	[tilespmem:$0x6990] =	vst v63  }
0x58: {  	_ = 	snop  }
0x59: {  	[spmem:s2] =	stream.indirect.scatter.add.f32 [tilespmem:s14], [sflag:$0x1], $0x10, s13, s12, $0xb8;
	[tilespmem:$0x6990] =	vst v63  }
0x5a: {  	_ = 	snop  }
0x5b: {  	[spmem:s2] =	stream.indirect.scatter.add.f32 [tilespmem:s16], [sflag:$0x1], $0x10, s15, s12, $0xb8;
	[tilespmem:$0x6990] =	vst v63  }
0x5c: {  	_ = 	snop  }
0x5d: {  	[spmem:s2] =	stream.indirect.scatter.add.f32 [tilespmem:s18], [sflag:$0x1], $0x10, s17, s12, $0xb8;
	[tilespmem:$0x6990] =	vst v63  }
0x5e: {  	_ = 	snop  }
0x5f: {  	[spmem:s2] =	stream.indirect.scatter.add.f32 [tilespmem:s20], [sflag:$0x1], $0x10, s19, s12, $0xb8;
	[tilespmem:$0x6990] =	vst v63  }
0x60: {  	_ = 	snop  }
0x61: {  	[spmem:s2] =	stream.indirect.scatter.add.f32 [tilespmem:s22], [sflag:$0x1], $0x10, s21, s12, $0xb8;
	[tilespmem:$0x6990] =	vst v63  }
0x62: {  	_ = 	snop  }
0x63: {  	[spmem:s2] =	stream.indirect.scatter.add.f32 [tilespmem:s24], [sflag:$0x1], $0x10, s23, s12, $0xb8;
	[tilespmem:$0x6990] =	vst v63  }
0x64: {  	_ = 	snop  }
0x65: {  	[spmem:s2] =	stream.indirect.scatter.add.f32 [tilespmem:s26], [sflag:$0x1], $0x10, s25, s12, $0xb8;
	[tilespmem:$0x6990] =	vst v63  }
0x66: {  	_ =	swait.ge [sflag:s28], $0x7D0  }
0x67: {  	[sflag:s28] =	ssyncset.done $0x0  }
0x68: {  	[sflag:s28] =	ssyncadd.s32 $0xFFFFF830  }
0x69: {  	_ =	swait.ge [sflag:s28], $0x7D0  }
0x6a: {  	[sflag:s28] =	ssyncset.done $0x0  }
0x6b: {  	[sflag:s28] =	ssyncadd.s32 $0xFFFFF830  }
0x6c: {  	_ =	swait.ge [sflag:s28], $0x7D0  }
0x6d: {  	[sflag:s28] =	ssyncset.done $0x0  }
0x6e: {  	[sflag:s28] =	ssyncadd.s32 $0xFFFFF830  }
0x6f: {  	_ =	swait.ge [sflag:s28], $0x7D0  }
0x70: {  	[sflag:s28] =	ssyncset.done $0x0  }
0x71: {  	[sflag:s28] =	ssyncadd.s32 $0xFFFFF830  }
0x72: {  	_ =	swait.ge [sflag:s28], $0x7D0  }
0x73: {  	[sflag:s28] =	ssyncset.done $0x0  }
0x74: {  	[sflag:s28] =	ssyncadd.s32 $0xFFFFF830  }
0x75: {  	_ =	swait.ge [sflag:s28], $0x7D0  }
0x76: {  	[sflag:s28] =	ssyncset.done $0x0  }
0x77: {  	[sflag:s28] =	ssyncadd.s32 $0xFFFFF830  }
.Ltmp1:
0x78: {  	_ =	swait.ge [sflag:s28], $0x7D0;
	(pc) =	sbr.rel @p0 .LBB2_4-.Ltmp1, $4  }
0x79: {  	[sflag:s28] =	ssyncset.done $0x0  }
0x7a: {  	[sflag:s28] =	ssyncadd.s32 $0xFFFFF830  }
0x7b: {  	_ =	swait.ge [sflag:s28], $0x7D0  }
0x7c: {  	s0 =	smov.u32 s1;
	s30 =	sadd.s32 $0x7D0, s30;
	[sflag:s28] =	ssyncset.done $0x0  }
0x7d: {  	s0 =	sadd.s32 s31, s7;
	[sflag:s28] =	ssyncadd.s32 $0xFFFFF830  }
0x7e: {  	[tilespmem:s11], [sflag:$0x2] =	stream.linear.gather [hbm4b:s0+s3], $0x400, $0x38;
	[tilespmem:$0x6990] =	vst v63  }
0x7f: {  	_ =	swait.ge [sflag:s10], $0x400  }
0x80: {  	[sflag:s10] =	ssyncset.done $0x0  }
0x81: {  	[sflag:s10] =	ssyncadd.s32 $0xFFFFFC00  }
0x82: {  	[tilespmem:s9], [sflag:$0x2] =	stream.linear.gather [hbm4b:s30+s3], $0x3E80, $0x38;
	[tilespmem:$0x6990] =	vst v63  }
0x83: {  	_ =	swait.ge [sflag:s10], $0x3E80  }
0x84: {  	[sflag:s10] =	ssyncset.done $0x0  }
0x85: {  	[sflag:s10] =	ssyncadd.s32 $0xFFFFC180  }
0x86: {  	[spmem:s2] =	stream.indirect.scatter.add.f32 [tilespmem:s9], [sflag:$0x1], $0x10, s11, s12, $0xb8;
	[tilespmem:$0x6990] =	vst v63  }
0x87: {  	_ = 	snop  }
0x88: {  	[spmem:s2] =	stream.indirect.scatter.add.f32 [tilespmem:s14], [sflag:$0x1], $0x10, s13, s12, $0xb8;
	[tilespmem:$0x6990] =	vst v63  }
0x89: {  	_ = 	snop  }
0x8a: {  	[spmem:s2] =	stream.indirect.scatter.add.f32 [tilespmem:s16], [sflag:$0x1], $0x10, s15, s12, $0xb8;
	[tilespmem:$0x6990] =	vst v63  }
0x8b: {  	_ = 	snop  }
0x8c: {  	[spmem:s2] =	stream.indirect.scatter.add.f32 [tilespmem:s18], [sflag:$0x1], $0x10, s17, s12, $0xb8;
	[tilespmem:$0x6990] =	vst v63  }
0x8d: {  	_ = 	snop  }
0x8e: {  	[spmem:s2] =	stream.indirect.scatter.add.f32 [tilespmem:s20], [sflag:$0x1], $0x10, s19, s12, $0xb8;
	[tilespmem:$0x6990] =	vst v63  }
0x8f: {  	_ = 	snop  }
0x90: {  	[spmem:s2] =	stream.indirect.scatter.add.f32 [tilespmem:s22], [sflag:$0x1], $0x10, s21, s12, $0xb8;
	[tilespmem:$0x6990] =	vst v63  }
0x91: {  	_ = 	snop  }
0x92: {  	[spmem:s2] =	stream.indirect.scatter.add.f32 [tilespmem:s24], [sflag:$0x1], $0x10, s23, s12, $0xb8;
	[tilespmem:$0x6990] =	vst v63  }
0x93: {  	_ = 	snop  }
0x94: {  	[spmem:s2] =	stream.indirect.scatter.add.f32 [tilespmem:s26], [sflag:$0x1], $0x10, s25, s12, $0xb8;
	[tilespmem:$0x6990] =	vst v63  }
0x95: {  	_ =	swait.ge [sflag:s28], $0x7D0  }
0x96: {  	[sflag:s28] =	ssyncset.done $0x0  }
0x97: {  	[sflag:s28] =	ssyncadd.s32 $0xFFFFF830  }
0x98: {  	_ =	swait.ge [sflag:s28], $0x7D0  }
0x99: {  	[sflag:s28] =	ssyncset.done $0x0  }
0x9a: {  	[sflag:s28] =	ssyncadd.s32 $0xFFFFF830  }
0x9b: {  	_ =	swait.ge [sflag:s28], $0x7D0  }
0x9c: {  	[sflag:s28] =	ssyncset.done $0x0  }
0x9d: {  	[sflag:s28] =	ssyncadd.s32 $0xFFFFF830  }
0x9e: {  	_ =	swait.ge [sflag:s28], $0x7D0  }
0x9f: {  	[sflag:s28] =	ssyncset.done $0x0  }
0xa0: {  	[sflag:s28] =	ssyncadd.s32 $0xFFFFF830  }
0xa1: {  	_ =	swait.ge [sflag:s28], $0x7D0  }
0xa2: {  	[sflag:s28] =	ssyncset.done $0x0  }
0xa3: {  	[sflag:s28] =	ssyncadd.s32 $0xFFFFF830  }
0xa4: {  	_ =	swait.ge [sflag:s28], $0x7D0  }
0xa5: {  	[sflag:s28] =	ssyncset.done $0x0  }
0xa6: {  	[sflag:s28] =	ssyncadd.s32 $0xFFFFF830  }
0xa7: {  	_ =	swait.ge [sflag:s28], $0x7D0  }
0xa8: {  	[sflag:s28] =	ssyncset.done $0x0  }
0xa9: {  	[sflag:s28] =	ssyncadd.s32 $0xFFFFF830  }
0xaa: {  	_ =	swait.ge [sflag:s28], $0x7D0  }
0xab: {  	[sflag:s28] =	ssyncset.done $0x0  }
0xac: {  	[sflag:s28] =	ssyncadd.s32 $0xFFFFF830  }
0xad: {  	[bflag:$0x0] =	sbarrier.arrive $0xFFFF  }
0xae: {  	[tilespmem:s9], [sflag:$0x2] =	stream.linear.gather [spmem:s4], $0x2710, $0x38;
	[tilespmem:$0x6990] =	vst v63  }
0xaf: {  	_ =	swait.ge [sflag:s10], $0x2710  }
0xb0: {  	[sflag:s10] =	ssyncset.done $0x0  }
0xb1: {  	[sflag:s10] =	ssyncadd.s32 $0xFFFFD8F0  }
0xb2: {  	[hbm4b:s6+s3] =	stream.linear.scatter [tilespmem:s9], [sflag:$0x2], $0x2710, $0x38;
	[tilespmem:$0x6990] =	vst v63  }
0xb3: {  	_ =	swait.ge [sflag:s10], $0x2710  }
0xb4: {  	s29 =	sadd.s32 $0x1, s29;
	s31 =	rddreg [dreg:$0x4]  }
0xb5: {  	p0 =	sne.s32 s29, s31  }
.Ltmp2:
0xb6: {  	_ = 	snop;
	(pc) =	sbr.rel @p0 .LBB2_1-.Ltmp2, $3  }
0xb7: {  	_ =	sdelay $0x1  }
0xb8: {  	[sflag:s10] =	ssyncset.done $0x0  }
0xb9: {  	[sflag:s10] =	ssyncadd.s32 $0xFFFFD8F0  }
0xba: {  	_ =	sfence.sel $0x180000  }
0xbb: {  	[bflag:$0x0] =	sbarrier.arrive $0xFFFF  }
0xbc: {  	_ =	strace $0x9000004D  }
0xbd: {  	s0 =	stileid.u32;
	[bflag:$0x2] =	sbarrier.arrive $0xFFFF  }
0xbe: {  	p0 =	sne.s32 s0, $0x0;
	s0 =	rddreg [dreg:$0x3]  }
0xbf: {  	s0 =	sadd.s32 @!p0 $0x100000, s0  }
0xc0: {  	[sflag:s0] =	ssyncadd.tile.s32 @!p0 $0x1;
	_ =	shalt  }
.Lfunc_end2:
_tile_overlayer_lowered:
.L_overlay_start_2:
0xc1: {  	(tag) =	ssettag $0x2  }
0xc2: {  	s0 =	rddreg [dreg:$0x0];
	s2 =	stileid.u32  }
0xc3: {  	s1 =	rddreg [dreg:$0x1];
	p0 =	sne.s32 s2, $0x0  }
0xc4: {  	s3 =	rddreg [dreg:$0x2];
	[bflag:$0x3] =	sbarrier.arrive $0xFFFF;
	s2 =	simm.s32 @!p0 $0x1C02  }
0xc5: {  	[timem:s3], [sflag:s2] =	dma.local @!p0 [hbm:s0], s1  }
0xc6: {  	s0 =	simm.s32 @!p0 $0x2  }
0xc7: {  	_ =	swait.ge @!p0 [sflag:s0], s1  }
0xc8: {  	s1 =	ssub.s32 @!p0 $0x0, s1;
	[sflag:s0] =	ssyncset.done @!p0 $0x0  }
0xc9: {  	[sflag:s0] =	ssyncadd.s32 @!p0 s1  }
0xca: {  	[bflag:$0x3] =	sbarrier.arrive $0xFFFF  }
0xcb: {  	_ =	shalt  }

// kernel: kernel.15.cloned.1.call-start
scs
__scs_entry_jumppad:
0x0: {  	(pc) =	sbr.rel $0x88, $3  }
0x1: {  	(tag) =	ssettag $0x0;
	lr =	simm.s32 $0x1  }
0x2: {  	[smem:$0x3F8A] =	sst lr;
	_ =	strace $0xD0000000  }
0x3: {  	_ = 	snop  }
0x4: {  	_ = 	snop  }
0x5: {  	_ = 	snop  }
0x6: {  	_ = 	snop  }
0x7: {  	_ = 	snop  }
__scs_overlays_trampoline_lowered:
0x8: {  	[smem:$0x3F99] =	sst s0  }
0x9: {  	[smem:$0x3F9A] =	sst s1  }
0xa: {  	[smem:$0x3F9B] =	sst s2  }
0xb: {  	[smem:$0x3F9C] =	sst s3  }
0xc: {  	[smem:$0x3F9D] =	sst s4  }
0xd: {  	[smem:$0x3F9E] =	sst s5  }
0xe: {  	[smem:$0x3F9F] =	sst s6  }
0xf: {  	[smem:$0x3FA0] =	sst s7  }
0x10: {  	[smem:$0x3FA1] =	sst s8  }
0x11: {  	[smem:$0x3FA2] =	sst s9;
	s0 =	simm.s32 @!p0 $0x0  }
0x12: {  	s1 =	sld [smem:$0x3F88];
	s0 =	simm.s32 @p0 $0x1  }
0x13: {  	[smem:$0x3FA3] =	sst s0;
	s0 =	simm.s32 @!p1 $0x0  }
0x14: {  	s2 =	sld [smem:$0x3F87];
	s0 =	simm.s32 @p1 $0x1  }
0x15: {  	[smem:$0x3FA4] =	sst s0;
	s0 =	simm.s32 @!p2 $0x0  }
0x16: {  	s3 =	sld [smem:$0x3FDB];
	s0 =	simm.s32 @p2 $0x1  }
0x17: {  	s4 =	simm.s32 $0x1BF5;
	[smem:$0x3FA6] =	sst s0  }
0x18: {  	s0 =	sld [smem:$0x3F89];
	_ =	swait.ge [sflag:s4], $0x0  }
0x19: {  	s7 =	sld [smem:$0x3F8A]  }
0x1a: {  	s8 =	sadd.s32 $0xFFFFE003, lr  }
0x1b: {  	s9 =	sadd.s32 $0xFFFFFEF7, lr;
	s5 =	simm.s32 $0xFFFFFFFF;
	p2 =	slt.u32 s8, $0xFFFFF086  }
0x1c: {  	p1 =	slt.u32 s9, $0xF7A;
	s5 =	simm.s32 @!p2 $0x0  }
0x1d: {  	s5 =	simm.s32 @p1 $0x1;
	p0 =	seq.s32 s7, s2  }
0x1e: {  	s7 =	smul.u32 @!p0 $0xF7A, s2;
	p2 =	seq.s32 @!p0 s5, $0x0  }
0x1f: {  	s9 =	smul.u32 $0xF7A, s1;
	s8 =	simm.s32 @!p0 $0x1BF5;
	p2 =	por !p2, p0  }
0x20: {  	[sflag:s8] =	ssyncset.s32 @!p0 $0xFFFFF086;
	s6 =	sadd.s32 @!p0 s3, s7;
	s7 =	simm.s32 @!p0 $0x108  }
0x21: {  	s3 =	sadd.s32 s3, s9;
	s6 =	sadd.s32 @!p0 $0x88, s6;
	s7 =	simm.s32 @p2 $0x1082  }
0x22: {  	[simem:s7], [sflag:s8] =	dma.local @!p0 [hbm:s6], $0xF7A  }
0x23: {  	s9 =	sor.u32 $0xD0000000, s2;
	s6 =	simm.s32 $0x108;
	_ =	swait.ge @!p0 [sflag:s8], $0x0  }
0x24: {  	s3 =	sadd.s32 $0x88, s3;
	s6 =	simm.s32 @!p1 $0x1082;
	[sflag:s4] =	ssyncset.s32 $0xFFFFF086  }
0x25: {  	[simem:s6], [sflag:s4] =	dma.local [hbm:s3], $0xF7A  }
0x26: {  	[smem:$0x3F8A] =	sst s1;
	(tag) =	ssettag s2;
	_ =	strace s9  }
0x27: {  	s1 =	sld [smem:$0x3F9A]  }
0x28: {  	s2 =	sld [smem:$0x3F9B]  }
0x29: {  	s4 =	sld [smem:$0x3F9D]  }
0x2a: {  	p0 =	seq.s32 s5, $0x0;
	s5 =	sld [smem:$0x3F9E]  }
0x2b: {  	s6 =	sld [smem:$0x3F9F]  }
0x2c: {  	s7 =	sld [smem:$0x3FA0]  }
0x2d: {  	s3 =	simm.s32 $0x108;
	s8 =	sld [smem:$0x3FA1]  }
0x2e: {  	s3 =	simm.s32 @!p0 $0x1082;
	s9 =	sld [smem:$0x3FA2]  }
0x2f: {  	lr =	sadd.s32 s0, s3;
	s0 =	sld [smem:$0x3F99]  }
0x30: {  	s3 =	sld [smem:$0x3F9C]  }
0x31: {  	[smem:$0x3FA5] =	sst s10  }
0x32: {  	s10 =	sld [smem:$0x3FA3];
	_ =	sdelay $0x3  }
0x33: {  	p0 =	seq.s32 s10, $0x1;
	s10 =	sld [smem:$0x3FA5];
	_ =	sdelay $0x3  }
0x34: {  	[smem:$0x3FA5] =	sst s10  }
0x35: {  	s10 =	sld [smem:$0x3FA4];
	_ =	sdelay $0x3  }
0x36: {  	p1 =	seq.s32 s10, $0x1;
	s10 =	sld [smem:$0x3FA5];
	_ =	sdelay $0x3  }
0x37: {  	[smem:$0x3FA5] =	sst s10  }
0x38: {  	s10 =	sld [smem:$0x3FA6]  }
0x39: {  	_ = 	snop;
	(pc) =	sbr.ind lr, $3  }
0x3a: {  	_ = 	snop  }
0x3b: {  	_ = 	snop  }
0x3c: {  	p2 =	seq.s32 s10, $0x1;
	s10 =	sld [smem:$0x3FA5]  }
0x3d: {  	_ =	shalt  }
0x3e: {  	_ =	shalt  }
0x3f: {  	_ =	shalt  }
0x40: {  	_ =	shalt  }
0x41: {  	_ =	shalt  }
0x42: {  	_ =	shalt  }
0x43: {  	_ =	shalt  }
0x44: {  	_ =	shalt  }
0x45: {  	_ =	shalt  }
0x46: {  	_ =	shalt  }
0x47: {  	_ =	shalt  }
0x48: {  	_ =	shalt  }
0x49: {  	_ =	shalt  }
0x4a: {  	_ =	shalt  }
0x4b: {  	_ =	shalt  }
0x4c: {  	_ =	shalt  }
0x4d: {  	_ =	shalt  }
0x4e: {  	_ =	shalt  }
0x4f: {  	_ =	shalt  }
0x50: {  	_ =	shalt  }
0x51: {  	_ =	shalt  }
0x52: {  	_ =	shalt  }
0x53: {  	_ =	shalt  }
0x54: {  	_ =	shalt  }
0x55: {  	_ =	shalt  }
0x56: {  	_ =	shalt  }
0x57: {  	_ =	shalt  }
0x58: {  	_ =	shalt  }
0x59: {  	_ =	shalt  }
0x5a: {  	_ =	shalt  }
0x5b: {  	_ =	shalt  }
0x5c: {  	_ =	shalt  }
0x5d: {  	_ =	shalt  }
0x5e: {  	_ =	shalt  }
0x5f: {  	_ =	shalt  }
0x60: {  	_ =	shalt  }
0x61: {  	_ =	shalt  }
0x62: {  	_ =	shalt  }
0x63: {  	_ =	shalt  }
0x64: {  	_ =	shalt  }
0x65: {  	_ =	shalt  }
0x66: {  	_ =	shalt  }
0x67: {  	_ =	shalt  }
0x68: {  	_ =	shalt  }
0x69: {  	_ =	shalt  }
0x6a: {  	_ =	shalt  }
0x6b: {  	_ =	shalt  }
0x6c: {  	_ =	shalt  }
0x6d: {  	_ =	shalt  }
0x6e: {  	_ =	shalt  }
0x6f: {  	_ =	shalt  }
0x70: {  	_ =	shalt  }
0x71: {  	_ =	shalt  }
0x72: {  	_ =	shalt  }
0x73: {  	_ =	shalt  }
0x74: {  	_ =	shalt  }
0x75: {  	_ =	shalt  }
0x76: {  	_ =	shalt  }
0x77: {  	_ =	shalt  }
0x78: {  	_ =	shalt  }
0x79: {  	_ =	shalt  }
0x7a: {  	_ =	shalt  }
0x7b: {  	_ =	shalt  }
0x7c: {  	_ =	shalt  }
0x7d: {  	_ =	shalt  }
0x7e: {  	_ =	shalt  }
0x7f: {  	_ =	shalt  }
0x80: {  	_ =	shalt  }
0x81: {  	_ =	shalt  }
0x82: {  	_ =	shalt  }
0x83: {  	_ =	shalt  }
0x84: {  	_ =	shalt  }
0x85: {  	_ =	shalt  }
0x86: {  	_ =	shalt  }
0x87: {  	_ =	shalt  }
.Lfunc_end0:
.L_simem_size_0:
called_computation.3_lowered:
.L_overlay_start_0:
0x88: {  	s2 =	sld [smem:$0x3FD9]  }
0x89: {  	s3 =	sld [smem:$0x3FFE];
	_ =	sdelay $0x1  }
0x8a: {  	s1 =	srdreg.scid  }
0x8b: {  	s0 =	sand.u32 $0x1, s1  }
0x8c: {  	s17 =	sshll.u32 s0, $0xA;
	s2 =	sadd.s32 s3, s2  }
0x8d: {  	s2 =	sadd.s32 s2, s17  }
0x8e: {  	[smem:$0x3FB1] =	sst s2  }
0x8f: {  	_ = 	snop  }
0x90: {  	s2 =	sld [smem:$0x3FD0];
	(tm) =	ssettm $0x1  }
0x91: {  	s18 =	sld [smem:$0x3FFB];
	_ =	sdelay $0x3  }
0x92: {  	_ =	strace s18  }
0x93: {  	s3 =	sld [smem:$0x3FFC];
	_ =	sdelay $0x3  }
0x94: {  	_ =	strace s3  }
0x95: {  	s3 =	sld [smem:$0x3FFD];
	_ =	sdelay $0x3  }
0x96: {  	_ =	strace s3  }
0x97: {  	_ =	strace $0x8FFFFFFF  }
0x98: {  	s19 =	sld [smem:$0x3FDB];
	_ =	sdelay $0x1  }
0x99: {  	s4 =	simm.s32 $_scs_section_size  }
0x9a: {  	s5 =	simm.s32 $_size__tile_overlayer_lowered;
	s6 =	simm.s32 $_tile_overlayer_lowered  }
0x9b: {  	s22 =	simm.s32 $0x1BFF;
	s21 =	sshll.u32 s6, $0x1;
	s3 =	sadd.s32 s4, s19  }
0x9c: {  	s7 =	simm.s32 $0x0;
	s20 =	sshll.u32 s5, $0x1;
	s5 =	sadd.s32 s21, s3  }
0x9d: {  	[timem:s7], [sflag:s22] =	dma.local [hbm:s5], s20  }
0x9e: {  	_ =	swait.ge [sflag:s22], s20  }
0x9f: {  	s4 =	ssub.s32 $0x0, s20;
	[sflag:s22] =	ssyncset.done $0x0  }
0xa0: {  	[sflag:s22] =	ssyncadd.s32 s4;
	_ =	sdelay $0x1  }
0xa1: {  	s23 =	simm.s32 $0x1B8B  }
0xa2: {  	_ =	swait.ge [sflag:s23], $0x1  }
0xa3: {  	[sflag:s23] =	ssyncset.done $0x0  }
0xa4: {  	s25 =	simm.s32 $0x1B8E;
	s24 =	sld [smem:$0x3FFE];
	[sflag:s23] =	ssyncadd.s32 $0xFFFFFFFF  }
0xa5: {  	s26 =	simm.s32 $execute0_lowered;
	[smem:$0x3FD2] =	sst s25  }
0xa6: {  	s5 =	sshll.u32 s26, $0x1;
	_ =	strace $0x8000004F;
	[dreg:$0x1] =	wrdreg $0xFFFFFFFF  }
0xa7: {  	s28 =	simm.s32 $_size_execute0_lowered;
	s3 =	sadd.s32 s3, s5;
	[dreg:$0x0] =	wrdreg $0x0  }
0xa8: {  	s5 =	sshll.u32 s28, $0x1;
	[dreg:$0x2] =	wrdreg s3  }
0xa9: {  	[dreg:$0x3] =	wrdreg s5  }
0xaa: {  	[dreg:$0x4] =	wrdreg $0xC0  }
0xab: {  	_ =	task [dreg:s7], $0x5FFFF  }
0xac: {  	[dreg:$0x1] =	wrdreg $0xFFFFFFFF  }
0xad: {  	[dreg:$0x0] =	wrdreg $0x60  }
0xae: {  	[dreg:$0x2] =	wrdreg s2  }
0xaf: {  	[dreg:$0x3] =	wrdreg s24  }
0xb0: {  	[dreg:$0x4] =	wrdreg $0x9  }
0xb1: {  	_ =	task.clear_ibuf [dreg:s7], $0x5FFFF;
	_ =	strace $0x9000004F  }
0xb2: {  	s29 =	simm.s32 $0x9;
	_ =	strace $0x80000051  }
0xb3: {  	_ =	swait.ge [sflag:s29], $0x1  }
0xb4: {  	[sflag:s29] =	ssyncadd.s32 $0xFFFFFFFF  }
0xb5: {  	_ =	strace $0x90000051  }
0xb6: {  	_ =	sfence  }
0xb7: {  	s30 =	sld [smem:$0x0];
	_ =	sdelay $0x2  }
0xb8: {  	s31 =	sshll.u32 s1, $0xD;
	s1 =	sshrl.u32 s1, $0x2  }
0xb9: {  	s3 =	sand.u32 $0x4000, s31;
	s1 =	sadd.s32 s1, s30  }
0xba: {  	s0 =	sor.u32 s3, s0;
	s1 =	sshll.u32 s1, $0x11  }
0xbb: {  	s0 =	sor.u32 s1, s0  }
0xbc: {  	s0 =	sadd.s32 $0x8F2B, s0  }
0xbd: {  	[sflag:s0] =	ssyncadd.remote.s32 $0x1  }
0xbe: {  	_ =	sfence.sel $0xFFFF  }
0xbf: {  	[dreg:$0x0] =	wrdreg $0xFFFFFFFF;
	(pc) =	sbr.abs _section_cstart, $3  }
0xc0: {  	[dreg:$0x1] =	wrdreg $0xFFFFFFFF  }
0xc1: {  	_ =	task.clear_ibuf [dreg:s7], $0x2FFFF;
	_ =	strace $0x9FFFFFFF  }
0xc2: {  	(tm) =	ssettm $0x7FFFFFFF  }
0xc3: {  	_ =	shalt  }
tec
execute0_lowered:
.L_overlay_start_1:
0x0: {  	(tag) =	ssettag $0x1  }
0x1: {  	s1 =	rddreg [dreg:$0x0]  }
0x2: {  	s0 =	rddreg [dreg:$0x1];
	s2 =	simm.s32 $0x0  }
0x3: {  	s25 =	srdreg.scid;
	s5 =	stileid.u32;
	s10 =	simm.s32 $0x2  }
0x4: {  	s11 =	simm.s32 $0x7D;
	s12 =	simm.s32 $0x400;
	s14 =	simm.s32 $0x80  }
0x5: {  	s17 =	simm.s32 $0x100;
	s20 =	simm.s32 $0x180;
	s21 =	simm.s32 $0x1B70  }
0x6: {  	s22 =	simm.s32 $0x59F0;
	s23 =	simm.s32 $0x200;
	s24 =	simm.s32 $0x2340  }
0x7: {  	s28 =	simm.s32 $0x2B10;
	s29 =	simm.s32 $0x6990;
	s30 =	simm.s32 $0x300  }
0x8: {  	s31 =	simm.s32 $0x32E0;
	s9 =	simm.s32 $0x3AB0;
	s13 =	simm.s32 $0x1  }
0x9: {  	s16 =	simm.s32 $0x0;
	[smem:$0x7FF] =	sst s2;
	s2 =	sand.u32 $0x1, s25  }
0xa: {  	s4 =	sadd.s32 $0x9DF600, s0;
	s7 =	sadd.s32 $0x7400, s0;
	s25 =	simm.s32 $0x61C0  }
0xb: {  	_ =	strace $0x80000050;
	s3 =	ssub.s32 $0x2, s2;
	s2 =	sshll.u32 s2, $0x4  }
0xc: {  	s6 =	sshrl.u32 s3, $0x1;
	s2 =	sor.u32 s5, s2;
	s5 =	sadd.s32 $0x4E9400, s0  }
0xd: {  	s0 =	simm.s32 $0x7160;
	s3 =	ssub.s32 s3, s6;
	s6 =	smul.u32 $0x2800, s2  }
0xe: {  	s8 =	smul.u32 $0x2710, s2;
	s2 =	simm.s32 $0x7930;
	s26 =	smax.u32 s3, $0x1  }
0xf: {  	s3 =	simm.s32 $0x380;
	[dreg:$0x3] =	wrdreg s26;
	s26 =	simm.s32 $0x280  }
.LBB2_1:
0x10: {  	[dreg:$0x4] =	wrdreg s16;
	s15 =	simm.s32 $0x0  }
.LBB2_2:
0x11: {  	s16 =	sshll.u32 s15, $0xA  }
0x12: {  	s16 =	sadd.s32 s6, s16  }
0x13: {  	s16 =	sshrl.u32 s16, $0x3  }
0x14: {  	s18 =	simm.s32 $0x0;
	s16 =	sadd.s32 s5, s16  }
0x15: {  	[tilespmem:s18], [sflag:$0x2] =	stream.linear.gather [hbm4b:s16+s18], $0x400, $0x38;
	[tilespmem:$0x8100] =	vst v63  }
0x16: {  	_ =	swait.ge [sflag:s10], $0x400  }
0x17: {  	[sflag:s10] =	ssyncset.done $0x0  }
0x18: {  	[sflag:s10] =	ssyncadd.s32 $0xFFFFFC00  }
0x19: {  	[tilespmem:s12], [sflag:$0x1] =	stream.indirect.gather [hbm4b:s1+s11], $0x10, s18, s11, $0xb8;
	[tilespmem:$0x8100] =	vst v63  }
0x1a: {  	s19 =	simm.s32 $0x4280  }
0x1b: {  	[tilespmem:s19], [sflag:$0x1] =	stream.indirect.gather [hbm4b:s4+s11], $0x10, s18, s11, $0xb8;
	[tilespmem:$0x8100] =	vst v63  }
0x1c: {  	s18 =	simm.s32 $0xBD0  }
0x1d: {  	[tilespmem:s18], [sflag:$0x1] =	stream.indirect.gather [hbm4b:s1+s11], $0x10, s14, s11, $0xb8;
	[tilespmem:$0x8100] =	vst v63  }
0x1e: {  	s19 =	simm.s32 $0x4A50  }
0x1f: {  	[tilespmem:s19], [sflag:$0x1] =	stream.indirect.gather [hbm4b:s4+s11], $0x10, s14, s11, $0xb8;
	[tilespmem:$0x8100] =	vst v63  }
0x20: {  	s18 =	simm.s32 $0x13A0  }
0x21: {  	[tilespmem:s18], [sflag:$0x1] =	stream.indirect.gather [hbm4b:s1+s11], $0x10, s17, s11, $0xb8;
	[tilespmem:$0x8100] =	vst v63  }
0x22: {  	s19 =	simm.s32 $0x5220  }
0x23: {  	[tilespmem:s19], [sflag:$0x1] =	stream.indirect.gather [hbm4b:s4+s11], $0x10, s17, s11, $0xb8;
	[tilespmem:$0x8100] =	vst v63  }
0x24: {  	_ = 	snop  }
0x25: {  	[tilespmem:s21], [sflag:$0x1] =	stream.indirect.gather [hbm4b:s1+s11], $0x10, s20, s11, $0xb8;
	[tilespmem:$0x8100] =	vst v63  }
0x26: {  	_ = 	snop  }
0x27: {  	[tilespmem:s22], [sflag:$0x1] =	stream.indirect.gather [hbm4b:s4+s11], $0x10, s20, s11, $0xb8;
	[tilespmem:$0x8100] =	vst v63  }
0x28: {  	_ = 	snop  }
0x29: {  	[tilespmem:s24], [sflag:$0x1] =	stream.indirect.gather [hbm4b:s1+s11], $0x10, s23, s11, $0xb8;
	[tilespmem:$0x8100] =	vst v63  }
0x2a: {  	_ = 	snop  }
0x2b: {  	[tilespmem:s25], [sflag:$0x1] =	stream.indirect.gather [hbm4b:s4+s11], $0x10, s23, s11, $0xb8;
	[tilespmem:$0x8100] =	vst v63  }
0x2c: {  	_ = 	snop  }
0x2d: {  	[tilespmem:s28], [sflag:$0x1] =	stream.indirect.gather [hbm4b:s1+s11], $0x10, s26, s11, $0xb8;
	[tilespmem:$0x8100] =	vst v63  }
0x2e: {  	_ = 	snop  }
0x2f: {  	[tilespmem:s29], [sflag:$0x1] =	stream.indirect.gather [hbm4b:s4+s11], $0x10, s26, s11, $0xb8;
	[tilespmem:$0x8100] =	vst v63  }
0x30: {  	_ = 	snop  }
0x31: {  	[tilespmem:s31], [sflag:$0x1] =	stream.indirect.gather [hbm4b:s1+s11], $0x10, s30, s11, $0xb8;
	[tilespmem:$0x8100] =	vst v63  }
0x32: {  	_ = 	snop  }
0x33: {  	[tilespmem:s0], [sflag:$0x1] =	stream.indirect.gather [hbm4b:s4+s11], $0x10, s30, s11, $0xb8;
	[tilespmem:$0x8100] =	vst v63  }
0x34: {  	_ = 	snop  }
0x35: {  	[tilespmem:s9], [sflag:$0x1] =	stream.indirect.gather [hbm4b:s1+s11], $0x10, s3, s11, $0xb8;
	[tilespmem:$0x8100] =	vst v63  }
0x36: {  	_ = 	snop  }
0x37: {  	[tilespmem:s2], [sflag:$0x1] =	stream.indirect.gather [hbm4b:s4+s11], $0x10, s3, s11, $0xb8;
	[tilespmem:$0x8100] =	vst v63  }
0x38: {  	_ =	swait.ge [sflag:s13], $0x7D0  }
0x39: {  	[sflag:s13] =	ssyncset.done $0x0  }
0x3a: {  	[sflag:s13] =	ssyncadd.s32 $0xFFFFF830  }
0x3b: {  	_ =	swait.ge [sflag:s13], $0x7D0  }
0x3c: {  	[sflag:s13] =	ssyncset.done $0x0  }
0x3d: {  	[sflag:s13] =	ssyncadd.s32 $0xFFFFF830  }
0x3e: {  	_ =	swait.ge [sflag:s13], $0x7D0  }
0x3f: {  	[sflag:s13] =	ssyncset.done $0x0  }
0x40: {  	[sflag:s13] =	ssyncadd.s32 $0xFFFFF830  }
0x41: {  	_ =	swait.ge [sflag:s13], $0x7D0  }
0x42: {  	[sflag:s13] =	ssyncset.done $0x0  }
0x43: {  	[sflag:s13] =	ssyncadd.s32 $0xFFFFF830  }
0x44: {  	_ =	swait.ge [sflag:s13], $0x7D0  }
0x45: {  	[sflag:s13] =	ssyncset.done $0x0  }
0x46: {  	[sflag:s13] =	ssyncadd.s32 $0xFFFFF830  }
0x47: {  	_ =	swait.ge [sflag:s13], $0x7D0  }
0x48: {  	[sflag:s13] =	ssyncset.done $0x0  }
0x49: {  	[sflag:s13] =	ssyncadd.s32 $0xFFFFF830  }
0x4a: {  	_ =	swait.ge [sflag:s13], $0x7D0  }
0x4b: {  	[sflag:s13] =	ssyncset.done $0x0  }
0x4c: {  	[sflag:s13] =	ssyncadd.s32 $0xFFFFF830  }
0x4d: {  	_ =	swait.ge [sflag:s13], $0x7D0  }
0x4e: {  	[sflag:s13] =	ssyncset.done $0x0  }
0x4f: {  	[sflag:s13] =	ssyncadd.s32 $0xFFFFF830  }
0x50: {  	_ =	swait.ge [sflag:s13], $0x7D0  }
0x51: {  	[sflag:s13] =	ssyncset.done $0x0  }
0x52: {  	[sflag:s13] =	ssyncadd.s32 $0xFFFFF830  }
0x53: {  	_ =	swait.ge [sflag:s13], $0x7D0  }
0x54: {  	[sflag:s13] =	ssyncset.done $0x0  }
0x55: {  	[sflag:s13] =	ssyncadd.s32 $0xFFFFF830  }
0x56: {  	_ =	swait.ge [sflag:s13], $0x7D0  }
0x57: {  	[sflag:s13] =	ssyncset.done $0x0  }
0x58: {  	[sflag:s13] =	ssyncadd.s32 $0xFFFFF830  }
0x59: {  	_ =	swait.ge [sflag:s13], $0x7D0  }
0x5a: {  	[sflag:s13] =	ssyncset.done $0x0  }
0x5b: {  	[sflag:s13] =	ssyncadd.s32 $0xFFFFF830  }
0x5c: {  	_ =	swait.ge [sflag:s13], $0x7D0  }
0x5d: {  	[sflag:s13] =	ssyncset.done $0x0  }
0x5e: {  	[sflag:s13] =	ssyncadd.s32 $0xFFFFF830  }
0x5f: {  	_ =	swait.ge [sflag:s13], $0x7D0  }
0x60: {  	[sflag:s13] =	ssyncset.done $0x0  }
0x61: {  	[sflag:s13] =	ssyncadd.s32 $0xFFFFF830  }
0x62: {  	_ =	swait.ge [sflag:s13], $0x7D0  }
0x63: {  	[sflag:s13] =	ssyncset.done $0x0  }
0x64: {  	[sflag:s13] =	ssyncadd.s32 $0xFFFFF830  }
0x65: {  	_ =	swait.ge [sflag:s13], $0x7D0  }
0x66: {  	[sflag:s13] =	ssyncset.done $0x0  }
0x67: {  	s16 =	simm.s32 $0x0;
	[sflag:s13] =	ssyncadd.s32 $0xFFFFF830  }
0x68: {  	v5 =	vld [tilespmem:s16+$0x4280]  }
0x69: {  	v6 =	vld [tilespmem:s16+$0x4290]  }
0x6a: {  	v1 =	vld [tilespmem:s16+$0x42A0]  }
0x6b: {  	v0 =	vld [tilespmem:s16+$0x42B0]  }
0x6c: {  	v3 =	vld [tilespmem:s16+$0x400]  }
0x6d: {  	v4 =	vld [tilespmem:s16+$0x410]  }
0x6e: {  	s18 =	simm.s32 $0x100;
	v2 =	vld [tilespmem:s16+$0x420]  }
.LBB2_3:
0x6f: {  	s19 =	sshra.s32 s18, $0x2;
	p0 =	sne.s32 s18, $0xF900;
	v7 =	vld [tilespmem:s16+$0x430];
	v8 =	vmov v1  }
0x70: {  	v9 =	vld [tilespmem:s19+$0x4280];
	v10 =	vmov v0  }
0x71: {  	v11 =	vld [tilespmem:s19+$0x4290];
	v3 =	vadd.f32 v5, v3  }
.Ltmp0:
0x72: {  	v1 =	vld [tilespmem:s19+$0x42A0];
	v4 =	vadd.f32 v6, v4;
	(pc) =	sbr.rel @p0 .LBB2_3-.Ltmp0, $4  }
0x73: {  	v0 =	vld [tilespmem:s19+$0x42B0];
	[tilespmem:s16+$0x400] =	vst v3;
	v2 =	vadd.f32 v8, v2  }
0x74: {  	v3 =	vld [tilespmem:s19+$0x400];
	[tilespmem:s16+$0x410] =	vst v4;
	v7 =	vadd.f32 v10, v7  }
0x75: {  	v4 =	vld [tilespmem:s19+$0x410];
	[tilespmem:s16+$0x420] =	vst v2;
	v5 =	vmov v9  }
0x76: {  	s18 =	sadd.s32 $0x100, s18;
	v2 =	vld [tilespmem:s19+$0x420];
	[tilespmem:s16+$0x430] =	vst v7;
	v6 =	vmov v11;
	s16 =	smov.u32 s19  }
0x77: {  	v7 =	vld [tilespmem:s16+$0x430];
	_ =	sdelay $0x1  }
0x78: {  	v3 =	vadd.f32 v5, v3  }
0x79: {  	s18 =	smul.u32 $0x3E8, s15;
	v4 =	vadd.f32 v6, v4  }
0x7a: {  	[tilespmem:s16+$0x400] =	vst v3;
	v1 =	vadd.f32 v1, v2  }
0x7b: {  	s15 =	sadd.s32 $0x1, s15;
	s18 =	sadd.s32 s8, s18;
	[tilespmem:s16+$0x410] =	vst v4;
	v0 =	vadd.f32 v0, v7  }
0x7c: {  	p0 =	sne.s32 s15, $0xA;
	s18 =	sshll.u32 s18, $0x1;
	[tilespmem:s16+$0x420] =	vst v1  }
.Ltmp1:
0x7d: {  	s19 =	simm.s32 $0x0;
	s18 =	sadd.s32 s7, s18;
	[tilespmem:s16+$0x430] =	vst v0;
	(pc) =	sbr.rel @p0 .LBB2_2-.Ltmp1, $4  }
0x7e: {  	[hbm4b:s18+s19] =	stream.linear.scatter [tilespmem:s12], [sflag:$0x2], $0x3E80, $0x38;
	[tilespmem:$0x8100] =	vst v63  }
0x7f: {  	_ =	swait.ge [sflag:s10], $0x3E80  }
0x80: {  	[sflag:s10] =	ssyncset.done $0x0  }
0x81: {  	[sflag:s10] =	ssyncadd.s32 $0xFFFFC180  }
0x82: {  	s16 =	rddreg [dreg:$0x4]  }
0x83: {  	s15 =	rddreg [dreg:$0x3];
	s16 =	sadd.s32 $0x1, s16  }
0x84: {  	p0 =	sne.s32 s16, s15  }
.Ltmp2:
0x85: {  	_ = 	snop;
	(pc) =	sbr.rel @p0 .LBB2_1-.Ltmp2, $1  }
0x86: {  	_ =	sdelay $0x3  }
0x87: {  	_ =	sfence.sel $0x180000  }
0x88: {  	[bflag:$0x0] =	sbarrier.arrive $0xFFFF  }
0x89: {  	_ =	strace $0x90000050  }
0x8a: {  	s0 =	stileid.u32;
	[bflag:$0x2] =	sbarrier.arrive $0xFFFF  }
0x8b: {  	p0 =	sne.s32 s0, $0x0;
	s0 =	rddreg [dreg:$0x2]  }
0x8c: {  	s0 =	sadd.s32 @!p0 $0x100000, s0  }
0x8d: {  	[sflag:s0] =	ssyncadd.tile.s32 @!p0 $0x1;
	_ =	shalt  }
.Lfunc_end2:
_tile_overlayer_lowered:
.L_overlay_start_2:
0x8e: {  	(tag) =	ssettag $0x2  }
0x8f: {  	s0 =	rddreg [dreg:$0x0];
	s2 =	stileid.u32  }
0x90: {  	s1 =	rddreg [dreg:$0x1];
	p0 =	sne.s32 s2, $0x0  }
0x91: {  	s3 =	rddreg [dreg:$0x2];
	[bflag:$0x3] =	sbarrier.arrive $0xFFFF;
	s2 =	simm.s32 @!p0 $0x1C02  }
0x92: {  	[timem:s3], [sflag:s2] =	dma.local @!p0 [hbm:s0], s1  }
0x93: {  	s0 =	simm.s32 @!p0 $0x2  }
0x94: {  	_ =	swait.ge @!p0 [sflag:s0], s1  }
0x95: {  	s1 =	ssub.s32 @!p0 $0x0, s1;
	[sflag:s0] =	ssyncset.done @!p0 $0x0  }
0x96: {  	[sflag:s0] =	ssyncadd.s32 @!p0 s1  }
0x97: {  	[bflag:$0x3] =	sbarrier.arrive $0xFFFF  }
0x98: {  	_ =	shalt  }

// kernel: kernel.18.cloned.1.call-start
scs
__scs_entry_jumppad:
0x0: {  	(pc) =	sbr.rel $0x88, $3  }
0x1: {  	(tag) =	ssettag $0x0;
	lr =	simm.s32 $0x1  }
0x2: {  	[smem:$0x3F8A] =	sst lr;
	_ =	strace $0xD0000000  }
0x3: {  	_ = 	snop  }
0x4: {  	_ = 	snop  }
0x5: {  	_ = 	snop  }
0x6: {  	_ = 	snop  }
0x7: {  	_ = 	snop  }
__scs_overlays_trampoline_lowered:
0x8: {  	[smem:$0x3F99] =	sst s0  }
0x9: {  	[smem:$0x3F9A] =	sst s1  }
0xa: {  	[smem:$0x3F9B] =	sst s2  }
0xb: {  	[smem:$0x3F9C] =	sst s3  }
0xc: {  	[smem:$0x3F9D] =	sst s4  }
0xd: {  	[smem:$0x3F9E] =	sst s5  }
0xe: {  	[smem:$0x3F9F] =	sst s6  }
0xf: {  	[smem:$0x3FA0] =	sst s7  }
0x10: {  	[smem:$0x3FA1] =	sst s8  }
0x11: {  	[smem:$0x3FA2] =	sst s9;
	s0 =	simm.s32 @!p0 $0x0  }
0x12: {  	s1 =	sld [smem:$0x3F88];
	s0 =	simm.s32 @p0 $0x1  }
0x13: {  	[smem:$0x3FA3] =	sst s0;
	s0 =	simm.s32 @!p1 $0x0  }
0x14: {  	s2 =	sld [smem:$0x3F87];
	s0 =	simm.s32 @p1 $0x1  }
0x15: {  	[smem:$0x3FA4] =	sst s0;
	s0 =	simm.s32 @!p2 $0x0  }
0x16: {  	s3 =	sld [smem:$0x3FDB];
	s0 =	simm.s32 @p2 $0x1  }
0x17: {  	s4 =	simm.s32 $0x1BF5;
	[smem:$0x3FA6] =	sst s0  }
0x18: {  	s0 =	sld [smem:$0x3F89];
	_ =	swait.ge [sflag:s4], $0x0  }
0x19: {  	s7 =	sld [smem:$0x3F8A]  }
0x1a: {  	s8 =	sadd.s32 $0xFFFFE003, lr  }
0x1b: {  	s9 =	sadd.s32 $0xFFFFFEF7, lr;
	s5 =	simm.s32 $0xFFFFFFFF;
	p2 =	slt.u32 s8, $0xFFFFF086  }
0x1c: {  	p1 =	slt.u32 s9, $0xF7A;
	s5 =	simm.s32 @!p2 $0x0  }
0x1d: {  	s5 =	simm.s32 @p1 $0x1;
	p0 =	seq.s32 s7, s2  }
0x1e: {  	s7 =	smul.u32 @!p0 $0xF7A, s2;
	p2 =	seq.s32 @!p0 s5, $0x0  }
0x1f: {  	s9 =	smul.u32 $0xF7A, s1;
	s8 =	simm.s32 @!p0 $0x1BF5;
	p2 =	por !p2, p0  }
0x20: {  	[sflag:s8] =	ssyncset.s32 @!p0 $0xFFFFF086;
	s6 =	sadd.s32 @!p0 s3, s7;
	s7 =	simm.s32 @!p0 $0x108  }
0x21: {  	s3 =	sadd.s32 s3, s9;
	s6 =	sadd.s32 @!p0 $0x88, s6;
	s7 =	simm.s32 @p2 $0x1082  }
0x22: {  	[simem:s7], [sflag:s8] =	dma.local @!p0 [hbm:s6], $0xF7A  }
0x23: {  	s9 =	sor.u32 $0xD0000000, s2;
	s6 =	simm.s32 $0x108;
	_ =	swait.ge @!p0 [sflag:s8], $0x0  }
0x24: {  	s3 =	sadd.s32 $0x88, s3;
	s6 =	simm.s32 @!p1 $0x1082;
	[sflag:s4] =	ssyncset.s32 $0xFFFFF086  }
0x25: {  	[simem:s6], [sflag:s4] =	dma.local [hbm:s3], $0xF7A  }
0x26: {  	[smem:$0x3F8A] =	sst s1;
	(tag) =	ssettag s2;
	_ =	strace s9  }
0x27: {  	s1 =	sld [smem:$0x3F9A]  }
0x28: {  	s2 =	sld [smem:$0x3F9B]  }
0x29: {  	s4 =	sld [smem:$0x3F9D]  }
0x2a: {  	p0 =	seq.s32 s5, $0x0;
	s5 =	sld [smem:$0x3F9E]  }
0x2b: {  	s6 =	sld [smem:$0x3F9F]  }
0x2c: {  	s7 =	sld [smem:$0x3FA0]  }
0x2d: {  	s3 =	simm.s32 $0x108;
	s8 =	sld [smem:$0x3FA1]  }
0x2e: {  	s3 =	simm.s32 @!p0 $0x1082;
	s9 =	sld [smem:$0x3FA2]  }
0x2f: {  	lr =	sadd.s32 s0, s3;
	s0 =	sld [smem:$0x3F99]  }
0x30: {  	s3 =	sld [smem:$0x3F9C]  }
0x31: {  	[smem:$0x3FA5] =	sst s10  }
0x32: {  	s10 =	sld [smem:$0x3FA3];
	_ =	sdelay $0x3  }
0x33: {  	p0 =	seq.s32 s10, $0x1;
	s10 =	sld [smem:$0x3FA5];
	_ =	sdelay $0x3  }
0x34: {  	[smem:$0x3FA5] =	sst s10  }
0x35: {  	s10 =	sld [smem:$0x3FA4];
	_ =	sdelay $0x3  }
0x36: {  	p1 =	seq.s32 s10, $0x1;
	s10 =	sld [smem:$0x3FA5];
	_ =	sdelay $0x3  }
0x37: {  	[smem:$0x3FA5] =	sst s10  }
0x38: {  	s10 =	sld [smem:$0x3FA6]  }
0x39: {  	_ = 	snop;
	(pc) =	sbr.ind lr, $3  }
0x3a: {  	_ = 	snop  }
0x3b: {  	_ = 	snop  }
0x3c: {  	p2 =	seq.s32 s10, $0x1;
	s10 =	sld [smem:$0x3FA5]  }
0x3d: {  	_ =	shalt  }
0x3e: {  	_ =	shalt  }
0x3f: {  	_ =	shalt  }
0x40: {  	_ =	shalt  }
0x41: {  	_ =	shalt  }
0x42: {  	_ =	shalt  }
0x43: {  	_ =	shalt  }
0x44: {  	_ =	shalt  }
0x45: {  	_ =	shalt  }
0x46: {  	_ =	shalt  }
0x47: {  	_ =	shalt  }
0x48: {  	_ =	shalt  }
0x49: {  	_ =	shalt  }
0x4a: {  	_ =	shalt  }
0x4b: {  	_ =	shalt  }
0x4c: {  	_ =	shalt  }
0x4d: {  	_ =	shalt  }
0x4e: {  	_ =	shalt  }
0x4f: {  	_ =	shalt  }
0x50: {  	_ =	shalt  }
0x51: {  	_ =	shalt  }
0x52: {  	_ =	shalt  }
0x53: {  	_ =	shalt  }
0x54: {  	_ =	shalt  }
0x55: {  	_ =	shalt  }
0x56: {  	_ =	shalt  }
0x57: {  	_ =	shalt  }
0x58: {  	_ =	shalt  }
0x59: {  	_ =	shalt  }
0x5a: {  	_ =	shalt  }
0x5b: {  	_ =	shalt  }
0x5c: {  	_ =	shalt  }
0x5d: {  	_ =	shalt  }
0x5e: {  	_ =	shalt  }
0x5f: {  	_ =	shalt  }
0x60: {  	_ =	shalt  }
0x61: {  	_ =	shalt  }
0x62: {  	_ =	shalt  }
0x63: {  	_ =	shalt  }
0x64: {  	_ =	shalt  }
0x65: {  	_ =	shalt  }
0x66: {  	_ =	shalt  }
0x67: {  	_ =	shalt  }
0x68: {  	_ =	shalt  }
0x69: {  	_ =	shalt  }
0x6a: {  	_ =	shalt  }
0x6b: {  	_ =	shalt  }
0x6c: {  	_ =	shalt  }
0x6d: {  	_ =	shalt  }
0x6e: {  	_ =	shalt  }
0x6f: {  	_ =	shalt  }
0x70: {  	_ =	shalt  }
0x71: {  	_ =	shalt  }
0x72: {  	_ =	shalt  }
0x73: {  	_ =	shalt  }
0x74: {  	_ =	shalt  }
0x75: {  	_ =	shalt  }
0x76: {  	_ =	shalt  }
0x77: {  	_ =	shalt  }
0x78: {  	_ =	shalt  }
0x79: {  	_ =	shalt  }
0x7a: {  	_ =	shalt  }
0x7b: {  	_ =	shalt  }
0x7c: {  	_ =	shalt  }
0x7d: {  	_ =	shalt  }
0x7e: {  	_ =	shalt  }
0x7f: {  	_ =	shalt  }
0x80: {  	_ =	shalt  }
0x81: {  	_ =	shalt  }
0x82: {  	_ =	shalt  }
0x83: {  	_ =	shalt  }
0x84: {  	_ =	shalt  }
0x85: {  	_ =	shalt  }
0x86: {  	_ =	shalt  }
0x87: {  	_ =	shalt  }
.Lfunc_end0:
.L_simem_size_0:
called_computation.4_lowered:
.L_overlay_start_0:
0x88: {  	s2 =	sld [smem:$0x3FD9]  }
0x89: {  	s3 =	sld [smem:$0x3FFE];
	_ =	sdelay $0x1  }
0x8a: {  	s1 =	srdreg.scid  }
0x8b: {  	s0 =	sand.u32 $0x1, s1  }
0x8c: {  	s17 =	sshll.u32 s0, $0xA;
	s2 =	sadd.s32 s3, s2  }
0x8d: {  	s2 =	sadd.s32 s2, s17  }
0x8e: {  	[smem:$0x3FB1] =	sst s2  }
0x8f: {  	_ = 	snop  }
0x90: {  	s2 =	sld [smem:$0x3FD0];
	(tm) =	ssettm $0x1  }
0x91: {  	s18 =	sld [smem:$0x3FFB];
	_ =	sdelay $0x3  }
0x92: {  	_ =	strace s18  }
0x93: {  	s3 =	sld [smem:$0x3FFC];
	_ =	sdelay $0x3  }
0x94: {  	_ =	strace s3  }
0x95: {  	s3 =	sld [smem:$0x3FFD];
	_ =	sdelay $0x3  }
0x96: {  	_ =	strace s3  }
0x97: {  	_ =	strace $0x8FFFFFFF  }
0x98: {  	s19 =	sld [smem:$0x3FDB];
	_ =	sdelay $0x1  }
0x99: {  	s4 =	simm.s32 $_scs_section_size  }
0x9a: {  	s5 =	simm.s32 $_size__tile_overlayer_lowered;
	s6 =	simm.s32 $_tile_overlayer_lowered  }
0x9b: {  	s22 =	simm.s32 $0x1BFF;
	s21 =	sshll.u32 s6, $0x1;
	s3 =	sadd.s32 s4, s19  }
0x9c: {  	s7 =	simm.s32 $0x0;
	s20 =	sshll.u32 s5, $0x1;
	s5 =	sadd.s32 s21, s3  }
0x9d: {  	[timem:s7], [sflag:s22] =	dma.local [hbm:s5], s20  }
0x9e: {  	_ =	swait.ge [sflag:s22], s20  }
0x9f: {  	s4 =	ssub.s32 $0x0, s20;
	[sflag:s22] =	ssyncset.done $0x0  }
0xa0: {  	[sflag:s22] =	ssyncadd.s32 s4;
	_ =	sdelay $0x1  }
0xa1: {  	s23 =	simm.s32 $0x1B8B  }
0xa2: {  	_ =	swait.ge [sflag:s23], $0x1  }
0xa3: {  	[sflag:s23] =	ssyncset.done $0x0  }
0xa4: {  	s25 =	simm.s32 $0x1B8E;
	s24 =	sld [smem:$0x3FFE];
	[sflag:s23] =	ssyncadd.s32 $0xFFFFFFFF  }
0xa5: {  	s26 =	simm.s32 $execute0_lowered;
	[smem:$0x3FD2] =	sst s25  }
0xa6: {  	s5 =	sshll.u32 s26, $0x1;
	_ =	strace $0x80000052;
	[dreg:$0x1] =	wrdreg $0xFFFFFFFF  }
0xa7: {  	s28 =	simm.s32 $_size_execute0_lowered;
	s3 =	sadd.s32 s3, s5;
	[dreg:$0x0] =	wrdreg $0x0  }
0xa8: {  	s5 =	sshll.u32 s28, $0x1;
	[dreg:$0x2] =	wrdreg s3  }
0xa9: {  	[dreg:$0x3] =	wrdreg s5  }
0xaa: {  	[dreg:$0x4] =	wrdreg $0xC0  }
0xab: {  	_ =	task [dreg:s7], $0x5FFFF  }
0xac: {  	[dreg:$0x1] =	wrdreg $0xFFFFFFFF  }
0xad: {  	[dreg:$0x0] =	wrdreg $0x60  }
0xae: {  	[dreg:$0x2] =	wrdreg s24  }
0xaf: {  	[dreg:$0x3] =	wrdreg s2  }
0xb0: {  	[dreg:$0x4] =	wrdreg $0x0  }
0xb1: {  	[dreg:$0x5] =	wrdreg $0x9  }
0xb2: {  	_ =	task.clear_ibuf [dreg:s7], $0x6FFFF;
	_ =	strace $0x90000052  }
0xb3: {  	s29 =	simm.s32 $0x9;
	_ =	strace $0x80000054  }
0xb4: {  	_ =	swait.ge [sflag:s29], $0x1  }
0xb5: {  	[sflag:s29] =	ssyncadd.s32 $0xFFFFFFFF  }
0xb6: {  	_ =	strace $0x90000054  }
0xb7: {  	_ =	sfence  }
0xb8: {  	s30 =	sld [smem:$0x0];
	_ =	sdelay $0x2  }
0xb9: {  	s31 =	sshll.u32 s1, $0xD;
	s1 =	sshrl.u32 s1, $0x2  }
0xba: {  	s3 =	sand.u32 $0x4000, s31;
	s1 =	sadd.s32 s1, s30  }
0xbb: {  	s0 =	sor.u32 s3, s0;
	s1 =	sshll.u32 s1, $0x11  }
0xbc: {  	s0 =	sor.u32 s1, s0  }
0xbd: {  	s0 =	sadd.s32 $0x8F2B, s0  }
0xbe: {  	[sflag:s0] =	ssyncadd.remote.s32 $0x1  }
0xbf: {  	_ =	sfence.sel $0xFFFF  }
0xc0: {  	[dreg:$0x0] =	wrdreg $0xFFFFFFFF;
	(pc) =	sbr.abs _section_cstart, $3  }
0xc1: {  	[dreg:$0x1] =	wrdreg $0xFFFFFFFF  }
0xc2: {  	_ =	task.clear_ibuf [dreg:s7], $0x2FFFF;
	_ =	strace $0x9FFFFFFF  }
0xc3: {  	(tm) =	ssettm $0x7FFFFFFF  }
tec
execute0_lowered:
.L_overlay_start_1:
0x0: {  	(tag) =	ssettag $0x1  }
0x1: {  	s4 =	rddreg [dreg:$0x0]  }
0x2: {  	s6 =	rddreg [dreg:$0x1]  }
0x3: {  	s2 =	rddreg [dreg:$0x2]  }
0x4: {  	s0 =	srdreg.scid;
	s1 =	rddreg [dreg:$0x3];
	s3 =	simm.s32 $0x0  }
0x5: {  	s15 =	simm.s32 $0x9CC0;
	s16 =	simm.s32 $0xBD80;
	s17 =	simm.s32 $0x9D40  }
0x6: {  	s18 =	simm.s32 $0xDCC0;
	s19 =	simm.s32 $0x9DC0;
	s7 =	sand.u32 $0x1, s0  }
0x7: {  	s20 =	simm.s32 $0xFC00;
	s0 =	stileid.u32;
	s5 =	smul.u32 $0x28000, s7  }
0x8: {  	s21 =	simm.s32 $0x1;
	[smem:$0x7FF] =	sst s3;
	s8 =	smul.u32 $0x2800, s0  }
0x9: {  	s22 =	simm.s32 $0x0;
	s11 =	sadd.s32 $0x278400, s4;
	s25 =	smul.u32 $0x138800, s7  }
0xa: {  	_ =	strace $0x80000053;
	s26 =	ssub.s32 $0x2, s7;
	s10 =	smul.u32 $0x9C40, s0  }
0xb: {  	p0 =	seq.s32 s7, $0x0;
	s14 =	smul.u32 $0x13880, s0;
	s28 =	sshrl.u32 s26, $0x1  }
0xc: {  	s11 =	smov.u32 @p0 s6;
	s5 =	sadd.s32 s8, s5;
	s8 =	sadd.s32 s25, s4  }
0xd: {  	s12 =	ssub.s32 s26, s28;
	s13 =	sadd.s32 $0x7D00, s10;
	s29 =	sshrl.u32 s10, $0x3  }
0xe: {  	s5 =	sshrl.u32 s5, $0x3;
	s30 =	sshrl.u32 s13, $0x3;
	s6 =	smax.u32 s12, $0x1  }
0xf: {  	s7 =	sadd.s32 s11, s29;
	s31 =	sadd.s32 s14, s8;
	s12 =	simm.s32 $0x2  }
0x10: {  	s14 =	simm.s32 $0x7D;
	s9 =	sadd.s32 s5, s4;
	s4 =	sadd.s32 s10, s2  }
0x11: {  	s5 =	sadd.s32 s13, s2;
	s8 =	sadd.s32 s11, s30;
	s10 =	sadd.s32 $0x7400, s31  }
0x12: {  	v0 =	vimm.f32 $0.0e+00;
	s11 =	simm.s32 $0x9E40;
	s13 =	simm.s32 $0x9C40;
	s9 =	sadd.s32 $0x4E9400, s9  }
.LBB2_1:
0x13: {  	s24 =	simm.s32 $0x100;
	s23 =	simm.s32 $0x0  }
.LBB2_2:
0x14: {  	p0 =	sne.s32 s24, $0x1F300;
	[tilespmem:s23+$0x9E70] =	vst v0;
	s25 =	smov.u32 s24;
	s24 =	sadd.s32 $0x100, s24  }
.Ltmp0:
0x15: {  	[tilespmem:s23+$0x9E60] =	vst v0;
	(pc) =	sbr.rel @p0 .LBB2_2-.Ltmp0, $3  }
0x16: {  	[tilespmem:s23+$0x9E40] =	vst v0  }
0x17: {  	[tilespmem:s23+$0x9E50] =	vst v0;
	_ =	sdelay $0x1  }
0x18: {  	s23 =	sshra.s32 s25, $0x2  }
0x19: {  	[tilespmem:s23+$0x9E70] =	vst v0  }
0x1a: {  	[tilespmem:s23+$0x9E60] =	vst v0  }
0x1b: {  	[tilespmem:s23+$0x9E40] =	vst v0  }
0x1c: {  	[tilespmem:s23+$0x9E50] =	vst v0  }
0x1d: {  	[spmem:s4] =	stream.linear.scatter [tilespmem:s11], [sflag:$0x2], $0x7D00, $0x38;
	[tilespmem:$0x11B40] =	vst v63  }
0x1e: {  	_ =	swait.ge [sflag:s12], $0x7D00  }
0x1f: {  	[sflag:s12] =	ssyncset.done $0x0  }
0x20: {  	[sflag:s12] =	ssyncadd.s32 $0xFFFF8300  }
0x21: {  	[spmem:s5] =	stream.linear.scatter [tilespmem:s11], [sflag:$0x2], $0x1F40, $0x38;
	[tilespmem:$0x11B40] =	vst v63  }
0x22: {  	_ =	swait.ge [sflag:s12], $0x1F40  }
0x23: {  	[sflag:s12] =	ssyncset.done $0x0  }
0x24: {  	[sflag:s12] =	ssyncadd.s32 $0xFFFFE0C0  }
0x25: {  	s31 =	sadd.s32 $0x0, s9;
	[bflag:$0x0] =	sbarrier.arrive $0xFFFF  }
0x26: {  	[tilespmem:s13], [sflag:$0x2] =	stream.linear.gather [hbm4b:s31+s3], $0x200, $0x38;
	[tilespmem:$0x11B40] =	vst v63  }
0x27: {  	_ =	swait.ge [sflag:s12], $0x200  }
0x28: {  	[sflag:s12] =	ssyncset.done $0x0  }
0x29: {  	[sflag:s12] =	ssyncadd.s32 $0xFFFFFE00  }
0x2a: {  	[tilespmem:s11], [sflag:$0x2] =	stream.linear.gather [hbm4b:s10+s3], $0x7D00, $0x38;
	[tilespmem:$0x11B40] =	vst v63  }
0x2b: {  	_ =	swait.ge [sflag:s12], $0x7D00  }
0x2c: {  	[sflag:s12] =	ssyncset.done $0x0  }
0x2d: {  	[sflag:s12] =	ssyncadd.s32 $0xFFFF8300  }
0x2e: {  	[spmem:s2] =	stream.indirect.scatter.add.f32 [tilespmem:s11], [sflag:$0x1], $0x40, s13, s14, $0xb8;
	[tilespmem:$0x11B40] =	vst v63  }
0x2f: {  	_ = 	snop  }
0x30: {  	[spmem:s2] =	stream.indirect.scatter.add.f32 [tilespmem:s16], [sflag:$0x1], $0x40, s15, s14, $0xb8;
	[tilespmem:$0x11B40] =	vst v63  }
0x31: {  	_ = 	snop  }
0x32: {  	[spmem:s2] =	stream.indirect.scatter.add.f32 [tilespmem:s18], [sflag:$0x1], $0x40, s17, s14, $0xb8;
	[tilespmem:$0x11B40] =	vst v63  }
0x33: {  	_ = 	snop  }
0x34: {  	[spmem:s2] =	stream.indirect.scatter.add.f32 [tilespmem:s20], [sflag:$0x1], $0x40, s19, s14, $0xb8;
	[tilespmem:$0x11B40] =	vst v63  }
0x35: {  	_ =	swait.ge [sflag:s21], $0x1F40  }
0x36: {  	[sflag:s21] =	ssyncset.done $0x0  }
0x37: {  	[sflag:s21] =	ssyncadd.s32 $0xFFFFE0C0  }
0x38: {  	_ =	swait.ge [sflag:s21], $0x1F40  }
0x39: {  	[sflag:s21] =	ssyncset.done $0x0  }
0x3a: {  	[sflag:s21] =	ssyncadd.s32 $0xFFFFE0C0  }
0x3b: {  	_ =	swait.ge [sflag:s21], $0x1F40  }
0x3c: {  	[sflag:s21] =	ssyncset.done $0x0  }
0x3d: {  	[sflag:s21] =	ssyncadd.s32 $0xFFFFE0C0  }
0x3e: {  	s24 =	simm.s32 $0x40;
	_ =	swait.ge [sflag:s21], $0x1F40  }
0x3f: {  	s25 =	simm.s32 $0x80;
	s23 =	sadd.s32 $0xFA0, s10;
	[sflag:s21] =	ssyncset.done $0x0  }
.LBB2_4:
0x40: {  	s26 =	sadd.s32 s24, s9  }
0x41: {  	[sflag:s21] =	ssyncadd.s32 $0xFFFFE0C0;
	s24 =	smov.u32 s25;
	s28 =	sadd.s32 $0x40, s25  }
0x42: {  	[tilespmem:s13], [sflag:$0x2] =	stream.linear.gather [hbm4b:s26+s3], $0x200, $0x38;
	[tilespmem:$0x11B40] =	vst v63  }
0x43: {  	p0 =	sne.s32 s25, $0x4C0;
	_ =	swait.ge [sflag:s12], $0x200  }
0x44: {  	[sflag:s12] =	ssyncset.done $0x0  }
0x45: {  	[sflag:s12] =	ssyncadd.s32 $0xFFFFFE00  }
0x46: {  	[tilespmem:s11], [sflag:$0x2] =	stream.linear.gather [hbm4b:s23+s3], $0x7D00, $0x38;
	[tilespmem:$0x11B40] =	vst v63  }
0x47: {  	_ =	swait.ge [sflag:s12], $0x7D00  }
0x48: {  	[sflag:s12] =	ssyncset.done $0x0  }
0x49: {  	[sflag:s12] =	ssyncadd.s32 $0xFFFF8300  }
0x4a: {  	[spmem:s2] =	stream.indirect.scatter.add.f32 [tilespmem:s11], [sflag:$0x1], $0x40, s13, s14, $0xb8;
	[tilespmem:$0x11B40] =	vst v63  }
0x4b: {  	_ = 	snop  }
0x4c: {  	[spmem:s2] =	stream.indirect.scatter.add.f32 [tilespmem:s16], [sflag:$0x1], $0x40, s15, s14, $0xb8;
	[tilespmem:$0x11B40] =	vst v63  }
0x4d: {  	_ = 	snop  }
0x4e: {  	[spmem:s2] =	stream.indirect.scatter.add.f32 [tilespmem:s18], [sflag:$0x1], $0x40, s17, s14, $0xb8;
	[tilespmem:$0x11B40] =	vst v63  }
0x4f: {  	_ = 	snop  }
0x50: {  	[spmem:s2] =	stream.indirect.scatter.add.f32 [tilespmem:s20], [sflag:$0x1], $0x40, s19, s14, $0xb8;
	[tilespmem:$0x11B40] =	vst v63  }
0x51: {  	_ =	swait.ge [sflag:s21], $0x1F40  }
0x52: {  	[sflag:s21] =	ssyncset.done $0x0  }
0x53: {  	[sflag:s21] =	ssyncadd.s32 $0xFFFFE0C0  }
0x54: {  	_ =	swait.ge [sflag:s21], $0x1F40  }
0x55: {  	[sflag:s21] =	ssyncset.done $0x0  }
0x56: {  	[sflag:s21] =	ssyncadd.s32 $0xFFFFE0C0  }
.Ltmp1:
0x57: {  	_ =	swait.ge [sflag:s21], $0x1F40;
	(pc) =	sbr.rel @p0 .LBB2_4-.Ltmp1, $4  }
0x58: {  	[sflag:s21] =	ssyncset.done $0x0  }
0x59: {  	[sflag:s21] =	ssyncadd.s32 $0xFFFFE0C0  }
0x5a: {  	_ =	swait.ge [sflag:s21], $0x1F40  }
0x5b: {  	s25 =	smov.u32 s28;
	s23 =	sadd.s32 $0xFA0, s23;
	[sflag:s21] =	ssyncset.done $0x0  }
0x5c: {  	s24 =	sadd.s32 s24, s9;
	[sflag:s21] =	ssyncadd.s32 $0xFFFFE0C0  }
0x5d: {  	[tilespmem:s13], [sflag:$0x2] =	stream.linear.gather [hbm4b:s24+s3], $0x200, $0x38;
	[tilespmem:$0x11B40] =	vst v63  }
0x5e: {  	_ =	swait.ge [sflag:s12], $0x200  }
0x5f: {  	[sflag:s12] =	ssyncset.done $0x0  }
0x60: {  	[sflag:s12] =	ssyncadd.s32 $0xFFFFFE00  }
0x61: {  	[tilespmem:s11], [sflag:$0x2] =	stream.linear.gather [hbm4b:s23+s3], $0x7D00, $0x38;
	[tilespmem:$0x11B40] =	vst v63  }
0x62: {  	_ =	swait.ge [sflag:s12], $0x7D00  }
0x63: {  	[sflag:s12] =	ssyncset.done $0x0  }
0x64: {  	[sflag:s12] =	ssyncadd.s32 $0xFFFF8300  }
0x65: {  	[spmem:s2] =	stream.indirect.scatter.add.f32 [tilespmem:s11], [sflag:$0x1], $0x40, s13, s14, $0xb8;
	[tilespmem:$0x11B40] =	vst v63  }
0x66: {  	_ = 	snop  }
0x67: {  	[spmem:s2] =	stream.indirect.scatter.add.f32 [tilespmem:s16], [sflag:$0x1], $0x40, s15, s14, $0xb8;
	[tilespmem:$0x11B40] =	vst v63  }
0x68: {  	_ = 	snop  }
0x69: {  	[spmem:s2] =	stream.indirect.scatter.add.f32 [tilespmem:s18], [sflag:$0x1], $0x40, s17, s14, $0xb8;
	[tilespmem:$0x11B40] =	vst v63  }
0x6a: {  	_ = 	snop  }
0x6b: {  	[spmem:s2] =	stream.indirect.scatter.add.f32 [tilespmem:s20], [sflag:$0x1], $0x40, s19, s14, $0xb8;
	[tilespmem:$0x11B40] =	vst v63  }
0x6c: {  	_ =	swait.ge [sflag:s21], $0x1F40  }
0x6d: {  	[sflag:s21] =	ssyncset.done $0x0  }
0x6e: {  	[sflag:s21] =	ssyncadd.s32 $0xFFFFE0C0  }
0x6f: {  	_ =	swait.ge [sflag:s21], $0x1F40  }
0x70: {  	[sflag:s21] =	ssyncset.done $0x0  }
0x71: {  	[sflag:s21] =	ssyncadd.s32 $0xFFFFE0C0  }
0x72: {  	_ =	swait.ge [sflag:s21], $0x1F40  }
0x73: {  	[sflag:s21] =	ssyncset.done $0x0  }
0x74: {  	[sflag:s21] =	ssyncadd.s32 $0xFFFFE0C0  }
0x75: {  	_ =	swait.ge [sflag:s21], $0x1F40  }
0x76: {  	[sflag:s21] =	ssyncset.done $0x0  }
0x77: {  	[sflag:s21] =	ssyncadd.s32 $0xFFFFE0C0  }
0x78: {  	[bflag:$0x0] =	sbarrier.arrive $0xFFFF  }
0x79: {  	[tilespmem:s11], [sflag:$0x2] =	stream.linear.gather [spmem:s4], $0x7D00, $0x38;
	[tilespmem:$0x11B40] =	vst v63  }
0x7a: {  	_ =	swait.ge [sflag:s12], $0x7D00  }
0x7b: {  	[sflag:s12] =	ssyncset.done $0x0  }
0x7c: {  	[sflag:s12] =	ssyncadd.s32 $0xFFFF8300  }
0x7d: {  	[hbm4b:s7+s3] =	stream.linear.scatter [tilespmem:s11], [sflag:$0x2], $0x7D00, $0x38;
	[tilespmem:$0x11B40] =	vst v63  }
0x7e: {  	_ =	swait.ge [sflag:s12], $0x7D00  }
0x7f: {  	[sflag:s12] =	ssyncset.done $0x0  }
0x80: {  	[sflag:s12] =	ssyncadd.s32 $0xFFFF8300  }
0x81: {  	[tilespmem:s11], [sflag:$0x2] =	stream.linear.gather [spmem:s5], $0x1F40, $0x38;
	[tilespmem:$0x11B40] =	vst v63  }
0x82: {  	s22 =	sadd.s32 $0x1, s22;
	_ =	swait.ge [sflag:s12], $0x1F40  }
0x83: {  	p0 =	sne.s32 s22, s6;
	[sflag:s12] =	ssyncset.done $0x0  }
.Ltmp2:
0x84: {  	[sflag:s12] =	ssyncadd.s32 $0xFFFFE0C0;
	(pc) =	sbr.rel @p0 .LBB2_1-.Ltmp2, $4  }
0x85: {  	[hbm4b:s8+s3] =	stream.linear.scatter [tilespmem:s11], [sflag:$0x2], $0x1F40, $0x38;
	[tilespmem:$0x11B40] =	vst v63  }
0x86: {  	_ =	swait.ge [sflag:s12], $0x1F40  }
0x87: {  	[sflag:s12] =	ssyncset.done $0x0  }
0x88: {  	[sflag:s12] =	ssyncadd.s32 $0xFFFFE0C0  }
0x89: {  	_ =	sfence.sel $0x180000  }
0x8a: {  	[bflag:$0x0] =	sbarrier.arrive $0xFFFF  }
0x8b: {  	p0 =	sne.s32 s0, $0x0;
	_ =	strace $0x90000053  }
0x8c: {  	s0 =	sadd.s32 @!p0 $0x100000, s1;
	[bflag:$0x2] =	sbarrier.arrive $0xFFFF  }
0x8d: {  	[sflag:s0] =	ssyncadd.tile.s32 @!p0 $0x1;
	_ =	shalt  }
.Lfunc_end2:
_tile_overlayer_lowered:
.L_overlay_start_2:
0x8e: {  	(tag) =	ssettag $0x2  }
0x8f: {  	s0 =	rddreg [dreg:$0x0];
	s2 =	stileid.u32  }
0x90: {  	s1 =	rddreg [dreg:$0x1];
	p0 =	sne.s32 s2, $0x0  }
0x91: {  	s3 =	rddreg [dreg:$0x2];
	[bflag:$0x3] =	sbarrier.arrive $0xFFFF;
	s2 =	simm.s32 @!p0 $0x1C02  }
0x92: {  	[timem:s3], [sflag:s2] =	dma.local @!p0 [hbm:s0], s1  }
0x93: {  	s0 =	simm.s32 @!p0 $0x2  }
0x94: {  	_ =	swait.ge @!p0 [sflag:s0], s1  }
0x95: {  	s1 =	ssub.s32 @!p0 $0x0, s1;
	[sflag:s0] =	ssyncset.done @!p0 $0x0  }
0x96: {  	[sflag:s0] =	ssyncadd.s32 @!p0 s1  }
0x97: {  	[bflag:$0x3] =	sbarrier.arrive $0xFFFF  }
0x98: {  	_ =	shalt  }

// kernel: kernel.9.cloned.1.call-start
scs
__scs_entry_jumppad:
0x0: {  	(pc) =	sbr.rel $0x88, $3  }
0x1: {  	(tag) =	ssettag $0x0;
	lr =	simm.s32 $0x1  }
0x2: {  	[smem:$0x3F8A] =	sst lr;
	_ =	strace $0xD0000000  }
0x3: {  	_ = 	snop  }
0x4: {  	_ = 	snop  }
0x5: {  	_ = 	snop  }
0x6: {  	_ = 	snop  }
0x7: {  	_ = 	snop  }
__scs_overlays_trampoline_lowered:
0x8: {  	[smem:$0x3F99] =	sst s0  }
0x9: {  	[smem:$0x3F9A] =	sst s1  }
0xa: {  	[smem:$0x3F9B] =	sst s2  }
0xb: {  	[smem:$0x3F9C] =	sst s3  }
0xc: {  	[smem:$0x3F9D] =	sst s4  }
0xd: {  	[smem:$0x3F9E] =	sst s5  }
0xe: {  	[smem:$0x3F9F] =	sst s6  }
0xf: {  	[smem:$0x3FA0] =	sst s7  }
0x10: {  	[smem:$0x3FA1] =	sst s8  }
0x11: {  	[smem:$0x3FA2] =	sst s9;
	s0 =	simm.s32 @!p0 $0x0  }
0x12: {  	s1 =	sld [smem:$0x3F88];
	s0 =	simm.s32 @p0 $0x1  }
0x13: {  	[smem:$0x3FA3] =	sst s0;
	s0 =	simm.s32 @!p1 $0x0  }
0x14: {  	s2 =	sld [smem:$0x3F87];
	s0 =	simm.s32 @p1 $0x1  }
0x15: {  	[smem:$0x3FA4] =	sst s0;
	s0 =	simm.s32 @!p2 $0x0  }
0x16: {  	s3 =	sld [smem:$0x3FDB];
	s0 =	simm.s32 @p2 $0x1  }
0x17: {  	s4 =	simm.s32 $0x1BF5;
	[smem:$0x3FA6] =	sst s0  }
0x18: {  	s0 =	sld [smem:$0x3F89];
	_ =	swait.ge [sflag:s4], $0x0  }
0x19: {  	s7 =	sld [smem:$0x3F8A]  }
0x1a: {  	s8 =	sadd.s32 $0xFFFFE003, lr  }
0x1b: {  	s9 =	sadd.s32 $0xFFFFFEF7, lr;
	s5 =	simm.s32 $0xFFFFFFFF;
	p2 =	slt.u32 s8, $0xFFFFF086  }
0x1c: {  	p1 =	slt.u32 s9, $0xF7A;
	s5 =	simm.s32 @!p2 $0x0  }
0x1d: {  	s5 =	simm.s32 @p1 $0x1;
	p0 =	seq.s32 s7, s2  }
0x1e: {  	s7 =	smul.u32 @!p0 $0xF7A, s2;
	p2 =	seq.s32 @!p0 s5, $0x0  }
0x1f: {  	s9 =	smul.u32 $0xF7A, s1;
	s8 =	simm.s32 @!p0 $0x1BF5;
	p2 =	por !p2, p0  }
0x20: {  	[sflag:s8] =	ssyncset.s32 @!p0 $0xFFFFF086;
	s6 =	sadd.s32 @!p0 s3, s7;
	s7 =	simm.s32 @!p0 $0x108  }
0x21: {  	s3 =	sadd.s32 s3, s9;
	s6 =	sadd.s32 @!p0 $0x88, s6;
	s7 =	simm.s32 @p2 $0x1082  }
0x22: {  	[simem:s7], [sflag:s8] =	dma.local @!p0 [hbm:s6], $0xF7A  }
0x23: {  	s9 =	sor.u32 $0xD0000000, s2;
	s6 =	simm.s32 $0x108;
	_ =	swait.ge @!p0 [sflag:s8], $0x0  }
0x24: {  	s3 =	sadd.s32 $0x88, s3;
	s6 =	simm.s32 @!p1 $0x1082;
	[sflag:s4] =	ssyncset.s32 $0xFFFFF086  }
0x25: {  	[simem:s6], [sflag:s4] =	dma.local [hbm:s3], $0xF7A  }
0x26: {  	[smem:$0x3F8A] =	sst s1;
	(tag) =	ssettag s2;
	_ =	strace s9  }
0x27: {  	s1 =	sld [smem:$0x3F9A]  }
0x28: {  	s2 =	sld [smem:$0x3F9B]  }
0x29: {  	s4 =	sld [smem:$0x3F9D]  }
0x2a: {  	p0 =	seq.s32 s5, $0x0;
	s5 =	sld [smem:$0x3F9E]  }
0x2b: {  	s6 =	sld [smem:$0x3F9F]  }
0x2c: {  	s7 =	sld [smem:$0x3FA0]  }
0x2d: {  	s3 =	simm.s32 $0x108;
	s8 =	sld [smem:$0x3FA1]  }
0x2e: {  	s3 =	simm.s32 @!p0 $0x1082;
	s9 =	sld [smem:$0x3FA2]  }
0x2f: {  	lr =	sadd.s32 s0, s3;
	s0 =	sld [smem:$0x3F99]  }
0x30: {  	s3 =	sld [smem:$0x3F9C]  }
0x31: {  	[smem:$0x3FA5] =	sst s10  }
0x32: {  	s10 =	sld [smem:$0x3FA3];
	_ =	sdelay $0x3  }
0x33: {  	p0 =	seq.s32 s10, $0x1;
	s10 =	sld [smem:$0x3FA5];
	_ =	sdelay $0x3  }
0x34: {  	[smem:$0x3FA5] =	sst s10  }
0x35: {  	s10 =	sld [smem:$0x3FA4];
	_ =	sdelay $0x3  }
0x36: {  	p1 =	seq.s32 s10, $0x1;
	s10 =	sld [smem:$0x3FA5];
	_ =	sdelay $0x3  }
0x37: {  	[smem:$0x3FA5] =	sst s10  }
0x38: {  	s10 =	sld [smem:$0x3FA6]  }
0x39: {  	_ = 	snop;
	(pc) =	sbr.ind lr, $3  }
0x3a: {  	_ = 	snop  }
0x3b: {  	_ = 	snop  }
0x3c: {  	p2 =	seq.s32 s10, $0x1;
	s10 =	sld [smem:$0x3FA5]  }
0x3d: {  	_ =	shalt  }
0x3e: {  	_ =	shalt  }
0x3f: {  	_ =	shalt  }
0x40: {  	_ =	shalt  }
0x41: {  	_ =	shalt  }
0x42: {  	_ =	shalt  }
0x43: {  	_ =	shalt  }
0x44: {  	_ =	shalt  }
0x45: {  	_ =	shalt  }
0x46: {  	_ =	shalt  }
0x47: {  	_ =	shalt  }
0x48: {  	_ =	shalt  }
0x49: {  	_ =	shalt  }
0x4a: {  	_ =	shalt  }
0x4b: {  	_ =	shalt  }
0x4c: {  	_ =	shalt  }
0x4d: {  	_ =	shalt  }
0x4e: {  	_ =	shalt  }
0x4f: {  	_ =	shalt  }
0x50: {  	_ =	shalt  }
0x51: {  	_ =	shalt  }
0x52: {  	_ =	shalt  }
0x53: {  	_ =	shalt  }
0x54: {  	_ =	shalt  }
0x55: {  	_ =	shalt  }
0x56: {  	_ =	shalt  }
0x57: {  	_ =	shalt  }
0x58: {  	_ =	shalt  }
0x59: {  	_ =	shalt  }
0x5a: {  	_ =	shalt  }
0x5b: {  	_ =	shalt  }
0x5c: {  	_ =	shalt  }
0x5d: {  	_ =	shalt  }
0x5e: {  	_ =	shalt  }
0x5f: {  	_ =	shalt  }
0x60: {  	_ =	shalt  }
0x61: {  	_ =	shalt  }
0x62: {  	_ =	shalt  }
0x63: {  	_ =	shalt  }
0x64: {  	_ =	shalt  }
0x65: {  	_ =	shalt  }
0x66: {  	_ =	shalt  }
0x67: {  	_ =	shalt  }
0x68: {  	_ =	shalt  }
0x69: {  	_ =	shalt  }
0x6a: {  	_ =	shalt  }
0x6b: {  	_ =	shalt  }
0x6c: {  	_ =	shalt  }
0x6d: {  	_ =	shalt  }
0x6e: {  	_ =	shalt  }
0x6f: {  	_ =	shalt  }
0x70: {  	_ =	shalt  }
0x71: {  	_ =	shalt  }
0x72: {  	_ =	shalt  }
0x73: {  	_ =	shalt  }
0x74: {  	_ =	shalt  }
0x75: {  	_ =	shalt  }
0x76: {  	_ =	shalt  }
0x77: {  	_ =	shalt  }
0x78: {  	_ =	shalt  }
0x79: {  	_ =	shalt  }
0x7a: {  	_ =	shalt  }
0x7b: {  	_ =	shalt  }
0x7c: {  	_ =	shalt  }
0x7d: {  	_ =	shalt  }
0x7e: {  	_ =	shalt  }
0x7f: {  	_ =	shalt  }
0x80: {  	_ =	shalt  }
0x81: {  	_ =	shalt  }
0x82: {  	_ =	shalt  }
0x83: {  	_ =	shalt  }
0x84: {  	_ =	shalt  }
0x85: {  	_ =	shalt  }
0x86: {  	_ =	shalt  }
0x87: {  	_ =	shalt  }
.Lfunc_end0:
.L_simem_size_0:
called_computation.1_lowered:
.L_overlay_start_0:
0x88: {  	s2 =	sld [smem:$0x3FD9]  }
0x89: {  	s3 =	sld [smem:$0x3FFE];
	_ =	sdelay $0x1  }
0x8a: {  	s1 =	srdreg.scid  }
0x8b: {  	s0 =	sand.u32 $0x1, s1  }
0x8c: {  	s17 =	sshll.u32 s0, $0xA;
	s2 =	sadd.s32 s3, s2  }
0x8d: {  	s2 =	sadd.s32 s2, s17  }
0x8e: {  	[smem:$0x3FB1] =	sst s2  }
0x8f: {  	_ = 	snop  }
0x90: {  	s18 =	sld [smem:$0x3FD0];
	(tm) =	ssettm $0x1  }
0x91: {  	s19 =	sld [smem:$0x3FFB];
	_ =	sdelay $0x3  }
0x92: {  	_ =	strace s19  }
0x93: {  	s2 =	sld [smem:$0x3FFC];
	_ =	sdelay $0x3  }
0x94: {  	_ =	strace s2  }
0x95: {  	s2 =	sld [smem:$0x3FFD];
	_ =	sdelay $0x3  }
0x96: {  	_ =	strace s2  }
0x97: {  	_ =	strace $0x8FFFFFFF  }
0x98: {  	s20 =	sld [smem:$0x3FDB];
	_ =	sdelay $0x1  }
0x99: {  	s4 =	simm.s32 $_scs_section_size  }
0x9a: {  	s5 =	simm.s32 $_size__tile_overlayer_lowered;
	s6 =	simm.s32 $_tile_overlayer_lowered  }
0x9b: {  	s7 =	simm.s32 $0x1BFF;
	s21 =	sshll.u32 s6, $0x1;
	s4 =	sadd.s32 s4, s20  }
0x9c: {  	s22 =	simm.s32 $0x0;
	s5 =	sshll.u32 s5, $0x1;
	s6 =	sadd.s32 s21, s4  }
0x9d: {  	[timem:s22], [sflag:s7] =	dma.local [hbm:s6], s5  }
0x9e: {  	_ =	swait.ge [sflag:s7], s5  }
0x9f: {  	s5 =	ssub.s32 $0x0, s5;
	[sflag:s7] =	ssyncset.done $0x0  }
0xa0: {  	[sflag:s7] =	ssyncadd.s32 s5;
	_ =	sdelay $0x1  }
0xa1: {  	s23 =	simm.s32 $0x1B8B  }
0xa2: {  	_ =	swait.ge [sflag:s23], $0x1  }
0xa3: {  	[sflag:s23] =	ssyncset.done $0x0  }
0xa4: {  	[sflag:s23] =	ssyncadd.s32 $0xFFFFFFFF  }
0xa5: {  	s5 =	sld [smem:$0x0]  }
0xa6: {  	s6 =	sand.u32 $0xFFFFFFFE, s1  }
0xa7: {  	p0 =	sne.s32 s1, s6  }
0xa8: {  	s6 =	sshll.u32 @p0 s6, $0xE  }
0xa9: {  	s6 =	sadd.s32 @p0 $0x11B8D, s6;
	s7 =	sshll.u32 @p0 s5, $0x11  }
0xaa: {  	s6 =	sor.u32 @p0 s7, s6  }
0xab: {  	[sflag:s6] =	ssyncadd.remote.s32 @p0 $0x1;
	_ =	sdelay $0x1  }
0xac: {  	s6 =	simm.s32 @p0 $0x1B8D  }
0xad: {  	_ =	swait.eq @p0 [sflag:s6], $0x1  }
0xae: {  	[sflag:s6] =	ssyncadd.s32 @p0 $0xFFFFFFFF  }
0xaf: {  	s7 =	sshll.u32 @!p0 s1, $0xE  }
0xb0: {  	s7 =	sor.u32 @!p0 $0x4000, s7;
	s6 =	simm.s32 @!p0 $0x1B8D  }
0xb1: {  	s5 =	sshll.u32 @!p0 s5, $0x11;
	s7 =	sadd.s32 @!p0 $0x11B8D, s7;
	_ =	swait.eq @!p0 [sflag:s6], $0x1  }
0xb2: {  	s5 =	sor.u32 @!p0 s5, s7;
	[sflag:s6] =	ssyncadd.s32 @!p0 $0xFFFFFFFF  }
0xb3: {  	s25 =	simm.s32 $0x1B8E;
	s24 =	sld [smem:$0x3FFE];
	[sflag:s5] =	ssyncadd.remote.s32 @!p0 $0x1  }
0xb4: {  	s26 =	simm.s32 $execute0_lowered;
	[smem:$0x3FD2] =	sst s25  }
0xb5: {  	s6 =	sshll.u32 s26, $0x1;
	_ =	strace $0x80000049;
	[dreg:$0x1] =	wrdreg $0xFFFFFFFF  }
0xb6: {  	s28 =	simm.s32 $_size_execute0_lowered;
	s4 =	sadd.s32 s4, s6;
	[dreg:$0x0] =	wrdreg $0x0  }
0xb7: {  	s6 =	sshll.u32 s28, $0x1;
	[dreg:$0x2] =	wrdreg s4  }
0xb8: {  	[dreg:$0x3] =	wrdreg s6  }
0xb9: {  	[dreg:$0x4] =	wrdreg $0xC0  }
0xba: {  	_ =	task [dreg:s22], $0x5FFFF  }
0xbb: {  	[dreg:$0x1] =	wrdreg $0xFFFFFFFF  }
0xbc: {  	[dreg:$0x0] =	wrdreg $0x60  }
0xbd: {  	[dreg:$0x2] =	wrdreg s18  }
0xbe: {  	[dreg:$0x3] =	wrdreg s24  }
0xbf: {  	[dreg:$0x4] =	wrdreg $0xA  }
0xc0: {  	_ =	task.clear_ibuf [dreg:s22], $0x5FFFF;
	_ =	strace $0x90000049  }
0xc1: {  	s29 =	simm.s32 $0xA;
	_ =	strace $0x8000004B  }
0xc2: {  	_ =	swait.ge [sflag:s29], $0x1  }
0xc3: {  	[sflag:s29] =	ssyncadd.s32 $0xFFFFFFFF  }
0xc4: {  	_ =	strace $0x9000004B  }
0xc5: {  	_ =	sfence  }
0xc6: {  	s30 =	sld [smem:$0x0];
	_ =	sdelay $0x2  }
0xc7: {  	s31 =	sshll.u32 s1, $0xD;
	s1 =	sshrl.u32 s1, $0x2  }
0xc8: {  	s4 =	sand.u32 $0x4000, s31;
	s1 =	sadd.s32 s1, s30  }
0xc9: {  	s0 =	sor.u32 s4, s0;
	s1 =	sshll.u32 s1, $0x11  }
0xca: {  	s0 =	sor.u32 s1, s0  }
0xcb: {  	s0 =	sadd.s32 $0x8F2B, s0  }
0xcc: {  	[sflag:s0] =	ssyncadd.remote.s32 $0x1  }
0xcd: {  	_ =	sfence.sel $0xFFFF  }
0xce: {  	[dreg:$0x0] =	wrdreg $0xFFFFFFFF;
	(pc) =	sbr.abs _section_cstart, $3  }
0xcf: {  	[dreg:$0x1] =	wrdreg $0xFFFFFFFF  }
0xd0: {  	_ =	task.clear_ibuf [dreg:s22], $0x2FFFF;
	_ =	strace $0x9FFFFFFF  }
0xd1: {  	(tm) =	ssettm $0x7FFFFFFF  }
tec
execute0_lowered:
.L_overlay_start_1:
0x0: {  	(tag) =	ssettag $0x1  }
0x1: {  	s2 =	rddreg [dreg:$0x0]  }
0x2: {  	s0 =	rddreg [dreg:$0x1];
	s5 =	stileid.u32  }
0x3: {  	s3 =	simm.s32 $0x0;
	s4 =	srdreg.scid;
	s9 =	simm.s32 $0x3  }
0x4: {  	s10 =	simm.s32 $0x7D;
	s11 =	simm.s32 $0x400;
	s15 =	simm.s32 $0x4280  }
0x5: {  	s16 =	simm.s32 $0x180;
	s17 =	simm.s32 $0x61C0;
	s18 =	simm.s32 $0x200  }
0x6: {  	s19 =	simm.s32 $0x8100;
	s20 =	simm.s32 $0x280;
	s21 =	simm.s32 $0xA040  }
0x7: {  	s22 =	simm.s32 $0x300;
	s23 =	simm.s32 $0xBF80;
	s24 =	simm.s32 $0x380  }
0x8: {  	s25 =	simm.s32 $0xDEC0;
	s26 =	simm.s32 $0x1;
	s1 =	smul.u32 $0xA00, s5  }
0x9: {  	s28 =	simm.s32 $0x2;
	s29 =	simm.s32 $0x0;
	s5 =	smul.u32 $0x27100, s5  }
.Ltmp0:
0xa: {  	[smem:$0x7FF] =	sst s3;
	s4 =	sand.u32 $0x1, s4;
	(pc) =	sbr.rel .LBB2_1-.Ltmp0, $4  }
0xb: {  	_ =	strace $0x8000004A;
	s6 =	ssub.s32 $0x2, s4;
	p0 =	seq.s32 s4, $0x1  }
0xc: {  	s1 =	sadd.s32 s1, s0;
	s0 =	sadd.s32 s5, s0;
	s31 =	sshrl.u32 s6, $0x1  }
0xd: {  	s6 =	ssub.s32 s6, s31;
	s4 =	sadd.s32 $0x4E9400, s1;
	s5 =	sadd.s32 $0x4F3400, s1  }
0xe: {  	s7 =	sadd.s32 $0x4FD400, s0;
	s8 =	sadd.s32 $0x76E400, s0;
	s6 =	smax.u32 s6, $0x1  }
.LBB2_7:
0xf: {  	s0 =	sadd.s32 $0x40, s1;
	[sflag:s9] =	ssyncadd.s32 $0xFFFF8300  }
0x10: {  	[tilespmem:s18], [sflag:$0x3] =	stream.linear.gather [hbm4b:s0+s3], $0x200, $0x38;
	[tilespmem:$0xFE00] =	vst v63  }
0x11: {  	_ =	swait.ge [sflag:s9], $0x200  }
0x12: {  	[sflag:s9] =	ssyncset.done $0x0  }
0x13: {  	[sflag:s9] =	ssyncadd.s32 $0xFFFFFE00  }
0x14: {  	[tilespmem:s19], [sflag:$0x2] =	stream.indirect.gather [hbm4b:s2+s10], $0x40, s18, s10, $0xb8;
	[tilespmem:$0xFE00] =	vst v63  }
0x15: {  	_ = 	snop  }
0x16: {  	[tilespmem:s21], [sflag:$0x2] =	stream.indirect.gather [hbm4b:s2+s10], $0x40, s20, s10, $0xb8;
	[tilespmem:$0xFE00] =	vst v63  }
0x17: {  	_ = 	snop  }
0x18: {  	[tilespmem:s23], [sflag:$0x2] =	stream.indirect.gather [hbm4b:s2+s10], $0x40, s22, s10, $0xb8;
	[tilespmem:$0xFE00] =	vst v63  }
0x19: {  	_ = 	snop  }
0x1a: {  	[tilespmem:s25], [sflag:$0x2] =	stream.indirect.gather [hbm4b:s2+s10], $0x40, s24, s10, $0xb8;
	[tilespmem:$0xFE00] =	vst v63  }
0x1b: {  	_ =	swait.ge [sflag:s26], $0x1F40  }
0x1c: {  	[sflag:s26] =	ssyncset.done $0x0  }
0x1d: {  	[sflag:s26] =	ssyncadd.s32 $0xFFFFE0C0  }
0x1e: {  	_ =	swait.ge [sflag:s26], $0x1F40  }
0x1f: {  	[sflag:s26] =	ssyncset.done $0x0  }
0x20: {  	[sflag:s26] =	ssyncadd.s32 $0xFFFFE0C0  }
0x21: {  	_ =	swait.ge [sflag:s26], $0x1F40  }
0x22: {  	[sflag:s26] =	ssyncset.done $0x0  }
0x23: {  	[sflag:s26] =	ssyncadd.s32 $0xFFFFE0C0  }
0x24: {  	_ =	swait.ge [sflag:s26], $0x1F40  }
0x25: {  	[sflag:s26] =	ssyncset.done $0x0  }
0x26: {  	[sflag:s26] =	ssyncadd.s32 $0xFFFFE0C0  }
0x27: {  	[hbm4b:s30+s3] =	stream.linear.scatter [tilespmem:s11], [sflag:$0x3], $0x7D00, $0x38;
	[tilespmem:$0xFE00] =	vst v63  }
0x28: {  	p1 =	seq.s32 s31, $0x980;
	_ =	swait.ge [sflag:s9], $0x7D00  }
0x29: {  	s0 =	sadd.s32 @!p1 s31, s5;
	s1 =	simm.s32 @!p1 $0x3;
	[sflag:s9] =	ssyncset.done $0x0  }
0x2a: {  	s12 =	simm.s32 @!p1 $0x0;
	s0 =	sadd.s32 @!p1 $0x80, s0;
	[sflag:s9] =	ssyncadd.s32 $0xFFFF8300  }
0x2b: {  	[tilespmem:s12], [sflag:$0x3] =	stream.linear.gather @!p1 [hbm4b:s0+s12], $0x200, $0x38;
	[tilespmem:$0xFE00] =	vst v63  }
0x2c: {  	_ =	swait.ge @!p1 [sflag:s1], $0x200  }
0x2d: {  	[sflag:s1] =	ssyncset.done @!p1 $0x0  }
0x2e: {  	s0 =	simm.s32 @!p1 $0x7D;
	[sflag:s1] =	ssyncadd.s32 @!p1 $0xFFFFFE00;
	s1 =	simm.s32 @!p1 $0x400  }
0x2f: {  	[tilespmem:s1], [sflag:$0x1] =	stream.indirect.gather @!p1 [hbm4b:s2+s0], $0x40, s12, s0, $0xb8;
	[tilespmem:$0xFE00] =	vst v63  }
0x30: {  	s1 =	simm.s32 @!p1 $0x80;
	s12 =	simm.s32 @!p1 $0x2340  }
0x31: {  	[tilespmem:s12], [sflag:$0x1] =	stream.indirect.gather @!p1 [hbm4b:s2+s0], $0x40, s1, s0, $0xb8;
	[tilespmem:$0xFE00] =	vst v63  }
0x32: {  	s1 =	simm.s32 @!p1 $0x100;
	s12 =	simm.s32 @!p1 $0x4280  }
0x33: {  	[tilespmem:s12], [sflag:$0x1] =	stream.indirect.gather @!p1 [hbm4b:s2+s0], $0x40, s1, s0, $0xb8;
	[tilespmem:$0xFE00] =	vst v63  }
0x34: {  	s1 =	simm.s32 @!p1 $0x180;
	s12 =	simm.s32 @!p1 $0x61C0  }
0x35: {  	[tilespmem:s12], [sflag:$0x1] =	stream.indirect.gather @!p1 [hbm4b:s2+s0], $0x40, s1, s0, $0xb8;
	[tilespmem:$0xFE00] =	vst v63  }
0x36: {  	_ =	swait.ge [sflag:s28], $0x1F40  }
0x37: {  	[sflag:s28] =	ssyncset.done $0x0  }
0x38: {  	[sflag:s28] =	ssyncadd.s32 $0xFFFFE0C0  }
0x39: {  	_ =	swait.ge [sflag:s28], $0x1F40  }
0x3a: {  	[sflag:s28] =	ssyncset.done $0x0  }
0x3b: {  	[sflag:s28] =	ssyncadd.s32 $0xFFFFE0C0  }
0x3c: {  	_ =	swait.ge [sflag:s28], $0x1F40  }
0x3d: {  	[sflag:s28] =	ssyncset.done $0x0  }
0x3e: {  	[sflag:s28] =	ssyncadd.s32 $0xFFFFE0C0  }
0x3f: {  	_ =	swait.ge [sflag:s28], $0x1F40  }
0x40: {  	[sflag:s28] =	ssyncset.done $0x0  }
0x41: {  	s31 =	sadd.s32 $0xFA0, s30;
	[sflag:s28] =	ssyncadd.s32 $0xFFFFE0C0  }
0x42: {  	[hbm4b:s31+s3] =	stream.linear.scatter [tilespmem:s19], [sflag:$0x3], $0x7D00, $0x38;
	[tilespmem:$0xFE00] =	vst v63  }
0x43: {  	_ =	swait.ge [sflag:s9], $0x7D00  }
0x44: {  	[sflag:s9] =	ssyncset.done $0x0  }
0x45: {  	[sflag:s9] =	ssyncadd.s32 $0xFFFF8300  }
.LBB2_8:
0x46: {  	s29 =	sadd.s32 $0x1, s29  }
0x47: {  	p1 =	sne.s32 s29, s6  }
.Ltmp1:
0x48: {  	_ = 	snop;
	(pc) =	sbr.rel @!p1 .LBB2_9-.Ltmp1, $1  }
0x49: {  	_ =	sdelay $0x3  }
.LBB2_1:
.Ltmp2:
0x4a: {  	(pc) =	sbr.rel @!p0 .LBB2_2-.Ltmp2, $2  }
0x4b: {  	_ =	sdelay $0x2  }
0x4c: {  	s0 =	simm.s32 $0x0  }
0x4d: {  	[tilespmem:s0], [sflag:$0x3] =	stream.linear.gather [hbm4b:s5+s0], $0x200, $0x38;
	[tilespmem:$0xFE00] =	vst v63  }
0x4e: {  	_ =	swait.ge [sflag:s9], $0x200  }
0x4f: {  	[sflag:s9] =	ssyncset.done $0x0  }
0x50: {  	[sflag:s9] =	ssyncadd.s32 $0xFFFFFE00  }
0x51: {  	[tilespmem:s11], [sflag:$0x1] =	stream.indirect.gather [hbm4b:s2+s10], $0x40, s0, s10, $0xb8;
	[tilespmem:$0xFE00] =	vst v63  }
0x52: {  	s14 =	simm.s32 $0x80;
	s1 =	simm.s32 $0x2340  }
0x53: {  	[tilespmem:s1], [sflag:$0x1] =	stream.indirect.gather [hbm4b:s2+s10], $0x40, s14, s10, $0xb8;
	[tilespmem:$0xFE00] =	vst v63  }
0x54: {  	s12 =	simm.s32 $0x100  }
0x55: {  	[tilespmem:s15], [sflag:$0x1] =	stream.indirect.gather [hbm4b:s2+s10], $0x40, s12, s10, $0xb8;
	[tilespmem:$0xFE00] =	vst v63  }
0x56: {  	s13 =	sadd.s32 $0x0, s5  }
0x57: {  	[tilespmem:s17], [sflag:$0x1] =	stream.indirect.gather [hbm4b:s2+s10], $0x40, s16, s10, $0xb8;
	[tilespmem:$0xFE00] =	vst v63  }
0x58: {  	s0 =	sadd.s32 $0x40, s13  }
0x59: {  	[tilespmem:s18], [sflag:$0x3] =	stream.linear.gather [hbm4b:s0+s3], $0x200, $0x38;
	[tilespmem:$0xFE00] =	vst v63  }
0x5a: {  	_ =	swait.ge [sflag:s9], $0x200  }
0x5b: {  	[sflag:s9] =	ssyncset.done $0x0  }
0x5c: {  	[sflag:s9] =	ssyncadd.s32 $0xFFFFFE00  }
0x5d: {  	[tilespmem:s19], [sflag:$0x2] =	stream.indirect.gather [hbm4b:s2+s10], $0x40, s18, s10, $0xb8;
	[tilespmem:$0xFE00] =	vst v63  }
0x5e: {  	_ = 	snop  }
0x5f: {  	[tilespmem:s21], [sflag:$0x2] =	stream.indirect.gather [hbm4b:s2+s10], $0x40, s20, s10, $0xb8;
	[tilespmem:$0xFE00] =	vst v63  }
0x60: {  	_ = 	snop  }
0x61: {  	[tilespmem:s23], [sflag:$0x2] =	stream.indirect.gather [hbm4b:s2+s10], $0x40, s22, s10, $0xb8;
	[tilespmem:$0xFE00] =	vst v63  }
0x62: {  	_ = 	snop  }
0x63: {  	[tilespmem:s25], [sflag:$0x2] =	stream.indirect.gather [hbm4b:s2+s10], $0x40, s24, s10, $0xb8;
	[tilespmem:$0xFE00] =	vst v63  }
0x64: {  	_ =	swait.ge [sflag:s26], $0x1F40  }
0x65: {  	[sflag:s26] =	ssyncset.done $0x0  }
0x66: {  	[sflag:s26] =	ssyncadd.s32 $0xFFFFE0C0  }
0x67: {  	_ =	swait.ge [sflag:s26], $0x1F40  }
0x68: {  	[sflag:s26] =	ssyncset.done $0x0  }
0x69: {  	[sflag:s26] =	ssyncadd.s32 $0xFFFFE0C0  }
0x6a: {  	_ =	swait.ge [sflag:s26], $0x1F40  }
0x6b: {  	[sflag:s26] =	ssyncset.done $0x0  }
0x6c: {  	[sflag:s26] =	ssyncadd.s32 $0xFFFFE0C0  }
0x6d: {  	_ =	swait.ge [sflag:s26], $0x1F40  }
0x6e: {  	[sflag:s26] =	ssyncset.done $0x0  }
0x6f: {  	[sflag:s26] =	ssyncadd.s32 $0xFFFFE0C0  }
0x70: {  	[hbm4b:s8+s3] =	stream.linear.scatter [tilespmem:s11], [sflag:$0x3], $0x7D00, $0x38;
	[tilespmem:$0xFE00] =	vst v63  }
0x71: {  	p1 =	por $0x0, $0x0;
	_ =	swait.ge [sflag:s9], $0x7D00  }
0x72: {  	s1 =	simm.s32 @!p1 $0x3;
	s0 =	sadd.s32 @!p1 $0x0, s5;
	[sflag:s9] =	ssyncset.done $0x0  }
0x73: {  	s12 =	simm.s32 @!p1 $0x0;
	s0 =	sadd.s32 @!p1 $0x80, s0;
	[sflag:s9] =	ssyncadd.s32 $0xFFFF8300  }
0x74: {  	[tilespmem:s12], [sflag:$0x3] =	stream.linear.gather @!p1 [hbm4b:s0+s12], $0x200, $0x38;
	[tilespmem:$0xFE00] =	vst v63  }
0x75: {  	_ =	swait.ge @!p1 [sflag:s1], $0x200  }
0x76: {  	[sflag:s1] =	ssyncset.done @!p1 $0x0  }
0x77: {  	s0 =	simm.s32 @!p1 $0x7D;
	[sflag:s1] =	ssyncadd.s32 @!p1 $0xFFFFFE00;
	s1 =	simm.s32 @!p1 $0x400  }
0x78: {  	[tilespmem:s1], [sflag:$0x1] =	stream.indirect.gather @!p1 [hbm4b:s2+s0], $0x40, s12, s0, $0xb8;
	[tilespmem:$0xFE00] =	vst v63  }
0x79: {  	s1 =	simm.s32 @!p1 $0x80;
	s12 =	simm.s32 @!p1 $0x2340  }
0x7a: {  	[tilespmem:s12], [sflag:$0x1] =	stream.indirect.gather @!p1 [hbm4b:s2+s0], $0x40, s1, s0, $0xb8;
	[tilespmem:$0xFE00] =	vst v63  }
0x7b: {  	s1 =	simm.s32 @!p1 $0x100;
	s12 =	simm.s32 @!p1 $0x4280  }
0x7c: {  	[tilespmem:s12], [sflag:$0x1] =	stream.indirect.gather @!p1 [hbm4b:s2+s0], $0x40, s1, s0, $0xb8;
	[tilespmem:$0xFE00] =	vst v63  }
0x7d: {  	s1 =	simm.s32 @!p1 $0x180;
	s12 =	simm.s32 @!p1 $0x61C0  }
0x7e: {  	[tilespmem:s12], [sflag:$0x1] =	stream.indirect.gather @!p1 [hbm4b:s2+s0], $0x40, s1, s0, $0xb8;
	[tilespmem:$0xFE00] =	vst v63  }
0x7f: {  	_ =	swait.ge [sflag:s28], $0x1F40  }
0x80: {  	[sflag:s28] =	ssyncset.done $0x0  }
0x81: {  	[sflag:s28] =	ssyncadd.s32 $0xFFFFE0C0  }
0x82: {  	_ =	swait.ge [sflag:s28], $0x1F40  }
0x83: {  	[sflag:s28] =	ssyncset.done $0x0  }
0x84: {  	[sflag:s28] =	ssyncadd.s32 $0xFFFFE0C0  }
0x85: {  	_ =	swait.ge [sflag:s28], $0x1F40  }
0x86: {  	[sflag:s28] =	ssyncset.done $0x0  }
0x87: {  	[sflag:s28] =	ssyncadd.s32 $0xFFFFE0C0  }
0x88: {  	_ =	swait.ge [sflag:s28], $0x1F40  }
0x89: {  	[sflag:s28] =	ssyncset.done $0x0  }
0x8a: {  	s14 =	sadd.s32 $0xFA0, s8;
	[sflag:s28] =	ssyncadd.s32 $0xFFFFE0C0  }
0x8b: {  	[hbm4b:s14+s3] =	stream.linear.scatter [tilespmem:s19], [sflag:$0x3], $0x7D00, $0x38;
	[tilespmem:$0xFE00] =	vst v63  }
0x8c: {  	s31 =	simm.s32 $0x80;
	s30 =	sadd.s32 $0x1F40, s8;
	_ =	swait.ge [sflag:s9], $0x7D00  }
0x8d: {  	s0 =	simm.s32 $0x100;
	s1 =	sadd.s32 $0x80, s5;
	[sflag:s9] =	ssyncset.done $0x0  }
.LBB2_6:
0x8e: {  	s12 =	sadd.s32 $0x40, s1  }
0x8f: {  	[sflag:s9] =	ssyncadd.s32 $0xFFFF8300;
	s1 =	smov.u32 s0;
	s0 =	sadd.s32 $0x80, s0  }
0x90: {  	[tilespmem:s18], [sflag:$0x3] =	stream.linear.gather [hbm4b:s12+s3], $0x200, $0x38;
	[tilespmem:$0xFE00] =	vst v63  }
0x91: {  	p1 =	sne.s32 s0, $0xA00;
	_ =	swait.ge [sflag:s9], $0x200  }
0x92: {  	[sflag:s9] =	ssyncset.done $0x0  }
0x93: {  	[sflag:s9] =	ssyncadd.s32 $0xFFFFFE00  }
0x94: {  	[tilespmem:s19], [sflag:$0x2] =	stream.indirect.gather [hbm4b:s2+s10], $0x40, s18, s10, $0xb8;
	[tilespmem:$0xFE00] =	vst v63  }
0x95: {  	_ = 	snop  }
0x96: {  	[tilespmem:s21], [sflag:$0x2] =	stream.indirect.gather [hbm4b:s2+s10], $0x40, s20, s10, $0xb8;
	[tilespmem:$0xFE00] =	vst v63  }
0x97: {  	_ = 	snop  }
0x98: {  	[tilespmem:s23], [sflag:$0x2] =	stream.indirect.gather [hbm4b:s2+s10], $0x40, s22, s10, $0xb8;
	[tilespmem:$0xFE00] =	vst v63  }
0x99: {  	_ = 	snop  }
0x9a: {  	[tilespmem:s25], [sflag:$0x2] =	stream.indirect.gather [hbm4b:s2+s10], $0x40, s24, s10, $0xb8;
	[tilespmem:$0xFE00] =	vst v63  }
0x9b: {  	_ =	swait.ge [sflag:s26], $0x1F40  }
0x9c: {  	[sflag:s26] =	ssyncset.done $0x0  }
0x9d: {  	[sflag:s26] =	ssyncadd.s32 $0xFFFFE0C0  }
0x9e: {  	_ =	swait.ge [sflag:s26], $0x1F40  }
0x9f: {  	[sflag:s26] =	ssyncset.done $0x0  }
0xa0: {  	[sflag:s26] =	ssyncadd.s32 $0xFFFFE0C0  }
0xa1: {  	_ =	swait.ge [sflag:s26], $0x1F40  }
0xa2: {  	[sflag:s26] =	ssyncset.done $0x0  }
0xa3: {  	[sflag:s26] =	ssyncadd.s32 $0xFFFFE0C0  }
0xa4: {  	_ =	swait.ge [sflag:s26], $0x1F40  }
0xa5: {  	[sflag:s26] =	ssyncset.done $0x0  }
0xa6: {  	[sflag:s26] =	ssyncadd.s32 $0xFFFFE0C0  }
0xa7: {  	[hbm4b:s30+s3] =	stream.linear.scatter [tilespmem:s11], [sflag:$0x3], $0x7D00, $0x38;
	[tilespmem:$0xFE00] =	vst v63  }
0xa8: {  	p2 =	seq.s32 s31, $0x980;
	_ =	swait.ge [sflag:s9], $0x7D00  }
0xa9: {  	s12 =	sadd.s32 @!p2 s31, s5;
	s13 =	simm.s32 @!p2 $0x3;
	[sflag:s9] =	ssyncset.done $0x0  }
0xaa: {  	s14 =	simm.s32 @!p2 $0x0;
	s12 =	sadd.s32 @!p2 $0x80, s12;
	[sflag:s9] =	ssyncadd.s32 $0xFFFF8300  }
0xab: {  	[tilespmem:s14], [sflag:$0x3] =	stream.linear.gather @!p2 [hbm4b:s12+s14], $0x200, $0x38;
	[tilespmem:$0xFE00] =	vst v63  }
0xac: {  	s31 =	smov.u32 s1;
	_ =	swait.ge @!p2 [sflag:s13], $0x200  }
0xad: {  	[sflag:s13] =	ssyncset.done @!p2 $0x0  }
0xae: {  	s1 =	simm.s32 @!p2 $0x7D;
	s12 =	simm.s32 @!p2 $0x400;
	[sflag:s13] =	ssyncadd.s32 @!p2 $0xFFFFFE00  }
0xaf: {  	[tilespmem:s12], [sflag:$0x1] =	stream.indirect.gather @!p2 [hbm4b:s2+s1], $0x40, s14, s1, $0xb8;
	[tilespmem:$0xFE00] =	vst v63  }
0xb0: {  	s13 =	simm.s32 @!p2 $0x2340;
	s12 =	simm.s32 @!p2 $0x80  }
0xb1: {  	[tilespmem:s13], [sflag:$0x1] =	stream.indirect.gather @!p2 [hbm4b:s2+s1], $0x40, s12, s1, $0xb8;
	[tilespmem:$0xFE00] =	vst v63  }
0xb2: {  	s12 =	simm.s32 @!p2 $0x100;
	s13 =	simm.s32 @!p2 $0x4280  }
0xb3: {  	[tilespmem:s13], [sflag:$0x1] =	stream.indirect.gather @!p2 [hbm4b:s2+s1], $0x40, s12, s1, $0xb8;
	[tilespmem:$0xFE00] =	vst v63  }
0xb4: {  	s12 =	simm.s32 @!p2 $0x180;
	s13 =	simm.s32 @!p2 $0x61C0  }
0xb5: {  	[tilespmem:s13], [sflag:$0x1] =	stream.indirect.gather @!p2 [hbm4b:s2+s1], $0x40, s12, s1, $0xb8;
	[tilespmem:$0xFE00] =	vst v63  }
0xb6: {  	_ =	swait.ge [sflag:s28], $0x1F40  }
0xb7: {  	[sflag:s28] =	ssyncset.done $0x0  }
0xb8: {  	[sflag:s28] =	ssyncadd.s32 $0xFFFFE0C0  }
0xb9: {  	_ =	swait.ge [sflag:s28], $0x1F40  }
0xba: {  	[sflag:s28] =	ssyncset.done $0x0  }
0xbb: {  	[sflag:s28] =	ssyncadd.s32 $0xFFFFE0C0  }
0xbc: {  	_ =	swait.ge [sflag:s28], $0x1F40  }
0xbd: {  	[sflag:s28] =	ssyncset.done $0x0  }
0xbe: {  	[sflag:s28] =	ssyncadd.s32 $0xFFFFE0C0  }
0xbf: {  	_ =	swait.ge [sflag:s28], $0x1F40  }
.Ltmp3:
0xc0: {  	[sflag:s28] =	ssyncset.done $0x0;
	(pc) =	sbr.rel @p1 .LBB2_6-.Ltmp3, $4  }
0xc1: {  	s1 =	sadd.s32 $0xFA0, s30;
	[sflag:s28] =	ssyncadd.s32 $0xFFFFE0C0  }
0xc2: {  	[hbm4b:s1+s3] =	stream.linear.scatter [tilespmem:s19], [sflag:$0x3], $0x7D00, $0x38;
	[tilespmem:$0xFE00] =	vst v63  }
0xc3: {  	_ =	swait.ge [sflag:s9], $0x7D00  }
0xc4: {  	s30 =	sadd.s32 $0x1F40, s30;
	s1 =	sadd.s32 s31, s5;
	[sflag:s9] =	ssyncset.done $0x0  }
.Ltmp4:
0xc5: {  	_ = 	snop;
	(pc) =	sbr.rel .LBB2_7-.Ltmp4, $1  }
0xc6: {  	_ =	sdelay $0x3  }
.LBB2_2:
0xc7: {  	[tilespmem:s0], [sflag:$0x3] =	stream.linear.gather [hbm4b:s4+s0], $0x200, $0x38;
	[tilespmem:$0xFE00] =	vst v63  }
0xc8: {  	_ =	swait.ge [sflag:s9], $0x200  }
0xc9: {  	[sflag:s9] =	ssyncset.done $0x0  }
0xca: {  	[sflag:s9] =	ssyncadd.s32 $0xFFFFFE00  }
0xcb: {  	[tilespmem:s11], [sflag:$0x1] =	stream.indirect.gather [hbm4b:s2+s10], $0x40, s0, s10, $0xb8;
	[tilespmem:$0xFE00] =	vst v63  }
0xcc: {  	s14 =	simm.s32 $0x80;
	s1 =	simm.s32 $0x2340  }
0xcd: {  	[tilespmem:s1], [sflag:$0x1] =	stream.indirect.gather [hbm4b:s2+s10], $0x40, s14, s10, $0xb8;
	[tilespmem:$0xFE00] =	vst v63  }
0xce: {  	s12 =	simm.s32 $0x100  }
0xcf: {  	[tilespmem:s15], [sflag:$0x1] =	stream.indirect.gather [hbm4b:s2+s10], $0x40, s12, s10, $0xb8;
	[tilespmem:$0xFE00] =	vst v63  }
0xd0: {  	s13 =	sadd.s32 $0x0, s4  }
0xd1: {  	[tilespmem:s17], [sflag:$0x1] =	stream.indirect.gather [hbm4b:s2+s10], $0x40, s16, s10, $0xb8;
	[tilespmem:$0xFE00] =	vst v63  }
0xd2: {  	s0 =	sadd.s32 $0x40, s13  }
0xd3: {  	[tilespmem:s18], [sflag:$0x3] =	stream.linear.gather [hbm4b:s0+s3], $0x200, $0x38;
	[tilespmem:$0xFE00] =	vst v63  }
0xd4: {  	_ =	swait.ge [sflag:s9], $0x200  }
0xd5: {  	[sflag:s9] =	ssyncset.done $0x0  }
0xd6: {  	[sflag:s9] =	ssyncadd.s32 $0xFFFFFE00  }
0xd7: {  	[tilespmem:s19], [sflag:$0x2] =	stream.indirect.gather [hbm4b:s2+s10], $0x40, s18, s10, $0xb8;
	[tilespmem:$0xFE00] =	vst v63  }
0xd8: {  	_ = 	snop  }
0xd9: {  	[tilespmem:s21], [sflag:$0x2] =	stream.indirect.gather [hbm4b:s2+s10], $0x40, s20, s10, $0xb8;
	[tilespmem:$0xFE00] =	vst v63  }
0xda: {  	_ = 	snop  }
0xdb: {  	[tilespmem:s23], [sflag:$0x2] =	stream.indirect.gather [hbm4b:s2+s10], $0x40, s22, s10, $0xb8;
	[tilespmem:$0xFE00] =	vst v63  }
0xdc: {  	_ = 	snop  }
0xdd: {  	[tilespmem:s25], [sflag:$0x2] =	stream.indirect.gather [hbm4b:s2+s10], $0x40, s24, s10, $0xb8;
	[tilespmem:$0xFE00] =	vst v63  }
0xde: {  	_ =	swait.ge [sflag:s26], $0x1F40  }
0xdf: {  	[sflag:s26] =	ssyncset.done $0x0  }
0xe0: {  	[sflag:s26] =	ssyncadd.s32 $0xFFFFE0C0  }
0xe1: {  	_ =	swait.ge [sflag:s26], $0x1F40  }
0xe2: {  	[sflag:s26] =	ssyncset.done $0x0  }
0xe3: {  	[sflag:s26] =	ssyncadd.s32 $0xFFFFE0C0  }
0xe4: {  	_ =	swait.ge [sflag:s26], $0x1F40  }
0xe5: {  	[sflag:s26] =	ssyncset.done $0x0  }
0xe6: {  	[sflag:s26] =	ssyncadd.s32 $0xFFFFE0C0  }
0xe7: {  	_ =	swait.ge [sflag:s26], $0x1F40  }
0xe8: {  	[sflag:s26] =	ssyncset.done $0x0  }
0xe9: {  	[sflag:s26] =	ssyncadd.s32 $0xFFFFE0C0  }
0xea: {  	[hbm4b:s7+s3] =	stream.linear.scatter [tilespmem:s11], [sflag:$0x3], $0x7D00, $0x38;
	[tilespmem:$0xFE00] =	vst v63  }
0xeb: {  	p1 =	por $0x0, $0x0;
	_ =	swait.ge [sflag:s9], $0x7D00  }
0xec: {  	s30 =	simm.s32 @!p1 $0x0;
	s0 =	sadd.s32 @!p1 $0x0, s4;
	[sflag:s9] =	ssyncset.done $0x0  }
0xed: {  	s1 =	simm.s32 @!p1 $0x3;
	s0 =	sadd.s32 @!p1 $0x80, s0;
	[sflag:s9] =	ssyncadd.s32 $0xFFFF8300  }
0xee: {  	[tilespmem:s30], [sflag:$0x3] =	stream.linear.gather @!p1 [hbm4b:s0+s30], $0x200, $0x38;
	[tilespmem:$0xFE00] =	vst v63  }
0xef: {  	_ =	swait.ge @!p1 [sflag:s1], $0x200  }
0xf0: {  	[sflag:s1] =	ssyncset.done @!p1 $0x0  }
0xf1: {  	s0 =	simm.s32 @!p1 $0x7D;
	[sflag:s1] =	ssyncadd.s32 @!p1 $0xFFFFFE00;
	s1 =	simm.s32 @!p1 $0x400  }
0xf2: {  	[tilespmem:s1], [sflag:$0x1] =	stream.indirect.gather @!p1 [hbm4b:s2+s0], $0x40, s30, s0, $0xb8;
	[tilespmem:$0xFE00] =	vst v63  }
0xf3: {  	s1 =	simm.s32 @!p1 $0x80;
	s30 =	simm.s32 @!p1 $0x2340  }
0xf4: {  	[tilespmem:s30], [sflag:$0x1] =	stream.indirect.gather @!p1 [hbm4b:s2+s0], $0x40, s1, s0, $0xb8;
	[tilespmem:$0xFE00] =	vst v63  }
0xf5: {  	s1 =	simm.s32 @!p1 $0x100;
	s30 =	simm.s32 @!p1 $0x4280  }
0xf6: {  	[tilespmem:s30], [sflag:$0x1] =	stream.indirect.gather @!p1 [hbm4b:s2+s0], $0x40, s1, s0, $0xb8;
	[tilespmem:$0xFE00] =	vst v63  }
0xf7: {  	s1 =	simm.s32 @!p1 $0x180;
	s30 =	simm.s32 @!p1 $0x61C0  }
0xf8: {  	[tilespmem:s30], [sflag:$0x1] =	stream.indirect.gather @!p1 [hbm4b:s2+s0], $0x40, s1, s0, $0xb8;
	[tilespmem:$0xFE00] =	vst v63  }
0xf9: {  	_ =	swait.ge [sflag:s28], $0x1F40  }
0xfa: {  	[sflag:s28] =	ssyncset.done $0x0  }
0xfb: {  	[sflag:s28] =	ssyncadd.s32 $0xFFFFE0C0  }
0xfc: {  	_ =	swait.ge [sflag:s28], $0x1F40  }
0xfd: {  	[sflag:s28] =	ssyncset.done $0x0  }
0xfe: {  	[sflag:s28] =	ssyncadd.s32 $0xFFFFE0C0  }
0xff: {  	_ =	swait.ge [sflag:s28], $0x1F40  }
0x100: {  	[sflag:s28] =	ssyncset.done $0x0  }
0x101: {  	[sflag:s28] =	ssyncadd.s32 $0xFFFFE0C0  }
0x102: {  	_ =	swait.ge [sflag:s28], $0x1F40  }
0x103: {  	[sflag:s28] =	ssyncset.done $0x0  }
0x104: {  	s14 =	sadd.s32 $0xFA0, s7;
	[sflag:s28] =	ssyncadd.s32 $0xFFFFE0C0  }
0x105: {  	[hbm4b:s14+s3] =	stream.linear.scatter [tilespmem:s19], [sflag:$0x3], $0x7D00, $0x38;
	[tilespmem:$0xFE00] =	vst v63  }
0x106: {  	s31 =	simm.s32 $0x80;
	s0 =	simm.s32 $0x100;
	_ =	swait.ge [sflag:s9], $0x7D00  }
0x107: {  	s1 =	sadd.s32 $0x80, s4;
	s30 =	sadd.s32 $0x1F40, s7;
	[sflag:s9] =	ssyncset.done $0x0  }
.LBB2_3:
0x108: {  	s12 =	sadd.s32 $0x40, s1  }
0x109: {  	[sflag:s9] =	ssyncadd.s32 $0xFFFF8300;
	s1 =	smov.u32 s0;
	s0 =	sadd.s32 $0x80, s0  }
0x10a: {  	[tilespmem:s18], [sflag:$0x3] =	stream.linear.gather [hbm4b:s12+s3], $0x200, $0x38;
	[tilespmem:$0xFE00] =	vst v63  }
0x10b: {  	p1 =	seq.s32 s0, $0xA00;
	_ =	swait.ge [sflag:s9], $0x200  }
0x10c: {  	[sflag:s9] =	ssyncset.done $0x0  }
0x10d: {  	[sflag:s9] =	ssyncadd.s32 $0xFFFFFE00  }
0x10e: {  	[tilespmem:s19], [sflag:$0x2] =	stream.indirect.gather [hbm4b:s2+s10], $0x40, s18, s10, $0xb8;
	[tilespmem:$0xFE00] =	vst v63  }
0x10f: {  	_ = 	snop  }
0x110: {  	[tilespmem:s21], [sflag:$0x2] =	stream.indirect.gather [hbm4b:s2+s10], $0x40, s20, s10, $0xb8;
	[tilespmem:$0xFE00] =	vst v63  }
0x111: {  	_ = 	snop  }
0x112: {  	[tilespmem:s23], [sflag:$0x2] =	stream.indirect.gather [hbm4b:s2+s10], $0x40, s22, s10, $0xb8;
	[tilespmem:$0xFE00] =	vst v63  }
0x113: {  	_ = 	snop  }
0x114: {  	[tilespmem:s25], [sflag:$0x2] =	stream.indirect.gather [hbm4b:s2+s10], $0x40, s24, s10, $0xb8;
	[tilespmem:$0xFE00] =	vst v63  }
0x115: {  	_ =	swait.ge [sflag:s26], $0x1F40  }
0x116: {  	[sflag:s26] =	ssyncset.done $0x0  }
0x117: {  	[sflag:s26] =	ssyncadd.s32 $0xFFFFE0C0  }
0x118: {  	_ =	swait.ge [sflag:s26], $0x1F40  }
0x119: {  	[sflag:s26] =	ssyncset.done $0x0  }
0x11a: {  	[sflag:s26] =	ssyncadd.s32 $0xFFFFE0C0  }
0x11b: {  	_ =	swait.ge [sflag:s26], $0x1F40  }
0x11c: {  	[sflag:s26] =	ssyncset.done $0x0  }
0x11d: {  	[sflag:s26] =	ssyncadd.s32 $0xFFFFE0C0  }
0x11e: {  	_ =	swait.ge [sflag:s26], $0x1F40  }
0x11f: {  	[sflag:s26] =	ssyncset.done $0x0  }
0x120: {  	[sflag:s26] =	ssyncadd.s32 $0xFFFFE0C0  }
0x121: {  	[hbm4b:s30+s3] =	stream.linear.scatter [tilespmem:s11], [sflag:$0x3], $0x7D00, $0x38;
	[tilespmem:$0xFE00] =	vst v63  }
0x122: {  	p2 =	seq.s32 s31, $0x980;
	_ =	swait.ge [sflag:s9], $0x7D00  }
0x123: {  	s12 =	sadd.s32 @!p2 s31, s4;
	s13 =	simm.s32 @!p2 $0x3;
	[sflag:s9] =	ssyncset.done $0x0  }
0x124: {  	s14 =	simm.s32 @!p2 $0x0;
	s12 =	sadd.s32 @!p2 $0x80, s12;
	[sflag:s9] =	ssyncadd.s32 $0xFFFF8300  }
0x125: {  	[tilespmem:s14], [sflag:$0x3] =	stream.linear.gather @!p2 [hbm4b:s12+s14], $0x200, $0x38;
	[tilespmem:$0xFE00] =	vst v63  }
0x126: {  	s31 =	smov.u32 s1;
	_ =	swait.ge @!p2 [sflag:s13], $0x200  }
0x127: {  	[sflag:s13] =	ssyncset.done @!p2 $0x0  }
0x128: {  	s1 =	simm.s32 @!p2 $0x7D;
	s12 =	simm.s32 @!p2 $0x400;
	[sflag:s13] =	ssyncadd.s32 @!p2 $0xFFFFFE00  }
0x129: {  	[tilespmem:s12], [sflag:$0x1] =	stream.indirect.gather @!p2 [hbm4b:s2+s1], $0x40, s14, s1, $0xb8;
	[tilespmem:$0xFE00] =	vst v63  }
0x12a: {  	s13 =	simm.s32 @!p2 $0x2340;
	s12 =	simm.s32 @!p2 $0x80  }
0x12b: {  	[tilespmem:s13], [sflag:$0x1] =	stream.indirect.gather @!p2 [hbm4b:s2+s1], $0x40, s12, s1, $0xb8;
	[tilespmem:$0xFE00] =	vst v63  }
0x12c: {  	s12 =	simm.s32 @!p2 $0x100;
	s13 =	simm.s32 @!p2 $0x4280  }
0x12d: {  	[tilespmem:s13], [sflag:$0x1] =	stream.indirect.gather @!p2 [hbm4b:s2+s1], $0x40, s12, s1, $0xb8;
	[tilespmem:$0xFE00] =	vst v63  }
0x12e: {  	s12 =	simm.s32 @!p2 $0x180;
	s13 =	simm.s32 @!p2 $0x61C0  }
0x12f: {  	[tilespmem:s13], [sflag:$0x1] =	stream.indirect.gather @!p2 [hbm4b:s2+s1], $0x40, s12, s1, $0xb8;
	[tilespmem:$0xFE00] =	vst v63  }
0x130: {  	_ =	swait.ge [sflag:s28], $0x1F40  }
0x131: {  	[sflag:s28] =	ssyncset.done $0x0  }
0x132: {  	[sflag:s28] =	ssyncadd.s32 $0xFFFFE0C0  }
0x133: {  	_ =	swait.ge [sflag:s28], $0x1F40  }
0x134: {  	[sflag:s28] =	ssyncset.done $0x0  }
0x135: {  	[sflag:s28] =	ssyncadd.s32 $0xFFFFE0C0  }
0x136: {  	_ =	swait.ge [sflag:s28], $0x1F40  }
0x137: {  	[sflag:s28] =	ssyncset.done $0x0  }
0x138: {  	[sflag:s28] =	ssyncadd.s32 $0xFFFFE0C0  }
0x139: {  	_ =	swait.ge [sflag:s28], $0x1F40  }
.Ltmp5:
0x13a: {  	[sflag:s28] =	ssyncset.done $0x0;
	(pc) =	sbr.rel @!p1 .LBB2_3-.Ltmp5, $4  }
0x13b: {  	s1 =	sadd.s32 $0xFA0, s30;
	[sflag:s28] =	ssyncadd.s32 $0xFFFFE0C0  }
0x13c: {  	[hbm4b:s1+s3] =	stream.linear.scatter [tilespmem:s19], [sflag:$0x3], $0x7D00, $0x38;
	[tilespmem:$0xFE00] =	vst v63  }
0x13d: {  	_ =	swait.ge [sflag:s9], $0x7D00  }
0x13e: {  	s30 =	sadd.s32 $0x1F40, s30;
	s1 =	sadd.s32 s31, s4;
	[sflag:s9] =	ssyncset.done $0x0  }
0x13f: {  	s0 =	sadd.s32 $0x40, s1;
	[sflag:s9] =	ssyncadd.s32 $0xFFFF8300  }
0x140: {  	[tilespmem:s18], [sflag:$0x3] =	stream.linear.gather [hbm4b:s0+s3], $0x200, $0x38;
	[tilespmem:$0xFE00] =	vst v63  }
0x141: {  	_ =	swait.ge [sflag:s9], $0x200  }
0x142: {  	[sflag:s9] =	ssyncset.done $0x0  }
0x143: {  	[sflag:s9] =	ssyncadd.s32 $0xFFFFFE00  }
0x144: {  	[tilespmem:s19], [sflag:$0x2] =	stream.indirect.gather [hbm4b:s2+s10], $0x40, s18, s10, $0xb8;
	[tilespmem:$0xFE00] =	vst v63  }
0x145: {  	_ = 	snop  }
0x146: {  	[tilespmem:s21], [sflag:$0x2] =	stream.indirect.gather [hbm4b:s2+s10], $0x40, s20, s10, $0xb8;
	[tilespmem:$0xFE00] =	vst v63  }
0x147: {  	_ = 	snop  }
0x148: {  	[tilespmem:s23], [sflag:$0x2] =	stream.indirect.gather [hbm4b:s2+s10], $0x40, s22, s10, $0xb8;
	[tilespmem:$0xFE00] =	vst v63  }
0x149: {  	_ = 	snop  }
0x14a: {  	[tilespmem:s25], [sflag:$0x2] =	stream.indirect.gather [hbm4b:s2+s10], $0x40, s24, s10, $0xb8;
	[tilespmem:$0xFE00] =	vst v63  }
0x14b: {  	_ =	swait.ge [sflag:s26], $0x1F40  }
0x14c: {  	[sflag:s26] =	ssyncset.done $0x0  }
0x14d: {  	[sflag:s26] =	ssyncadd.s32 $0xFFFFE0C0  }
0x14e: {  	_ =	swait.ge [sflag:s26], $0x1F40  }
0x14f: {  	[sflag:s26] =	ssyncset.done $0x0  }
0x150: {  	[sflag:s26] =	ssyncadd.s32 $0xFFFFE0C0  }
0x151: {  	_ =	swait.ge [sflag:s26], $0x1F40  }
0x152: {  	[sflag:s26] =	ssyncset.done $0x0  }
0x153: {  	[sflag:s26] =	ssyncadd.s32 $0xFFFFE0C0  }
0x154: {  	_ =	swait.ge [sflag:s26], $0x1F40  }
0x155: {  	[sflag:s26] =	ssyncset.done $0x0  }
0x156: {  	[sflag:s26] =	ssyncadd.s32 $0xFFFFE0C0  }
0x157: {  	[hbm4b:s30+s3] =	stream.linear.scatter [tilespmem:s11], [sflag:$0x3], $0x7D00, $0x38;
	[tilespmem:$0xFE00] =	vst v63  }
0x158: {  	p1 =	seq.s32 s31, $0x980;
	_ =	swait.ge [sflag:s9], $0x7D00  }
0x159: {  	s0 =	sadd.s32 @!p1 s31, s4;
	s1 =	simm.s32 @!p1 $0x3;
	[sflag:s9] =	ssyncset.done $0x0  }
0x15a: {  	s12 =	simm.s32 @!p1 $0x0;
	s0 =	sadd.s32 @!p1 $0x80, s0;
	[sflag:s9] =	ssyncadd.s32 $0xFFFF8300  }
0x15b: {  	[tilespmem:s12], [sflag:$0x3] =	stream.linear.gather @!p1 [hbm4b:s0+s12], $0x200, $0x38;
	[tilespmem:$0xFE00] =	vst v63  }
0x15c: {  	_ =	swait.ge @!p1 [sflag:s1], $0x200  }
0x15d: {  	[sflag:s1] =	ssyncset.done @!p1 $0x0  }
0x15e: {  	s0 =	simm.s32 @!p1 $0x7D;
	[sflag:s1] =	ssyncadd.s32 @!p1 $0xFFFFFE00;
	s1 =	simm.s32 @!p1 $0x400  }
0x15f: {  	[tilespmem:s1], [sflag:$0x1] =	stream.indirect.gather @!p1 [hbm4b:s2+s0], $0x40, s12, s0, $0xb8;
	[tilespmem:$0xFE00] =	vst v63  }
0x160: {  	s1 =	simm.s32 @!p1 $0x80;
	s12 =	simm.s32 @!p1 $0x2340  }
0x161: {  	[tilespmem:s12], [sflag:$0x1] =	stream.indirect.gather @!p1 [hbm4b:s2+s0], $0x40, s1, s0, $0xb8;
	[tilespmem:$0xFE00] =	vst v63  }
0x162: {  	s1 =	simm.s32 @!p1 $0x100;
	s12 =	simm.s32 @!p1 $0x4280  }
0x163: {  	[tilespmem:s12], [sflag:$0x1] =	stream.indirect.gather @!p1 [hbm4b:s2+s0], $0x40, s1, s0, $0xb8;
	[tilespmem:$0xFE00] =	vst v63  }
0x164: {  	s1 =	simm.s32 @!p1 $0x180;
	s12 =	simm.s32 @!p1 $0x61C0  }
0x165: {  	[tilespmem:s12], [sflag:$0x1] =	stream.indirect.gather @!p1 [hbm4b:s2+s0], $0x40, s1, s0, $0xb8;
	[tilespmem:$0xFE00] =	vst v63  }
0x166: {  	_ =	swait.ge [sflag:s28], $0x1F40  }
0x167: {  	[sflag:s28] =	ssyncset.done $0x0  }
0x168: {  	[sflag:s28] =	ssyncadd.s32 $0xFFFFE0C0  }
0x169: {  	_ =	swait.ge [sflag:s28], $0x1F40  }
0x16a: {  	[sflag:s28] =	ssyncset.done $0x0  }
0x16b: {  	[sflag:s28] =	ssyncadd.s32 $0xFFFFE0C0  }
0x16c: {  	_ =	swait.ge [sflag:s28], $0x1F40  }
0x16d: {  	[sflag:s28] =	ssyncset.done $0x0  }
0x16e: {  	[sflag:s28] =	ssyncadd.s32 $0xFFFFE0C0  }
0x16f: {  	_ =	swait.ge [sflag:s28], $0x1F40  }
0x170: {  	[sflag:s28] =	ssyncset.done $0x0  }
.Ltmp6:
0x171: {  	s31 =	sadd.s32 $0xFA0, s30;
	[sflag:s28] =	ssyncadd.s32 $0xFFFFE0C0;
	(pc) =	sbr.rel .LBB2_8-.Ltmp6, $4  }
0x172: {  	[hbm4b:s31+s3] =	stream.linear.scatter [tilespmem:s19], [sflag:$0x3], $0x7D00, $0x38;
	[tilespmem:$0xFE00] =	vst v63  }
0x173: {  	_ =	swait.ge [sflag:s9], $0x7D00  }
0x174: {  	[sflag:s9] =	ssyncset.done $0x0  }
0x175: {  	[sflag:s9] =	ssyncadd.s32 $0xFFFF8300  }
.LBB2_9:
0x176: {  	_ =	sfence.sel $0x180000  }
0x177: {  	[bflag:$0x0] =	sbarrier.arrive $0xFFFF  }
0x178: {  	_ =	strace $0x9000004A  }
0x179: {  	s0 =	stileid.u32;
	[bflag:$0x2] =	sbarrier.arrive $0xFFFF  }
0x17a: {  	p0 =	sne.s32 s0, $0x0;
	s0 =	rddreg [dreg:$0x2]  }
0x17b: {  	s0 =	sadd.s32 @!p0 $0x100000, s0  }
0x17c: {  	[sflag:s0] =	ssyncadd.tile.s32 @!p0 $0x1;
	_ =	shalt  }
.Lfunc_end2:
_tile_overlayer_lowered:
.L_overlay_start_2:
0x17d: {  	(tag) =	ssettag $0x2  }
0x17e: {  	s0 =	rddreg [dreg:$0x0];
	s2 =	stileid.u32  }
0x17f: {  	s1 =	rddreg [dreg:$0x1];
	p0 =	sne.s32 s2, $0x0  }
0x180: {  	s3 =	rddreg [dreg:$0x2];
	[bflag:$0x3] =	sbarrier.arrive $0xFFFF;
	s2 =	simm.s32 @!p0 $0x1C03  }
0x181: {  	[timem:s3], [sflag:s2] =	dma.local @!p0 [hbm:s0], s1  }
0x182: {  	s0 =	simm.s32 @!p0 $0x3  }
0x183: {  	_ =	swait.ge @!p0 [sflag:s0], s1  }
0x184: {  	s1 =	ssub.s32 @!p0 $0x0, s1;
	[sflag:s0] =	ssyncset.done @!p0 $0x0  }
0x185: {  	[sflag:s0] =	ssyncadd.s32 @!p0 s1  }
0x186: {  	[bflag:$0x3] =	sbarrier.arrive $0xFFFF  }
0x187: {  	_ =	shalt  }

// kernel: sparse-core-data-format-call.cloned.1.call-start
scs
called_computation_lowered:
.L_overlay_start_0:
0x0: {  	s2 =	sld [smem:$0x3FD9]  }
0x1: {  	s3 =	sld [smem:$0x3FFE];
	_ =	sdelay $0x1  }
0x2: {  	s1 =	srdreg.scid  }
0x3: {  	s0 =	sand.u32 $0x1, s1  }
0x4: {  	s18 =	sshll.u32 s0, $0xA;
	s2 =	sadd.s32 s3, s2  }
0x5: {  	s2 =	sadd.s32 s2, s18  }
0x6: {  	[smem:$0x3FB1] =	sst s2  }
0x7: {  	_ = 	snop  }
0x8: {  	s2 =	sld [smem:$0x3FC8];
	(tm) =	ssettm $0x1  }
0x9: {  	s19 =	sld [smem:$0x3FFB];
	_ =	sdelay $0x3  }
0xa: {  	_ =	strace s19  }
0xb: {  	s3 =	sld [smem:$0x3FFC];
	_ =	sdelay $0x3  }
0xc: {  	_ =	strace s3  }
0xd: {  	s3 =	sld [smem:$0x3FFD];
	_ =	sdelay $0x3  }
0xe: {  	_ =	strace s3  }
0xf: {  	_ =	strace $0x8FFFFFFF  }
0x10: {  	s20 =	sld [smem:$0x3FDB];
	_ =	sdelay $0x1  }
0x11: {  	s4 =	simm.s32 $_scs_section_size  }
0x12: {  	s5 =	simm.s32 $_size__tile_overlayer_lowered;
	s6 =	simm.s32 $_tile_overlayer_lowered  }
0x13: {  	s23 =	simm.s32 $0x1BFF;
	s22 =	sshll.u32 s6, $0x1;
	s3 =	sadd.s32 s4, s20  }
0x14: {  	s7 =	simm.s32 $0x0;
	s21 =	sshll.u32 s5, $0x1;
	s5 =	sadd.s32 s22, s3  }
0x15: {  	[timem:s7], [sflag:s23] =	dma.local [hbm:s5], s21  }
0x16: {  	_ =	swait.ge [sflag:s23], s21  }
0x17: {  	s4 =	ssub.s32 $0x0, s21;
	[sflag:s23] =	ssyncset.done $0x0  }
0x18: {  	[sflag:s23] =	ssyncadd.s32 s4;
	_ =	sdelay $0x1  }
0x19: {  	s24 =	simm.s32 $0x1B8B  }
0x1a: {  	_ =	swait.ge [sflag:s24], $0x1  }
0x1b: {  	[sflag:s24] =	ssyncset.done $0x0  }
0x1c: {  	s26 =	simm.s32 $0x1B8E;
	s25 =	sld [smem:$0x3FFE];
	[sflag:s24] =	ssyncadd.s32 $0xFFFFFFFF  }
0x1d: {  	s27 =	simm.s32 $execute0_lowered;
	[smem:$0x3FD2] =	sst s26  }
0x1e: {  	s5 =	sshll.u32 s27, $0x1;
	_ =	strace $0x80000046;
	[dreg:$0x1] =	wrdreg $0xFFFFFFFF  }
0x1f: {  	s28 =	simm.s32 $_size_execute0_lowered;
	s3 =	sadd.s32 s3, s5;
	[dreg:$0x0] =	wrdreg $0x0  }
0x20: {  	s5 =	sshll.u32 s28, $0x1;
	[dreg:$0x2] =	wrdreg s3  }
0x21: {  	[dreg:$0x3] =	wrdreg s5  }
0x22: {  	[dreg:$0x4] =	wrdreg $0xC0  }
0x23: {  	_ =	task [dreg:s7], $0x5FFFF  }
0x24: {  	[dreg:$0x1] =	wrdreg $0xFFFFFFFF  }
0x25: {  	[dreg:$0x0] =	wrdreg $0x60  }
0x26: {  	[dreg:$0x2] =	wrdreg s2  }
0x27: {  	[dreg:$0x3] =	wrdreg s25  }
0x28: {  	[dreg:$0x4] =	wrdreg $0x9  }
0x29: {  	_ =	task.clear_ibuf [dreg:s7], $0x5FFFF;
	_ =	strace $0x90000046  }
0x2a: {  	s29 =	simm.s32 $0x9;
	_ =	strace $0x80000048  }
0x2b: {  	_ =	swait.ge [sflag:s29], $0x1  }
0x2c: {  	[sflag:s29] =	ssyncadd.s32 $0xFFFFFFFF  }
0x2d: {  	_ =	strace $0x90000048  }
0x2e: {  	_ =	sfence  }
0x2f: {  	s30 =	sld [smem:$0x0];
	_ =	sdelay $0x2  }
0x30: {  	s31 =	sshll.u32 s1, $0xD;
	s1 =	sshrl.u32 s1, $0x2  }
0x31: {  	s3 =	sand.u32 $0x4000, s31;
	s1 =	sadd.s32 s1, s30  }
0x32: {  	s0 =	sor.u32 s3, s0;
	s1 =	sshll.u32 s1, $0x11  }
0x33: {  	s0 =	sor.u32 s1, s0  }
0x34: {  	s0 =	sadd.s32 $0x8F2B, s0  }
0x35: {  	[sflag:s0] =	ssyncadd.remote.s32 $0x1  }
0x36: {  	_ =	sfence.sel $0xFFFF  }
0x37: {  	[dreg:$0x0] =	wrdreg $0xFFFFFFFF;
	(pc) =	sbr.abs _section_cstart, $3  }
0x38: {  	[dreg:$0x1] =	wrdreg $0xFFFFFFFF  }
0x39: {  	_ =	task.clear_ibuf [dreg:s7], $0x2FFFF;
	_ =	strace $0x9FFFFFFF  }
0x3a: {  	(tm) =	ssettm $0x7FFFFFFF  }
0x3b: {  	_ =	shalt  }
tec
execute0_lowered:
.L_overlay_start_1:
0x0: {  	(tag) =	ssettag $0x1  }
0x1: {  	s0 =	srdreg.scid;
	s2 =	rddreg [dreg:$0x0]  }
0x2: {  	s6 =	rddreg [dreg:$0x1];
	s1 =	sshll.u32 s0, $0x4  }
0x3: {  	s7 =	simm.s32 $0x1;
	s0 =	stileid.u32;
	s1 =	sand.u32 $0x10, s1  }
0x4: {  	s8 =	simm.s32 $0x2;
	s13 =	simm.s32 $0x0;
	s1 =	sor.u32 s0, s1  }
0x5: {  	s12 =	simm.s32 $0x0;
	s10 =	simm.s32 $0x0;
	s3 =	sshll.u32 s1, $0x8  }
0x6: {  	s11 =	simm.s32 $0x0;
	s6 =	sadd.s32 $0x7400, s6;
	s5 =	ssub.s32 $0x4E200, s3  }
.Ltmp0:
0x7: {  	s1 =	rddreg [dreg:$0x2];
	s4 =	sand.u32 $0x1F00, s5;
	(pc) =	sbr.rel .LBB1_1-.Ltmp0, $4  }
0x8: {  	_ =	strace $0x80000047;
	s9 =	smov.u32 s3;
	p0 =	sne.s32 s4, $0x0  }
0x9: {  	s5 =	sshrl.u32 s5, $0xD;
	s4 =	simm.s32 $0x1;
	s7 =	simm.s32 @!p0 $0x0  }
0xa: {  	[sflag:s4] =	ssyncpa.u1 $0x0;
	p0 =	por $0x0, $0x0;
	s5 =	sadd.s32 s7, s5  }
0xb: {  	[sflag:s8] =	ssyncpa.u1 $0x0;
	s8 =	simm.s32 $0x80;
	s7 =	sadd.s32 $0x1, s5  }
.LBB1_4:
0xc: {  	_ =	sdelay $0x3  }
0xd: {  	s21 =	sor.u32 s24, s23;
	v47 =	vld.idx.msk [tilespmem:v0+s16+$0x470 ss:$0x1], $0xffff  }
0xe: {  	v57 =	vld.idx.msk [tilespmem:v0+s21+$0x410 ss:$0x1], $0xffff  }
0xf: {  	v58 =	vld.idx.msk [tilespmem:v0+s21+$0x420 ss:$0x1], $0xffff  }
0x10: {  	[tilespmem:s18+$0x1860 ss:$0x41] =	vst.msk $0xffff, v8;
	v59 =	vld.idx.msk [tilespmem:v0+s21+$0x430 ss:$0x1], $0xffff  }
0x11: {  	[tilespmem:s18+$0x1C70 ss:$0x41] =	vst.msk $0xffff, v7;
	v60 =	vld.idx.msk [tilespmem:v0+s21+$0x440 ss:$0x1], $0xffff  }
0x12: {  	[tilespmem:s18+$0x2490 ss:$0x41] =	vst.msk $0xffff, v1;
	s22 =	sand.u32 $0x3B00, s21;
	v61 =	vld.idx.msk [tilespmem:v0+s21+$0x450 ss:$0x1], $0xffff  }
0x13: {  	s20 =	sand.u32 $0x80, s20;
	[tilespmem:s18+$0x28A0 ss:$0x41] =	vst.msk $0xffff, v2;
	v62 =	vld.idx.msk [tilespmem:v0+s21+$0x460 ss:$0x1], $0xffff;
	s15 =	sadd.s32 s22, s15  }
0x14: {  	[tilespmem:s18+$0x2CB0 ss:$0x41] =	vst.msk $0xffff, v3;
	v63 =	vld.idx.msk [tilespmem:v0+s21+$0x470 ss:$0x1], $0xffff;
	s15 =	sadd.s32 s20, s15  }
0x15: {  	[tilespmem:s18+$0x30C0 ss:$0x41] =	vst.msk $0xffff, v4;
	v48 =	vld [tilespmem:s15+$0x400]  }
0x16: {  	[tilespmem:s18+$0x34D0 ss:$0x41] =	vst.msk $0xffff, v5;
	v49 =	vld [tilespmem:s15+$0x0]  }
0x17: {  	s25 =	sshra.s32 s19, $0x2;
	[tilespmem:s18+$0x38E0 ss:$0x41] =	vst.msk $0xffff, v6;
	v50 =	vld [tilespmem:s15+$0x10]  }
0x18: {  	s16 =	sadd.s32 s25, s17;
	v51 =	vld [tilespmem:s15+$0x20];
	[tilespmem:s18+$0x3CF0 ss:$0x41] =	vst.msk $0xffff, v47  }
0x19: {  	v52 =	vld [tilespmem:s15+$0x30];
	[tilespmem:s16+$0x2490 ss:$0x41] =	vst.msk $0xffff, v57  }
0x1a: {  	v53 =	vld [tilespmem:s15+$0x40];
	[tilespmem:s16+$0x28A0 ss:$0x41] =	vst.msk $0xffff, v58  }
0x1b: {  	v54 =	vld [tilespmem:s15+$0x50];
	[tilespmem:s16+$0x2CB0 ss:$0x41] =	vst.msk $0xffff, v59  }
0x1c: {  	s13 =	sshll.u32 s13, $0x7;
	s26 =	sshll.u32 s12, $0x3;
	v55 =	vld [tilespmem:s15+$0x60];
	[tilespmem:s16+$0x30C0 ss:$0x41] =	vst.msk $0xffff, v60  }
0x1d: {  	s27 =	sand.u32 $0xFFFFFC00, s13;
	v56 =	vld [tilespmem:s15+$0x70];
	s15 =	sand.u32 $0xFFFFFC00, s26;
	[tilespmem:s16+$0x34D0 ss:$0x41] =	vst.msk $0xffff, v61  }
0x1e: {  	s13 =	sand.u32 $0x380, s13;
	s15 =	sadd.s32 s15, s27;
	[tilespmem:s16+$0x38E0 ss:$0x41] =	vst.msk $0xffff, v62  }
0x1f: {  	s13 =	sor.u32 s13, s15;
	[tilespmem:s16+$0x3CF0 ss:$0x41] =	vst.msk $0xffff, v63  }
0x20: {  	s13 =	sshrl.u32 s13, $0x7;
	[tilespmem:s16+$0x2080 ss:$0x41] =	vst.msk $0xffff, v48  }
0x21: {  	s28 =	smulhi.u32 $0x1A36E2F, s13;
	[tilespmem:s16+$0x0 ss:$0x41] =	vst.msk $0xffff, v49  }
0x22: {  	[tilespmem:s16+$0x410 ss:$0x41] =	vst.msk $0xffff, v50  }
0x23: {  	[tilespmem:s16+$0x820 ss:$0x41] =	vst.msk $0xffff, v51;
	s15 =	sshrl.u32 s28, $0xB  }
0x24: {  	[tilespmem:s16+$0xC30 ss:$0x41] =	vst.msk $0xffff, v52;
	s15 =	smul.u32 $0x4E200, s15  }
0x25: {  	s29 =	sshrl.u32 s12, $0x3;
	[tilespmem:s16+$0x1040 ss:$0x41] =	vst.msk $0xffff, v53  }
0x26: {  	s31 =	sand.u32 $0x7, s12;
	s30 =	sand.u32 $0xF, s29;
	[tilespmem:s16+$0x1450 ss:$0x41] =	vst.msk $0xffff, v54;
	s13 =	ssub.s32 s13, s15  }
0x27: {  	s12 =	sshll.u32 s31, $0x12;
	[tilespmem:s16+$0x1860 ss:$0x41] =	vst.msk $0xffff, v55;
	s15 =	sadd.s32 s6, s30;
	s13 =	sshll.u32 s13, $0x4  }
0x28: {  	s12 =	sor.u32 $0x40, s12;
	[tilespmem:s16+$0x1C70 ss:$0x41] =	vst.msk $0xffff, v56;
	s13 =	sadd.s32 s13, s15  }
0x29: {  	[hbm4b:s13+s12] =	stream.strided.scatter [tilespmem:s14], [sflag:$0x2], $0x4000, s8, s12, $0x18;
	[tilespmem:$0x10200] =	vst v63  }
.LBB1_5:
0x2a: {  	s14 =	sadd.s32 $0x2000, s9  }
0x2b: {  	s12 =	sadd.s32 $0x40, s10;
	s16 =	smov.u32 s10;
	p2 =	sgt.s32 s14, $0x4E1FF  }
0x2c: {  	s16 =	smov.u32 @p2 s12  }
0x2d: {  	s14 =	smov.u32 @p2 s3;
	p2 =	sgt.s32 s16, $0x31  }
0x2e: {  	s16 =	simm.s32 @p2 $0x0;
	p2 =	sne.s32 s11, s7  }
.Ltmp1:
0x2f: {  	p1 =	slt.u32 s11, $0x2;
	(pc) =	sbr.rel @!p2 .LBB1_6-.Ltmp1, $4  }
0x30: {  	s15 =	simm.s32 @!p1 $0x2  }
0x31: {  	s13 =	smov.u32 s9;
	p0 =	por !p0, !p0;
	_ =	swait.ge @!p1 [sflag:s15], $0x4000  }
0x32: {  	s12 =	smov.u32 s10;
	[sflag:s15] =	ssyncset.done @!p1 $0x0;
	s9 =	smov.u32 s14  }
0x33: {  	s11 =	sadd.s32 $0x1, s11;
	[sflag:s15] =	ssyncadd.s32 @!p1 $0xFFFFC000;
	s10 =	smov.u32 s16  }
.LBB1_1:
0x34: {  	p1 =	sge.u32 s11, s5  }
0x35: {  	s14 =	sshrl.u32 @!p1 s10, $0x3  }
0x36: {  	s15 =	sshll.u32 @!p1 s9, $0x3;
	s14 =	smul.u32 @!p1 $0x271000, s14  }
0x37: {  	s16 =	sshll.u32 @!p1 s10, $0x7;
	s15 =	sand.u32 @!p1 $0xFFFFFC00, s15  }
0x38: {  	s19 =	smov.u32 s9;
	s14 =	sadd.s32 @!p1 s14, s15;
	s15 =	sand.u32 @!p1 $0x380, s16  }
0x39: {  	s31 =	sadd.s32 $0xFFFFFFFF, s11;
	s17 =	sand.u32 @!p1 $0x7F, s9;
	s14 =	sor.u32 @!p1 s15, s14  }
0x3a: {  	p2 =	sgt.s32 @!p1 s10, $0xFFFFFFF8;
	s18 =	sshra.s32 @!p1 s10, $0x1F;
	s15 =	smulhi.u32 @!p1 $0xD1B71759, s14  }
0x3b: {  	s20 =	sshra.s32 @!p1 s9, $0x1F;
	p2 =	por !p2, p1;
	s18 =	sand.u32 @!p1 s18, s10  }
0x3c: {  	s14 =	sor.u32 @!p1 s17, s14;
	s17 =	smov.u32 s10;
	s15 =	sshrl.u32 @!p1 s15, $0x12  }
0x3d: {  	s17 =	simm.s32 @p2 $0xFFFFFFF8;
	p2 =	sgt.s32 @!p1 s9, $0x4E100;
	s16 =	smul.u32 @!p1 $0x4925, s15  }
0x3e: {  	p2 =	por !p2, p1;
	s17 =	ssub.s32 @!p1 s17, s18;
	s18 =	sand.u32 @!p1 s20, s9  }
0x3f: {  	s20 =	smulhi.u32 @!p1 $0xD1B71759, s14;
	s19 =	simm.s32 @p2 $0x4E100;
	s16 =	sshrl.u32 @!p1 s16, $0x14  }
0x40: {  	s18 =	ssub.s32 @!p1 s19, s18;
	s19 =	sadd.s32 @!p1 $0x8, s17;
	s16 =	smul.u32 @!p1 $0x38, s16  }
0x41: {  	s17 =	ssub.s32 @!p1 $0x38, s17;
	p2 =	sgt.s32 @!p1 s19, $0x3F;
	s19 =	sshrl.u32 @!p1 s20, $0x12  }
0x42: {  	p2 =	por !p2, p1;
	s15 =	ssub.s32 @!p1 s15, s16;
	s16 =	sadd.s32 @!p1 $0xFFFB1F00, s18  }
0x43: {  	s19 =	smul.u32 @!p1 $0x4E200, s19;
	s17 =	simm.s32 @!p2 $0x0;
	p3 =	sgt.s32 @!p1 s16, $0xFF  }
0x44: {  	s18 =	ssub.s32 @!p1 $0x4E200, s18;
	s15 =	sand.u32 @!p1 $0xFFFF, s15;
	p3 =	por !p3, p1  }
0x45: {  	s16 =	sxor.u32 @!p1 $0xFFFFFFFF, s11;
	s15 =	smul.u32 @!p1 $0x9C40, s15;
	s18 =	simm.s32 @!p3 $0x0  }
0x46: {  	s14 =	ssub.s32 @!p1 s14, s19;
	s16 =	sshll.u32 @!p1 s16, $0xE;
	s17 =	smul.u32 @!p1 s17, s18  }
0x47: {  	s16 =	sand.u32 @!p1 $0x4000, s16;
	s18 =	sshrl.u32 @!p1 s14, $0x3;
	s14 =	sand.u32 @!p1 $0x7, s14  }
0x48: {  	s18 =	sadd.s32 @!p1 s2, s18;
	s14 =	sshll.u32 @!p1 s14, $0x12;
	s17 =	sand.u32 @!p1 $0x3FFFFFFF, s17  }
0x49: {  	s15 =	sadd.s32 @!p1 s15, s18;
	s14 =	sor.u32 @!p1 $0x800, s14;
	s18 =	simm.s32 @!p1 $0x271000  }
0x4a: {  	[tilespmem:s16], [sflag:$0x1] =	stream.strided.gather @!p1 [hbm4b:s15+s14], s17, s18, s14, $0x38;
	[tilespmem:$0x10200] =	vst v63  }
0x4b: {  	p1 =	sge.u32 s31, s5  }
.Ltmp2:
0x4c: {  	_ = 	snop;
	(pc) =	sbr.rel @p1 .LBB1_5-.Ltmp2, $1  }
0x4d: {  	_ =	sdelay $0x3  }
0x4e: {  	p1 =	sgt.s32 s12, $0xFFFFFFF8  }
0x4f: {  	s14 =	smov.u32 s12;
	s15 =	sshra.s32 s12, $0x1F;
	s16 =	smov.u32 s13  }
0x50: {  	s17 =	sshra.s32 s13, $0x1F;
	s14 =	simm.s32 @!p1 $0xFFFFFFF8;
	p1 =	sgt.s32 s13, $0x4E100  }
0x51: {  	s15 =	sand.u32 s15, s12;
	s26 =	sand.u32 s17, s13;
	s16 =	simm.s32 @!p1 $0x4E100  }
0x52: {  	s14 =	ssub.s32 s14, s15;
	s15 =	ssub.s32 s16, s26  }
0x53: {  	s27 =	sadd.s32 $0x8, s14;
	s14 =	ssub.s32 $0x38, s14;
	s16 =	sadd.s32 $0xFFFB1F00, s15  }
0x54: {  	p1 =	sgt.s32 s27, $0x3F;
	s15 =	ssub.s32 $0x4E200, s15;
	p2 =	sgt.s32 s16, $0xFF  }
0x55: {  	s19 =	sand.u32 $0x1, s11;
	s14 =	simm.s32 @p1 $0x0;
	s15 =	simm.s32 @p2 $0x0  }
0x56: {  	s14 =	smul.u32 s14, s15;
	s15 =	sshll.u32 s19, $0xE  }
0x57: {  	v0 =	vmov s15  }
0x58: {  	s29 =	simm.s32 $0x0;
	s14 =	sand.u32 $0x3FFFFFFF, s14  }
0x59: {  	s30 =	sand.u32 $0x3800, s29;
	_ =	swait.ge [sflag:s4], s14  }
0x5a: {  	s18 =	sand.u32 $0x380, s29;
	s28 =	ssub.s32 $0x0, s14;
	[sflag:s4] =	ssyncset.done $0x0  }
0x5b: {  	s16 =	sor.u32 s18, s30;
	[sflag:s4] =	ssyncadd.s32 s28  }
0x5c: {  	s17 =	sand.u32 $0x3B00, s16;
	v1 =	vld.idx.msk [tilespmem:v0+s16+$0x410 ss:$0x1], $0xffff  }
0x5d: {  	s18 =	simm.s32 $0x1;
	s17 =	sadd.s32 s17, s15;
	s14 =	sand.u32 $0x80, s29;
	v2 =	vld.idx.msk [tilespmem:v0+s16+$0x420 ss:$0x1], $0xffff  }
0x5e: {  	s18 =	simm.s32 @!p0 $0x0;
	s14 =	sadd.s32 s14, s17;
	v3 =	vld.idx.msk [tilespmem:v0+s16+$0x430 ss:$0x1], $0xffff  }
0x5f: {  	s31 =	smul.u32 $0x10400, s18;
	v4 =	vld [tilespmem:s14+$0x400]  }
0x60: {  	v5 =	vld [tilespmem:s14+$0x0]  }
0x61: {  	s17 =	sshrl.u32 s31, $0x2;
	v6 =	vld [tilespmem:s14+$0x10]  }
0x62: {  	s17 =	sor.u32 $0x8000, s17;
	v7 =	vld [tilespmem:s14+$0x20]  }
0x63: {  	s18 =	sadd.s32 $0x0, s17;
	v9 =	vld [tilespmem:s14+$0x30]  }
0x64: {  	v10 =	vld [tilespmem:s14+$0x40];
	[tilespmem:s18+$0x2080 ss:$0x41] =	vst.msk $0xffff, v4  }
0x65: {  	v11 =	vld [tilespmem:s14+$0x50];
	[tilespmem:s18+$0x0 ss:$0x41] =	vst.msk $0xffff, v5  }
0x66: {  	v8 =	vld [tilespmem:s14+$0x60];
	[tilespmem:s18+$0x410 ss:$0x41] =	vst.msk $0xffff, v6  }
0x67: {  	s19 =	smul.u32 $0x10400, s19;
	[tilespmem:s18+$0x820 ss:$0x41] =	vst.msk $0xffff, v7;
	v7 =	vld [tilespmem:s14+$0x70]  }
0x68: {  	s20 =	simm.s32 $0x80;
	s21 =	simm.s32 $0x100;
	[tilespmem:s18+$0xC30 ss:$0x41] =	vst.msk $0xffff, v9;
	v4 =	vld.idx.msk [tilespmem:v0+s16+$0x440 ss:$0x1], $0xffff  }
0x69: {  	s22 =	simm.s32 $0x8;
	s23 =	sand.u32 $0x3800, s21;
	s19 =	sshrl.u32 s19, $0x2;
	[tilespmem:s18+$0x1040 ss:$0x41] =	vst.msk $0xffff, v10;
	v5 =	vld.idx.msk [tilespmem:v0+s16+$0x450 ss:$0x1], $0xffff  }
0x6a: {  	s24 =	sand.u32 $0x380, s20;
	s14 =	sor.u32 $0x8000, s19;
	s19 =	simm.s32 $0x4;
	[tilespmem:s18+$0x1450 ss:$0x41] =	vst.msk $0xffff, v11;
	v6 =	vld.idx.msk [tilespmem:v0+s16+$0x460 ss:$0x1], $0xffff  }
.LBB1_3:
0x6b: {  	p1 =	sne.s32 s22, $0xFC;
	[tilespmem:s18+$0x1860 ss:$0x41] =	vst.msk $0xffff, v8;
	v8 =	vld.idx.msk [tilespmem:v0+s16+$0x470 ss:$0x1], $0xffff;
	s16 =	sor.u32 s24, s23  }
0x6c: {  	s23 =	sand.u32 $0x3B00, s16;
	v9 =	vld.idx.msk [tilespmem:v0+s16+$0x410 ss:$0x1], $0xffff;
	[tilespmem:s18+$0x1C70 ss:$0x41] =	vst.msk $0xffff, v7  }
0x6d: {  	s24 =	sand.u32 $0x80, s20;
	s23 =	sadd.s32 s23, s15;
	v7 =	vld.idx.msk [tilespmem:v0+s16+$0x420 ss:$0x1], $0xffff;
	[tilespmem:s18+$0x2490 ss:$0x41] =	vst.msk $0xffff, v1  }
0x6e: {  	s23 =	sadd.s32 s24, s23;
	v10 =	vld.idx.msk [tilespmem:v0+s16+$0x430 ss:$0x1], $0xffff;
	[tilespmem:s18+$0x28A0 ss:$0x41] =	vst.msk $0xffff, v2  }
0x6f: {  	v11 =	vld [tilespmem:s23+$0x400];
	[tilespmem:s18+$0x2CB0 ss:$0x41] =	vst.msk $0xffff, v3  }
0x70: {  	v12 =	vld [tilespmem:s23+$0x0];
	[tilespmem:s18+$0x30C0 ss:$0x41] =	vst.msk $0xffff, v4  }
0x71: {  	v4 =	vld [tilespmem:s23+$0x10];
	[tilespmem:s18+$0x34D0 ss:$0x41] =	vst.msk $0xffff, v5  }
0x72: {  	s24 =	sshra.s32 s19, $0x2;
	s19 =	smov.u32 s22;
	v1 =	vmov v9;
	v5 =	vld [tilespmem:s23+$0x20];
	[tilespmem:s18+$0x38E0 ss:$0x41] =	vst.msk $0xffff, v6  }
0x73: {  	v2 =	vmov v7;
	v6 =	vld [tilespmem:s23+$0x30];
	[tilespmem:s18+$0x3CF0 ss:$0x41] =	vst.msk $0xffff, v8;
	s18 =	sadd.s32 s24, s17  }
0x74: {  	v3 =	vmov v10;
	v9 =	vld [tilespmem:s23+$0x40];
	[tilespmem:s18+$0x2080 ss:$0x41] =	vst.msk $0xffff, v11  }
0x75: {  	[tilespmem:s18+$0x0 ss:$0x41] =	vst.msk $0xffff, v12;
	v10 =	vld [tilespmem:s23+$0x50]  }
.Ltmp3:
0x76: {  	[tilespmem:s18+$0x410 ss:$0x41] =	vst.msk $0xffff, v4;
	v8 =	vld [tilespmem:s23+$0x60];
	(pc) =	sbr.rel @p1 .LBB1_3-.Ltmp3, $4  }
0x77: {  	[tilespmem:s18+$0x820 ss:$0x41] =	vst.msk $0xffff, v5;
	v7 =	vld [tilespmem:s23+$0x70]  }
0x78: {  	[tilespmem:s18+$0xC30 ss:$0x41] =	vst.msk $0xffff, v6;
	v4 =	vld.idx.msk [tilespmem:v0+s16+$0x440 ss:$0x1], $0xffff  }
0x79: {  	s20 =	sadd.s32 $0x80, s20;
	s21 =	sadd.s32 $0x100, s21;
	[tilespmem:s18+$0x1040 ss:$0x41] =	vst.msk $0xffff, v9;
	v5 =	vld.idx.msk [tilespmem:v0+s16+$0x450 ss:$0x1], $0xffff  }
0x7a: {  	s22 =	sadd.s32 $0x4, s22;
	s24 =	sand.u32 $0x380, s20;
	s23 =	sand.u32 $0x3800, s21;
	[tilespmem:s18+$0x1450 ss:$0x41] =	vst.msk $0xffff, v10;
	v6 =	vld.idx.msk [tilespmem:v0+s16+$0x460 ss:$0x1], $0xffff  }
.Ltmp4:
0x7b: {  	_ = 	snop;
	(pc) =	sbr.rel .LBB1_4-.Ltmp4, $1  }
0x7c: {  	_ =	sdelay $0x3  }
.LBB1_6:
0x7d: {  	_ =	sfence.sel $0x180000  }
0x7e: {  	s2 =	simm.s32 $0x1;
	[bflag:$0x0] =	sbarrier.arrive $0xFFFF  }
0x7f: {  	s31 =	simm.s32 $0x2;
	[sflag:s2] =	ssyncpa.u1 $0x1  }
0x80: {  	[sflag:s31] =	ssyncpa.u1 $0x1  }
0x81: {  	p0 =	sne.s32 s0, $0x0;
	_ =	strace $0x90000047  }
0x82: {  	s0 =	sadd.s32 @!p0 $0x100000, s1;
	[bflag:$0x2] =	sbarrier.arrive $0xFFFF  }
0x83: {  	[sflag:s0] =	ssyncadd.tile.s32 @!p0 $0x1;
	_ =	shalt  }
.Lfunc_end1:
_tile_overlayer_lowered:
.L_overlay_start_2:
0x84: {  	(tag) =	ssettag $0x2  }
0x85: {  	s0 =	rddreg [dreg:$0x0];
	s2 =	stileid.u32  }
0x86: {  	s1 =	rddreg [dreg:$0x1];
	p0 =	sne.s32 s2, $0x0  }
0x87: {  	s3 =	rddreg [dreg:$0x2];
	[bflag:$0x3] =	sbarrier.arrive $0xFFFF;
	s2 =	simm.s32 @!p0 $0x1C01  }
0x88: {  	[timem:s3], [sflag:s2] =	dma.local @!p0 [hbm:s0], s1  }
0x89: {  	s0 =	simm.s32 @!p0 $0x1  }
0x8a: {  	_ =	swait.ge @!p0 [sflag:s0], s1  }
0x8b: {  	s1 =	ssub.s32 @!p0 $0x0, s1;
	[sflag:s0] =	ssyncset.done @!p0 $0x0  }
0x8c: {  	[sflag:s0] =	ssyncadd.s32 @!p0 s1  }
0x8d: {  	[bflag:$0x3] =	sbarrier.arrive $0xFFFF  }
0x8e: {  	_ =	shalt  }

</sc_bundles>
